<compile_context>
chip_gen: v7x
topology: tpu7x:2x2x1
jax: 0.10.2.dev20260603
libtpu: 0.0.44.dev20260713+nightly
codegen_flags: <defaults>
</compile_context>

<pallas_src>
import jax
import jax.numpy as jnp
from jax import lax
from jax.experimental import pallas as pl
from jax.experimental.pallas import tpu as pltpu
from jax.experimental.pallas import tpu_sc as plsc

_N = 32768
_E = 64
_K = 8
_L = 16
_NW = 32
_PER_W = _N // _NW
_GROUPS = _PER_W // _L
_ABLK = _PER_W * _K
_ASTR = _K * _N


def _tournament(leaves):
    while len(leaves) > 1:
        nxt = []
        for p in range(0, len(leaves), 2):
            (va, ia), (vb, ib) = leaves[p], leaves[p + 1]
            c = va >= vb
            nxt.append((jnp.where(c, va, vb), jnp.where(c, ia, ib)))
        leaves = nxt
    return leaves[0]


def _sc_body(x_hbm, bias_hbm, idx_hbm, w_hbm, xbuf, oibuf, owbuf, biasv, sem):
    nc = plsc.get_sparse_core_info().num_cores
    wid = lax.axis_index("s") * nc + lax.axis_index("c")
    lane = jnp.arange(_L, dtype=jnp.int32)
    neg = jnp.full((_L,), -jnp.inf, dtype=jnp.float32)
    t0 = wid * _PER_W

    descs = [
        pltpu.async_copy(x_hbm.at[pl.ds(a * _ASTR + t0 * _K, _ABLK)],
                         xbuf.at[pl.ds(a * _ABLK, _ABLK)], sem)
        for a in range(_E // _K)
    ]
    pltpu.sync_copy(bias_hbm, biasv)
    bvals = []
    for s in range(_E // _L):
        bvec = biasv[pl.ds(s * _L, _L)]
        bvals.extend(bvec[j] for j in range(_L))
    for d in descs:
        d.wait()

    def one_group(g):
        bg = (g >> 3) * 1024 + (g & 7) * _L
        subroots = []
        for s in range(4):
            leaves = []
            for j in range(16):
                e = s * 16 + j
                off = (e >> 3) * _ABLK + (e & 7) * 128
                ref = xbuf.at[pl.ds(bg + off, _L)]
                v = ref[...] + bvals[e]
                ref[...] = v
                leaves.append((v, jnp.full((_L,), e, dtype=jnp.int32)))
            subroots.append(_tournament(leaves))
        m, am = _tournament(subroots)
        vals, idxs = [m], [am]
        for r in range(1, _K):
            pos = ((am >> 3) * _ABLK + (am & 7) * 128 + bg) + lane
            plsc.store_scatter(xbuf, [pos], neg)
            base_e = am & ~15
            pbase = base_e * 1024 + bg + lane
            leaves = []
            for j in range(16):
                off = (j >> 3) * _ABLK + (j & 7) * 128
                leaves.append((plsc.load_gather(xbuf, [pbase + off]),
                               base_e + j))
            nv, ni = _tournament(leaves)
            sid = am >> 4
            subroots = [
                (jnp.where(sid == s, nv, sv), jnp.where(sid == s, ni, si))
                for s, (sv, si) in enumerate(subroots)
            ]
            m, am = _tournament(subroots)
            vals.append(m)
            idxs.append(am)
        es = [jnp.exp(v - vals[0]) for v in vals]
        ssum = es[0]
        for t in es[1:]:
            ssum = ssum + t
        rinv = 1.0 / ssum
        obg = (g >> 3) * 1024 + (g & 7) * _L
        for r in range(_K):
            oibuf[pl.ds(obg + r * 128, _L)] = idxs[r]
            owbuf[pl.ds(obg + r * 128, _L)] = es[r] * rinv

    def group_body(g, carry):
        one_group(g)
        return carry

    lax.fori_loop(0, _GROUPS, group_body, 0)
    pltpu.sync_copy(oibuf, idx_hbm.at[pl.ds(t0 * _K, _ABLK)])
    pltpu.sync_copy(owbuf, w_hbm.at[pl.ds(t0 * _K, _ABLK)])


@jax.jit
def kernel(gate_logits, bias):
    xf = (gate_logits.reshape(_N // 128, 128, _E // _K, _K)
          .transpose(2, 0, 3, 1)
          .reshape(_N * _E))
    mesh = plsc.VectorSubcoreMesh(core_axis_name="c", subcore_axis_name="s")
    run = pl.kernel(
        _sc_body,
        out_type=[
            jax.ShapeDtypeStruct((_N * _K,), jnp.int32),
            jax.ShapeDtypeStruct((_N * _K,), jnp.float32),
        ],
        mesh=mesh,
        compiler_params=pltpu.CompilerParams(needs_layout_passes=False),
        scratch_types=[
            pltpu.VMEM((_E * _PER_W,), jnp.float32),
            pltpu.VMEM((_ABLK,), jnp.int32),
            pltpu.VMEM((_ABLK,), jnp.float32),
            pltpu.VMEM((_E,), jnp.float32),
            pltpu.SemaphoreType.DMA,
        ],
    )
    idxf, wf = run(xf, bias)
    idx = idxf.reshape(_N // 128, _K, 128).transpose(0, 2, 1).reshape(_N, _K)
    w = wf.reshape(_N // 128, _K, 128).transpose(0, 2, 1).reshape(_N, _K)
    return idx, w

# --- scband reference (transcript-rebuilt; emitter-appended) ---
"""Pipeline reference for scband-adaptive-router-59055800320451 (READ-ONLY COPY).

The authoritative reference and input builder live on the scoring server;
editing this copy changes nothing except your own understanding.
"""

import jax, jax.numpy as jnp
import numpy as np

NUM_EXPERTS = 64
TOP_K = 8

def setup_inputs(seed: int = 0) -> dict:
    key = jax.random.key(seed)
    k1, k2 = jax.random.split(key)
    gate_logits = jax.random.normal(k1, (32768, NUM_EXPERTS), dtype=jnp.float32)
    # thermal_signal_generator priorities: dict lookup with default 0.0 per expert.
    # Modeled as a fixed bias vector (zeros = all defaults), faithful to
    # torch.tensor([priorities.get(str(i), 0.0) for i in range(num_experts)])
    bias = jnp.zeros((NUM_EXPERTS,), dtype=jnp.float32)
    return {"gate_logits": gate_logits, "bias": bias}

def reference(gate_logits, bias):
    biased_logits = gate_logits + bias
    topk_vals, topk_indices = jax.lax.top_k(biased_logits, TOP_K)
    routing_weights = jax.nn.softmax(topk_vals, axis=-1)
    return (topk_indices, routing_weights)

if __name__ == "__main__":
    import jax
    _d = setup_inputs()
    print(jax.jit(kernel)(*tuple(_d.values())))

</pallas_src>

<mosaic_0001>
#map = affine_map<(d0, d1) -> (0)>
module attributes {stable_mosaic.version = 14 : i64} {
  func.func @_sc_body(%arg0: i32, %arg1: i32, %arg2: memref<2097152xf32, #tpu.memory_space<hbm>>, %arg3: memref<64xf32, #tpu.memory_space<hbm>>, %arg4: memref<262144xi32, #tpu.memory_space<hbm>>, %arg5: memref<262144xf32, #tpu.memory_space<hbm>>, %arg6: memref<65536xf32, #tpu.memory_space<vmem>>, %arg7: memref<8192xi32, #tpu.memory_space<vmem>>, %arg8: memref<8192xf32, #tpu.memory_space<vmem>>, %arg9: memref<64xf32, #tpu.memory_space<vmem>>, %arg10: memref<!tpu.dma_semaphore, #tpu.memory_space<semaphore_mem>>) attributes {dimension_semantics = [#tpu.dimension_semantics<core_parallel>, #tpu.dimension_semantics<subcore_parallel>], iteration_bounds = array<i64: 2, 16>, scalar_prefetch = 0 : i64, scratch_operands = 5 : i64, tpu.core_type = #tpu.core_type<sc_vector_subcore>, window_params = [{transform_indices = #map}, {transform_indices = #map}, {transform_indices = #map}, {transform_indices = #map}]} {
    %mul3A = arith.constant 2 : i32
    %mul3A_0 = arith.muli %arg1, %mul3A : i32
    %add3A = arith.addi %mul3A_0, %arg0 : i32
    %iota3A = tpu.iota {dimensions = array<i32: 0>} : vector<16xi32>
    %broadcast_in_dim3A = arith.constant 0xFF800000 : f32
    %broadcast_in_dim3A_1 = vector.broadcast %broadcast_in_dim3A : f32 to vector<16xf32>
    %mul3A_2 = arith.constant 1024 : i32
    %mul3A_3 = arith.muli %add3A, %mul3A_2 : i32
    %mul3A_4 = arith.constant 8 : i32
    %mul3A_5 = arith.muli %mul3A_3, %mul3A_4 : i32
    %add3A_6 = arith.constant 0 : i32
    %add3A_7 = arith.addi %add3A_6, %mul3A_5 : i32
    %dma_start3A = arith.constant 0 : i32
    %dma_start3A_8 = tpu.memref_slice %arg6[%dma_start3A] : memref<65536xf32, #tpu.memory_space<vmem>> -> memref<8192xf32, #tpu.memory_space<vmem>>
    %dma_start3A_9 = tpu.memref_slice %arg2[%add3A_7] : memref<2097152xf32, #tpu.memory_space<hbm>> -> memref<8192xf32, #tpu.memory_space<hbm>>
    %dma_start3A_10 = arith.constant 0 : i32
    %dma_start3A_11 = tpu.memref_slice %arg6[%dma_start3A_10] : memref<65536xf32, #tpu.memory_space<vmem>> -> memref<8192xf32, #tpu.memory_space<vmem>>
    %dma_start3A_12 = tpu.memref_slice %arg2[%add3A_7] : memref<2097152xf32, #tpu.memory_space<hbm>> -> memref<8192xf32, #tpu.memory_space<hbm>>
    tpu.enqueue_dma source(%dma_start3A_12 : memref<8192xf32, #tpu.memory_space<hbm>>) target(%dma_start3A_11 : memref<8192xf32, #tpu.memory_space<vmem>>) target_semaphore(%arg10 : memref<!tpu.dma_semaphore, #tpu.memory_space<semaphore_mem>>)
    %mul3A_13 = arith.constant 8 : i32
    %mul3A_14 = arith.muli %mul3A_3, %mul3A_13 : i32
    %add3A_15 = arith.constant 262144 : i32
    %add3A_16 = arith.addi %add3A_15, %mul3A_14 : i32
    %dma_start3A_17 = arith.constant 8192 : i32
    %dma_start3A_18 = tpu.memref_slice %arg6[%dma_start3A_17] : memref<65536xf32, #tpu.memory_space<vmem>> -> memref<8192xf32, #tpu.memory_space<vmem>>
    %dma_start3A_19 = tpu.memref_slice %arg2[%add3A_16] : memref<2097152xf32, #tpu.memory_space<hbm>> -> memref<8192xf32, #tpu.memory_space<hbm>>
    %dma_start3A_20 = arith.constant 8192 : i32
    %dma_start3A_21 = tpu.memref_slice %arg6[%dma_start3A_20] : memref<65536xf32, #tpu.memory_space<vmem>> -> memref<8192xf32, #tpu.memory_space<vmem>>
    %dma_start3A_22 = tpu.memref_slice %arg2[%add3A_16] : memref<2097152xf32, #tpu.memory_space<hbm>> -> memref<8192xf32, #tpu.memory_space<hbm>>
    tpu.enqueue_dma source(%dma_start3A_22 : memref<8192xf32, #tpu.memory_space<hbm>>) target(%dma_start3A_21 : memref<8192xf32, #tpu.memory_space<vmem>>) target_semaphore(%arg10 : memref<!tpu.dma_semaphore, #tpu.memory_space<semaphore_mem>>)
    %mul3A_23 = arith.constant 8 : i32
    %mul3A_24 = arith.muli %mul3A_3, %mul3A_23 : i32
    %add3A_25 = arith.constant 524288 : i32
    %add3A_26 = arith.addi %add3A_25, %mul3A_24 : i32
    %dma_start3A_27 = arith.constant 16384 : i32
    %dma_start3A_28 = tpu.memref_slice %arg6[%dma_start3A_27] : memref<65536xf32, #tpu.memory_space<vmem>> -> memref<8192xf32, #tpu.memory_space<vmem>>
    %dma_start3A_29 = tpu.memref_slice %arg2[%add3A_26] : memref<2097152xf32, #tpu.memory_space<hbm>> -> memref<8192xf32, #tpu.memory_space<hbm>>
    %dma_start3A_30 = arith.constant 16384 : i32
    %dma_start3A_31 = tpu.memref_slice %arg6[%dma_start3A_30] : memref<65536xf32, #tpu.memory_space<vmem>> -> memref<8192xf32, #tpu.memory_space<vmem>>
    %dma_start3A_32 = tpu.memref_slice %arg2[%add3A_26] : memref<2097152xf32, #tpu.memory_space<hbm>> -> memref<8192xf32, #tpu.memory_space<hbm>>
    tpu.enqueue_dma source(%dma_start3A_32 : memref<8192xf32, #tpu.memory_space<hbm>>) target(%dma_start3A_31 : memref<8192xf32, #tpu.memory_space<vmem>>) target_semaphore(%arg10 : memref<!tpu.dma_semaphore, #tpu.memory_space<semaphore_mem>>)
    %mul3A_33 = arith.constant 8 : i32
    %mul3A_34 = arith.muli %mul3A_3, %mul3A_33 : i32
    %add3A_35 = arith.constant 786432 : i32
    %add3A_36 = arith.addi %add3A_35, %mul3A_34 : i32
    %dma_start3A_37 = arith.constant 24576 : i32
    %dma_start3A_38 = tpu.memref_slice %arg6[%dma_start3A_37] : memref<65536xf32, #tpu.memory_space<vmem>> -> memref<8192xf32, #tpu.memory_space<vmem>>
    %dma_start3A_39 = tpu.memref_slice %arg2[%add3A_36] : memref<2097152xf32, #tpu.memory_space<hbm>> -> memref<8192xf32, #tpu.memory_space<hbm>>
    %dma_start3A_40 = arith.constant 24576 : i32
    %dma_start3A_41 = tpu.memref_slice %arg6[%dma_start3A_40] : memref<65536xf32, #tpu.memory_space<vmem>> -> memref<8192xf32, #tpu.memory_space<vmem>>
    %dma_start3A_42 = tpu.memref_slice %arg2[%add3A_36] : memref<2097152xf32, #tpu.memory_space<hbm>> -> memref<8192xf32, #tpu.memory_space<hbm>>
    tpu.enqueue_dma source(%dma_start3A_42 : memref<8192xf32, #tpu.memory_space<hbm>>) target(%dma_start3A_41 : memref<8192xf32, #tpu.memory_space<vmem>>) target_semaphore(%arg10 : memref<!tpu.dma_semaphore, #tpu.memory_space<semaphore_mem>>)
    %mul3A_43 = arith.constant 8 : i32
    %mul3A_44 = arith.muli %mul3A_3, %mul3A_43 : i32
    %add3A_45 = arith.constant 1048576 : i32
    %add3A_46 = arith.addi %add3A_45, %mul3A_44 : i32
    %dma_start3A_47 = arith.constant 32768 : i32
    %dma_start3A_48 = tpu.memref_slice %arg6[%dma_start3A_47] : memref<65536xf32, #tpu.memory_space<vmem>> -> memref<8192xf32, #tpu.memory_space<vmem>>
    %dma_start3A_49 = tpu.memref_slice %arg2[%add3A_46] : memref<2097152xf32, #tpu.memory_space<hbm>> -> memref<8192xf32, #tpu.memory_space<hbm>>
    %dma_start3A_50 = arith.constant 32768 : i32
    %dma_start3A_51 = tpu.memref_slice %arg6[%dma_start3A_50] : memref<65536xf32, #tpu.memory_space<vmem>> -> memref<8192xf32, #tpu.memory_space<vmem>>
    %dma_start3A_52 = tpu.memref_slice %arg2[%add3A_46] : memref<2097152xf32, #tpu.memory_space<hbm>> -> memref<8192xf32, #tpu.memory_space<hbm>>
    tpu.enqueue_dma source(%dma_start3A_52 : memref<8192xf32, #tpu.memory_space<hbm>>) target(%dma_start3A_51 : memref<8192xf32, #tpu.memory_space<vmem>>) target_semaphore(%arg10 : memref<!tpu.dma_semaphore, #tpu.memory_space<semaphore_mem>>)
    %mul3A_53 = arith.constant 8 : i32
    %mul3A_54 = arith.muli %mul3A_3, %mul3A_53 : i32
    %add3A_55 = arith.constant 1310720 : i32
    %add3A_56 = arith.addi %add3A_55, %mul3A_54 : i32
    %dma_start3A_57 = arith.constant 40960 : i32
    %dma_start3A_58 = tpu.memref_slice %arg6[%dma_start3A_57] : memref<65536xf32, #tpu.memory_space<vmem>> -> memref<8192xf32, #tpu.memory_space<vmem>>
    %dma_start3A_59 = tpu.memref_slice %arg2[%add3A_56] : memref<2097152xf32, #tpu.memory_space<hbm>> -> memref<8192xf32, #tpu.memory_space<hbm>>
    %dma_start3A_60 = arith.constant 40960 : i32
    %dma_start3A_61 = tpu.memref_slice %arg6[%dma_start3A_60] : memref<65536xf32, #tpu.memory_space<vmem>> -> memref<8192xf32, #tpu.memory_space<vmem>>
    %dma_start3A_62 = tpu.memref_slice %arg2[%add3A_56] : memref<2097152xf32, #tpu.memory_space<hbm>> -> memref<8192xf32, #tpu.memory_space<hbm>>
    tpu.enqueue_dma source(%dma_start3A_62 : memref<8192xf32, #tpu.memory_space<hbm>>) target(%dma_start3A_61 : memref<8192xf32, #tpu.memory_space<vmem>>) target_semaphore(%arg10 : memref<!tpu.dma_semaphore, #tpu.memory_space<semaphore_mem>>)
    %mul3A_63 = arith.constant 8 : i32
    %mul3A_64 = arith.muli %mul3A_3, %mul3A_63 : i32
    %add3A_65 = arith.constant 1572864 : i32
    %add3A_66 = arith.addi %add3A_65, %mul3A_64 : i32
    %dma_start3A_67 = arith.constant 49152 : i32
    %dma_start3A_68 = tpu.memref_slice %arg6[%dma_start3A_67] : memref<65536xf32, #tpu.memory_space<vmem>> -> memref<8192xf32, #tpu.memory_space<vmem>>
    %dma_start3A_69 = tpu.memref_slice %arg2[%add3A_66] : memref<2097152xf32, #tpu.memory_space<hbm>> -> memref<8192xf32, #tpu.memory_space<hbm>>
    %dma_start3A_70 = arith.constant 49152 : i32
    %dma_start3A_71 = tpu.memref_slice %arg6[%dma_start3A_70] : memref<65536xf32, #tpu.memory_space<vmem>> -> memref<8192xf32, #tpu.memory_space<vmem>>
    %dma_start3A_72 = tpu.memref_slice %arg2[%add3A_66] : memref<2097152xf32, #tpu.memory_space<hbm>> -> memref<8192xf32, #tpu.memory_space<hbm>>
    tpu.enqueue_dma source(%dma_start3A_72 : memref<8192xf32, #tpu.memory_space<hbm>>) target(%dma_start3A_71 : memref<8192xf32, #tpu.memory_space<vmem>>) target_semaphore(%arg10 : memref<!tpu.dma_semaphore, #tpu.memory_space<semaphore_mem>>)
    %mul3A_73 = arith.constant 8 : i32
    %mul3A_74 = arith.muli %mul3A_3, %mul3A_73 : i32
    %add3A_75 = arith.constant 1835008 : i32
    %add3A_76 = arith.addi %add3A_75, %mul3A_74 : i32
    %dma_start3A_77 = arith.constant 57344 : i32
    %dma_start3A_78 = tpu.memref_slice %arg6[%dma_start3A_77] : memref<65536xf32, #tpu.memory_space<vmem>> -> memref<8192xf32, #tpu.memory_space<vmem>>
    %dma_start3A_79 = tpu.memref_slice %arg2[%add3A_76] : memref<2097152xf32, #tpu.memory_space<hbm>> -> memref<8192xf32, #tpu.memory_space<hbm>>
    %dma_start3A_80 = arith.constant 57344 : i32
    %dma_start3A_81 = tpu.memref_slice %arg6[%dma_start3A_80] : memref<65536xf32, #tpu.memory_space<vmem>> -> memref<8192xf32, #tpu.memory_space<vmem>>
    %dma_start3A_82 = tpu.memref_slice %arg2[%add3A_76] : memref<2097152xf32, #tpu.memory_space<hbm>> -> memref<8192xf32, #tpu.memory_space<hbm>>
    tpu.enqueue_dma source(%dma_start3A_82 : memref<8192xf32, #tpu.memory_space<hbm>>) target(%dma_start3A_81 : memref<8192xf32, #tpu.memory_space<vmem>>) target_semaphore(%arg10 : memref<!tpu.dma_semaphore, #tpu.memory_space<semaphore_mem>>)
    "tpu.region"() ({
      %run_scoped3A = tpu.sem_alloc : memref<!tpu.dma_semaphore, #tpu.memory_space<semaphore_mem>>
      tpu.enqueue_dma source(%arg3 : memref<64xf32, #tpu.memory_space<hbm>>) target(%arg9 : memref<64xf32, #tpu.memory_space<vmem>>) target_semaphore(%run_scoped3A : memref<!tpu.dma_semaphore, #tpu.memory_space<semaphore_mem>>)
      tpu.wait_dma2 semaphore(%run_scoped3A : memref<!tpu.dma_semaphore, #tpu.memory_space<semaphore_mem>>) src(%arg3 : memref<64xf32, #tpu.memory_space<hbm>>) dst(%arg9 : memref<64xf32, #tpu.memory_space<vmem>>)
      tpu.yield
    }) : () -> ()
    %get3A = arith.constant 0 : index
    %get3A_83 = tpu.vector_load %arg9[%get3A] {strides = array<i32>} : memref<64xf32, #tpu.memory_space<vmem>>, vector<16xf32>,
    %slice3A = vector.extract_strided_slice %get3A_83 {offsets = [0], sizes = [1], strides = [1]} : vector<16xf32> to vector<1xf32>
    %squeeze3A = vector.extract %slice3A[0] : f32 from vector<1xf32>
    %slice3A_84 = vector.extract_strided_slice %get3A_83 {offsets = [1], sizes = [1], strides = [1]} : vector<16xf32> to vector<1xf32>
    %squeeze3A_85 = vector.extract %slice3A_84[0] : f32 from vector<1xf32>
    %slice3A_86 = vector.extract_strided_slice %get3A_83 {offsets = [2], sizes = [1], strides = [1]} : vector<16xf32> to vector<1xf32>
    %squeeze3A_87 = vector.extract %slice3A_86[0] : f32 from vector<1xf32>
    %slice3A_88 = vector.extract_strided_slice %get3A_83 {offsets = [3], sizes = [1], strides = [1]} : vector<16xf32> to vector<1xf32>
    %squeeze3A_89 = vector.extract %slice3A_88[0] : f32 from vector<1xf32>
    %slice3A_90 = vector.extract_strided_slice %get3A_83 {offsets = [4], sizes = [1], strides = [1]} : vector<16xf32> to vector<1xf32>
    %squeeze3A_91 = vector.extract %slice3A_90[0] : f32 from vector<1xf32>
    %slice3A_92 = vector.extract_strided_slice %get3A_83 {offsets = [5], sizes = [1], strides = [1]} : vector<16xf32> to vector<1xf32>
    %squeeze3A_93 = vector.extract %slice3A_92[0] : f32 from vector<1xf32>
    %slice3A_94 = vector.extract_strided_slice %get3A_83 {offsets = [6], sizes = [1], strides = [1]} : vector<16xf32> to vector<1xf32>
    %squeeze3A_95 = vector.extract %slice3A_94[0] : f32 from vector<1xf32>
    %slice3A_96 = vector.extract_strided_slice %get3A_83 {offsets = [7], sizes = [1], strides = [1]} : vector<16xf32> to vector<1xf32>
    %squeeze3A_97 = vector.extract %slice3A_96[0] : f32 from vector<1xf32>
    %slice3A_98 = vector.extract_strided_slice %get3A_83 {offsets = [8], sizes = [1], strides = [1]} : vector<16xf32> to vector<1xf32>
    %squeeze3A_99 = vector.extract %slice3A_98[0] : f32 from vector<1xf32>
    %slice3A_100 = vector.extract_strided_slice %get3A_83 {offsets = [9], sizes = [1], strides = [1]} : vector<16xf32> to vector<1xf32>
    %squeeze3A_101 = vector.extract %slice3A_100[0] : f32 from vector<1xf32>
    %slice3A_102 = vector.extract_strided_slice %get3A_83 {offsets = [10], sizes = [1], strides = [1]} : vector<16xf32> to vector<1xf32>
    %squeeze3A_103 = vector.extract %slice3A_102[0] : f32 from vector<1xf32>
    %slice3A_104 = vector.extract_strided_slice %get3A_83 {offsets = [11], sizes = [1], strides = [1]} : vector<16xf32> to vector<1xf32>
    %squeeze3A_105 = vector.extract %slice3A_104[0] : f32 from vector<1xf32>
    %slice3A_106 = vector.extract_strided_slice %get3A_83 {offsets = [12], sizes = [1], strides = [1]} : vector<16xf32> to vector<1xf32>
    %squeeze3A_107 = vector.extract %slice3A_106[0] : f32 from vector<1xf32>
    %slice3A_108 = vector.extract_strided_slice %get3A_83 {offsets = [13], sizes = [1], strides = [1]} : vector<16xf32> to vector<1xf32>
    %squeeze3A_109 = vector.extract %slice3A_108[0] : f32 from vector<1xf32>
    %slice3A_110 = vector.extract_strided_slice %get3A_83 {offsets = [14], sizes = [1], strides = [1]} : vector<16xf32> to vector<1xf32>
    %squeeze3A_111 = vector.extract %slice3A_110[0] : f32 from vector<1xf32>
    %slice3A_112 = vector.extract_strided_slice %get3A_83 {offsets = [15], sizes = [1], strides = [1]} : vector<16xf32> to vector<1xf32>
    %squeeze3A_113 = vector.extract %slice3A_112[0] : f32 from vector<1xf32>
    %get3A_114 = arith.constant 16 : index
    %get3A_115 = tpu.vector_load %arg9[%get3A_114] {strides = array<i32>} : memref<64xf32, #tpu.memory_space<vmem>>, vector<16xf32>,
    %slice3A_116 = vector.extract_strided_slice %get3A_115 {offsets = [0], sizes = [1], strides = [1]} : vector<16xf32> to vector<1xf32>
    %squeeze3A_117 = vector.extract %slice3A_116[0] : f32 from vector<1xf32>
    %slice3A_118 = vector.extract_strided_slice %get3A_115 {offsets = [1], sizes = [1], strides = [1]} : vector<16xf32> to vector<1xf32>
    %squeeze3A_119 = vector.extract %slice3A_118[0] : f32 from vector<1xf32>
    %slice3A_120 = vector.extract_strided_slice %get3A_115 {offsets = [2], sizes = [1], strides = [1]} : vector<16xf32> to vector<1xf32>
    %squeeze3A_121 = vector.extract %slice3A_120[0] : f32 from vector<1xf32>
    %slice3A_122 = vector.extract_strided_slice %get3A_115 {offsets = [3], sizes = [1], strides = [1]} : vector<16xf32> to vector<1xf32>
    %squeeze3A_123 = vector.extract %slice3A_122[0] : f32 from vector<1xf32>
    %slice3A_124 = vector.extract_strided_slice %get3A_115 {offsets = [4], sizes = [1], strides = [1]} : vector<16xf32> to vector<1xf32>
    %squeeze3A_125 = vector.extract %slice3A_124[0] : f32 from vector<1xf32>
    %slice3A_126 = vector.extract_strided_slice %get3A_115 {offsets = [5], sizes = [1], strides = [1]} : vector<16xf32> to vector<1xf32>
    %squeeze3A_127 = vector.extract %slice3A_126[0] : f32 from vector<1xf32>
    %slice3A_128 = vector.extract_strided_slice %get3A_115 {offsets = [6], sizes = [1], strides = [1]} : vector<16xf32> to vector<1xf32>
    %squeeze3A_129 = vector.extract %slice3A_128[0] : f32 from vector<1xf32>
    %slice3A_130 = vector.extract_strided_slice %get3A_115 {offsets = [7], sizes = [1], strides = [1]} : vector<16xf32> to vector<1xf32>
    %squeeze3A_131 = vector.extract %slice3A_130[0] : f32 from vector<1xf32>
    %slice3A_132 = vector.extract_strided_slice %get3A_115 {offsets = [8], sizes = [1], strides = [1]} : vector<16xf32> to vector<1xf32>
    %squeeze3A_133 = vector.extract %slice3A_132[0] : f32 from vector<1xf32>
    %slice3A_134 = vector.extract_strided_slice %get3A_115 {offsets = [9], sizes = [1], strides = [1]} : vector<16xf32> to vector<1xf32>
    %squeeze3A_135 = vector.extract %slice3A_134[0] : f32 from vector<1xf32>
    %slice3A_136 = vector.extract_strided_slice %get3A_115 {offsets = [10], sizes = [1], strides = [1]} : vector<16xf32> to vector<1xf32>
    %squeeze3A_137 = vector.extract %slice3A_136[0] : f32 from vector<1xf32>
    %slice3A_138 = vector.extract_strided_slice %get3A_115 {offsets = [11], sizes = [1], strides = [1]} : vector<16xf32> to vector<1xf32>
    %squeeze3A_139 = vector.extract %slice3A_138[0] : f32 from vector<1xf32>
    %slice3A_140 = vector.extract_strided_slice %get3A_115 {offsets = [12], sizes = [1], strides = [1]} : vector<16xf32> to vector<1xf32>
    %squeeze3A_141 = vector.extract %slice3A_140[0] : f32 from vector<1xf32>
    %slice3A_142 = vector.extract_strided_slice %get3A_115 {offsets = [13], sizes = [1], strides = [1]} : vector<16xf32> to vector<1xf32>
    %squeeze3A_143 = vector.extract %slice3A_142[0] : f32 from vector<1xf32>
    %slice3A_144 = vector.extract_strided_slice %get3A_115 {offsets = [14], sizes = [1], strides = [1]} : vector<16xf32> to vector<1xf32>
    %squeeze3A_145 = vector.extract %slice3A_144[0] : f32 from vector<1xf32>
    %slice3A_146 = vector.extract_strided_slice %get3A_115 {offsets = [15], sizes = [1], strides = [1]} : vector<16xf32> to vector<1xf32>
    %squeeze3A_147 = vector.extract %slice3A_146[0] : f32 from vector<1xf32>
    %get3A_148 = arith.constant 32 : index
    %get3A_149 = tpu.vector_load %arg9[%get3A_148] {strides = array<i32>} : memref<64xf32, #tpu.memory_space<vmem>>, vector<16xf32>,
    %slice3A_150 = vector.extract_strided_slice %get3A_149 {offsets = [0], sizes = [1], strides = [1]} : vector<16xf32> to vector<1xf32>
    %squeeze3A_151 = vector.extract %slice3A_150[0] : f32 from vector<1xf32>
    %slice3A_152 = vector.extract_strided_slice %get3A_149 {offsets = [1], sizes = [1], strides = [1]} : vector<16xf32> to vector<1xf32>
    %squeeze3A_153 = vector.extract %slice3A_152[0] : f32 from vector<1xf32>
    %slice3A_154 = vector.extract_strided_slice %get3A_149 {offsets = [2], sizes = [1], strides = [1]} : vector<16xf32> to vector<1xf32>
    %squeeze3A_155 = vector.extract %slice3A_154[0] : f32 from vector<1xf32>
    %slice3A_156 = vector.extract_strided_slice %get3A_149 {offsets = [3], sizes = [1], strides = [1]} : vector<16xf32> to vector<1xf32>
    %squeeze3A_157 = vector.extract %slice3A_156[0] : f32 from vector<1xf32>
    %slice3A_158 = vector.extract_strided_slice %get3A_149 {offsets = [4], sizes = [1], strides = [1]} : vector<16xf32> to vector<1xf32>
    %squeeze3A_159 = vector.extract %slice3A_158[0] : f32 from vector<1xf32>
    %slice3A_160 = vector.extract_strided_slice %get3A_149 {offsets = [5], sizes = [1], strides = [1]} : vector<16xf32> to vector<1xf32>
    %squeeze3A_161 = vector.extract %slice3A_160[0] : f32 from vector<1xf32>
    %slice3A_162 = vector.extract_strided_slice %get3A_149 {offsets = [6], sizes = [1], strides = [1]} : vector<16xf32> to vector<1xf32>
    %squeeze3A_163 = vector.extract %slice3A_162[0] : f32 from vector<1xf32>
    %slice3A_164 = vector.extract_strided_slice %get3A_149 {offsets = [7], sizes = [1], strides = [1]} : vector<16xf32> to vector<1xf32>
    %squeeze3A_165 = vector.extract %slice3A_164[0] : f32 from vector<1xf32>
    %slice3A_166 = vector.extract_strided_slice %get3A_149 {offsets = [8], sizes = [1], strides = [1]} : vector<16xf32> to vector<1xf32>
    %squeeze3A_167 = vector.extract %slice3A_166[0] : f32 from vector<1xf32>
    %slice3A_168 = vector.extract_strided_slice %get3A_149 {offsets = [9], sizes = [1], strides = [1]} : vector<16xf32> to vector<1xf32>
    %squeeze3A_169 = vector.extract %slice3A_168[0] : f32 from vector<1xf32>
    %slice3A_170 = vector.extract_strided_slice %get3A_149 {offsets = [10], sizes = [1], strides = [1]} : vector<16xf32> to vector<1xf32>
    %squeeze3A_171 = vector.extract %slice3A_170[0] : f32 from vector<1xf32>
    %slice3A_172 = vector.extract_strided_slice %get3A_149 {offsets = [11], sizes = [1], strides = [1]} : vector<16xf32> to vector<1xf32>
    %squeeze3A_173 = vector.extract %slice3A_172[0] : f32 from vector<1xf32>
    %slice3A_174 = vector.extract_strided_slice %get3A_149 {offsets = [12], sizes = [1], strides = [1]} : vector<16xf32> to vector<1xf32>
    %squeeze3A_175 = vector.extract %slice3A_174[0] : f32 from vector<1xf32>
    %slice3A_176 = vector.extract_strided_slice %get3A_149 {offsets = [13], sizes = [1], strides = [1]} : vector<16xf32> to vector<1xf32>
    %squeeze3A_177 = vector.extract %slice3A_176[0] : f32 from vector<1xf32>
    %slice3A_178 = vector.extract_strided_slice %get3A_149 {offsets = [14], sizes = [1], strides = [1]} : vector<16xf32> to vector<1xf32>
    %squeeze3A_179 = vector.extract %slice3A_178[0] : f32 from vector<1xf32>
    %slice3A_180 = vector.extract_strided_slice %get3A_149 {offsets = [15], sizes = [1], strides = [1]} : vector<16xf32> to vector<1xf32>
    %squeeze3A_181 = vector.extract %slice3A_180[0] : f32 from vector<1xf32>
    %get3A_182 = arith.constant 48 : index
    %get3A_183 = tpu.vector_load %arg9[%get3A_182] {strides = array<i32>} : memref<64xf32, #tpu.memory_space<vmem>>, vector<16xf32>,
    %slice3A_184 = vector.extract_strided_slice %get3A_183 {offsets = [0], sizes = [1], strides = [1]} : vector<16xf32> to vector<1xf32>
    %squeeze3A_185 = vector.extract %slice3A_184[0] : f32 from vector<1xf32>
    %slice3A_186 = vector.extract_strided_slice %get3A_183 {offsets = [1], sizes = [1], strides = [1]} : vector<16xf32> to vector<1xf32>
    %squeeze3A_187 = vector.extract %slice3A_186[0] : f32 from vector<1xf32>
    %slice3A_188 = vector.extract_strided_slice %get3A_183 {offsets = [2], sizes = [1], strides = [1]} : vector<16xf32> to vector<1xf32>
    %squeeze3A_189 = vector.extract %slice3A_188[0] : f32 from vector<1xf32>
    %slice3A_190 = vector.extract_strided_slice %get3A_183 {offsets = [3], sizes = [1], strides = [1]} : vector<16xf32> to vector<1xf32>
    %squeeze3A_191 = vector.extract %slice3A_190[0] : f32 from vector<1xf32>
    %slice3A_192 = vector.extract_strided_slice %get3A_183 {offsets = [4], sizes = [1], strides = [1]} : vector<16xf32> to vector<1xf32>
    %squeeze3A_193 = vector.extract %slice3A_192[0] : f32 from vector<1xf32>
    %slice3A_194 = vector.extract_strided_slice %get3A_183 {offsets = [5], sizes = [1], strides = [1]} : vector<16xf32> to vector<1xf32>
    %squeeze3A_195 = vector.extract %slice3A_194[0] : f32 from vector<1xf32>
    %slice3A_196 = vector.extract_strided_slice %get3A_183 {offsets = [6], sizes = [1], strides = [1]} : vector<16xf32> to vector<1xf32>
    %squeeze3A_197 = vector.extract %slice3A_196[0] : f32 from vector<1xf32>
    %slice3A_198 = vector.extract_strided_slice %get3A_183 {offsets = [7], sizes = [1], strides = [1]} : vector<16xf32> to vector<1xf32>
    %squeeze3A_199 = vector.extract %slice3A_198[0] : f32 from vector<1xf32>
    %slice3A_200 = vector.extract_strided_slice %get3A_183 {offsets = [8], sizes = [1], strides = [1]} : vector<16xf32> to vector<1xf32>
    %squeeze3A_201 = vector.extract %slice3A_200[0] : f32 from vector<1xf32>
    %slice3A_202 = vector.extract_strided_slice %get3A_183 {offsets = [9], sizes = [1], strides = [1]} : vector<16xf32> to vector<1xf32>
    %squeeze3A_203 = vector.extract %slice3A_202[0] : f32 from vector<1xf32>
    %slice3A_204 = vector.extract_strided_slice %get3A_183 {offsets = [10], sizes = [1], strides = [1]} : vector<16xf32> to vector<1xf32>
    %squeeze3A_205 = vector.extract %slice3A_204[0] : f32 from vector<1xf32>
    %slice3A_206 = vector.extract_strided_slice %get3A_183 {offsets = [11], sizes = [1], strides = [1]} : vector<16xf32> to vector<1xf32>
    %squeeze3A_207 = vector.extract %slice3A_206[0] : f32 from vector<1xf32>
    %slice3A_208 = vector.extract_strided_slice %get3A_183 {offsets = [12], sizes = [1], strides = [1]} : vector<16xf32> to vector<1xf32>
    %squeeze3A_209 = vector.extract %slice3A_208[0] : f32 from vector<1xf32>
    %slice3A_210 = vector.extract_strided_slice %get3A_183 {offsets = [13], sizes = [1], strides = [1]} : vector<16xf32> to vector<1xf32>
    %squeeze3A_211 = vector.extract %slice3A_210[0] : f32 from vector<1xf32>
    %slice3A_212 = vector.extract_strided_slice %get3A_183 {offsets = [14], sizes = [1], strides = [1]} : vector<16xf32> to vector<1xf32>
    %squeeze3A_213 = vector.extract %slice3A_212[0] : f32 from vector<1xf32>
    %slice3A_214 = vector.extract_strided_slice %get3A_183 {offsets = [15], sizes = [1], strides = [1]} : vector<16xf32> to vector<1xf32>
    %squeeze3A_215 = vector.extract %slice3A_214[0] : f32 from vector<1xf32>
    %dma_wait3A = arith.constant 0 : i32
    %dma_wait3A_216 = tpu.memref_slice %arg6[%dma_wait3A] : memref<65536xf32, #tpu.memory_space<vmem>> -> memref<8192xf32, #tpu.memory_space<vmem>>
    %dma_wait3A_217 = tpu.memref_slice %arg2[%add3A_7] : memref<2097152xf32, #tpu.memory_space<hbm>> -> memref<8192xf32, #tpu.memory_space<hbm>>
    %dma_wait3A_218 = arith.constant 0 : i32
    %dma_wait3A_219 = tpu.memref_slice %arg6[%dma_wait3A_218] : memref<65536xf32, #tpu.memory_space<vmem>> -> memref<8192xf32, #tpu.memory_space<vmem>>
    %dma_wait3A_220 = tpu.memref_slice %arg2[%add3A_7] : memref<2097152xf32, #tpu.memory_space<hbm>> -> memref<8192xf32, #tpu.memory_space<hbm>>
    tpu.wait_dma2 semaphore(%arg10 : memref<!tpu.dma_semaphore, #tpu.memory_space<semaphore_mem>>) src(%dma_wait3A_220 : memref<8192xf32, #tpu.memory_space<hbm>>) dst(%dma_wait3A_219 : memref<8192xf32, #tpu.memory_space<vmem>>)
    %dma_wait3A_221 = arith.constant 8192 : i32
    %dma_wait3A_222 = tpu.memref_slice %arg6[%dma_wait3A_221] : memref<65536xf32, #tpu.memory_space<vmem>> -> memref<8192xf32, #tpu.memory_space<vmem>>
    %dma_wait3A_223 = tpu.memref_slice %arg2[%add3A_16] : memref<2097152xf32, #tpu.memory_space<hbm>> -> memref<8192xf32, #tpu.memory_space<hbm>>
    %dma_wait3A_224 = arith.constant 8192 : i32
    %dma_wait3A_225 = tpu.memref_slice %arg6[%dma_wait3A_224] : memref<65536xf32, #tpu.memory_space<vmem>> -> memref<8192xf32, #tpu.memory_space<vmem>>
    %dma_wait3A_226 = tpu.memref_slice %arg2[%add3A_16] : memref<2097152xf32, #tpu.memory_space<hbm>> -> memref<8192xf32, #tpu.memory_space<hbm>>
    tpu.wait_dma2 semaphore(%arg10 : memref<!tpu.dma_semaphore, #tpu.memory_space<semaphore_mem>>) src(%dma_wait3A_226 : memref<8192xf32, #tpu.memory_space<hbm>>) dst(%dma_wait3A_225 : memref<8192xf32, #tpu.memory_space<vmem>>)
    %dma_wait3A_227 = arith.constant 16384 : i32
    %dma_wait3A_228 = tpu.memref_slice %arg6[%dma_wait3A_227] : memref<65536xf32, #tpu.memory_space<vmem>> -> memref<8192xf32, #tpu.memory_space<vmem>>
    %dma_wait3A_229 = tpu.memref_slice %arg2[%add3A_26] : memref<2097152xf32, #tpu.memory_space<hbm>> -> memref<8192xf32, #tpu.memory_space<hbm>>
    %dma_wait3A_230 = arith.constant 16384 : i32
    %dma_wait3A_231 = tpu.memref_slice %arg6[%dma_wait3A_230] : memref<65536xf32, #tpu.memory_space<vmem>> -> memref<8192xf32, #tpu.memory_space<vmem>>
    %dma_wait3A_232 = tpu.memref_slice %arg2[%add3A_26] : memref<2097152xf32, #tpu.memory_space<hbm>> -> memref<8192xf32, #tpu.memory_space<hbm>>
    tpu.wait_dma2 semaphore(%arg10 : memref<!tpu.dma_semaphore, #tpu.memory_space<semaphore_mem>>) src(%dma_wait3A_232 : memref<8192xf32, #tpu.memory_space<hbm>>) dst(%dma_wait3A_231 : memref<8192xf32, #tpu.memory_space<vmem>>)
    %dma_wait3A_233 = arith.constant 24576 : i32
    %dma_wait3A_234 = tpu.memref_slice %arg6[%dma_wait3A_233] : memref<65536xf32, #tpu.memory_space<vmem>> -> memref<8192xf32, #tpu.memory_space<vmem>>
    %dma_wait3A_235 = tpu.memref_slice %arg2[%add3A_36] : memref<2097152xf32, #tpu.memory_space<hbm>> -> memref<8192xf32, #tpu.memory_space<hbm>>
    %dma_wait3A_236 = arith.constant 24576 : i32
    %dma_wait3A_237 = tpu.memref_slice %arg6[%dma_wait3A_236] : memref<65536xf32, #tpu.memory_space<vmem>> -> memref<8192xf32, #tpu.memory_space<vmem>>
    %dma_wait3A_238 = tpu.memref_slice %arg2[%add3A_36] : memref<2097152xf32, #tpu.memory_space<hbm>> -> memref<8192xf32, #tpu.memory_space<hbm>>
    tpu.wait_dma2 semaphore(%arg10 : memref<!tpu.dma_semaphore, #tpu.memory_space<semaphore_mem>>) src(%dma_wait3A_238 : memref<8192xf32, #tpu.memory_space<hbm>>) dst(%dma_wait3A_237 : memref<8192xf32, #tpu.memory_space<vmem>>)
    %dma_wait3A_239 = arith.constant 32768 : i32
    %dma_wait3A_240 = tpu.memref_slice %arg6[%dma_wait3A_239] : memref<65536xf32, #tpu.memory_space<vmem>> -> memref<8192xf32, #tpu.memory_space<vmem>>
    %dma_wait3A_241 = tpu.memref_slice %arg2[%add3A_46] : memref<2097152xf32, #tpu.memory_space<hbm>> -> memref<8192xf32, #tpu.memory_space<hbm>>
    %dma_wait3A_242 = arith.constant 32768 : i32
    %dma_wait3A_243 = tpu.memref_slice %arg6[%dma_wait3A_242] : memref<65536xf32, #tpu.memory_space<vmem>> -> memref<8192xf32, #tpu.memory_space<vmem>>
    %dma_wait3A_244 = tpu.memref_slice %arg2[%add3A_46] : memref<2097152xf32, #tpu.memory_space<hbm>> -> memref<8192xf32, #tpu.memory_space<hbm>>
    tpu.wait_dma2 semaphore(%arg10 : memref<!tpu.dma_semaphore, #tpu.memory_space<semaphore_mem>>) src(%dma_wait3A_244 : memref<8192xf32, #tpu.memory_space<hbm>>) dst(%dma_wait3A_243 : memref<8192xf32, #tpu.memory_space<vmem>>)
    %dma_wait3A_245 = arith.constant 40960 : i32
    %dma_wait3A_246 = tpu.memref_slice %arg6[%dma_wait3A_245] : memref<65536xf32, #tpu.memory_space<vmem>> -> memref<8192xf32, #tpu.memory_space<vmem>>
    %dma_wait3A_247 = tpu.memref_slice %arg2[%add3A_56] : memref<2097152xf32, #tpu.memory_space<hbm>> -> memref<8192xf32, #tpu.memory_space<hbm>>
    %dma_wait3A_248 = arith.constant 40960 : i32
    %dma_wait3A_249 = tpu.memref_slice %arg6[%dma_wait3A_248] : memref<65536xf32, #tpu.memory_space<vmem>> -> memref<8192xf32, #tpu.memory_space<vmem>>
    %dma_wait3A_250 = tpu.memref_slice %arg2[%add3A_56] : memref<2097152xf32, #tpu.memory_space<hbm>> -> memref<8192xf32, #tpu.memory_space<hbm>>
    tpu.wait_dma2 semaphore(%arg10 : memref<!tpu.dma_semaphore, #tpu.memory_space<semaphore_mem>>) src(%dma_wait3A_250 : memref<8192xf32, #tpu.memory_space<hbm>>) dst(%dma_wait3A_249 : memref<8192xf32, #tpu.memory_space<vmem>>)
    %dma_wait3A_251 = arith.constant 49152 : i32
    %dma_wait3A_252 = tpu.memref_slice %arg6[%dma_wait3A_251] : memref<65536xf32, #tpu.memory_space<vmem>> -> memref<8192xf32, #tpu.memory_space<vmem>>
    %dma_wait3A_253 = tpu.memref_slice %arg2[%add3A_66] : memref<2097152xf32, #tpu.memory_space<hbm>> -> memref<8192xf32, #tpu.memory_space<hbm>>
    %dma_wait3A_254 = arith.constant 49152 : i32
    %dma_wait3A_255 = tpu.memref_slice %arg6[%dma_wait3A_254] : memref<65536xf32, #tpu.memory_space<vmem>> -> memref<8192xf32, #tpu.memory_space<vmem>>
    %dma_wait3A_256 = tpu.memref_slice %arg2[%add3A_66] : memref<2097152xf32, #tpu.memory_space<hbm>> -> memref<8192xf32, #tpu.memory_space<hbm>>
    tpu.wait_dma2 semaphore(%arg10 : memref<!tpu.dma_semaphore, #tpu.memory_space<semaphore_mem>>) src(%dma_wait3A_256 : memref<8192xf32, #tpu.memory_space<hbm>>) dst(%dma_wait3A_255 : memref<8192xf32, #tpu.memory_space<vmem>>)
    %dma_wait3A_257 = arith.constant 57344 : i32
    %dma_wait3A_258 = tpu.memref_slice %arg6[%dma_wait3A_257] : memref<65536xf32, #tpu.memory_space<vmem>> -> memref<8192xf32, #tpu.memory_space<vmem>>
    %dma_wait3A_259 = tpu.memref_slice %arg2[%add3A_76] : memref<2097152xf32, #tpu.memory_space<hbm>> -> memref<8192xf32, #tpu.memory_space<hbm>>
    %dma_wait3A_260 = arith.constant 57344 : i32
    %dma_wait3A_261 = tpu.memref_slice %arg6[%dma_wait3A_260] : memref<65536xf32, #tpu.memory_space<vmem>> -> memref<8192xf32, #tpu.memory_space<vmem>>
    %dma_wait3A_262 = tpu.memref_slice %arg2[%add3A_76] : memref<2097152xf32, #tpu.memory_space<hbm>> -> memref<8192xf32, #tpu.memory_space<hbm>>
    tpu.wait_dma2 semaphore(%arg10 : memref<!tpu.dma_semaphore, #tpu.memory_space<semaphore_mem>>) src(%dma_wait3A_262 : memref<8192xf32, #tpu.memory_space<hbm>>) dst(%dma_wait3A_261 : memref<8192xf32, #tpu.memory_space<vmem>>)
    %scan3A = arith.constant 0 : i32
    %scan3A_263 = arith.constant 0 : i32
    %scan3A_264 = arith.constant 64 : i32
    %scan3A_265 = arith.addi %scan3A_263, %scan3A_264 : i32
    %scan3A_266 = arith.constant 1 : i32
    scf.for %scan3A_272 = %scan3A_263 to %scan3A_265 step %scan3A_266  : i32 {
      %shift_right_arithmetic3A = arith.constant 3 : i32
      %shift_right_arithmetic3A_273 = arith.shrsi %scan3A_272, %shift_right_arithmetic3A : i32
      %mul3A_274 = arith.constant 1024 : i32
      %mul3A_275 = arith.muli %shift_right_arithmetic3A_273, %mul3A_274 : i32
      %and3A = arith.constant 7 : i32
      %and3A_276 = arith.andi %scan3A_272, %and3A : i32
      %mul3A_277 = arith.constant 16 : i32
      %mul3A_278 = arith.muli %and3A_276, %mul3A_277 : i32
      %add3A_279 = arith.addi %mul3A_275, %mul3A_278 : i32
      %add3A_280 = arith.constant 0 : i32
      %add3A_281 = arith.addi %add3A_279, %add3A_280 : i32
      %get3A_282 = arith.index_cast %add3A_281 : i32 to index
      %get3A_283 = tpu.vector_load %arg6[%get3A_282] {strides = array<i32>} : memref<65536xf32, #tpu.memory_space<vmem>>, vector<16xf32>,
      %add3A_284 = vector.broadcast %squeeze3A : f32 to vector<16xf32>
      %add3A_285 = arith.addf %get3A_283, %add3A_284 : vector<16xf32>
      %swap3A = arith.index_cast %add3A_281 : i32 to index
      %swap3A_286 = tpu.vector_load %arg6[%swap3A] {strides = array<i32>} : memref<65536xf32, #tpu.memory_space<vmem>>, vector<16xf32>,
      tpu.vector_store %arg6[%swap3A], %add3A_285 {strides = array<i32>} : memref<65536xf32, #tpu.memory_space<vmem>>, vector<16xf32>,
      %broadcast_in_dim3A_287 = arith.constant 0 : i32
      %broadcast_in_dim3A_288 = vector.broadcast %broadcast_in_dim3A_287 : i32 to vector<16xi32>
      %add3A_289 = arith.constant 128 : i32
      %add3A_290 = arith.addi %add3A_279, %add3A_289 : i32
      %get3A_291 = arith.index_cast %add3A_290 : i32 to index
      %get3A_292 = tpu.vector_load %arg6[%get3A_291] {strides = array<i32>} : memref<65536xf32, #tpu.memory_space<vmem>>, vector<16xf32>,
      %add3A_293 = vector.broadcast %squeeze3A_85 : f32 to vector<16xf32>
      %add3A_294 = arith.addf %get3A_292, %add3A_293 : vector<16xf32>
      %swap3A_295 = arith.index_cast %add3A_290 : i32 to index
      %swap3A_296 = tpu.vector_load %arg6[%swap3A_295] {strides = array<i32>} : memref<65536xf32, #tpu.memory_space<vmem>>, vector<16xf32>,
      tpu.vector_store %arg6[%swap3A_295], %add3A_294 {strides = array<i32>} : memref<65536xf32, #tpu.memory_space<vmem>>, vector<16xf32>,
      %broadcast_in_dim3A_297 = arith.constant 1 : i32
      %broadcast_in_dim3A_298 = vector.broadcast %broadcast_in_dim3A_297 : i32 to vector<16xi32>
      %add3A_299 = arith.constant 256 : i32
      %add3A_300 = arith.addi %add3A_279, %add3A_299 : i32
      %get3A_301 = arith.index_cast %add3A_300 : i32 to index
      %get3A_302 = tpu.vector_load %arg6[%get3A_301] {strides = array<i32>} : memref<65536xf32, #tpu.memory_space<vmem>>, vector<16xf32>,
      %add3A_303 = vector.broadcast %squeeze3A_87 : f32 to vector<16xf32>
      %add3A_304 = arith.addf %get3A_302, %add3A_303 : vector<16xf32>
      %swap3A_305 = arith.index_cast %add3A_300 : i32 to index
      %swap3A_306 = tpu.vector_load %arg6[%swap3A_305] {strides = array<i32>} : memref<65536xf32, #tpu.memory_space<vmem>>, vector<16xf32>,
      tpu.vector_store %arg6[%swap3A_305], %add3A_304 {strides = array<i32>} : memref<65536xf32, #tpu.memory_space<vmem>>, vector<16xf32>,
      %broadcast_in_dim3A_307 = arith.constant 2 : i32
      %broadcast_in_dim3A_308 = vector.broadcast %broadcast_in_dim3A_307 : i32 to vector<16xi32>
      %add3A_309 = arith.constant 384 : i32
      %add3A_310 = arith.addi %add3A_279, %add3A_309 : i32
      %get3A_311 = arith.index_cast %add3A_310 : i32 to index
      %get3A_312 = tpu.vector_load %arg6[%get3A_311] {strides = array<i32>} : memref<65536xf32, #tpu.memory_space<vmem>>, vector<16xf32>,
      %add3A_313 = vector.broadcast %squeeze3A_89 : f32 to vector<16xf32>
      %add3A_314 = arith.addf %get3A_312, %add3A_313 : vector<16xf32>
      %swap3A_315 = arith.index_cast %add3A_310 : i32 to index
      %swap3A_316 = tpu.vector_load %arg6[%swap3A_315] {strides = array<i32>} : memref<65536xf32, #tpu.memory_space<vmem>>, vector<16xf32>,
      tpu.vector_store %arg6[%swap3A_315], %add3A_314 {strides = array<i32>} : memref<65536xf32, #tpu.memory_space<vmem>>, vector<16xf32>,
      %broadcast_in_dim3A_317 = arith.constant 3 : i32
      %broadcast_in_dim3A_318 = vector.broadcast %broadcast_in_dim3A_317 : i32 to vector<16xi32>
      %add3A_319 = arith.constant 512 : i32
      %add3A_320 = arith.addi %add3A_279, %add3A_319 : i32
      %get3A_321 = arith.index_cast %add3A_320 : i32 to index
      %get3A_322 = tpu.vector_load %arg6[%get3A_321] {strides = array<i32>} : memref<65536xf32, #tpu.memory_space<vmem>>, vector<16xf32>,
      %add3A_323 = vector.broadcast %squeeze3A_91 : f32 to vector<16xf32>
      %add3A_324 = arith.addf %get3A_322, %add3A_323 : vector<16xf32>
      %swap3A_325 = arith.index_cast %add3A_320 : i32 to index
      %swap3A_326 = tpu.vector_load %arg6[%swap3A_325] {strides = array<i32>} : memref<65536xf32, #tpu.memory_space<vmem>>, vector<16xf32>,
      tpu.vector_store %arg6[%swap3A_325], %add3A_324 {strides = array<i32>} : memref<65536xf32, #tpu.memory_space<vmem>>, vector<16xf32>,
      %broadcast_in_dim3A_327 = arith.constant 4 : i32
      %broadcast_in_dim3A_328 = vector.broadcast %broadcast_in_dim3A_327 : i32 to vector<16xi32>
      %add3A_329 = arith.constant 640 : i32
      %add3A_330 = arith.addi %add3A_279, %add3A_329 : i32
      %get3A_331 = arith.index_cast %add3A_330 : i32 to index
      %get3A_332 = tpu.vector_load %arg6[%get3A_331] {strides = array<i32>} : memref<65536xf32, #tpu.memory_space<vmem>>, vector<16xf32>,
      %add3A_333 = vector.broadcast %squeeze3A_93 : f32 to vector<16xf32>
      %add3A_334 = arith.addf %get3A_332, %add3A_333 : vector<16xf32>
      %swap3A_335 = arith.index_cast %add3A_330 : i32 to index
      %swap3A_336 = tpu.vector_load %arg6[%swap3A_335] {strides = array<i32>} : memref<65536xf32, #tpu.memory_space<vmem>>, vector<16xf32>,
      tpu.vector_store %arg6[%swap3A_335], %add3A_334 {strides = array<i32>} : memref<65536xf32, #tpu.memory_space<vmem>>, vector<16xf32>,
      %broadcast_in_dim3A_337 = arith.constant 5 : i32
      %broadcast_in_dim3A_338 = vector.broadcast %broadcast_in_dim3A_337 : i32 to vector<16xi32>
      %add3A_339 = arith.constant 768 : i32
      %add3A_340 = arith.addi %add3A_279, %add3A_339 : i32
      %get3A_341 = arith.index_cast %add3A_340 : i32 to index
      %get3A_342 = tpu.vector_load %arg6[%get3A_341] {strides = array<i32>} : memref<65536xf32, #tpu.memory_space<vmem>>, vector<16xf32>,
      %add3A_343 = vector.broadcast %squeeze3A_95 : f32 to vector<16xf32>
      %add3A_344 = arith.addf %get3A_342, %add3A_343 : vector<16xf32>
      %swap3A_345 = arith.index_cast %add3A_340 : i32 to index
      %swap3A_346 = tpu.vector_load %arg6[%swap3A_345] {strides = array<i32>} : memref<65536xf32, #tpu.memory_space<vmem>>, vector<16xf32>,
      tpu.vector_store %arg6[%swap3A_345], %add3A_344 {strides = array<i32>} : memref<65536xf32, #tpu.memory_space<vmem>>, vector<16xf32>,
      %broadcast_in_dim3A_347 = arith.constant 6 : i32
      %broadcast_in_dim3A_348 = vector.broadcast %broadcast_in_dim3A_347 : i32 to vector<16xi32>
      %add3A_349 = arith.constant 896 : i32
      %add3A_350 = arith.addi %add3A_279, %add3A_349 : i32
      %get3A_351 = arith.index_cast %add3A_350 : i32 to index
      %get3A_352 = tpu.vector_load %arg6[%get3A_351] {strides = array<i32>} : memref<65536xf32, #tpu.memory_space<vmem>>, vector<16xf32>,
      %add3A_353 = vector.broadcast %squeeze3A_97 : f32 to vector<16xf32>
      %add3A_354 = arith.addf %get3A_352, %add3A_353 : vector<16xf32>
      %swap3A_355 = arith.index_cast %add3A_350 : i32 to index
      %swap3A_356 = tpu.vector_load %arg6[%swap3A_355] {strides = array<i32>} : memref<65536xf32, #tpu.memory_space<vmem>>, vector<16xf32>,
      tpu.vector_store %arg6[%swap3A_355], %add3A_354 {strides = array<i32>} : memref<65536xf32, #tpu.memory_space<vmem>>, vector<16xf32>,
      %broadcast_in_dim3A_357 = arith.constant 7 : i32
      %broadcast_in_dim3A_358 = vector.broadcast %broadcast_in_dim3A_357 : i32 to vector<16xi32>
      %add3A_359 = arith.constant 8192 : i32
      %add3A_360 = arith.addi %add3A_279, %add3A_359 : i32
      %get3A_361 = arith.index_cast %add3A_360 : i32 to index
      %get3A_362 = tpu.vector_load %arg6[%get3A_361] {strides = array<i32>} : memref<65536xf32, #tpu.memory_space<vmem>>, vector<16xf32>,
      %add3A_363 = vector.broadcast %squeeze3A_99 : f32 to vector<16xf32>
      %add3A_364 = arith.addf %get3A_362, %add3A_363 : vector<16xf32>
      %swap3A_365 = arith.index_cast %add3A_360 : i32 to index
      %swap3A_366 = tpu.vector_load %arg6[%swap3A_365] {strides = array<i32>} : memref<65536xf32, #tpu.memory_space<vmem>>, vector<16xf32>,
      tpu.vector_store %arg6[%swap3A_365], %add3A_364 {strides = array<i32>} : memref<65536xf32, #tpu.memory_space<vmem>>, vector<16xf32>,
      %broadcast_in_dim3A_367 = arith.constant 8 : i32
      %broadcast_in_dim3A_368 = vector.broadcast %broadcast_in_dim3A_367 : i32 to vector<16xi32>
      %add3A_369 = arith.constant 8320 : i32
      %add3A_370 = arith.addi %add3A_279, %add3A_369 : i32
      %get3A_371 = arith.index_cast %add3A_370 : i32 to index
      %get3A_372 = tpu.vector_load %arg6[%get3A_371] {strides = array<i32>} : memref<65536xf32, #tpu.memory_space<vmem>>, vector<16xf32>,
      %add3A_373 = vector.broadcast %squeeze3A_101 : f32 to vector<16xf32>
      %add3A_374 = arith.addf %get3A_372, %add3A_373 : vector<16xf32>
      %swap3A_375 = arith.index_cast %add3A_370 : i32 to index
      %swap3A_376 = tpu.vector_load %arg6[%swap3A_375] {strides = array<i32>} : memref<65536xf32, #tpu.memory_space<vmem>>, vector<16xf32>,
      tpu.vector_store %arg6[%swap3A_375], %add3A_374 {strides = array<i32>} : memref<65536xf32, #tpu.memory_space<vmem>>, vector<16xf32>,
      %broadcast_in_dim3A_377 = arith.constant 9 : i32
      %broadcast_in_dim3A_378 = vector.broadcast %broadcast_in_dim3A_377 : i32 to vector<16xi32>
      %add3A_379 = arith.constant 8448 : i32
      %add3A_380 = arith.addi %add3A_279, %add3A_379 : i32
      %get3A_381 = arith.index_cast %add3A_380 : i32 to index
      %get3A_382 = tpu.vector_load %arg6[%get3A_381] {strides = array<i32>} : memref<65536xf32, #tpu.memory_space<vmem>>, vector<16xf32>,
      %add3A_383 = vector.broadcast %squeeze3A_103 : f32 to vector<16xf32>
      %add3A_384 = arith.addf %get3A_382, %add3A_383 : vector<16xf32>
      %swap3A_385 = arith.index_cast %add3A_380 : i32 to index
      %swap3A_386 = tpu.vector_load %arg6[%swap3A_385] {strides = array<i32>} : memref<65536xf32, #tpu.memory_space<vmem>>, vector<16xf32>,
      tpu.vector_store %arg6[%swap3A_385], %add3A_384 {strides = array<i32>} : memref<65536xf32, #tpu.memory_space<vmem>>, vector<16xf32>,
      %broadcast_in_dim3A_387 = arith.constant 10 : i32
      %broadcast_in_dim3A_388 = vector.broadcast %broadcast_in_dim3A_387 : i32 to vector<16xi32>
      %add3A_389 = arith.constant 8576 : i32
      %add3A_390 = arith.addi %add3A_279, %add3A_389 : i32
      %get3A_391 = arith.index_cast %add3A_390 : i32 to index
      %get3A_392 = tpu.vector_load %arg6[%get3A_391] {strides = array<i32>} : memref<65536xf32, #tpu.memory_space<vmem>>, vector<16xf32>,
      %add3A_393 = vector.broadcast %squeeze3A_105 : f32 to vector<16xf32>
      %add3A_394 = arith.addf %get3A_392, %add3A_393 : vector<16xf32>
      %swap3A_395 = arith.index_cast %add3A_390 : i32 to index
      %swap3A_396 = tpu.vector_load %arg6[%swap3A_395] {strides = array<i32>} : memref<65536xf32, #tpu.memory_space<vmem>>, vector<16xf32>,
      tpu.vector_store %arg6[%swap3A_395], %add3A_394 {strides = array<i32>} : memref<65536xf32, #tpu.memory_space<vmem>>, vector<16xf32>,
      %broadcast_in_dim3A_397 = arith.constant 11 : i32
      %broadcast_in_dim3A_398 = vector.broadcast %broadcast_in_dim3A_397 : i32 to vector<16xi32>
      %add3A_399 = arith.constant 8704 : i32
      %add3A_400 = arith.addi %add3A_279, %add3A_399 : i32
      %get3A_401 = arith.index_cast %add3A_400 : i32 to index
      %get3A_402 = tpu.vector_load %arg6[%get3A_401] {strides = array<i32>} : memref<65536xf32, #tpu.memory_space<vmem>>, vector<16xf32>,
      %add3A_403 = vector.broadcast %squeeze3A_107 : f32 to vector<16xf32>
      %add3A_404 = arith.addf %get3A_402, %add3A_403 : vector<16xf32>
      %swap3A_405 = arith.index_cast %add3A_400 : i32 to index
      %swap3A_406 = tpu.vector_load %arg6[%swap3A_405] {strides = array<i32>} : memref<65536xf32, #tpu.memory_space<vmem>>, vector<16xf32>,
      tpu.vector_store %arg6[%swap3A_405], %add3A_404 {strides = array<i32>} : memref<65536xf32, #tpu.memory_space<vmem>>, vector<16xf32>,
      %broadcast_in_dim3A_407 = arith.constant 12 : i32
      %broadcast_in_dim3A_408 = vector.broadcast %broadcast_in_dim3A_407 : i32 to vector<16xi32>
      %add3A_409 = arith.constant 8832 : i32
      %add3A_410 = arith.addi %add3A_279, %add3A_409 : i32
      %get3A_411 = arith.index_cast %add3A_410 : i32 to index
      %get3A_412 = tpu.vector_load %arg6[%get3A_411] {strides = array<i32>} : memref<65536xf32, #tpu.memory_space<vmem>>, vector<16xf32>,
      %add3A_413 = vector.broadcast %squeeze3A_109 : f32 to vector<16xf32>
      %add3A_414 = arith.addf %get3A_412, %add3A_413 : vector<16xf32>
      %swap3A_415 = arith.index_cast %add3A_410 : i32 to index
      %swap3A_416 = tpu.vector_load %arg6[%swap3A_415] {strides = array<i32>} : memref<65536xf32, #tpu.memory_space<vmem>>, vector<16xf32>,
      tpu.vector_store %arg6[%swap3A_415], %add3A_414 {strides = array<i32>} : memref<65536xf32, #tpu.memory_space<vmem>>, vector<16xf32>,
      %broadcast_in_dim3A_417 = arith.constant 13 : i32
      %broadcast_in_dim3A_418 = vector.broadcast %broadcast_in_dim3A_417 : i32 to vector<16xi32>
      %add3A_419 = arith.constant 8960 : i32
      %add3A_420 = arith.addi %add3A_279, %add3A_419 : i32
      %get3A_421 = arith.index_cast %add3A_420 : i32 to index
      %get3A_422 = tpu.vector_load %arg6[%get3A_421] {strides = array<i32>} : memref<65536xf32, #tpu.memory_space<vmem>>, vector<16xf32>,
      %add3A_423 = vector.broadcast %squeeze3A_111 : f32 to vector<16xf32>
      %add3A_424 = arith.addf %get3A_422, %add3A_423 : vector<16xf32>
      %swap3A_425 = arith.index_cast %add3A_420 : i32 to index
      %swap3A_426 = tpu.vector_load %arg6[%swap3A_425] {strides = array<i32>} : memref<65536xf32, #tpu.memory_space<vmem>>, vector<16xf32>,
      tpu.vector_store %arg6[%swap3A_425], %add3A_424 {strides = array<i32>} : memref<65536xf32, #tpu.memory_space<vmem>>, vector<16xf32>,
      %broadcast_in_dim3A_427 = arith.constant 14 : i32
      %broadcast_in_dim3A_428 = vector.broadcast %broadcast_in_dim3A_427 : i32 to vector<16xi32>
      %add3A_429 = arith.constant 9088 : i32
      %add3A_430 = arith.addi %add3A_279, %add3A_429 : i32
      %get3A_431 = arith.index_cast %add3A_430 : i32 to index
      %get3A_432 = tpu.vector_load %arg6[%get3A_431] {strides = array<i32>} : memref<65536xf32, #tpu.memory_space<vmem>>, vector<16xf32>,
      %add3A_433 = vector.broadcast %squeeze3A_113 : f32 to vector<16xf32>
      %add3A_434 = arith.addf %get3A_432, %add3A_433 : vector<16xf32>
      %swap3A_435 = arith.index_cast %add3A_430 : i32 to index
      %swap3A_436 = tpu.vector_load %arg6[%swap3A_435] {strides = array<i32>} : memref<65536xf32, #tpu.memory_space<vmem>>, vector<16xf32>,
      tpu.vector_store %arg6[%swap3A_435], %add3A_434 {strides = array<i32>} : memref<65536xf32, #tpu.memory_space<vmem>>, vector<16xf32>,
      %broadcast_in_dim3A_437 = arith.constant 15 : i32
      %broadcast_in_dim3A_438 = vector.broadcast %broadcast_in_dim3A_437 : i32 to vector<16xi32>
      %ge3A = arith.cmpf oge, %add3A_285, %add3A_294 : vector<16xf32>
      %select_n3A = arith.select %ge3A, %add3A_285, %add3A_294 : vector<16xi1>, vector<16xf32>
      %select_n3A_439 = arith.select %ge3A, %broadcast_in_dim3A_288, %broadcast_in_dim3A_298 : vector<16xi1>, vector<16xi32>
      %ge3A_440 = arith.cmpf oge, %add3A_304, %add3A_314 : vector<16xf32>
      %select_n3A_441 = arith.select %ge3A_440, %add3A_304, %add3A_314 : vector<16xi1>, vector<16xf32>
      %select_n3A_442 = arith.select %ge3A_440, %broadcast_in_dim3A_308, %broadcast_in_dim3A_318 : vector<16xi1>, vector<16xi32>
      %ge3A_443 = arith.cmpf oge, %add3A_324, %add3A_334 : vector<16xf32>
      %select_n3A_444 = arith.select %ge3A_443, %add3A_324, %add3A_334 : vector<16xi1>, vector<16xf32>
      %select_n3A_445 = arith.select %ge3A_443, %broadcast_in_dim3A_328, %broadcast_in_dim3A_338 : vector<16xi1>, vector<16xi32>
      %ge3A_446 = arith.cmpf oge, %add3A_344, %add3A_354 : vector<16xf32>
      %select_n3A_447 = arith.select %ge3A_446, %add3A_344, %add3A_354 : vector<16xi1>, vector<16xf32>
      %select_n3A_448 = arith.select %ge3A_446, %broadcast_in_dim3A_348, %broadcast_in_dim3A_358 : vector<16xi1>, vector<16xi32>
      %ge3A_449 = arith.cmpf oge, %add3A_364, %add3A_374 : vector<16xf32>
      %select_n3A_450 = arith.select %ge3A_449, %add3A_364, %add3A_374 : vector<16xi1>, vector<16xf32>
      %select_n3A_451 = arith.select %ge3A_449, %broadcast_in_dim3A_368, %broadcast_in_dim3A_378 : vector<16xi1>, vector<16xi32>
      %ge3A_452 = arith.cmpf oge, %add3A_384, %add3A_394 : vector<16xf32>
      %select_n3A_453 = arith.select %ge3A_452, %add3A_384, %add3A_394 : vector<16xi1>, vector<16xf32>
      %select_n3A_454 = arith.select %ge3A_452, %broadcast_in_dim3A_388, %broadcast_in_dim3A_398 : vector<16xi1>, vector<16xi32>
      %ge3A_455 = arith.cmpf oge, %add3A_404, %add3A_414 : vector<16xf32>
      %select_n3A_456 = arith.select %ge3A_455, %add3A_404, %add3A_414 : vector<16xi1>, vector<16xf32>
      %select_n3A_457 = arith.select %ge3A_455, %broadcast_in_dim3A_408, %broadcast_in_dim3A_418 : vector<16xi1>, vector<16xi32>
      %ge3A_458 = arith.cmpf oge, %add3A_424, %add3A_434 : vector<16xf32>
      %select_n3A_459 = arith.select %ge3A_458, %add3A_424, %add3A_434 : vector<16xi1>, vector<16xf32>
      %select_n3A_460 = arith.select %ge3A_458, %broadcast_in_dim3A_428, %broadcast_in_dim3A_438 : vector<16xi1>, vector<16xi32>
      %ge3A_461 = arith.cmpf oge, %select_n3A, %select_n3A_441 : vector<16xf32>
      %select_n3A_462 = arith.select %ge3A_461, %select_n3A, %select_n3A_441 : vector<16xi1>, vector<16xf32>
      %select_n3A_463 = arith.select %ge3A_461, %select_n3A_439, %select_n3A_442 : vector<16xi1>, vector<16xi32>
      %ge3A_464 = arith.cmpf oge, %select_n3A_444, %select_n3A_447 : vector<16xf32>
      %select_n3A_465 = arith.select %ge3A_464, %select_n3A_444, %select_n3A_447 : vector<16xi1>, vector<16xf32>
      %select_n3A_466 = arith.select %ge3A_464, %select_n3A_445, %select_n3A_448 : vector<16xi1>, vector<16xi32>
      %ge3A_467 = arith.cmpf oge, %select_n3A_450, %select_n3A_453 : vector<16xf32>
      %select_n3A_468 = arith.select %ge3A_467, %select_n3A_450, %select_n3A_453 : vector<16xi1>, vector<16xf32>
      %select_n3A_469 = arith.select %ge3A_467, %select_n3A_451, %select_n3A_454 : vector<16xi1>, vector<16xi32>
      %ge3A_470 = arith.cmpf oge, %select_n3A_456, %select_n3A_459 : vector<16xf32>
      %select_n3A_471 = arith.select %ge3A_470, %select_n3A_456, %select_n3A_459 : vector<16xi1>, vector<16xf32>
      %select_n3A_472 = arith.select %ge3A_470, %select_n3A_457, %select_n3A_460 : vector<16xi1>, vector<16xi32>
      %ge3A_473 = arith.cmpf oge, %select_n3A_462, %select_n3A_465 : vector<16xf32>
      %select_n3A_474 = arith.select %ge3A_473, %select_n3A_462, %select_n3A_465 : vector<16xi1>, vector<16xf32>
      %select_n3A_475 = arith.select %ge3A_473, %select_n3A_463, %select_n3A_466 : vector<16xi1>, vector<16xi32>
      %ge3A_476 = arith.cmpf oge, %select_n3A_468, %select_n3A_471 : vector<16xf32>
      %select_n3A_477 = arith.select %ge3A_476, %select_n3A_468, %select_n3A_471 : vector<16xi1>, vector<16xf32>
      %select_n3A_478 = arith.select %ge3A_476, %select_n3A_469, %select_n3A_472 : vector<16xi1>, vector<16xi32>
      %ge3A_479 = arith.cmpf oge, %select_n3A_474, %select_n3A_477 : vector<16xf32>
      %select_n3A_480 = arith.select %ge3A_479, %select_n3A_474, %select_n3A_477 : vector<16xi1>, vector<16xf32>
      %select_n3A_481 = arith.select %ge3A_479, %select_n3A_475, %select_n3A_478 : vector<16xi1>, vector<16xi32>
      %add3A_482 = arith.constant 16384 : i32
      %add3A_483 = arith.addi %add3A_279, %add3A_482 : i32
      %get3A_484 = arith.index_cast %add3A_483 : i32 to index
      %get3A_485 = tpu.vector_load %arg6[%get3A_484] {strides = array<i32>} : memref<65536xf32, #tpu.memory_space<vmem>>, vector<16xf32>,
      %add3A_486 = vector.broadcast %squeeze3A_117 : f32 to vector<16xf32>
      %add3A_487 = arith.addf %get3A_485, %add3A_486 : vector<16xf32>
      %swap3A_488 = arith.index_cast %add3A_483 : i32 to index
      %swap3A_489 = tpu.vector_load %arg6[%swap3A_488] {strides = array<i32>} : memref<65536xf32, #tpu.memory_space<vmem>>, vector<16xf32>,
      tpu.vector_store %arg6[%swap3A_488], %add3A_487 {strides = array<i32>} : memref<65536xf32, #tpu.memory_space<vmem>>, vector<16xf32>,
      %broadcast_in_dim3A_490 = arith.constant 16 : i32
      %broadcast_in_dim3A_491 = vector.broadcast %broadcast_in_dim3A_490 : i32 to vector<16xi32>
      %add3A_492 = arith.constant 16512 : i32
      %add3A_493 = arith.addi %add3A_279, %add3A_492 : i32
      %get3A_494 = arith.index_cast %add3A_493 : i32 to index
      %get3A_495 = tpu.vector_load %arg6[%get3A_494] {strides = array<i32>} : memref<65536xf32, #tpu.memory_space<vmem>>, vector<16xf32>,
      %add3A_496 = vector.broadcast %squeeze3A_119 : f32 to vector<16xf32>
      %add3A_497 = arith.addf %get3A_495, %add3A_496 : vector<16xf32>
      %swap3A_498 = arith.index_cast %add3A_493 : i32 to index
      %swap3A_499 = tpu.vector_load %arg6[%swap3A_498] {strides = array<i32>} : memref<65536xf32, #tpu.memory_space<vmem>>, vector<16xf32>,
      tpu.vector_store %arg6[%swap3A_498], %add3A_497 {strides = array<i32>} : memref<65536xf32, #tpu.memory_space<vmem>>, vector<16xf32>,
      %broadcast_in_dim3A_500 = arith.constant 17 : i32
      %broadcast_in_dim3A_501 = vector.broadcast %broadcast_in_dim3A_500 : i32 to vector<16xi32>
      %add3A_502 = arith.constant 16640 : i32
      %add3A_503 = arith.addi %add3A_279, %add3A_502 : i32
      %get3A_504 = arith.index_cast %add3A_503 : i32 to index
      %get3A_505 = tpu.vector_load %arg6[%get3A_504] {strides = array<i32>} : memref<65536xf32, #tpu.memory_space<vmem>>, vector<16xf32>,
      %add3A_506 = vector.broadcast %squeeze3A_121 : f32 to vector<16xf32>
      %add3A_507 = arith.addf %get3A_505, %add3A_506 : vector<16xf32>
      %swap3A_508 = arith.index_cast %add3A_503 : i32 to index
      %swap3A_509 = tpu.vector_load %arg6[%swap3A_508] {strides = array<i32>} : memref<65536xf32, #tpu.memory_space<vmem>>, vector<16xf32>,
      tpu.vector_store %arg6[%swap3A_508], %add3A_507 {strides = array<i32>} : memref<65536xf32, #tpu.memory_space<vmem>>, vector<16xf32>,
      %broadcast_in_dim3A_510 = arith.constant 18 : i32
      %broadcast_in_dim3A_511 = vector.broadcast %broadcast_in_dim3A_510 : i32 to vector<16xi32>
      %add3A_512 = arith.constant 16768 : i32
      %add3A_513 = arith.addi %add3A_279, %add3A_512 : i32
      %get3A_514 = arith.index_cast %add3A_513 : i32 to index
      %get3A_515 = tpu.vector_load %arg6[%get3A_514] {strides = array<i32>} : memref<65536xf32, #tpu.memory_space<vmem>>, vector<16xf32>,
      %add3A_516 = vector.broadcast %squeeze3A_123 : f32 to vector<16xf32>
      %add3A_517 = arith.addf %get3A_515, %add3A_516 : vector<16xf32>
      %swap3A_518 = arith.index_cast %add3A_513 : i32 to index
      %swap3A_519 = tpu.vector_load %arg6[%swap3A_518] {strides = array<i32>} : memref<65536xf32, #tpu.memory_space<vmem>>, vector<16xf32>,
      tpu.vector_store %arg6[%swap3A_518], %add3A_517 {strides = array<i32>} : memref<65536xf32, #tpu.memory_space<vmem>>, vector<16xf32>,
      %broadcast_in_dim3A_520 = arith.constant 19 : i32
      %broadcast_in_dim3A_521 = vector.broadcast %broadcast_in_dim3A_520 : i32 to vector<16xi32>
      %add3A_522 = arith.constant 16896 : i32
      %add3A_523 = arith.addi %add3A_279, %add3A_522 : i32
      %get3A_524 = arith.index_cast %add3A_523 : i32 to index
      %get3A_525 = tpu.vector_load %arg6[%get3A_524] {strides = array<i32>} : memref<65536xf32, #tpu.memory_space<vmem>>, vector<16xf32>,
      %add3A_526 = vector.broadcast %squeeze3A_125 : f32 to vector<16xf32>
      %add3A_527 = arith.addf %get3A_525, %add3A_526 : vector<16xf32>
      %swap3A_528 = arith.index_cast %add3A_523 : i32 to index
      %swap3A_529 = tpu.vector_load %arg6[%swap3A_528] {strides = array<i32>} : memref<65536xf32, #tpu.memory_space<vmem>>, vector<16xf32>,
      tpu.vector_store %arg6[%swap3A_528], %add3A_527 {strides = array<i32>} : memref<65536xf32, #tpu.memory_space<vmem>>, vector<16xf32>,
      %broadcast_in_dim3A_530 = arith.constant 20 : i32
      %broadcast_in_dim3A_531 = vector.broadcast %broadcast_in_dim3A_530 : i32 to vector<16xi32>
      %add3A_532 = arith.constant 17024 : i32
      %add3A_533 = arith.addi %add3A_279, %add3A_532 : i32
      %get3A_534 = arith.index_cast %add3A_533 : i32 to index
      %get3A_535 = tpu.vector_load %arg6[%get3A_534] {strides = array<i32>} : memref<65536xf32, #tpu.memory_space<vmem>>, vector<16xf32>,
      %add3A_536 = vector.broadcast %squeeze3A_127 : f32 to vector<16xf32>
      %add3A_537 = arith.addf %get3A_535, %add3A_536 : vector<16xf32>
      %swap3A_538 = arith.index_cast %add3A_533 : i32 to index
      %swap3A_539 = tpu.vector_load %arg6[%swap3A_538] {strides = array<i32>} : memref<65536xf32, #tpu.memory_space<vmem>>, vector<16xf32>,
      tpu.vector_store %arg6[%swap3A_538], %add3A_537 {strides = array<i32>} : memref<65536xf32, #tpu.memory_space<vmem>>, vector<16xf32>,
      %broadcast_in_dim3A_540 = arith.constant 21 : i32
      %broadcast_in_dim3A_541 = vector.broadcast %broadcast_in_dim3A_540 : i32 to vector<16xi32>
      %add3A_542 = arith.constant 17152 : i32
      %add3A_543 = arith.addi %add3A_279, %add3A_542 : i32
      %get3A_544 = arith.index_cast %add3A_543 : i32 to index
      %get3A_545 = tpu.vector_load %arg6[%get3A_544] {strides = array<i32>} : memref<65536xf32, #tpu.memory_space<vmem>>, vector<16xf32>,
      %add3A_546 = vector.broadcast %squeeze3A_129 : f32 to vector<16xf32>
      %add3A_547 = arith.addf %get3A_545, %add3A_546 : vector<16xf32>
      %swap3A_548 = arith.index_cast %add3A_543 : i32 to index
      %swap3A_549 = tpu.vector_load %arg6[%swap3A_548] {strides = array<i32>} : memref<65536xf32, #tpu.memory_space<vmem>>, vector<16xf32>,
      tpu.vector_store %arg6[%swap3A_548], %add3A_547 {strides = array<i32>} : memref<65536xf32, #tpu.memory_space<vmem>>, vector<16xf32>,
      %broadcast_in_dim3A_550 = arith.constant 22 : i32
      %broadcast_in_dim3A_551 = vector.broadcast %broadcast_in_dim3A_550 : i32 to vector<16xi32>
      %add3A_552 = arith.constant 17280 : i32
      %add3A_553 = arith.addi %add3A_279, %add3A_552 : i32
      %get3A_554 = arith.index_cast %add3A_553 : i32 to index
      %get3A_555 = tpu.vector_load %arg6[%get3A_554] {strides = array<i32>} : memref<65536xf32, #tpu.memory_space<vmem>>, vector<16xf32>,
      %add3A_556 = vector.broadcast %squeeze3A_131 : f32 to vector<16xf32>
      %add3A_557 = arith.addf %get3A_555, %add3A_556 : vector<16xf32>
      %swap3A_558 = arith.index_cast %add3A_553 : i32 to index
      %swap3A_559 = tpu.vector_load %arg6[%swap3A_558] {strides = array<i32>} : memref<65536xf32, #tpu.memory_space<vmem>>, vector<16xf32>,
      tpu.vector_store %arg6[%swap3A_558], %add3A_557 {strides = array<i32>} : memref<65536xf32, #tpu.memory_space<vmem>>, vector<16xf32>,
      %broadcast_in_dim3A_560 = arith.constant 23 : i32
      %broadcast_in_dim3A_561 = vector.broadcast %broadcast_in_dim3A_560 : i32 to vector<16xi32>
      %add3A_562 = arith.constant 24576 : i32
      %add3A_563 = arith.addi %add3A_279, %add3A_562 : i32
      %get3A_564 = arith.index_cast %add3A_563 : i32 to index
      %get3A_565 = tpu.vector_load %arg6[%get3A_564] {strides = array<i32>} : memref<65536xf32, #tpu.memory_space<vmem>>, vector<16xf32>,
      %add3A_566 = vector.broadcast %squeeze3A_133 : f32 to vector<16xf32>
      %add3A_567 = arith.addf %get3A_565, %add3A_566 : vector<16xf32>
      %swap3A_568 = arith.index_cast %add3A_563 : i32 to index
      %swap3A_569 = tpu.vector_load %arg6[%swap3A_568] {strides = array<i32>} : memref<65536xf32, #tpu.memory_space<vmem>>, vector<16xf32>,
      tpu.vector_store %arg6[%swap3A_568], %add3A_567 {strides = array<i32>} : memref<65536xf32, #tpu.memory_space<vmem>>, vector<16xf32>,
      %broadcast_in_dim3A_570 = arith.constant 24 : i32
      %broadcast_in_dim3A_571 = vector.broadcast %broadcast_in_dim3A_570 : i32 to vector<16xi32>
      %add3A_572 = arith.constant 24704 : i32
      %add3A_573 = arith.addi %add3A_279, %add3A_572 : i32
      %get3A_574 = arith.index_cast %add3A_573 : i32 to index
      %get3A_575 = tpu.vector_load %arg6[%get3A_574] {strides = array<i32>} : memref<65536xf32, #tpu.memory_space<vmem>>, vector<16xf32>,
      %add3A_576 = vector.broadcast %squeeze3A_135 : f32 to vector<16xf32>
      %add3A_577 = arith.addf %get3A_575, %add3A_576 : vector<16xf32>
      %swap3A_578 = arith.index_cast %add3A_573 : i32 to index
      %swap3A_579 = tpu.vector_load %arg6[%swap3A_578] {strides = array<i32>} : memref<65536xf32, #tpu.memory_space<vmem>>, vector<16xf32>,
      tpu.vector_store %arg6[%swap3A_578], %add3A_577 {strides = array<i32>} : memref<65536xf32, #tpu.memory_space<vmem>>, vector<16xf32>,
      %broadcast_in_dim3A_580 = arith.constant 25 : i32
      %broadcast_in_dim3A_581 = vector.broadcast %broadcast_in_dim3A_580 : i32 to vector<16xi32>
      %add3A_582 = arith.constant 24832 : i32
      %add3A_583 = arith.addi %add3A_279, %add3A_582 : i32
      %get3A_584 = arith.index_cast %add3A_583 : i32 to index
      %get3A_585 = tpu.vector_load %arg6[%get3A_584] {strides = array<i32>} : memref<65536xf32, #tpu.memory_space<vmem>>, vector<16xf32>,
      %add3A_586 = vector.broadcast %squeeze3A_137 : f32 to vector<16xf32>
      %add3A_587 = arith.addf %get3A_585, %add3A_586 : vector<16xf32>
      %swap3A_588 = arith.index_cast %add3A_583 : i32 to index
      %swap3A_589 = tpu.vector_load %arg6[%swap3A_588] {strides = array<i32>} : memref<65536xf32, #tpu.memory_space<vmem>>, vector<16xf32>,
      tpu.vector_store %arg6[%swap3A_588], %add3A_587 {strides = array<i32>} : memref<65536xf32, #tpu.memory_space<vmem>>, vector<16xf32>,
      %broadcast_in_dim3A_590 = arith.constant 26 : i32
      %broadcast_in_dim3A_591 = vector.broadcast %broadcast_in_dim3A_590 : i32 to vector<16xi32>
      %add3A_592 = arith.constant 24960 : i32
      %add3A_593 = arith.addi %add3A_279, %add3A_592 : i32
      %get3A_594 = arith.index_cast %add3A_593 : i32 to index
      %get3A_595 = tpu.vector_load %arg6[%get3A_594] {strides = array<i32>} : memref<65536xf32, #tpu.memory_space<vmem>>, vector<16xf32>,
      %add3A_596 = vector.broadcast %squeeze3A_139 : f32 to vector<16xf32>
      %add3A_597 = arith.addf %get3A_595, %add3A_596 : vector<16xf32>
      %swap3A_598 = arith.index_cast %add3A_593 : i32 to index
      %swap3A_599 = tpu.vector_load %arg6[%swap3A_598] {strides = array<i32>} : memref<65536xf32, #tpu.memory_space<vmem>>, vector<16xf32>,
      tpu.vector_store %arg6[%swap3A_598], %add3A_597 {strides = array<i32>} : memref<65536xf32, #tpu.memory_space<vmem>>, vector<16xf32>,
      %broadcast_in_dim3A_600 = arith.constant 27 : i32
      %broadcast_in_dim3A_601 = vector.broadcast %broadcast_in_dim3A_600 : i32 to vector<16xi32>
      %add3A_602 = arith.constant 25088 : i32
      %add3A_603 = arith.addi %add3A_279, %add3A_602 : i32
      %get3A_604 = arith.index_cast %add3A_603 : i32 to index
      %get3A_605 = tpu.vector_load %arg6[%get3A_604] {strides = array<i32>} : memref<65536xf32, #tpu.memory_space<vmem>>, vector<16xf32>,
      %add3A_606 = vector.broadcast %squeeze3A_141 : f32 to vector<16xf32>
      %add3A_607 = arith.addf %get3A_605, %add3A_606 : vector<16xf32>
      %swap3A_608 = arith.index_cast %add3A_603 : i32 to index
      %swap3A_609 = tpu.vector_load %arg6[%swap3A_608] {strides = array<i32>} : memref<65536xf32, #tpu.memory_space<vmem>>, vector<16xf32>,
      tpu.vector_store %arg6[%swap3A_608], %add3A_607 {strides = array<i32>} : memref<65536xf32, #tpu.memory_space<vmem>>, vector<16xf32>,
      %broadcast_in_dim3A_610 = arith.constant 28 : i32
      %broadcast_in_dim3A_611 = vector.broadcast %broadcast_in_dim3A_610 : i32 to vector<16xi32>
      %add3A_612 = arith.constant 25216 : i32
      %add3A_613 = arith.addi %add3A_279, %add3A_612 : i32
      %get3A_614 = arith.index_cast %add3A_613 : i32 to index
      %get3A_615 = tpu.vector_load %arg6[%get3A_614] {strides = array<i32>} : memref<65536xf32, #tpu.memory_space<vmem>>, vector<16xf32>,
      %add3A_616 = vector.broadcast %squeeze3A_143 : f32 to vector<16xf32>
      %add3A_617 = arith.addf %get3A_615, %add3A_616 : vector<16xf32>
      %swap3A_618 = arith.index_cast %add3A_613 : i32 to index
      %swap3A_619 = tpu.vector_load %arg6[%swap3A_618] {strides = array<i32>} : memref<65536xf32, #tpu.memory_space<vmem>>, vector<16xf32>,
      tpu.vector_store %arg6[%swap3A_618], %add3A_617 {strides = array<i32>} : memref<65536xf32, #tpu.memory_space<vmem>>, vector<16xf32>,
      %broadcast_in_dim3A_620 = arith.constant 29 : i32
      %broadcast_in_dim3A_621 = vector.broadcast %broadcast_in_dim3A_620 : i32 to vector<16xi32>
      %add3A_622 = arith.constant 25344 : i32
      %add3A_623 = arith.addi %add3A_279, %add3A_622 : i32
      %get3A_624 = arith.index_cast %add3A_623 : i32 to index
      %get3A_625 = tpu.vector_load %arg6[%get3A_624] {strides = array<i32>} : memref<65536xf32, #tpu.memory_space<vmem>>, vector<16xf32>,
      %add3A_626 = vector.broadcast %squeeze3A_145 : f32 to vector<16xf32>
      %add3A_627 = arith.addf %get3A_625, %add3A_626 : vector<16xf32>
      %swap3A_628 = arith.index_cast %add3A_623 : i32 to index
      %swap3A_629 = tpu.vector_load %arg6[%swap3A_628] {strides = array<i32>} : memref<65536xf32, #tpu.memory_space<vmem>>, vector<16xf32>,
      tpu.vector_store %arg6[%swap3A_628], %add3A_627 {strides = array<i32>} : memref<65536xf32, #tpu.memory_space<vmem>>, vector<16xf32>,
      %broadcast_in_dim3A_630 = arith.constant 30 : i32
      %broadcast_in_dim3A_631 = vector.broadcast %broadcast_in_dim3A_630 : i32 to vector<16xi32>
      %add3A_632 = arith.constant 25472 : i32
      %add3A_633 = arith.addi %add3A_279, %add3A_632 : i32
      %get3A_634 = arith.index_cast %add3A_633 : i32 to index
      %get3A_635 = tpu.vector_load %arg6[%get3A_634] {strides = array<i32>} : memref<65536xf32, #tpu.memory_space<vmem>>, vector<16xf32>,
      %add3A_636 = vector.broadcast %squeeze3A_147 : f32 to vector<16xf32>
      %add3A_637 = arith.addf %get3A_635, %add3A_636 : vector<16xf32>
      %swap3A_638 = arith.index_cast %add3A_633 : i32 to index
      %swap3A_639 = tpu.vector_load %arg6[%swap3A_638] {strides = array<i32>} : memref<65536xf32, #tpu.memory_space<vmem>>, vector<16xf32>,
      tpu.vector_store %arg6[%swap3A_638], %add3A_637 {strides = array<i32>} : memref<65536xf32, #tpu.memory_space<vmem>>, vector<16xf32>,
      %broadcast_in_dim3A_640 = arith.constant 31 : i32
      %broadcast_in_dim3A_641 = vector.broadcast %broadcast_in_dim3A_640 : i32 to vector<16xi32>
      %ge3A_642 = arith.cmpf oge, %add3A_487, %add3A_497 : vector<16xf32>
      %select_n3A_643 = arith.select %ge3A_642, %add3A_487, %add3A_497 : vector<16xi1>, vector<16xf32>
      %select_n3A_644 = arith.select %ge3A_642, %broadcast_in_dim3A_491, %broadcast_in_dim3A_501 : vector<16xi1>, vector<16xi32>
      %ge3A_645 = arith.cmpf oge, %add3A_507, %add3A_517 : vector<16xf32>
      %select_n3A_646 = arith.select %ge3A_645, %add3A_507, %add3A_517 : vector<16xi1>, vector<16xf32>
      %select_n3A_647 = arith.select %ge3A_645, %broadcast_in_dim3A_511, %broadcast_in_dim3A_521 : vector<16xi1>, vector<16xi32>
      %ge3A_648 = arith.cmpf oge, %add3A_527, %add3A_537 : vector<16xf32>
      %select_n3A_649 = arith.select %ge3A_648, %add3A_527, %add3A_537 : vector<16xi1>, vector<16xf32>
      %select_n3A_650 = arith.select %ge3A_648, %broadcast_in_dim3A_531, %broadcast_in_dim3A_541 : vector<16xi1>, vector<16xi32>
      %ge3A_651 = arith.cmpf oge, %add3A_547, %add3A_557 : vector<16xf32>
      %select_n3A_652 = arith.select %ge3A_651, %add3A_547, %add3A_557 : vector<16xi1>, vector<16xf32>
      %select_n3A_653 = arith.select %ge3A_651, %broadcast_in_dim3A_551, %broadcast_in_dim3A_561 : vector<16xi1>, vector<16xi32>
      %ge3A_654 = arith.cmpf oge, %add3A_567, %add3A_577 : vector<16xf32>
      %select_n3A_655 = arith.select %ge3A_654, %add3A_567, %add3A_577 : vector<16xi1>, vector<16xf32>
      %select_n3A_656 = arith.select %ge3A_654, %broadcast_in_dim3A_571, %broadcast_in_dim3A_581 : vector<16xi1>, vector<16xi32>
      %ge3A_657 = arith.cmpf oge, %add3A_587, %add3A_597 : vector<16xf32>
      %select_n3A_658 = arith.select %ge3A_657, %add3A_587, %add3A_597 : vector<16xi1>, vector<16xf32>
      %select_n3A_659 = arith.select %ge3A_657, %broadcast_in_dim3A_591, %broadcast_in_dim3A_601 : vector<16xi1>, vector<16xi32>
      %ge3A_660 = arith.cmpf oge, %add3A_607, %add3A_617 : vector<16xf32>
      %select_n3A_661 = arith.select %ge3A_660, %add3A_607, %add3A_617 : vector<16xi1>, vector<16xf32>
      %select_n3A_662 = arith.select %ge3A_660, %broadcast_in_dim3A_611, %broadcast_in_dim3A_621 : vector<16xi1>, vector<16xi32>
      %ge3A_663 = arith.cmpf oge, %add3A_627, %add3A_637 : vector<16xf32>
      %select_n3A_664 = arith.select %ge3A_663, %add3A_627, %add3A_637 : vector<16xi1>, vector<16xf32>
      %select_n3A_665 = arith.select %ge3A_663, %broadcast_in_dim3A_631, %broadcast_in_dim3A_641 : vector<16xi1>, vector<16xi32>
      %ge3A_666 = arith.cmpf oge, %select_n3A_643, %select_n3A_646 : vector<16xf32>
      %select_n3A_667 = arith.select %ge3A_666, %select_n3A_643, %select_n3A_646 : vector<16xi1>, vector<16xf32>
      %select_n3A_668 = arith.select %ge3A_666, %select_n3A_644, %select_n3A_647 : vector<16xi1>, vector<16xi32>
      %ge3A_669 = arith.cmpf oge, %select_n3A_649, %select_n3A_652 : vector<16xf32>
      %select_n3A_670 = arith.select %ge3A_669, %select_n3A_649, %select_n3A_652 : vector<16xi1>, vector<16xf32>
      %select_n3A_671 = arith.select %ge3A_669, %select_n3A_650, %select_n3A_653 : vector<16xi1>, vector<16xi32>
      %ge3A_672 = arith.cmpf oge, %select_n3A_655, %select_n3A_658 : vector<16xf32>
      %select_n3A_673 = arith.select %ge3A_672, %select_n3A_655, %select_n3A_658 : vector<16xi1>, vector<16xf32>
      %select_n3A_674 = arith.select %ge3A_672, %select_n3A_656, %select_n3A_659 : vector<16xi1>, vector<16xi32>
      %ge3A_675 = arith.cmpf oge, %select_n3A_661, %select_n3A_664 : vector<16xf32>
      %select_n3A_676 = arith.select %ge3A_675, %select_n3A_661, %select_n3A_664 : vector<16xi1>, vector<16xf32>
      %select_n3A_677 = arith.select %ge3A_675, %select_n3A_662, %select_n3A_665 : vector<16xi1>, vector<16xi32>
      %ge3A_678 = arith.cmpf oge, %select_n3A_667, %select_n3A_670 : vector<16xf32>
      %select_n3A_679 = arith.select %ge3A_678, %select_n3A_667, %select_n3A_670 : vector<16xi1>, vector<16xf32>
      %select_n3A_680 = arith.select %ge3A_678, %select_n3A_668, %select_n3A_671 : vector<16xi1>, vector<16xi32>
      %ge3A_681 = arith.cmpf oge, %select_n3A_673, %select_n3A_676 : vector<16xf32>
      %select_n3A_682 = arith.select %ge3A_681, %select_n3A_673, %select_n3A_676 : vector<16xi1>, vector<16xf32>
      %select_n3A_683 = arith.select %ge3A_681, %select_n3A_674, %select_n3A_677 : vector<16xi1>, vector<16xi32>
      %ge3A_684 = arith.cmpf oge, %select_n3A_679, %select_n3A_682 : vector<16xf32>
      %select_n3A_685 = arith.select %ge3A_684, %select_n3A_679, %select_n3A_682 : vector<16xi1>, vector<16xf32>
      %select_n3A_686 = arith.select %ge3A_684, %select_n3A_680, %select_n3A_683 : vector<16xi1>, vector<16xi32>
      %add3A_687 = arith.constant 32768 : i32
      %add3A_688 = arith.addi %add3A_279, %add3A_687 : i32
      %get3A_689 = arith.index_cast %add3A_688 : i32 to index
      %get3A_690 = tpu.vector_load %arg6[%get3A_689] {strides = array<i32>} : memref<65536xf32, #tpu.memory_space<vmem>>, vector<16xf32>,
      %add3A_691 = vector.broadcast %squeeze3A_151 : f32 to vector<16xf32>
      %add3A_692 = arith.addf %get3A_690, %add3A_691 : vector<16xf32>
      %swap3A_693 = arith.index_cast %add3A_688 : i32 to index
      %swap3A_694 = tpu.vector_load %arg6[%swap3A_693] {strides = array<i32>} : memref<65536xf32, #tpu.memory_space<vmem>>, vector<16xf32>,
      tpu.vector_store %arg6[%swap3A_693], %add3A_692 {strides = array<i32>} : memref<65536xf32, #tpu.memory_space<vmem>>, vector<16xf32>,
      %broadcast_in_dim3A_695 = arith.constant 32 : i32
      %broadcast_in_dim3A_696 = vector.broadcast %broadcast_in_dim3A_695 : i32 to vector<16xi32>
      %add3A_697 = arith.constant 32896 : i32
      %add3A_698 = arith.addi %add3A_279, %add3A_697 : i32
      %get3A_699 = arith.index_cast %add3A_698 : i32 to index
      %get3A_700 = tpu.vector_load %arg6[%get3A_699] {strides = array<i32>} : memref<65536xf32, #tpu.memory_space<vmem>>, vector<16xf32>,
      %add3A_701 = vector.broadcast %squeeze3A_153 : f32 to vector<16xf32>
      %add3A_702 = arith.addf %get3A_700, %add3A_701 : vector<16xf32>
      %swap3A_703 = arith.index_cast %add3A_698 : i32 to index
      %swap3A_704 = tpu.vector_load %arg6[%swap3A_703] {strides = array<i32>} : memref<65536xf32, #tpu.memory_space<vmem>>, vector<16xf32>,
      tpu.vector_store %arg6[%swap3A_703], %add3A_702 {strides = array<i32>} : memref<65536xf32, #tpu.memory_space<vmem>>, vector<16xf32>,
      %broadcast_in_dim3A_705 = arith.constant 33 : i32
      %broadcast_in_dim3A_706 = vector.broadcast %broadcast_in_dim3A_705 : i32 to vector<16xi32>
      %add3A_707 = arith.constant 33024 : i32
      %add3A_708 = arith.addi %add3A_279, %add3A_707 : i32
      %get3A_709 = arith.index_cast %add3A_708 : i32 to index
      %get3A_710 = tpu.vector_load %arg6[%get3A_709] {strides = array<i32>} : memref<65536xf32, #tpu.memory_space<vmem>>, vector<16xf32>,
      %add3A_711 = vector.broadcast %squeeze3A_155 : f32 to vector<16xf32>
      %add3A_712 = arith.addf %get3A_710, %add3A_711 : vector<16xf32>
      %swap3A_713 = arith.index_cast %add3A_708 : i32 to index
      %swap3A_714 = tpu.vector_load %arg6[%swap3A_713] {strides = array<i32>} : memref<65536xf32, #tpu.memory_space<vmem>>, vector<16xf32>,
      tpu.vector_store %arg6[%swap3A_713], %add3A_712 {strides = array<i32>} : memref<65536xf32, #tpu.memory_space<vmem>>, vector<16xf32>,
      %broadcast_in_dim3A_715 = arith.constant 34 : i32
      %broadcast_in_dim3A_716 = vector.broadcast %broadcast_in_dim3A_715 : i32 to vector<16xi32>
      %add3A_717 = arith.constant 33152 : i32
      %add3A_718 = arith.addi %add3A_279, %add3A_717 : i32
      %get3A_719 = arith.index_cast %add3A_718 : i32 to index
      %get3A_720 = tpu.vector_load %arg6[%get3A_719] {strides = array<i32>} : memref<65536xf32, #tpu.memory_space<vmem>>, vector<16xf32>,
      %add3A_721 = vector.broadcast %squeeze3A_157 : f32 to vector<16xf32>
      %add3A_722 = arith.addf %get3A_720, %add3A_721 : vector<16xf32>
      %swap3A_723 = arith.index_cast %add3A_718 : i32 to index
      %swap3A_724 = tpu.vector_load %arg6[%swap3A_723] {strides = array<i32>} : memref<65536xf32, #tpu.memory_space<vmem>>, vector<16xf32>,
      tpu.vector_store %arg6[%swap3A_723], %add3A_722 {strides = array<i32>} : memref<65536xf32, #tpu.memory_space<vmem>>, vector<16xf32>,
      %broadcast_in_dim3A_725 = arith.constant 35 : i32
      %broadcast_in_dim3A_726 = vector.broadcast %broadcast_in_dim3A_725 : i32 to vector<16xi32>
      %add3A_727 = arith.constant 33280 : i32
      %add3A_728 = arith.addi %add3A_279, %add3A_727 : i32
      %get3A_729 = arith.index_cast %add3A_728 : i32 to index
      %get3A_730 = tpu.vector_load %arg6[%get3A_729] {strides = array<i32>} : memref<65536xf32, #tpu.memory_space<vmem>>, vector<16xf32>,
      %add3A_731 = vector.broadcast %squeeze3A_159 : f32 to vector<16xf32>
      %add3A_732 = arith.addf %get3A_730, %add3A_731 : vector<16xf32>
      %swap3A_733 = arith.index_cast %add3A_728 : i32 to index
      %swap3A_734 = tpu.vector_load %arg6[%swap3A_733] {strides = array<i32>} : memref<65536xf32, #tpu.memory_space<vmem>>, vector<16xf32>,
      tpu.vector_store %arg6[%swap3A_733], %add3A_732 {strides = array<i32>} : memref<65536xf32, #tpu.memory_space<vmem>>, vector<16xf32>,
      %broadcast_in_dim3A_735 = arith.constant 36 : i32
      %broadcast_in_dim3A_736 = vector.broadcast %broadcast_in_dim3A_735 : i32 to vector<16xi32>
      %add3A_737 = arith.constant 33408 : i32
      %add3A_738 = arith.addi %add3A_279, %add3A_737 : i32
      %get3A_739 = arith.index_cast %add3A_738 : i32 to index
      %get3A_740 = tpu.vector_load %arg6[%get3A_739] {strides = array<i32>} : memref<65536xf32, #tpu.memory_space<vmem>>, vector<16xf32>,
      %add3A_741 = vector.broadcast %squeeze3A_161 : f32 to vector<16xf32>
      %add3A_742 = arith.addf %get3A_740, %add3A_741 : vector<16xf32>
      %swap3A_743 = arith.index_cast %add3A_738 : i32 to index
      %swap3A_744 = tpu.vector_load %arg6[%swap3A_743] {strides = array<i32>} : memref<65536xf32, #tpu.memory_space<vmem>>, vector<16xf32>,
      tpu.vector_store %arg6[%swap3A_743], %add3A_742 {strides = array<i32>} : memref<65536xf32, #tpu.memory_space<vmem>>, vector<16xf32>,
      %broadcast_in_dim3A_745 = arith.constant 37 : i32
      %broadcast_in_dim3A_746 = vector.broadcast %broadcast_in_dim3A_745 : i32 to vector<16xi32>
      %add3A_747 = arith.constant 33536 : i32
      %add3A_748 = arith.addi %add3A_279, %add3A_747 : i32
      %get3A_749 = arith.index_cast %add3A_748 : i32 to index
      %get3A_750 = tpu.vector_load %arg6[%get3A_749] {strides = array<i32>} : memref<65536xf32, #tpu.memory_space<vmem>>, vector<16xf32>,
      %add3A_751 = vector.broadcast %squeeze3A_163 : f32 to vector<16xf32>
      %add3A_752 = arith.addf %get3A_750, %add3A_751 : vector<16xf32>
      %swap3A_753 = arith.index_cast %add3A_748 : i32 to index
      %swap3A_754 = tpu.vector_load %arg6[%swap3A_753] {strides = array<i32>} : memref<65536xf32, #tpu.memory_space<vmem>>, vector<16xf32>,
      tpu.vector_store %arg6[%swap3A_753], %add3A_752 {strides = array<i32>} : memref<65536xf32, #tpu.memory_space<vmem>>, vector<16xf32>,
      %broadcast_in_dim3A_755 = arith.constant 38 : i32
      %broadcast_in_dim3A_756 = vector.broadcast %broadcast_in_dim3A_755 : i32 to vector<16xi32>
      %add3A_757 = arith.constant 33664 : i32
      %add3A_758 = arith.addi %add3A_279, %add3A_757 : i32
      %get3A_759 = arith.index_cast %add3A_758 : i32 to index
      %get3A_760 = tpu.vector_load %arg6[%get3A_759] {strides = array<i32>} : memref<65536xf32, #tpu.memory_space<vmem>>, vector<16xf32>,
      %add3A_761 = vector.broadcast %squeeze3A_165 : f32 to vector<16xf32>
      %add3A_762 = arith.addf %get3A_760, %add3A_761 : vector<16xf32>
      %swap3A_763 = arith.index_cast %add3A_758 : i32 to index
      %swap3A_764 = tpu.vector_load %arg6[%swap3A_763] {strides = array<i32>} : memref<65536xf32, #tpu.memory_space<vmem>>, vector<16xf32>,
      tpu.vector_store %arg6[%swap3A_763], %add3A_762 {strides = array<i32>} : memref<65536xf32, #tpu.memory_space<vmem>>, vector<16xf32>,
      %broadcast_in_dim3A_765 = arith.constant 39 : i32
      %broadcast_in_dim3A_766 = vector.broadcast %broadcast_in_dim3A_765 : i32 to vector<16xi32>
      %add3A_767 = arith.constant 40960 : i32
      %add3A_768 = arith.addi %add3A_279, %add3A_767 : i32
      %get3A_769 = arith.index_cast %add3A_768 : i32 to index
      %get3A_770 = tpu.vector_load %arg6[%get3A_769] {strides = array<i32>} : memref<65536xf32, #tpu.memory_space<vmem>>, vector<16xf32>,
      %add3A_771 = vector.broadcast %squeeze3A_167 : f32 to vector<16xf32>
      %add3A_772 = arith.addf %get3A_770, %add3A_771 : vector<16xf32>
      %swap3A_773 = arith.index_cast %add3A_768 : i32 to index
      %swap3A_774 = tpu.vector_load %arg6[%swap3A_773] {strides = array<i32>} : memref<65536xf32, #tpu.memory_space<vmem>>, vector<16xf32>,
      tpu.vector_store %arg6[%swap3A_773], %add3A_772 {strides = array<i32>} : memref<65536xf32, #tpu.memory_space<vmem>>, vector<16xf32>,
      %broadcast_in_dim3A_775 = arith.constant 40 : i32
      %broadcast_in_dim3A_776 = vector.broadcast %broadcast_in_dim3A_775 : i32 to vector<16xi32>
      %add3A_777 = arith.constant 41088 : i32
      %add3A_778 = arith.addi %add3A_279, %add3A_777 : i32
      %get3A_779 = arith.index_cast %add3A_778 : i32 to index
      %get3A_780 = tpu.vector_load %arg6[%get3A_779] {strides = array<i32>} : memref<65536xf32, #tpu.memory_space<vmem>>, vector<16xf32>,
      %add3A_781 = vector.broadcast %squeeze3A_169 : f32 to vector<16xf32>
      %add3A_782 = arith.addf %get3A_780, %add3A_781 : vector<16xf32>
      %swap3A_783 = arith.index_cast %add3A_778 : i32 to index
      %swap3A_784 = tpu.vector_load %arg6[%swap3A_783] {strides = array<i32>} : memref<65536xf32, #tpu.memory_space<vmem>>, vector<16xf32>,
      tpu.vector_store %arg6[%swap3A_783], %add3A_782 {strides = array<i32>} : memref<65536xf32, #tpu.memory_space<vmem>>, vector<16xf32>,
      %broadcast_in_dim3A_785 = arith.constant 41 : i32
      %broadcast_in_dim3A_786 = vector.broadcast %broadcast_in_dim3A_785 : i32 to vector<16xi32>
      %add3A_787 = arith.constant 41216 : i32
      %add3A_788 = arith.addi %add3A_279, %add3A_787 : i32
      %get3A_789 = arith.index_cast %add3A_788 : i32 to index
      %get3A_790 = tpu.vector_load %arg6[%get3A_789] {strides = array<i32>} : memref<65536xf32, #tpu.memory_space<vmem>>, vector<16xf32>,
      %add3A_791 = vector.broadcast %squeeze3A_171 : f32 to vector<16xf32>
      %add3A_792 = arith.addf %get3A_790, %add3A_791 : vector<16xf32>
      %swap3A_793 = arith.index_cast %add3A_788 : i32 to index
      %swap3A_794 = tpu.vector_load %arg6[%swap3A_793] {strides = array<i32>} : memref<65536xf32, #tpu.memory_space<vmem>>, vector<16xf32>,
      tpu.vector_store %arg6[%swap3A_793], %add3A_792 {strides = array<i32>} : memref<65536xf32, #tpu.memory_space<vmem>>, vector<16xf32>,
      %broadcast_in_dim3A_795 = arith.constant 42 : i32
      %broadcast_in_dim3A_796 = vector.broadcast %broadcast_in_dim3A_795 : i32 to vector<16xi32>
      %add3A_797 = arith.constant 41344 : i32
      %add3A_798 = arith.addi %add3A_279, %add3A_797 : i32
      %get3A_799 = arith.index_cast %add3A_798 : i32 to index
      %get3A_800 = tpu.vector_load %arg6[%get3A_799] {strides = array<i32>} : memref<65536xf32, #tpu.memory_space<vmem>>, vector<16xf32>,
      %add3A_801 = vector.broadcast %squeeze3A_173 : f32 to vector<16xf32>
      %add3A_802 = arith.addf %get3A_800, %add3A_801 : vector<16xf32>
      %swap3A_803 = arith.index_cast %add3A_798 : i32 to index
      %swap3A_804 = tpu.vector_load %arg6[%swap3A_803] {strides = array<i32>} : memref<65536xf32, #tpu.memory_space<vmem>>, vector<16xf32>,
      tpu.vector_store %arg6[%swap3A_803], %add3A_802 {strides = array<i32>} : memref<65536xf32, #tpu.memory_space<vmem>>, vector<16xf32>,
      %broadcast_in_dim3A_805 = arith.constant 43 : i32
      %broadcast_in_dim3A_806 = vector.broadcast %broadcast_in_dim3A_805 : i32 to vector<16xi32>
      %add3A_807 = arith.constant 41472 : i32
      %add3A_808 = arith.addi %add3A_279, %add3A_807 : i32
      %get3A_809 = arith.index_cast %add3A_808 : i32 to index
      %get3A_810 = tpu.vector_load %arg6[%get3A_809] {strides = array<i32>} : memref<65536xf32, #tpu.memory_space<vmem>>, vector<16xf32>,
      %add3A_811 = vector.broadcast %squeeze3A_175 : f32 to vector<16xf32>
      %add3A_812 = arith.addf %get3A_810, %add3A_811 : vector<16xf32>
      %swap3A_813 = arith.index_cast %add3A_808 : i32 to index
      %swap3A_814 = tpu.vector_load %arg6[%swap3A_813] {strides = array<i32>} : memref<65536xf32, #tpu.memory_space<vmem>>, vector<16xf32>,
      tpu.vector_store %arg6[%swap3A_813], %add3A_812 {strides = array<i32>} : memref<65536xf32, #tpu.memory_space<vmem>>, vector<16xf32>,
      %broadcast_in_dim3A_815 = arith.constant 44 : i32
      %broadcast_in_dim3A_816 = vector.broadcast %broadcast_in_dim3A_815 : i32 to vector<16xi32>
      %add3A_817 = arith.constant 41600 : i32
      %add3A_818 = arith.addi %add3A_279, %add3A_817 : i32
      %get3A_819 = arith.index_cast %add3A_818 : i32 to index
      %get3A_820 = tpu.vector_load %arg6[%get3A_819] {strides = array<i32>} : memref<65536xf32, #tpu.memory_space<vmem>>, vector<16xf32>,
      %add3A_821 = vector.broadcast %squeeze3A_177 : f32 to vector<16xf32>
      %add3A_822 = arith.addf %get3A_820, %add3A_821 : vector<16xf32>
      %swap3A_823 = arith.index_cast %add3A_818 : i32 to index
      %swap3A_824 = tpu.vector_load %arg6[%swap3A_823] {strides = array<i32>} : memref<65536xf32, #tpu.memory_space<vmem>>, vector<16xf32>,
      tpu.vector_store %arg6[%swap3A_823], %add3A_822 {strides = array<i32>} : memref<65536xf32, #tpu.memory_space<vmem>>, vector<16xf32>,
      %broadcast_in_dim3A_825 = arith.constant 45 : i32
      %broadcast_in_dim3A_826 = vector.broadcast %broadcast_in_dim3A_825 : i32 to vector<16xi32>
      %add3A_827 = arith.constant 41728 : i32
      %add3A_828 = arith.addi %add3A_279, %add3A_827 : i32
      %get3A_829 = arith.index_cast %add3A_828 : i32 to index
      %get3A_830 = tpu.vector_load %arg6[%get3A_829] {strides = array<i32>} : memref<65536xf32, #tpu.memory_space<vmem>>, vector<16xf32>,
      %add3A_831 = vector.broadcast %squeeze3A_179 : f32 to vector<16xf32>
      %add3A_832 = arith.addf %get3A_830, %add3A_831 : vector<16xf32>
      %swap3A_833 = arith.index_cast %add3A_828 : i32 to index
      %swap3A_834 = tpu.vector_load %arg6[%swap3A_833] {strides = array<i32>} : memref<65536xf32, #tpu.memory_space<vmem>>, vector<16xf32>,
      tpu.vector_store %arg6[%swap3A_833], %add3A_832 {strides = array<i32>} : memref<65536xf32, #tpu.memory_space<vmem>>, vector<16xf32>,
      %broadcast_in_dim3A_835 = arith.constant 46 : i32
      %broadcast_in_dim3A_836 = vector.broadcast %broadcast_in_dim3A_835 : i32 to vector<16xi32>
      %add3A_837 = arith.constant 41856 : i32
      %add3A_838 = arith.addi %add3A_279, %add3A_837 : i32
      %get3A_839 = arith.index_cast %add3A_838 : i32 to index
      %get3A_840 = tpu.vector_load %arg6[%get3A_839] {strides = array<i32>} : memref<65536xf32, #tpu.memory_space<vmem>>, vector<16xf32>,
      %add3A_841 = vector.broadcast %squeeze3A_181 : f32 to vector<16xf32>
      %add3A_842 = arith.addf %get3A_840, %add3A_841 : vector<16xf32>
      %swap3A_843 = arith.index_cast %add3A_838 : i32 to index
      %swap3A_844 = tpu.vector_load %arg6[%swap3A_843] {strides = array<i32>} : memref<65536xf32, #tpu.memory_space<vmem>>, vector<16xf32>,
      tpu.vector_store %arg6[%swap3A_843], %add3A_842 {strides = array<i32>} : memref<65536xf32, #tpu.memory_space<vmem>>, vector<16xf32>,
      %broadcast_in_dim3A_845 = arith.constant 47 : i32
      %broadcast_in_dim3A_846 = vector.broadcast %broadcast_in_dim3A_845 : i32 to vector<16xi32>
      %ge3A_847 = arith.cmpf oge, %add3A_692, %add3A_702 : vector<16xf32>
      %select_n3A_848 = arith.select %ge3A_847, %add3A_692, %add3A_702 : vector<16xi1>, vector<16xf32>
      %select_n3A_849 = arith.select %ge3A_847, %broadcast_in_dim3A_696, %broadcast_in_dim3A_706 : vector<16xi1>, vector<16xi32>
      %ge3A_850 = arith.cmpf oge, %add3A_712, %add3A_722 : vector<16xf32>
      %select_n3A_851 = arith.select %ge3A_850, %add3A_712, %add3A_722 : vector<16xi1>, vector<16xf32>
      %select_n3A_852 = arith.select %ge3A_850, %broadcast_in_dim3A_716, %broadcast_in_dim3A_726 : vector<16xi1>, vector<16xi32>
      %ge3A_853 = arith.cmpf oge, %add3A_732, %add3A_742 : vector<16xf32>
      %select_n3A_854 = arith.select %ge3A_853, %add3A_732, %add3A_742 : vector<16xi1>, vector<16xf32>
      %select_n3A_855 = arith.select %ge3A_853, %broadcast_in_dim3A_736, %broadcast_in_dim3A_746 : vector<16xi1>, vector<16xi32>
      %ge3A_856 = arith.cmpf oge, %add3A_752, %add3A_762 : vector<16xf32>
      %select_n3A_857 = arith.select %ge3A_856, %add3A_752, %add3A_762 : vector<16xi1>, vector<16xf32>
      %select_n3A_858 = arith.select %ge3A_856, %broadcast_in_dim3A_756, %broadcast_in_dim3A_766 : vector<16xi1>, vector<16xi32>
      %ge3A_859 = arith.cmpf oge, %add3A_772, %add3A_782 : vector<16xf32>
      %select_n3A_860 = arith.select %ge3A_859, %add3A_772, %add3A_782 : vector<16xi1>, vector<16xf32>
      %select_n3A_861 = arith.select %ge3A_859, %broadcast_in_dim3A_776, %broadcast_in_dim3A_786 : vector<16xi1>, vector<16xi32>
      %ge3A_862 = arith.cmpf oge, %add3A_792, %add3A_802 : vector<16xf32>
      %select_n3A_863 = arith.select %ge3A_862, %add3A_792, %add3A_802 : vector<16xi1>, vector<16xf32>
      %select_n3A_864 = arith.select %ge3A_862, %broadcast_in_dim3A_796, %broadcast_in_dim3A_806 : vector<16xi1>, vector<16xi32>
      %ge3A_865 = arith.cmpf oge, %add3A_812, %add3A_822 : vector<16xf32>
      %select_n3A_866 = arith.select %ge3A_865, %add3A_812, %add3A_822 : vector<16xi1>, vector<16xf32>
      %select_n3A_867 = arith.select %ge3A_865, %broadcast_in_dim3A_816, %broadcast_in_dim3A_826 : vector<16xi1>, vector<16xi32>
      %ge3A_868 = arith.cmpf oge, %add3A_832, %add3A_842 : vector<16xf32>
      %select_n3A_869 = arith.select %ge3A_868, %add3A_832, %add3A_842 : vector<16xi1>, vector<16xf32>
      %select_n3A_870 = arith.select %ge3A_868, %broadcast_in_dim3A_836, %broadcast_in_dim3A_846 : vector<16xi1>, vector<16xi32>
      %ge3A_871 = arith.cmpf oge, %select_n3A_848, %select_n3A_851 : vector<16xf32>
      %select_n3A_872 = arith.select %ge3A_871, %select_n3A_848, %select_n3A_851 : vector<16xi1>, vector<16xf32>
      %select_n3A_873 = arith.select %ge3A_871, %select_n3A_849, %select_n3A_852 : vector<16xi1>, vector<16xi32>
      %ge3A_874 = arith.cmpf oge, %select_n3A_854, %select_n3A_857 : vector<16xf32>
      %select_n3A_875 = arith.select %ge3A_874, %select_n3A_854, %select_n3A_857 : vector<16xi1>, vector<16xf32>
      %select_n3A_876 = arith.select %ge3A_874, %select_n3A_855, %select_n3A_858 : vector<16xi1>, vector<16xi32>
      %ge3A_877 = arith.cmpf oge, %select_n3A_860, %select_n3A_863 : vector<16xf32>
      %select_n3A_878 = arith.select %ge3A_877, %select_n3A_860, %select_n3A_863 : vector<16xi1>, vector<16xf32>
      %select_n3A_879 = arith.select %ge3A_877, %select_n3A_861, %select_n3A_864 : vector<16xi1>, vector<16xi32>
      %ge3A_880 = arith.cmpf oge, %select_n3A_866, %select_n3A_869 : vector<16xf32>
      %select_n3A_881 = arith.select %ge3A_880, %select_n3A_866, %select_n3A_869 : vector<16xi1>, vector<16xf32>
      %select_n3A_882 = arith.select %ge3A_880, %select_n3A_867, %select_n3A_870 : vector<16xi1>, vector<16xi32>
      %ge3A_883 = arith.cmpf oge, %select_n3A_872, %select_n3A_875 : vector<16xf32>
      %select_n3A_884 = arith.select %ge3A_883, %select_n3A_872, %select_n3A_875 : vector<16xi1>, vector<16xf32>
      %select_n3A_885 = arith.select %ge3A_883, %select_n3A_873, %select_n3A_876 : vector<16xi1>, vector<16xi32>
      %ge3A_886 = arith.cmpf oge, %select_n3A_878, %select_n3A_881 : vector<16xf32>
      %select_n3A_887 = arith.select %ge3A_886, %select_n3A_878, %select_n3A_881 : vector<16xi1>, vector<16xf32>
      %select_n3A_888 = arith.select %ge3A_886, %select_n3A_879, %select_n3A_882 : vector<16xi1>, vector<16xi32>
      %ge3A_889 = arith.cmpf oge, %select_n3A_884, %select_n3A_887 : vector<16xf32>
      %select_n3A_890 = arith.select %ge3A_889, %select_n3A_884, %select_n3A_887 : vector<16xi1>, vector<16xf32>
      %select_n3A_891 = arith.select %ge3A_889, %select_n3A_885, %select_n3A_888 : vector<16xi1>, vector<16xi32>
      %add3A_892 = arith.constant 49152 : i32
      %add3A_893 = arith.addi %add3A_279, %add3A_892 : i32
      %get3A_894 = arith.index_cast %add3A_893 : i32 to index
      %get3A_895 = tpu.vector_load %arg6[%get3A_894] {strides = array<i32>} : memref<65536xf32, #tpu.memory_space<vmem>>, vector<16xf32>,
      %add3A_896 = vector.broadcast %squeeze3A_185 : f32 to vector<16xf32>
      %add3A_897 = arith.addf %get3A_895, %add3A_896 : vector<16xf32>
      %swap3A_898 = arith.index_cast %add3A_893 : i32 to index
      %swap3A_899 = tpu.vector_load %arg6[%swap3A_898] {strides = array<i32>} : memref<65536xf32, #tpu.memory_space<vmem>>, vector<16xf32>,
      tpu.vector_store %arg6[%swap3A_898], %add3A_897 {strides = array<i32>} : memref<65536xf32, #tpu.memory_space<vmem>>, vector<16xf32>,
      %broadcast_in_dim3A_900 = arith.constant 48 : i32
      %broadcast_in_dim3A_901 = vector.broadcast %broadcast_in_dim3A_900 : i32 to vector<16xi32>
      %add3A_902 = arith.constant 49280 : i32
      %add3A_903 = arith.addi %add3A_279, %add3A_902 : i32
      %get3A_904 = arith.index_cast %add3A_903 : i32 to index
      %get3A_905 = tpu.vector_load %arg6[%get3A_904] {strides = array<i32>} : memref<65536xf32, #tpu.memory_space<vmem>>, vector<16xf32>,
      %add3A_906 = vector.broadcast %squeeze3A_187 : f32 to vector<16xf32>
      %add3A_907 = arith.addf %get3A_905, %add3A_906 : vector<16xf32>
      %swap3A_908 = arith.index_cast %add3A_903 : i32 to index
      %swap3A_909 = tpu.vector_load %arg6[%swap3A_908] {strides = array<i32>} : memref<65536xf32, #tpu.memory_space<vmem>>, vector<16xf32>,
      tpu.vector_store %arg6[%swap3A_908], %add3A_907 {strides = array<i32>} : memref<65536xf32, #tpu.memory_space<vmem>>, vector<16xf32>,
      %broadcast_in_dim3A_910 = arith.constant 49 : i32
      %broadcast_in_dim3A_911 = vector.broadcast %broadcast_in_dim3A_910 : i32 to vector<16xi32>
      %add3A_912 = arith.constant 49408 : i32
      %add3A_913 = arith.addi %add3A_279, %add3A_912 : i32
      %get3A_914 = arith.index_cast %add3A_913 : i32 to index
      %get3A_915 = tpu.vector_load %arg6[%get3A_914] {strides = array<i32>} : memref<65536xf32, #tpu.memory_space<vmem>>, vector<16xf32>,
      %add3A_916 = vector.broadcast %squeeze3A_189 : f32 to vector<16xf32>
      %add3A_917 = arith.addf %get3A_915, %add3A_916 : vector<16xf32>
      %swap3A_918 = arith.index_cast %add3A_913 : i32 to index
      %swap3A_919 = tpu.vector_load %arg6[%swap3A_918] {strides = array<i32>} : memref<65536xf32, #tpu.memory_space<vmem>>, vector<16xf32>,
      tpu.vector_store %arg6[%swap3A_918], %add3A_917 {strides = array<i32>} : memref<65536xf32, #tpu.memory_space<vmem>>, vector<16xf32>,
      %broadcast_in_dim3A_920 = arith.constant 50 : i32
      %broadcast_in_dim3A_921 = vector.broadcast %broadcast_in_dim3A_920 : i32 to vector<16xi32>
      %add3A_922 = arith.constant 49536 : i32
      %add3A_923 = arith.addi %add3A_279, %add3A_922 : i32
      %get3A_924 = arith.index_cast %add3A_923 : i32 to index
      %get3A_925 = tpu.vector_load %arg6[%get3A_924] {strides = array<i32>} : memref<65536xf32, #tpu.memory_space<vmem>>, vector<16xf32>,
      %add3A_926 = vector.broadcast %squeeze3A_191 : f32 to vector<16xf32>
      %add3A_927 = arith.addf %get3A_925, %add3A_926 : vector<16xf32>
      %swap3A_928 = arith.index_cast %add3A_923 : i32 to index
      %swap3A_929 = tpu.vector_load %arg6[%swap3A_928] {strides = array<i32>} : memref<65536xf32, #tpu.memory_space<vmem>>, vector<16xf32>,
      tpu.vector_store %arg6[%swap3A_928], %add3A_927 {strides = array<i32>} : memref<65536xf32, #tpu.memory_space<vmem>>, vector<16xf32>,
      %broadcast_in_dim3A_930 = arith.constant 51 : i32
      %broadcast_in_dim3A_931 = vector.broadcast %broadcast_in_dim3A_930 : i32 to vector<16xi32>
      %add3A_932 = arith.constant 49664 : i32
      %add3A_933 = arith.addi %add3A_279, %add3A_932 : i32
      %get3A_934 = arith.index_cast %add3A_933 : i32 to index
      %get3A_935 = tpu.vector_load %arg6[%get3A_934] {strides = array<i32>} : memref<65536xf32, #tpu.memory_space<vmem>>, vector<16xf32>,
      %add3A_936 = vector.broadcast %squeeze3A_193 : f32 to vector<16xf32>
      %add3A_937 = arith.addf %get3A_935, %add3A_936 : vector<16xf32>
      %swap3A_938 = arith.index_cast %add3A_933 : i32 to index
      %swap3A_939 = tpu.vector_load %arg6[%swap3A_938] {strides = array<i32>} : memref<65536xf32, #tpu.memory_space<vmem>>, vector<16xf32>,
      tpu.vector_store %arg6[%swap3A_938], %add3A_937 {strides = array<i32>} : memref<65536xf32, #tpu.memory_space<vmem>>, vector<16xf32>,
      %broadcast_in_dim3A_940 = arith.constant 52 : i32
      %broadcast_in_dim3A_941 = vector.broadcast %broadcast_in_dim3A_940 : i32 to vector<16xi32>
      %add3A_942 = arith.constant 49792 : i32
      %add3A_943 = arith.addi %add3A_279, %add3A_942 : i32
      %get3A_944 = arith.index_cast %add3A_943 : i32 to index
      %get3A_945 = tpu.vector_load %arg6[%get3A_944] {strides = array<i32>} : memref<65536xf32, #tpu.memory_space<vmem>>, vector<16xf32>,
      %add3A_946 = vector.broadcast %squeeze3A_195 : f32 to vector<16xf32>
      %add3A_947 = arith.addf %get3A_945, %add3A_946 : vector<16xf32>
      %swap3A_948 = arith.index_cast %add3A_943 : i32 to index
      %swap3A_949 = tpu.vector_load %arg6[%swap3A_948] {strides = array<i32>} : memref<65536xf32, #tpu.memory_space<vmem>>, vector<16xf32>,
      tpu.vector_store %arg6[%swap3A_948], %add3A_947 {strides = array<i32>} : memref<65536xf32, #tpu.memory_space<vmem>>, vector<16xf32>,
      %broadcast_in_dim3A_950 = arith.constant 53 : i32
      %broadcast_in_dim3A_951 = vector.broadcast %broadcast_in_dim3A_950 : i32 to vector<16xi32>
      %add3A_952 = arith.constant 49920 : i32
      %add3A_953 = arith.addi %add3A_279, %add3A_952 : i32
      %get3A_954 = arith.index_cast %add3A_953 : i32 to index
      %get3A_955 = tpu.vector_load %arg6[%get3A_954] {strides = array<i32>} : memref<65536xf32, #tpu.memory_space<vmem>>, vector<16xf32>,
      %add3A_956 = vector.broadcast %squeeze3A_197 : f32 to vector<16xf32>
      %add3A_957 = arith.addf %get3A_955, %add3A_956 : vector<16xf32>
      %swap3A_958 = arith.index_cast %add3A_953 : i32 to index
      %swap3A_959 = tpu.vector_load %arg6[%swap3A_958] {strides = array<i32>} : memref<65536xf32, #tpu.memory_space<vmem>>, vector<16xf32>,
      tpu.vector_store %arg6[%swap3A_958], %add3A_957 {strides = array<i32>} : memref<65536xf32, #tpu.memory_space<vmem>>, vector<16xf32>,
      %broadcast_in_dim3A_960 = arith.constant 54 : i32
      %broadcast_in_dim3A_961 = vector.broadcast %broadcast_in_dim3A_960 : i32 to vector<16xi32>
      %add3A_962 = arith.constant 50048 : i32
      %add3A_963 = arith.addi %add3A_279, %add3A_962 : i32
      %get3A_964 = arith.index_cast %add3A_963 : i32 to index
      %get3A_965 = tpu.vector_load %arg6[%get3A_964] {strides = array<i32>} : memref<65536xf32, #tpu.memory_space<vmem>>, vector<16xf32>,
      %add3A_966 = vector.broadcast %squeeze3A_199 : f32 to vector<16xf32>
      %add3A_967 = arith.addf %get3A_965, %add3A_966 : vector<16xf32>
      %swap3A_968 = arith.index_cast %add3A_963 : i32 to index
      %swap3A_969 = tpu.vector_load %arg6[%swap3A_968] {strides = array<i32>} : memref<65536xf32, #tpu.memory_space<vmem>>, vector<16xf32>,
      tpu.vector_store %arg6[%swap3A_968], %add3A_967 {strides = array<i32>} : memref<65536xf32, #tpu.memory_space<vmem>>, vector<16xf32>,
      %broadcast_in_dim3A_970 = arith.constant 55 : i32
      %broadcast_in_dim3A_971 = vector.broadcast %broadcast_in_dim3A_970 : i32 to vector<16xi32>
      %add3A_972 = arith.constant 57344 : i32
      %add3A_973 = arith.addi %add3A_279, %add3A_972 : i32
      %get3A_974 = arith.index_cast %add3A_973 : i32 to index
      %get3A_975 = tpu.vector_load %arg6[%get3A_974] {strides = array<i32>} : memref<65536xf32, #tpu.memory_space<vmem>>, vector<16xf32>,
      %add3A_976 = vector.broadcast %squeeze3A_201 : f32 to vector<16xf32>
      %add3A_977 = arith.addf %get3A_975, %add3A_976 : vector<16xf32>
      %swap3A_978 = arith.index_cast %add3A_973 : i32 to index
      %swap3A_979 = tpu.vector_load %arg6[%swap3A_978] {strides = array<i32>} : memref<65536xf32, #tpu.memory_space<vmem>>, vector<16xf32>,
      tpu.vector_store %arg6[%swap3A_978], %add3A_977 {strides = array<i32>} : memref<65536xf32, #tpu.memory_space<vmem>>, vector<16xf32>,
      %broadcast_in_dim3A_980 = arith.constant 56 : i32
      %broadcast_in_dim3A_981 = vector.broadcast %broadcast_in_dim3A_980 : i32 to vector<16xi32>
      %add3A_982 = arith.constant 57472 : i32
      %add3A_983 = arith.addi %add3A_279, %add3A_982 : i32
      %get3A_984 = arith.index_cast %add3A_983 : i32 to index
      %get3A_985 = tpu.vector_load %arg6[%get3A_984] {strides = array<i32>} : memref<65536xf32, #tpu.memory_space<vmem>>, vector<16xf32>,
      %add3A_986 = vector.broadcast %squeeze3A_203 : f32 to vector<16xf32>
      %add3A_987 = arith.addf %get3A_985, %add3A_986 : vector<16xf32>
      %swap3A_988 = arith.index_cast %add3A_983 : i32 to index
      %swap3A_989 = tpu.vector_load %arg6[%swap3A_988] {strides = array<i32>} : memref<65536xf32, #tpu.memory_space<vmem>>, vector<16xf32>,
      tpu.vector_store %arg6[%swap3A_988], %add3A_987 {strides = array<i32>} : memref<65536xf32, #tpu.memory_space<vmem>>, vector<16xf32>,
      %broadcast_in_dim3A_990 = arith.constant 57 : i32
      %broadcast_in_dim3A_991 = vector.broadcast %broadcast_in_dim3A_990 : i32 to vector<16xi32>
      %add3A_992 = arith.constant 57600 : i32
      %add3A_993 = arith.addi %add3A_279, %add3A_992 : i32
      %get3A_994 = arith.index_cast %add3A_993 : i32 to index
      %get3A_995 = tpu.vector_load %arg6[%get3A_994] {strides = array<i32>} : memref<65536xf32, #tpu.memory_space<vmem>>, vector<16xf32>,
      %add3A_996 = vector.broadcast %squeeze3A_205 : f32 to vector<16xf32>
      %add3A_997 = arith.addf %get3A_995, %add3A_996 : vector<16xf32>
      %swap3A_998 = arith.index_cast %add3A_993 : i32 to index
      %swap3A_999 = tpu.vector_load %arg6[%swap3A_998] {strides = array<i32>} : memref<65536xf32, #tpu.memory_space<vmem>>, vector<16xf32>,
      tpu.vector_store %arg6[%swap3A_998], %add3A_997 {strides = array<i32>} : memref<65536xf32, #tpu.memory_space<vmem>>, vector<16xf32>,
      %broadcast_in_dim3A_1000 = arith.constant 58 : i32
      %broadcast_in_dim3A_1001 = vector.broadcast %broadcast_in_dim3A_1000 : i32 to vector<16xi32>
      %add3A_1002 = arith.constant 57728 : i32
      %add3A_1003 = arith.addi %add3A_279, %add3A_1002 : i32
      %get3A_1004 = arith.index_cast %add3A_1003 : i32 to index
      %get3A_1005 = tpu.vector_load %arg6[%get3A_1004] {strides = array<i32>} : memref<65536xf32, #tpu.memory_space<vmem>>, vector<16xf32>,
      %add3A_1006 = vector.broadcast %squeeze3A_207 : f32 to vector<16xf32>
      %add3A_1007 = arith.addf %get3A_1005, %add3A_1006 : vector<16xf32>
      %swap3A_1008 = arith.index_cast %add3A_1003 : i32 to index
      %swap3A_1009 = tpu.vector_load %arg6[%swap3A_1008] {strides = array<i32>} : memref<65536xf32, #tpu.memory_space<vmem>>, vector<16xf32>,
      tpu.vector_store %arg6[%swap3A_1008], %add3A_1007 {strides = array<i32>} : memref<65536xf32, #tpu.memory_space<vmem>>, vector<16xf32>,
      %broadcast_in_dim3A_1010 = arith.constant 59 : i32
      %broadcast_in_dim3A_1011 = vector.broadcast %broadcast_in_dim3A_1010 : i32 to vector<16xi32>
      %add3A_1012 = arith.constant 57856 : i32
      %add3A_1013 = arith.addi %add3A_279, %add3A_1012 : i32
      %get3A_1014 = arith.index_cast %add3A_1013 : i32 to index
      %get3A_1015 = tpu.vector_load %arg6[%get3A_1014] {strides = array<i32>} : memref<65536xf32, #tpu.memory_space<vmem>>, vector<16xf32>,
      %add3A_1016 = vector.broadcast %squeeze3A_209 : f32 to vector<16xf32>
      %add3A_1017 = arith.addf %get3A_1015, %add3A_1016 : vector<16xf32>
      %swap3A_1018 = arith.index_cast %add3A_1013 : i32 to index
      %swap3A_1019 = tpu.vector_load %arg6[%swap3A_1018] {strides = array<i32>} : memref<65536xf32, #tpu.memory_space<vmem>>, vector<16xf32>,
      tpu.vector_store %arg6[%swap3A_1018], %add3A_1017 {strides = array<i32>} : memref<65536xf32, #tpu.memory_space<vmem>>, vector<16xf32>,
      %broadcast_in_dim3A_1020 = arith.constant 60 : i32
      %broadcast_in_dim3A_1021 = vector.broadcast %broadcast_in_dim3A_1020 : i32 to vector<16xi32>
      %add3A_1022 = arith.constant 57984 : i32
      %add3A_1023 = arith.addi %add3A_279, %add3A_1022 : i32
      %get3A_1024 = arith.index_cast %add3A_1023 : i32 to index
      %get3A_1025 = tpu.vector_load %arg6[%get3A_1024] {strides = array<i32>} : memref<65536xf32, #tpu.memory_space<vmem>>, vector<16xf32>,
      %add3A_1026 = vector.broadcast %squeeze3A_211 : f32 to vector<16xf32>
      %add3A_1027 = arith.addf %get3A_1025, %add3A_1026 : vector<16xf32>
      %swap3A_1028 = arith.index_cast %add3A_1023 : i32 to index
      %swap3A_1029 = tpu.vector_load %arg6[%swap3A_1028] {strides = array<i32>} : memref<65536xf32, #tpu.memory_space<vmem>>, vector<16xf32>,
      tpu.vector_store %arg6[%swap3A_1028], %add3A_1027 {strides = array<i32>} : memref<65536xf32, #tpu.memory_space<vmem>>, vector<16xf32>,
      %broadcast_in_dim3A_1030 = arith.constant 61 : i32
      %broadcast_in_dim3A_1031 = vector.broadcast %broadcast_in_dim3A_1030 : i32 to vector<16xi32>
      %add3A_1032 = arith.constant 58112 : i32
      %add3A_1033 = arith.addi %add3A_279, %add3A_1032 : i32
      %get3A_1034 = arith.index_cast %add3A_1033 : i32 to index
      %get3A_1035 = tpu.vector_load %arg6[%get3A_1034] {strides = array<i32>} : memref<65536xf32, #tpu.memory_space<vmem>>, vector<16xf32>,
      %add3A_1036 = vector.broadcast %squeeze3A_213 : f32 to vector<16xf32>
      %add3A_1037 = arith.addf %get3A_1035, %add3A_1036 : vector<16xf32>
      %swap3A_1038 = arith.index_cast %add3A_1033 : i32 to index
      %swap3A_1039 = tpu.vector_load %arg6[%swap3A_1038] {strides = array<i32>} : memref<65536xf32, #tpu.memory_space<vmem>>, vector<16xf32>,
      tpu.vector_store %arg6[%swap3A_1038], %add3A_1037 {strides = array<i32>} : memref<65536xf32, #tpu.memory_space<vmem>>, vector<16xf32>,
      %broadcast_in_dim3A_1040 = arith.constant 62 : i32
      %broadcast_in_dim3A_1041 = vector.broadcast %broadcast_in_dim3A_1040 : i32 to vector<16xi32>
      %add3A_1042 = arith.constant 58240 : i32
      %add3A_1043 = arith.addi %add3A_279, %add3A_1042 : i32
      %get3A_1044 = arith.index_cast %add3A_1043 : i32 to index
      %get3A_1045 = tpu.vector_load %arg6[%get3A_1044] {strides = array<i32>} : memref<65536xf32, #tpu.memory_space<vmem>>, vector<16xf32>,
      %add3A_1046 = vector.broadcast %squeeze3A_215 : f32 to vector<16xf32>
      %add3A_1047 = arith.addf %get3A_1045, %add3A_1046 : vector<16xf32>
      %swap3A_1048 = arith.index_cast %add3A_1043 : i32 to index
      %swap3A_1049 = tpu.vector_load %arg6[%swap3A_1048] {strides = array<i32>} : memref<65536xf32, #tpu.memory_space<vmem>>, vector<16xf32>,
      tpu.vector_store %arg6[%swap3A_1048], %add3A_1047 {strides = array<i32>} : memref<65536xf32, #tpu.memory_space<vmem>>, vector<16xf32>,
      %broadcast_in_dim3A_1050 = arith.constant 63 : i32
      %broadcast_in_dim3A_1051 = vector.broadcast %broadcast_in_dim3A_1050 : i32 to vector<16xi32>
      %ge3A_1052 = arith.cmpf oge, %add3A_897, %add3A_907 : vector<16xf32>
      %select_n3A_1053 = arith.select %ge3A_1052, %add3A_897, %add3A_907 : vector<16xi1>, vector<16xf32>
      %select_n3A_1054 = arith.select %ge3A_1052, %broadcast_in_dim3A_901, %broadcast_in_dim3A_911 : vector<16xi1>, vector<16xi32>
      %ge3A_1055 = arith.cmpf oge, %add3A_917, %add3A_927 : vector<16xf32>
      %select_n3A_1056 = arith.select %ge3A_1055, %add3A_917, %add3A_927 : vector<16xi1>, vector<16xf32>
      %select_n3A_1057 = arith.select %ge3A_1055, %broadcast_in_dim3A_921, %broadcast_in_dim3A_931 : vector<16xi1>, vector<16xi32>
      %ge3A_1058 = arith.cmpf oge, %add3A_937, %add3A_947 : vector<16xf32>
      %select_n3A_1059 = arith.select %ge3A_1058, %add3A_937, %add3A_947 : vector<16xi1>, vector<16xf32>
      %select_n3A_1060 = arith.select %ge3A_1058, %broadcast_in_dim3A_941, %broadcast_in_dim3A_951 : vector<16xi1>, vector<16xi32>
      %ge3A_1061 = arith.cmpf oge, %add3A_957, %add3A_967 : vector<16xf32>
      %select_n3A_1062 = arith.select %ge3A_1061, %add3A_957, %add3A_967 : vector<16xi1>, vector<16xf32>
      %select_n3A_1063 = arith.select %ge3A_1061, %broadcast_in_dim3A_961, %broadcast_in_dim3A_971 : vector<16xi1>, vector<16xi32>
      %ge3A_1064 = arith.cmpf oge, %add3A_977, %add3A_987 : vector<16xf32>
      %select_n3A_1065 = arith.select %ge3A_1064, %add3A_977, %add3A_987 : vector<16xi1>, vector<16xf32>
      %select_n3A_1066 = arith.select %ge3A_1064, %broadcast_in_dim3A_981, %broadcast_in_dim3A_991 : vector<16xi1>, vector<16xi32>
      %ge3A_1067 = arith.cmpf oge, %add3A_997, %add3A_1007 : vector<16xf32>
      %select_n3A_1068 = arith.select %ge3A_1067, %add3A_997, %add3A_1007 : vector<16xi1>, vector<16xf32>
      %select_n3A_1069 = arith.select %ge3A_1067, %broadcast_in_dim3A_1001, %broadcast_in_dim3A_1011 : vector<16xi1>, vector<16xi32>
      %ge3A_1070 = arith.cmpf oge, %add3A_1017, %add3A_1027 : vector<16xf32>
      %select_n3A_1071 = arith.select %ge3A_1070, %add3A_1017, %add3A_1027 : vector<16xi1>, vector<16xf32>
      %select_n3A_1072 = arith.select %ge3A_1070, %broadcast_in_dim3A_1021, %broadcast_in_dim3A_1031 : vector<16xi1>, vector<16xi32>
      %ge3A_1073 = arith.cmpf oge, %add3A_1037, %add3A_1047 : vector<16xf32>
      %select_n3A_1074 = arith.select %ge3A_1073, %add3A_1037, %add3A_1047 : vector<16xi1>, vector<16xf32>
      %select_n3A_1075 = arith.select %ge3A_1073, %broadcast_in_dim3A_1041, %broadcast_in_dim3A_1051 : vector<16xi1>, vector<16xi32>
      %ge3A_1076 = arith.cmpf oge, %select_n3A_1053, %select_n3A_1056 : vector<16xf32>
      %select_n3A_1077 = arith.select %ge3A_1076, %select_n3A_1053, %select_n3A_1056 : vector<16xi1>, vector<16xf32>
      %select_n3A_1078 = arith.select %ge3A_1076, %select_n3A_1054, %select_n3A_1057 : vector<16xi1>, vector<16xi32>
      %ge3A_1079 = arith.cmpf oge, %select_n3A_1059, %select_n3A_1062 : vector<16xf32>
      %select_n3A_1080 = arith.select %ge3A_1079, %select_n3A_1059, %select_n3A_1062 : vector<16xi1>, vector<16xf32>
      %select_n3A_1081 = arith.select %ge3A_1079, %select_n3A_1060, %select_n3A_1063 : vector<16xi1>, vector<16xi32>
      %ge3A_1082 = arith.cmpf oge, %select_n3A_1065, %select_n3A_1068 : vector<16xf32>
      %select_n3A_1083 = arith.select %ge3A_1082, %select_n3A_1065, %select_n3A_1068 : vector<16xi1>, vector<16xf32>
      %select_n3A_1084 = arith.select %ge3A_1082, %select_n3A_1066, %select_n3A_1069 : vector<16xi1>, vector<16xi32>
      %ge3A_1085 = arith.cmpf oge, %select_n3A_1071, %select_n3A_1074 : vector<16xf32>
      %select_n3A_1086 = arith.select %ge3A_1085, %select_n3A_1071, %select_n3A_1074 : vector<16xi1>, vector<16xf32>
      %select_n3A_1087 = arith.select %ge3A_1085, %select_n3A_1072, %select_n3A_1075 : vector<16xi1>, vector<16xi32>
      %ge3A_1088 = arith.cmpf oge, %select_n3A_1077, %select_n3A_1080 : vector<16xf32>
      %select_n3A_1089 = arith.select %ge3A_1088, %select_n3A_1077, %select_n3A_1080 : vector<16xi1>, vector<16xf32>
      %select_n3A_1090 = arith.select %ge3A_1088, %select_n3A_1078, %select_n3A_1081 : vector<16xi1>, vector<16xi32>
      %ge3A_1091 = arith.cmpf oge, %select_n3A_1083, %select_n3A_1086 : vector<16xf32>
      %select_n3A_1092 = arith.select %ge3A_1091, %select_n3A_1083, %select_n3A_1086 : vector<16xi1>, vector<16xf32>
      %select_n3A_1093 = arith.select %ge3A_1091, %select_n3A_1084, %select_n3A_1087 : vector<16xi1>, vector<16xi32>
      %ge3A_1094 = arith.cmpf oge, %select_n3A_1089, %select_n3A_1092 : vector<16xf32>
      %select_n3A_1095 = arith.select %ge3A_1094, %select_n3A_1089, %select_n3A_1092 : vector<16xi1>, vector<16xf32>
      %select_n3A_1096 = arith.select %ge3A_1094, %select_n3A_1090, %select_n3A_1093 : vector<16xi1>, vector<16xi32>
      %ge3A_1097 = arith.cmpf oge, %select_n3A_480, %select_n3A_685 : vector<16xf32>
      %select_n3A_1098 = arith.select %ge3A_1097, %select_n3A_480, %select_n3A_685 : vector<16xi1>, vector<16xf32>
      %select_n3A_1099 = arith.select %ge3A_1097, %select_n3A_481, %select_n3A_686 : vector<16xi1>, vector<16xi32>
      %ge3A_1100 = arith.cmpf oge, %select_n3A_890, %select_n3A_1095 : vector<16xf32>
      %select_n3A_1101 = arith.select %ge3A_1100, %select_n3A_890, %select_n3A_1095 : vector<16xi1>, vector<16xf32>
      %select_n3A_1102 = arith.select %ge3A_1100, %select_n3A_891, %select_n3A_1096 : vector<16xi1>, vector<16xi32>
      %ge3A_1103 = arith.cmpf oge, %select_n3A_1098, %select_n3A_1101 : vector<16xf32>
      %select_n3A_1104 = arith.select %ge3A_1103, %select_n3A_1098, %select_n3A_1101 : vector<16xi1>, vector<16xf32>
      %select_n3A_1105 = arith.select %ge3A_1103, %select_n3A_1099, %select_n3A_1102 : vector<16xi1>, vector<16xi32>
      %shift_right_arithmetic3A_1106 = arith.constant 3 : i32
      %shift_right_arithmetic3A_1107 = vector.broadcast %shift_right_arithmetic3A_1106 : i32 to vector<16xi32>
      %shift_right_arithmetic3A_1108 = arith.shrsi %select_n3A_1105, %shift_right_arithmetic3A_1107 : vector<16xi32>
      %mul3A_1109 = arith.constant 8192 : i32
      %mul3A_1110 = vector.broadcast %mul3A_1109 : i32 to vector<16xi32>
      %mul3A_1111 = arith.muli %shift_right_arithmetic3A_1108, %mul3A_1110 : vector<16xi32>
      %and3A_1112 = arith.constant 7 : i32
      %and3A_1113 = vector.broadcast %and3A_1112 : i32 to vector<16xi32>
      %and3A_1114 = arith.andi %select_n3A_1105, %and3A_1113 : vector<16xi32>
      %mul3A_1115 = arith.constant 128 : i32
      %mul3A_1116 = vector.broadcast %mul3A_1115 : i32 to vector<16xi32>
      %mul3A_1117 = arith.muli %and3A_1114, %mul3A_1116 : vector<16xi32>
      %add3A_1118 = arith.addi %mul3A_1111, %mul3A_1117 : vector<16xi32>
      %add3A_1119 = vector.broadcast %add3A_279 : i32 to vector<16xi32>
      %add3A_1120 = arith.addi %add3A_1118, %add3A_1119 : vector<16xi32>
      %add3A_1121 = arith.addi %add3A_1120, %iota3A : vector<16xi32>
      tpu.vector_store_idx %arg6[%add3A_1121], %broadcast_in_dim3A_1 : memref<65536xf32, #tpu.memory_space<vmem>>[vector<16xi32>], vector<16xf32>,
      %and3A_1122 = arith.constant -16 : i32
      %and3A_1123 = vector.broadcast %and3A_1122 : i32 to vector<16xi32>
      %and3A_1124 = arith.andi %select_n3A_1105, %and3A_1123 : vector<16xi32>
      %mul3A_1125 = arith.constant 1024 : i32
      %mul3A_1126 = vector.broadcast %mul3A_1125 : i32 to vector<16xi32>
      %mul3A_1127 = arith.muli %and3A_1124, %mul3A_1126 : vector<16xi32>
      %add3A_1128 = vector.broadcast %add3A_279 : i32 to vector<16xi32>
      %add3A_1129 = arith.addi %mul3A_1127, %add3A_1128 : vector<16xi32>
      %add3A_1130 = arith.addi %add3A_1129, %iota3A : vector<16xi32>
      %add3A_1131 = arith.constant 0 : i32
      %add3A_1132 = vector.broadcast %add3A_1131 : i32 to vector<16xi32>
      %add3A_1133 = arith.addi %add3A_1130, %add3A_1132 : vector<16xi32>
      %gather3A = tpu.vector_load_idx %arg6[%add3A_1133] : memref<65536xf32, #tpu.memory_space<vmem>>[vector<16xi32>], vector<16xf32>,
      %add3A_1134 = arith.constant 0 : i32
      %add3A_1135 = vector.broadcast %add3A_1134 : i32 to vector<16xi32>
      %add3A_1136 = arith.addi %and3A_1124, %add3A_1135 : vector<16xi32>
      %add3A_1137 = arith.constant 128 : i32
      %add3A_1138 = vector.broadcast %add3A_1137 : i32 to vector<16xi32>
      %add3A_1139 = arith.addi %add3A_1130, %add3A_1138 : vector<16xi32>
      %gather3A_1140 = tpu.vector_load_idx %arg6[%add3A_1139] : memref<65536xf32, #tpu.memory_space<vmem>>[vector<16xi32>], vector<16xf32>,
      %add3A_1141 = arith.constant 1 : i32
      %add3A_1142 = vector.broadcast %add3A_1141 : i32 to vector<16xi32>
      %add3A_1143 = arith.addi %and3A_1124, %add3A_1142 : vector<16xi32>
      %add3A_1144 = arith.constant 256 : i32
      %add3A_1145 = vector.broadcast %add3A_1144 : i32 to vector<16xi32>
      %add3A_1146 = arith.addi %add3A_1130, %add3A_1145 : vector<16xi32>
      %gather3A_1147 = tpu.vector_load_idx %arg6[%add3A_1146] : memref<65536xf32, #tpu.memory_space<vmem>>[vector<16xi32>], vector<16xf32>,
      %add3A_1148 = arith.constant 2 : i32
      %add3A_1149 = vector.broadcast %add3A_1148 : i32 to vector<16xi32>
      %add3A_1150 = arith.addi %and3A_1124, %add3A_1149 : vector<16xi32>
      %add3A_1151 = arith.constant 384 : i32
      %add3A_1152 = vector.broadcast %add3A_1151 : i32 to vector<16xi32>
      %add3A_1153 = arith.addi %add3A_1130, %add3A_1152 : vector<16xi32>
      %gather3A_1154 = tpu.vector_load_idx %arg6[%add3A_1153] : memref<65536xf32, #tpu.memory_space<vmem>>[vector<16xi32>], vector<16xf32>,
      %add3A_1155 = arith.constant 3 : i32
      %add3A_1156 = vector.broadcast %add3A_1155 : i32 to vector<16xi32>
      %add3A_1157 = arith.addi %and3A_1124, %add3A_1156 : vector<16xi32>
      %add3A_1158 = arith.constant 512 : i32
      %add3A_1159 = vector.broadcast %add3A_1158 : i32 to vector<16xi32>
      %add3A_1160 = arith.addi %add3A_1130, %add3A_1159 : vector<16xi32>
      %gather3A_1161 = tpu.vector_load_idx %arg6[%add3A_1160] : memref<65536xf32, #tpu.memory_space<vmem>>[vector<16xi32>], vector<16xf32>,
      %add3A_1162 = arith.constant 4 : i32
      %add3A_1163 = vector.broadcast %add3A_1162 : i32 to vector<16xi32>
      %add3A_1164 = arith.addi %and3A_1124, %add3A_1163 : vector<16xi32>
      %add3A_1165 = arith.constant 640 : i32
      %add3A_1166 = vector.broadcast %add3A_1165 : i32 to vector<16xi32>
      %add3A_1167 = arith.addi %add3A_1130, %add3A_1166 : vector<16xi32>
      %gather3A_1168 = tpu.vector_load_idx %arg6[%add3A_1167] : memref<65536xf32, #tpu.memory_space<vmem>>[vector<16xi32>], vector<16xf32>,
      %add3A_1169 = arith.constant 5 : i32
      %add3A_1170 = vector.broadcast %add3A_1169 : i32 to vector<16xi32>
      %add3A_1171 = arith.addi %and3A_1124, %add3A_1170 : vector<16xi32>
      %add3A_1172 = arith.constant 768 : i32
      %add3A_1173 = vector.broadcast %add3A_1172 : i32 to vector<16xi32>
      %add3A_1174 = arith.addi %add3A_1130, %add3A_1173 : vector<16xi32>
      %gather3A_1175 = tpu.vector_load_idx %arg6[%add3A_1174] : memref<65536xf32, #tpu.memory_space<vmem>>[vector<16xi32>], vector<16xf32>,
      %add3A_1176 = arith.constant 6 : i32
      %add3A_1177 = vector.broadcast %add3A_1176 : i32 to vector<16xi32>
      %add3A_1178 = arith.addi %and3A_1124, %add3A_1177 : vector<16xi32>
      %add3A_1179 = arith.constant 896 : i32
      %add3A_1180 = vector.broadcast %add3A_1179 : i32 to vector<16xi32>
      %add3A_1181 = arith.addi %add3A_1130, %add3A_1180 : vector<16xi32>
      %gather3A_1182 = tpu.vector_load_idx %arg6[%add3A_1181] : memref<65536xf32, #tpu.memory_space<vmem>>[vector<16xi32>], vector<16xf32>,
      %add3A_1183 = arith.constant 7 : i32
      %add3A_1184 = vector.broadcast %add3A_1183 : i32 to vector<16xi32>
      %add3A_1185 = arith.addi %and3A_1124, %add3A_1184 : vector<16xi32>
      %add3A_1186 = arith.constant 8192 : i32
      %add3A_1187 = vector.broadcast %add3A_1186 : i32 to vector<16xi32>
      %add3A_1188 = arith.addi %add3A_1130, %add3A_1187 : vector<16xi32>
      %gather3A_1189 = tpu.vector_load_idx %arg6[%add3A_1188] : memref<65536xf32, #tpu.memory_space<vmem>>[vector<16xi32>], vector<16xf32>,
      %add3A_1190 = arith.constant 8 : i32
      %add3A_1191 = vector.broadcast %add3A_1190 : i32 to vector<16xi32>
      %add3A_1192 = arith.addi %and3A_1124, %add3A_1191 : vector<16xi32>
      %add3A_1193 = arith.constant 8320 : i32
      %add3A_1194 = vector.broadcast %add3A_1193 : i32 to vector<16xi32>
      %add3A_1195 = arith.addi %add3A_1130, %add3A_1194 : vector<16xi32>
      %gather3A_1196 = tpu.vector_load_idx %arg6[%add3A_1195] : memref<65536xf32, #tpu.memory_space<vmem>>[vector<16xi32>], vector<16xf32>,
      %add3A_1197 = arith.constant 9 : i32
      %add3A_1198 = vector.broadcast %add3A_1197 : i32 to vector<16xi32>
      %add3A_1199 = arith.addi %and3A_1124, %add3A_1198 : vector<16xi32>
      %add3A_1200 = arith.constant 8448 : i32
      %add3A_1201 = vector.broadcast %add3A_1200 : i32 to vector<16xi32>
      %add3A_1202 = arith.addi %add3A_1130, %add3A_1201 : vector<16xi32>
      %gather3A_1203 = tpu.vector_load_idx %arg6[%add3A_1202] : memref<65536xf32, #tpu.memory_space<vmem>>[vector<16xi32>], vector<16xf32>,
      %add3A_1204 = arith.constant 10 : i32
      %add3A_1205 = vector.broadcast %add3A_1204 : i32 to vector<16xi32>
      %add3A_1206 = arith.addi %and3A_1124, %add3A_1205 : vector<16xi32>
      %add3A_1207 = arith.constant 8576 : i32
      %add3A_1208 = vector.broadcast %add3A_1207 : i32 to vector<16xi32>
      %add3A_1209 = arith.addi %add3A_1130, %add3A_1208 : vector<16xi32>
      %gather3A_1210 = tpu.vector_load_idx %arg6[%add3A_1209] : memref<65536xf32, #tpu.memory_space<vmem>>[vector<16xi32>], vector<16xf32>,
      %add3A_1211 = arith.constant 11 : i32
      %add3A_1212 = vector.broadcast %add3A_1211 : i32 to vector<16xi32>
      %add3A_1213 = arith.addi %and3A_1124, %add3A_1212 : vector<16xi32>
      %add3A_1214 = arith.constant 8704 : i32
      %add3A_1215 = vector.broadcast %add3A_1214 : i32 to vector<16xi32>
      %add3A_1216 = arith.addi %add3A_1130, %add3A_1215 : vector<16xi32>
      %gather3A_1217 = tpu.vector_load_idx %arg6[%add3A_1216] : memref<65536xf32, #tpu.memory_space<vmem>>[vector<16xi32>], vector<16xf32>,
      %add3A_1218 = arith.constant 12 : i32
      %add3A_1219 = vector.broadcast %add3A_1218 : i32 to vector<16xi32>
      %add3A_1220 = arith.addi %and3A_1124, %add3A_1219 : vector<16xi32>
      %add3A_1221 = arith.constant 8832 : i32
      %add3A_1222 = vector.broadcast %add3A_1221 : i32 to vector<16xi32>
      %add3A_1223 = arith.addi %add3A_1130, %add3A_1222 : vector<16xi32>
      %gather3A_1224 = tpu.vector_load_idx %arg6[%add3A_1223] : memref<65536xf32, #tpu.memory_space<vmem>>[vector<16xi32>], vector<16xf32>,
      %add3A_1225 = arith.constant 13 : i32
      %add3A_1226 = vector.broadcast %add3A_1225 : i32 to vector<16xi32>
      %add3A_1227 = arith.addi %and3A_1124, %add3A_1226 : vector<16xi32>
      %add3A_1228 = arith.constant 8960 : i32
      %add3A_1229 = vector.broadcast %add3A_1228 : i32 to vector<16xi32>
      %add3A_1230 = arith.addi %add3A_1130, %add3A_1229 : vector<16xi32>
      %gather3A_1231 = tpu.vector_load_idx %arg6[%add3A_1230] : memref<65536xf32, #tpu.memory_space<vmem>>[vector<16xi32>], vector<16xf32>,
      %add3A_1232 = arith.constant 14 : i32
      %add3A_1233 = vector.broadcast %add3A_1232 : i32 to vector<16xi32>
      %add3A_1234 = arith.addi %and3A_1124, %add3A_1233 : vector<16xi32>
      %add3A_1235 = arith.constant 9088 : i32
      %add3A_1236 = vector.broadcast %add3A_1235 : i32 to vector<16xi32>
      %add3A_1237 = arith.addi %add3A_1130, %add3A_1236 : vector<16xi32>
      %gather3A_1238 = tpu.vector_load_idx %arg6[%add3A_1237] : memref<65536xf32, #tpu.memory_space<vmem>>[vector<16xi32>], vector<16xf32>,
      %add3A_1239 = arith.constant 15 : i32
      %add3A_1240 = vector.broadcast %add3A_1239 : i32 to vector<16xi32>
      %add3A_1241 = arith.addi %and3A_1124, %add3A_1240 : vector<16xi32>
      %ge3A_1242 = arith.cmpf oge, %gather3A, %gather3A_1140 : vector<16xf32>
      %select_n3A_1243 = arith.select %ge3A_1242, %gather3A, %gather3A_1140 : vector<16xi1>, vector<16xf32>
      %select_n3A_1244 = arith.select %ge3A_1242, %add3A_1136, %add3A_1143 : vector<16xi1>, vector<16xi32>
      %ge3A_1245 = arith.cmpf oge, %gather3A_1147, %gather3A_1154 : vector<16xf32>
      %select_n3A_1246 = arith.select %ge3A_1245, %gather3A_1147, %gather3A_1154 : vector<16xi1>, vector<16xf32>
      %select_n3A_1247 = arith.select %ge3A_1245, %add3A_1150, %add3A_1157 : vector<16xi1>, vector<16xi32>
      %ge3A_1248 = arith.cmpf oge, %gather3A_1161, %gather3A_1168 : vector<16xf32>
      %select_n3A_1249 = arith.select %ge3A_1248, %gather3A_1161, %gather3A_1168 : vector<16xi1>, vector<16xf32>
      %select_n3A_1250 = arith.select %ge3A_1248, %add3A_1164, %add3A_1171 : vector<16xi1>, vector<16xi32>
      %ge3A_1251 = arith.cmpf oge, %gather3A_1175, %gather3A_1182 : vector<16xf32>
      %select_n3A_1252 = arith.select %ge3A_1251, %gather3A_1175, %gather3A_1182 : vector<16xi1>, vector<16xf32>
      %select_n3A_1253 = arith.select %ge3A_1251, %add3A_1178, %add3A_1185 : vector<16xi1>, vector<16xi32>
      %ge3A_1254 = arith.cmpf oge, %gather3A_1189, %gather3A_1196 : vector<16xf32>
      %select_n3A_1255 = arith.select %ge3A_1254, %gather3A_1189, %gather3A_1196 : vector<16xi1>, vector<16xf32>
      %select_n3A_1256 = arith.select %ge3A_1254, %add3A_1192, %add3A_1199 : vector<16xi1>, vector<16xi32>
      %ge3A_1257 = arith.cmpf oge, %gather3A_1203, %gather3A_1210 : vector<16xf32>
      %select_n3A_1258 = arith.select %ge3A_1257, %gather3A_1203, %gather3A_1210 : vector<16xi1>, vector<16xf32>
      %select_n3A_1259 = arith.select %ge3A_1257, %add3A_1206, %add3A_1213 : vector<16xi1>, vector<16xi32>
      %ge3A_1260 = arith.cmpf oge, %gather3A_1217, %gather3A_1224 : vector<16xf32>
      %select_n3A_1261 = arith.select %ge3A_1260, %gather3A_1217, %gather3A_1224 : vector<16xi1>, vector<16xf32>
      %select_n3A_1262 = arith.select %ge3A_1260, %add3A_1220, %add3A_1227 : vector<16xi1>, vector<16xi32>
      %ge3A_1263 = arith.cmpf oge, %gather3A_1231, %gather3A_1238 : vector<16xf32>
      %select_n3A_1264 = arith.select %ge3A_1263, %gather3A_1231, %gather3A_1238 : vector<16xi1>, vector<16xf32>
      %select_n3A_1265 = arith.select %ge3A_1263, %add3A_1234, %add3A_1241 : vector<16xi1>, vector<16xi32>
      %ge3A_1266 = arith.cmpf oge, %select_n3A_1243, %select_n3A_1246 : vector<16xf32>
      %select_n3A_1267 = arith.select %ge3A_1266, %select_n3A_1243, %select_n3A_1246 : vector<16xi1>, vector<16xf32>
      %select_n3A_1268 = arith.select %ge3A_1266, %select_n3A_1244, %select_n3A_1247 : vector<16xi1>, vector<16xi32>
      %ge3A_1269 = arith.cmpf oge, %select_n3A_1249, %select_n3A_1252 : vector<16xf32>
      %select_n3A_1270 = arith.select %ge3A_1269, %select_n3A_1249, %select_n3A_1252 : vector<16xi1>, vector<16xf32>
      %select_n3A_1271 = arith.select %ge3A_1269, %select_n3A_1250, %select_n3A_1253 : vector<16xi1>, vector<16xi32>
      %ge3A_1272 = arith.cmpf oge, %select_n3A_1255, %select_n3A_1258 : vector<16xf32>
      %select_n3A_1273 = arith.select %ge3A_1272, %select_n3A_1255, %select_n3A_1258 : vector<16xi1>, vector<16xf32>
      %select_n3A_1274 = arith.select %ge3A_1272, %select_n3A_1256, %select_n3A_1259 : vector<16xi1>, vector<16xi32>
      %ge3A_1275 = arith.cmpf oge, %select_n3A_1261, %select_n3A_1264 : vector<16xf32>
      %select_n3A_1276 = arith.select %ge3A_1275, %select_n3A_1261, %select_n3A_1264 : vector<16xi1>, vector<16xf32>
      %select_n3A_1277 = arith.select %ge3A_1275, %select_n3A_1262, %select_n3A_1265 : vector<16xi1>, vector<16xi32>
      %ge3A_1278 = arith.cmpf oge, %select_n3A_1267, %select_n3A_1270 : vector<16xf32>
      %select_n3A_1279 = arith.select %ge3A_1278, %select_n3A_1267, %select_n3A_1270 : vector<16xi1>, vector<16xf32>
      %select_n3A_1280 = arith.select %ge3A_1278, %select_n3A_1268, %select_n3A_1271 : vector<16xi1>, vector<16xi32>
      %ge3A_1281 = arith.cmpf oge, %select_n3A_1273, %select_n3A_1276 : vector<16xf32>
      %select_n3A_1282 = arith.select %ge3A_1281, %select_n3A_1273, %select_n3A_1276 : vector<16xi1>, vector<16xf32>
      %select_n3A_1283 = arith.select %ge3A_1281, %select_n3A_1274, %select_n3A_1277 : vector<16xi1>, vector<16xi32>
      %ge3A_1284 = arith.cmpf oge, %select_n3A_1279, %select_n3A_1282 : vector<16xf32>
      %select_n3A_1285 = arith.select %ge3A_1284, %select_n3A_1279, %select_n3A_1282 : vector<16xi1>, vector<16xf32>
      %select_n3A_1286 = arith.select %ge3A_1284, %select_n3A_1280, %select_n3A_1283 : vector<16xi1>, vector<16xi32>
      %shift_right_arithmetic3A_1287 = arith.constant 4 : i32
      %shift_right_arithmetic3A_1288 = vector.broadcast %shift_right_arithmetic3A_1287 : i32 to vector<16xi32>
      %shift_right_arithmetic3A_1289 = arith.shrsi %select_n3A_1105, %shift_right_arithmetic3A_1288 : vector<16xi32>
      %eq3A = arith.constant 0 : i32
      %eq3A_1290 = vector.broadcast %eq3A : i32 to vector<16xi32>
      %eq3A_1291 = arith.cmpi eq, %shift_right_arithmetic3A_1289, %eq3A_1290 : vector<16xi32>
      %select_n3A_1292 = arith.select %eq3A_1291, %select_n3A_1285, %select_n3A_480 : vector<16xi1>, vector<16xf32>
      %eq3A_1293 = arith.constant 0 : i32
      %eq3A_1294 = vector.broadcast %eq3A_1293 : i32 to vector<16xi32>
      %eq3A_1295 = arith.cmpi eq, %shift_right_arithmetic3A_1289, %eq3A_1294 : vector<16xi32>
      %select_n3A_1296 = arith.select %eq3A_1295, %select_n3A_1286, %select_n3A_481 : vector<16xi1>, vector<16xi32>
      %eq3A_1297 = arith.constant 1 : i32
      %eq3A_1298 = vector.broadcast %eq3A_1297 : i32 to vector<16xi32>
      %eq3A_1299 = arith.cmpi eq, %shift_right_arithmetic3A_1289, %eq3A_1298 : vector<16xi32>
      %select_n3A_1300 = arith.select %eq3A_1299, %select_n3A_1285, %select_n3A_685 : vector<16xi1>, vector<16xf32>
      %eq3A_1301 = arith.constant 1 : i32
      %eq3A_1302 = vector.broadcast %eq3A_1301 : i32 to vector<16xi32>
      %eq3A_1303 = arith.cmpi eq, %shift_right_arithmetic3A_1289, %eq3A_1302 : vector<16xi32>
      %select_n3A_1304 = arith.select %eq3A_1303, %select_n3A_1286, %select_n3A_686 : vector<16xi1>, vector<16xi32>
      %eq3A_1305 = arith.constant 2 : i32
      %eq3A_1306 = vector.broadcast %eq3A_1305 : i32 to vector<16xi32>
      %eq3A_1307 = arith.cmpi eq, %shift_right_arithmetic3A_1289, %eq3A_1306 : vector<16xi32>
      %select_n3A_1308 = arith.select %eq3A_1307, %select_n3A_1285, %select_n3A_890 : vector<16xi1>, vector<16xf32>
      %eq3A_1309 = arith.constant 2 : i32
      %eq3A_1310 = vector.broadcast %eq3A_1309 : i32 to vector<16xi32>
      %eq3A_1311 = arith.cmpi eq, %shift_right_arithmetic3A_1289, %eq3A_1310 : vector<16xi32>
      %select_n3A_1312 = arith.select %eq3A_1311, %select_n3A_1286, %select_n3A_891 : vector<16xi1>, vector<16xi32>
      %eq3A_1313 = arith.constant 3 : i32
      %eq3A_1314 = vector.broadcast %eq3A_1313 : i32 to vector<16xi32>
      %eq3A_1315 = arith.cmpi eq, %shift_right_arithmetic3A_1289, %eq3A_1314 : vector<16xi32>
      %select_n3A_1316 = arith.select %eq3A_1315, %select_n3A_1285, %select_n3A_1095 : vector<16xi1>, vector<16xf32>
      %eq3A_1317 = arith.constant 3 : i32
      %eq3A_1318 = vector.broadcast %eq3A_1317 : i32 to vector<16xi32>
      %eq3A_1319 = arith.cmpi eq, %shift_right_arithmetic3A_1289, %eq3A_1318 : vector<16xi32>
      %select_n3A_1320 = arith.select %eq3A_1319, %select_n3A_1286, %select_n3A_1096 : vector<16xi1>, vector<16xi32>
      %ge3A_1321 = arith.cmpf oge, %select_n3A_1292, %select_n3A_1300 : vector<16xf32>
      %select_n3A_1322 = arith.select %ge3A_1321, %select_n3A_1292, %select_n3A_1300 : vector<16xi1>, vector<16xf32>
      %select_n3A_1323 = arith.select %ge3A_1321, %select_n3A_1296, %select_n3A_1304 : vector<16xi1>, vector<16xi32>
      %ge3A_1324 = arith.cmpf oge, %select_n3A_1308, %select_n3A_1316 : vector<16xf32>
      %select_n3A_1325 = arith.select %ge3A_1324, %select_n3A_1308, %select_n3A_1316 : vector<16xi1>, vector<16xf32>
      %select_n3A_1326 = arith.select %ge3A_1324, %select_n3A_1312, %select_n3A_1320 : vector<16xi1>, vector<16xi32>
      %ge3A_1327 = arith.cmpf oge, %select_n3A_1322, %select_n3A_1325 : vector<16xf32>
      %select_n3A_1328 = arith.select %ge3A_1327, %select_n3A_1322, %select_n3A_1325 : vector<16xi1>, vector<16xf32>
      %select_n3A_1329 = arith.select %ge3A_1327, %select_n3A_1323, %select_n3A_1326 : vector<16xi1>, vector<16xi32>
      %shift_right_arithmetic3A_1330 = arith.constant 3 : i32
      %shift_right_arithmetic3A_1331 = vector.broadcast %shift_right_arithmetic3A_1330 : i32 to vector<16xi32>
      %shift_right_arithmetic3A_1332 = arith.shrsi %select_n3A_1329, %shift_right_arithmetic3A_1331 : vector<16xi32>
      %mul3A_1333 = arith.constant 8192 : i32
      %mul3A_1334 = vector.broadcast %mul3A_1333 : i32 to vector<16xi32>
      %mul3A_1335 = arith.muli %shift_right_arithmetic3A_1332, %mul3A_1334 : vector<16xi32>
      %and3A_1336 = arith.constant 7 : i32
      %and3A_1337 = vector.broadcast %and3A_1336 : i32 to vector<16xi32>
      %and3A_1338 = arith.andi %select_n3A_1329, %and3A_1337 : vector<16xi32>
      %mul3A_1339 = arith.constant 128 : i32
      %mul3A_1340 = vector.broadcast %mul3A_1339 : i32 to vector<16xi32>
      %mul3A_1341 = arith.muli %and3A_1338, %mul3A_1340 : vector<16xi32>
      %add3A_1342 = arith.addi %mul3A_1335, %mul3A_1341 : vector<16xi32>
      %add3A_1343 = vector.broadcast %add3A_279 : i32 to vector<16xi32>
      %add3A_1344 = arith.addi %add3A_1342, %add3A_1343 : vector<16xi32>
      %add3A_1345 = arith.addi %add3A_1344, %iota3A : vector<16xi32>
      tpu.vector_store_idx %arg6[%add3A_1345], %broadcast_in_dim3A_1 : memref<65536xf32, #tpu.memory_space<vmem>>[vector<16xi32>], vector<16xf32>,
      %and3A_1346 = arith.constant -16 : i32
      %and3A_1347 = vector.broadcast %and3A_1346 : i32 to vector<16xi32>
      %and3A_1348 = arith.andi %select_n3A_1329, %and3A_1347 : vector<16xi32>
      %mul3A_1349 = arith.constant 1024 : i32
      %mul3A_1350 = vector.broadcast %mul3A_1349 : i32 to vector<16xi32>
      %mul3A_1351 = arith.muli %and3A_1348, %mul3A_1350 : vector<16xi32>
      %add3A_1352 = vector.broadcast %add3A_279 : i32 to vector<16xi32>
      %add3A_1353 = arith.addi %mul3A_1351, %add3A_1352 : vector<16xi32>
      %add3A_1354 = arith.addi %add3A_1353, %iota3A : vector<16xi32>
      %add3A_1355 = arith.constant 0 : i32
      %add3A_1356 = vector.broadcast %add3A_1355 : i32 to vector<16xi32>
      %add3A_1357 = arith.addi %add3A_1354, %add3A_1356 : vector<16xi32>
      %gather3A_1358 = tpu.vector_load_idx %arg6[%add3A_1357] : memref<65536xf32, #tpu.memory_space<vmem>>[vector<16xi32>], vector<16xf32>,
      %add3A_1359 = arith.constant 0 : i32
      %add3A_1360 = vector.broadcast %add3A_1359 : i32 to vector<16xi32>
      %add3A_1361 = arith.addi %and3A_1348, %add3A_1360 : vector<16xi32>
      %add3A_1362 = arith.constant 128 : i32
      %add3A_1363 = vector.broadcast %add3A_1362 : i32 to vector<16xi32>
      %add3A_1364 = arith.addi %add3A_1354, %add3A_1363 : vector<16xi32>
      %gather3A_1365 = tpu.vector_load_idx %arg6[%add3A_1364] : memref<65536xf32, #tpu.memory_space<vmem>>[vector<16xi32>], vector<16xf32>,
      %add3A_1366 = arith.constant 1 : i32
      %add3A_1367 = vector.broadcast %add3A_1366 : i32 to vector<16xi32>
      %add3A_1368 = arith.addi %and3A_1348, %add3A_1367 : vector<16xi32>
      %add3A_1369 = arith.constant 256 : i32
      %add3A_1370 = vector.broadcast %add3A_1369 : i32 to vector<16xi32>
      %add3A_1371 = arith.addi %add3A_1354, %add3A_1370 : vector<16xi32>
      %gather3A_1372 = tpu.vector_load_idx %arg6[%add3A_1371] : memref<65536xf32, #tpu.memory_space<vmem>>[vector<16xi32>], vector<16xf32>,
      %add3A_1373 = arith.constant 2 : i32
      %add3A_1374 = vector.broadcast %add3A_1373 : i32 to vector<16xi32>
      %add3A_1375 = arith.addi %and3A_1348, %add3A_1374 : vector<16xi32>
      %add3A_1376 = arith.constant 384 : i32
      %add3A_1377 = vector.broadcast %add3A_1376 : i32 to vector<16xi32>
      %add3A_1378 = arith.addi %add3A_1354, %add3A_1377 : vector<16xi32>
      %gather3A_1379 = tpu.vector_load_idx %arg6[%add3A_1378] : memref<65536xf32, #tpu.memory_space<vmem>>[vector<16xi32>], vector<16xf32>,
      %add3A_1380 = arith.constant 3 : i32
      %add3A_1381 = vector.broadcast %add3A_1380 : i32 to vector<16xi32>
      %add3A_1382 = arith.addi %and3A_1348, %add3A_1381 : vector<16xi32>
      %add3A_1383 = arith.constant 512 : i32
      %add3A_1384 = vector.broadcast %add3A_1383 : i32 to vector<16xi32>
      %add3A_1385 = arith.addi %add3A_1354, %add3A_1384 : vector<16xi32>
      %gather3A_1386 = tpu.vector_load_idx %arg6[%add3A_1385] : memref<65536xf32, #tpu.memory_space<vmem>>[vector<16xi32>], vector<16xf32>,
      %add3A_1387 = arith.constant 4 : i32
      %add3A_1388 = vector.broadcast %add3A_1387 : i32 to vector<16xi32>
      %add3A_1389 = arith.addi %and3A_1348, %add3A_1388 : vector<16xi32>
      %add3A_1390 = arith.constant 640 : i32
      %add3A_1391 = vector.broadcast %add3A_1390 : i32 to vector<16xi32>
      %add3A_1392 = arith.addi %add3A_1354, %add3A_1391 : vector<16xi32>
      %gather3A_1393 = tpu.vector_load_idx %arg6[%add3A_1392] : memref<65536xf32, #tpu.memory_space<vmem>>[vector<16xi32>], vector<16xf32>,
      %add3A_1394 = arith.constant 5 : i32
      %add3A_1395 = vector.broadcast %add3A_1394 : i32 to vector<16xi32>
      %add3A_1396 = arith.addi %and3A_1348, %add3A_1395 : vector<16xi32>
      %add3A_1397 = arith.constant 768 : i32
      %add3A_1398 = vector.broadcast %add3A_1397 : i32 to vector<16xi32>
      %add3A_1399 = arith.addi %add3A_1354, %add3A_1398 : vector<16xi32>
      %gather3A_1400 = tpu.vector_load_idx %arg6[%add3A_1399] : memref<65536xf32, #tpu.memory_space<vmem>>[vector<16xi32>], vector<16xf32>,
      %add3A_1401 = arith.constant 6 : i32
      %add3A_1402 = vector.broadcast %add3A_1401 : i32 to vector<16xi32>
      %add3A_1403 = arith.addi %and3A_1348, %add3A_1402 : vector<16xi32>
      %add3A_1404 = arith.constant 896 : i32
      %add3A_1405 = vector.broadcast %add3A_1404 : i32 to vector<16xi32>
      %add3A_1406 = arith.addi %add3A_1354, %add3A_1405 : vector<16xi32>
      %gather3A_1407 = tpu.vector_load_idx %arg6[%add3A_1406] : memref<65536xf32, #tpu.memory_space<vmem>>[vector<16xi32>], vector<16xf32>,
      %add3A_1408 = arith.constant 7 : i32
      %add3A_1409 = vector.broadcast %add3A_1408 : i32 to vector<16xi32>
      %add3A_1410 = arith.addi %and3A_1348, %add3A_1409 : vector<16xi32>
      %add3A_1411 = arith.constant 8192 : i32
      %add3A_1412 = vector.broadcast %add3A_1411 : i32 to vector<16xi32>
      %add3A_1413 = arith.addi %add3A_1354, %add3A_1412 : vector<16xi32>
      %gather3A_1414 = tpu.vector_load_idx %arg6[%add3A_1413] : memref<65536xf32, #tpu.memory_space<vmem>>[vector<16xi32>], vector<16xf32>,
      %add3A_1415 = arith.constant 8 : i32
      %add3A_1416 = vector.broadcast %add3A_1415 : i32 to vector<16xi32>
      %add3A_1417 = arith.addi %and3A_1348, %add3A_1416 : vector<16xi32>
      %add3A_1418 = arith.constant 8320 : i32
      %add3A_1419 = vector.broadcast %add3A_1418 : i32 to vector<16xi32>
      %add3A_1420 = arith.addi %add3A_1354, %add3A_1419 : vector<16xi32>
      %gather3A_1421 = tpu.vector_load_idx %arg6[%add3A_1420] : memref<65536xf32, #tpu.memory_space<vmem>>[vector<16xi32>], vector<16xf32>,
      %add3A_1422 = arith.constant 9 : i32
      %add3A_1423 = vector.broadcast %add3A_1422 : i32 to vector<16xi32>
      %add3A_1424 = arith.addi %and3A_1348, %add3A_1423 : vector<16xi32>
      %add3A_1425 = arith.constant 8448 : i32
      %add3A_1426 = vector.broadcast %add3A_1425 : i32 to vector<16xi32>
      %add3A_1427 = arith.addi %add3A_1354, %add3A_1426 : vector<16xi32>
      %gather3A_1428 = tpu.vector_load_idx %arg6[%add3A_1427] : memref<65536xf32, #tpu.memory_space<vmem>>[vector<16xi32>], vector<16xf32>,
      %add3A_1429 = arith.constant 10 : i32
      %add3A_1430 = vector.broadcast %add3A_1429 : i32 to vector<16xi32>
      %add3A_1431 = arith.addi %and3A_1348, %add3A_1430 : vector<16xi32>
      %add3A_1432 = arith.constant 8576 : i32
      %add3A_1433 = vector.broadcast %add3A_1432 : i32 to vector<16xi32>
      %add3A_1434 = arith.addi %add3A_1354, %add3A_1433 : vector<16xi32>
      %gather3A_1435 = tpu.vector_load_idx %arg6[%add3A_1434] : memref<65536xf32, #tpu.memory_space<vmem>>[vector<16xi32>], vector<16xf32>,
      %add3A_1436 = arith.constant 11 : i32
      %add3A_1437 = vector.broadcast %add3A_1436 : i32 to vector<16xi32>
      %add3A_1438 = arith.addi %and3A_1348, %add3A_1437 : vector<16xi32>
      %add3A_1439 = arith.constant 8704 : i32
      %add3A_1440 = vector.broadcast %add3A_1439 : i32 to vector<16xi32>
      %add3A_1441 = arith.addi %add3A_1354, %add3A_1440 : vector<16xi32>
      %gather3A_1442 = tpu.vector_load_idx %arg6[%add3A_1441] : memref<65536xf32, #tpu.memory_space<vmem>>[vector<16xi32>], vector<16xf32>,
      %add3A_1443 = arith.constant 12 : i32
      %add3A_1444 = vector.broadcast %add3A_1443 : i32 to vector<16xi32>
      %add3A_1445 = arith.addi %and3A_1348, %add3A_1444 : vector<16xi32>
      %add3A_1446 = arith.constant 8832 : i32
      %add3A_1447 = vector.broadcast %add3A_1446 : i32 to vector<16xi32>
      %add3A_1448 = arith.addi %add3A_1354, %add3A_1447 : vector<16xi32>
      %gather3A_1449 = tpu.vector_load_idx %arg6[%add3A_1448] : memref<65536xf32, #tpu.memory_space<vmem>>[vector<16xi32>], vector<16xf32>,
      %add3A_1450 = arith.constant 13 : i32
      %add3A_1451 = vector.broadcast %add3A_1450 : i32 to vector<16xi32>
      %add3A_1452 = arith.addi %and3A_1348, %add3A_1451 : vector<16xi32>
      %add3A_1453 = arith.constant 8960 : i32
      %add3A_1454 = vector.broadcast %add3A_1453 : i32 to vector<16xi32>
      %add3A_1455 = arith.addi %add3A_1354, %add3A_1454 : vector<16xi32>
      %gather3A_1456 = tpu.vector_load_idx %arg6[%add3A_1455] : memref<65536xf32, #tpu.memory_space<vmem>>[vector<16xi32>], vector<16xf32>,
      %add3A_1457 = arith.constant 14 : i32
      %add3A_1458 = vector.broadcast %add3A_1457 : i32 to vector<16xi32>
      %add3A_1459 = arith.addi %and3A_1348, %add3A_1458 : vector<16xi32>
      %add3A_1460 = arith.constant 9088 : i32
      %add3A_1461 = vector.broadcast %add3A_1460 : i32 to vector<16xi32>
      %add3A_1462 = arith.addi %add3A_1354, %add3A_1461 : vector<16xi32>
      %gather3A_1463 = tpu.vector_load_idx %arg6[%add3A_1462] : memref<65536xf32, #tpu.memory_space<vmem>>[vector<16xi32>], vector<16xf32>,
      %add3A_1464 = arith.constant 15 : i32
      %add3A_1465 = vector.broadcast %add3A_1464 : i32 to vector<16xi32>
      %add3A_1466 = arith.addi %and3A_1348, %add3A_1465 : vector<16xi32>
      %ge3A_1467 = arith.cmpf oge, %gather3A_1358, %gather3A_1365 : vector<16xf32>
      %select_n3A_1468 = arith.select %ge3A_1467, %gather3A_1358, %gather3A_1365 : vector<16xi1>, vector<16xf32>
      %select_n3A_1469 = arith.select %ge3A_1467, %add3A_1361, %add3A_1368 : vector<16xi1>, vector<16xi32>
      %ge3A_1470 = arith.cmpf oge, %gather3A_1372, %gather3A_1379 : vector<16xf32>
      %select_n3A_1471 = arith.select %ge3A_1470, %gather3A_1372, %gather3A_1379 : vector<16xi1>, vector<16xf32>
      %select_n3A_1472 = arith.select %ge3A_1470, %add3A_1375, %add3A_1382 : vector<16xi1>, vector<16xi32>
      %ge3A_1473 = arith.cmpf oge, %gather3A_1386, %gather3A_1393 : vector<16xf32>
      %select_n3A_1474 = arith.select %ge3A_1473, %gather3A_1386, %gather3A_1393 : vector<16xi1>, vector<16xf32>
      %select_n3A_1475 = arith.select %ge3A_1473, %add3A_1389, %add3A_1396 : vector<16xi1>, vector<16xi32>
      %ge3A_1476 = arith.cmpf oge, %gather3A_1400, %gather3A_1407 : vector<16xf32>
      %select_n3A_1477 = arith.select %ge3A_1476, %gather3A_1400, %gather3A_1407 : vector<16xi1>, vector<16xf32>
      %select_n3A_1478 = arith.select %ge3A_1476, %add3A_1403, %add3A_1410 : vector<16xi1>, vector<16xi32>
      %ge3A_1479 = arith.cmpf oge, %gather3A_1414, %gather3A_1421 : vector<16xf32>
      %select_n3A_1480 = arith.select %ge3A_1479, %gather3A_1414, %gather3A_1421 : vector<16xi1>, vector<16xf32>
      %select_n3A_1481 = arith.select %ge3A_1479, %add3A_1417, %add3A_1424 : vector<16xi1>, vector<16xi32>
      %ge3A_1482 = arith.cmpf oge, %gather3A_1428, %gather3A_1435 : vector<16xf32>
      %select_n3A_1483 = arith.select %ge3A_1482, %gather3A_1428, %gather3A_1435 : vector<16xi1>, vector<16xf32>
      %select_n3A_1484 = arith.select %ge3A_1482, %add3A_1431, %add3A_1438 : vector<16xi1>, vector<16xi32>
      %ge3A_1485 = arith.cmpf oge, %gather3A_1442, %gather3A_1449 : vector<16xf32>
      %select_n3A_1486 = arith.select %ge3A_1485, %gather3A_1442, %gather3A_1449 : vector<16xi1>, vector<16xf32>
      %select_n3A_1487 = arith.select %ge3A_1485, %add3A_1445, %add3A_1452 : vector<16xi1>, vector<16xi32>
      %ge3A_1488 = arith.cmpf oge, %gather3A_1456, %gather3A_1463 : vector<16xf32>
      %select_n3A_1489 = arith.select %ge3A_1488, %gather3A_1456, %gather3A_1463 : vector<16xi1>, vector<16xf32>
      %select_n3A_1490 = arith.select %ge3A_1488, %add3A_1459, %add3A_1466 : vector<16xi1>, vector<16xi32>
      %ge3A_1491 = arith.cmpf oge, %select_n3A_1468, %select_n3A_1471 : vector<16xf32>
      %select_n3A_1492 = arith.select %ge3A_1491, %select_n3A_1468, %select_n3A_1471 : vector<16xi1>, vector<16xf32>
      %select_n3A_1493 = arith.select %ge3A_1491, %select_n3A_1469, %select_n3A_1472 : vector<16xi1>, vector<16xi32>
      %ge3A_1494 = arith.cmpf oge, %select_n3A_1474, %select_n3A_1477 : vector<16xf32>
      %select_n3A_1495 = arith.select %ge3A_1494, %select_n3A_1474, %select_n3A_1477 : vector<16xi1>, vector<16xf32>
      %select_n3A_1496 = arith.select %ge3A_1494, %select_n3A_1475, %select_n3A_1478 : vector<16xi1>, vector<16xi32>
      %ge3A_1497 = arith.cmpf oge, %select_n3A_1480, %select_n3A_1483 : vector<16xf32>
      %select_n3A_1498 = arith.select %ge3A_1497, %select_n3A_1480, %select_n3A_1483 : vector<16xi1>, vector<16xf32>
      %select_n3A_1499 = arith.select %ge3A_1497, %select_n3A_1481, %select_n3A_1484 : vector<16xi1>, vector<16xi32>
      %ge3A_1500 = arith.cmpf oge, %select_n3A_1486, %select_n3A_1489 : vector<16xf32>
      %select_n3A_1501 = arith.select %ge3A_1500, %select_n3A_1486, %select_n3A_1489 : vector<16xi1>, vector<16xf32>
      %select_n3A_1502 = arith.select %ge3A_1500, %select_n3A_1487, %select_n3A_1490 : vector<16xi1>, vector<16xi32>
      %ge3A_1503 = arith.cmpf oge, %select_n3A_1492, %select_n3A_1495 : vector<16xf32>
      %select_n3A_1504 = arith.select %ge3A_1503, %select_n3A_1492, %select_n3A_1495 : vector<16xi1>, vector<16xf32>
      %select_n3A_1505 = arith.select %ge3A_1503, %select_n3A_1493, %select_n3A_1496 : vector<16xi1>, vector<16xi32>
      %ge3A_1506 = arith.cmpf oge, %select_n3A_1498, %select_n3A_1501 : vector<16xf32>
      %select_n3A_1507 = arith.select %ge3A_1506, %select_n3A_1498, %select_n3A_1501 : vector<16xi1>, vector<16xf32>
      %select_n3A_1508 = arith.select %ge3A_1506, %select_n3A_1499, %select_n3A_1502 : vector<16xi1>, vector<16xi32>
      %ge3A_1509 = arith.cmpf oge, %select_n3A_1504, %select_n3A_1507 : vector<16xf32>
      %select_n3A_1510 = arith.select %ge3A_1509, %select_n3A_1504, %select_n3A_1507 : vector<16xi1>, vector<16xf32>
      %select_n3A_1511 = arith.select %ge3A_1509, %select_n3A_1505, %select_n3A_1508 : vector<16xi1>, vector<16xi32>
      %shift_right_arithmetic3A_1512 = arith.constant 4 : i32
      %shift_right_arithmetic3A_1513 = vector.broadcast %shift_right_arithmetic3A_1512 : i32 to vector<16xi32>
      %shift_right_arithmetic3A_1514 = arith.shrsi %select_n3A_1329, %shift_right_arithmetic3A_1513 : vector<16xi32>
      %eq3A_1515 = arith.constant 0 : i32
      %eq3A_1516 = vector.broadcast %eq3A_1515 : i32 to vector<16xi32>
      %eq3A_1517 = arith.cmpi eq, %shift_right_arithmetic3A_1514, %eq3A_1516 : vector<16xi32>
      %select_n3A_1518 = arith.select %eq3A_1517, %select_n3A_1510, %select_n3A_1292 : vector<16xi1>, vector<16xf32>
      %eq3A_1519 = arith.constant 0 : i32
      %eq3A_1520 = vector.broadcast %eq3A_1519 : i32 to vector<16xi32>
      %eq3A_1521 = arith.cmpi eq, %shift_right_arithmetic3A_1514, %eq3A_1520 : vector<16xi32>
      %select_n3A_1522 = arith.select %eq3A_1521, %select_n3A_1511, %select_n3A_1296 : vector<16xi1>, vector<16xi32>
      %eq3A_1523 = arith.constant 1 : i32
      %eq3A_1524 = vector.broadcast %eq3A_1523 : i32 to vector<16xi32>
      %eq3A_1525 = arith.cmpi eq, %shift_right_arithmetic3A_1514, %eq3A_1524 : vector<16xi32>
      %select_n3A_1526 = arith.select %eq3A_1525, %select_n3A_1510, %select_n3A_1300 : vector<16xi1>, vector<16xf32>
      %eq3A_1527 = arith.constant 1 : i32
      %eq3A_1528 = vector.broadcast %eq3A_1527 : i32 to vector<16xi32>
      %eq3A_1529 = arith.cmpi eq, %shift_right_arithmetic3A_1514, %eq3A_1528 : vector<16xi32>
      %select_n3A_1530 = arith.select %eq3A_1529, %select_n3A_1511, %select_n3A_1304 : vector<16xi1>, vector<16xi32>
      %eq3A_1531 = arith.constant 2 : i32
      %eq3A_1532 = vector.broadcast %eq3A_1531 : i32 to vector<16xi32>
      %eq3A_1533 = arith.cmpi eq, %shift_right_arithmetic3A_1514, %eq3A_1532 : vector<16xi32>
      %select_n3A_1534 = arith.select %eq3A_1533, %select_n3A_1510, %select_n3A_1308 : vector<16xi1>, vector<16xf32>
      %eq3A_1535 = arith.constant 2 : i32
      %eq3A_1536 = vector.broadcast %eq3A_1535 : i32 to vector<16xi32>
      %eq3A_1537 = arith.cmpi eq, %shift_right_arithmetic3A_1514, %eq3A_1536 : vector<16xi32>
      %select_n3A_1538 = arith.select %eq3A_1537, %select_n3A_1511, %select_n3A_1312 : vector<16xi1>, vector<16xi32>
      %eq3A_1539 = arith.constant 3 : i32
      %eq3A_1540 = vector.broadcast %eq3A_1539 : i32 to vector<16xi32>
      %eq3A_1541 = arith.cmpi eq, %shift_right_arithmetic3A_1514, %eq3A_1540 : vector<16xi32>
      %select_n3A_1542 = arith.select %eq3A_1541, %select_n3A_1510, %select_n3A_1316 : vector<16xi1>, vector<16xf32>
      %eq3A_1543 = arith.constant 3 : i32
      %eq3A_1544 = vector.broadcast %eq3A_1543 : i32 to vector<16xi32>
      %eq3A_1545 = arith.cmpi eq, %shift_right_arithmetic3A_1514, %eq3A_1544 : vector<16xi32>
      %select_n3A_1546 = arith.select %eq3A_1545, %select_n3A_1511, %select_n3A_1320 : vector<16xi1>, vector<16xi32>
      %ge3A_1547 = arith.cmpf oge, %select_n3A_1518, %select_n3A_1526 : vector<16xf32>
      %select_n3A_1548 = arith.select %ge3A_1547, %select_n3A_1518, %select_n3A_1526 : vector<16xi1>, vector<16xf32>
      %select_n3A_1549 = arith.select %ge3A_1547, %select_n3A_1522, %select_n3A_1530 : vector<16xi1>, vector<16xi32>
      %ge3A_1550 = arith.cmpf oge, %select_n3A_1534, %select_n3A_1542 : vector<16xf32>
      %select_n3A_1551 = arith.select %ge3A_1550, %select_n3A_1534, %select_n3A_1542 : vector<16xi1>, vector<16xf32>
      %select_n3A_1552 = arith.select %ge3A_1550, %select_n3A_1538, %select_n3A_1546 : vector<16xi1>, vector<16xi32>
      %ge3A_1553 = arith.cmpf oge, %select_n3A_1548, %select_n3A_1551 : vector<16xf32>
      %select_n3A_1554 = arith.select %ge3A_1553, %select_n3A_1548, %select_n3A_1551 : vector<16xi1>, vector<16xf32>
      %select_n3A_1555 = arith.select %ge3A_1553, %select_n3A_1549, %select_n3A_1552 : vector<16xi1>, vector<16xi32>
      %shift_right_arithmetic3A_1556 = arith.constant 3 : i32
      %shift_right_arithmetic3A_1557 = vector.broadcast %shift_right_arithmetic3A_1556 : i32 to vector<16xi32>
      %shift_right_arithmetic3A_1558 = arith.shrsi %select_n3A_1555, %shift_right_arithmetic3A_1557 : vector<16xi32>
      %mul3A_1559 = arith.constant 8192 : i32
      %mul3A_1560 = vector.broadcast %mul3A_1559 : i32 to vector<16xi32>
      %mul3A_1561 = arith.muli %shift_right_arithmetic3A_1558, %mul3A_1560 : vector<16xi32>
      %and3A_1562 = arith.constant 7 : i32
      %and3A_1563 = vector.broadcast %and3A_1562 : i32 to vector<16xi32>
      %and3A_1564 = arith.andi %select_n3A_1555, %and3A_1563 : vector<16xi32>
      %mul3A_1565 = arith.constant 128 : i32
      %mul3A_1566 = vector.broadcast %mul3A_1565 : i32 to vector<16xi32>
      %mul3A_1567 = arith.muli %and3A_1564, %mul3A_1566 : vector<16xi32>
      %add3A_1568 = arith.addi %mul3A_1561, %mul3A_1567 : vector<16xi32>
      %add3A_1569 = vector.broadcast %add3A_279 : i32 to vector<16xi32>
      %add3A_1570 = arith.addi %add3A_1568, %add3A_1569 : vector<16xi32>
      %add3A_1571 = arith.addi %add3A_1570, %iota3A : vector<16xi32>
      tpu.vector_store_idx %arg6[%add3A_1571], %broadcast_in_dim3A_1 : memref<65536xf32, #tpu.memory_space<vmem>>[vector<16xi32>], vector<16xf32>,
      %and3A_1572 = arith.constant -16 : i32
      %and3A_1573 = vector.broadcast %and3A_1572 : i32 to vector<16xi32>
      %and3A_1574 = arith.andi %select_n3A_1555, %and3A_1573 : vector<16xi32>
      %mul3A_1575 = arith.constant 1024 : i32
      %mul3A_1576 = vector.broadcast %mul3A_1575 : i32 to vector<16xi32>
      %mul3A_1577 = arith.muli %and3A_1574, %mul3A_1576 : vector<16xi32>
      %add3A_1578 = vector.broadcast %add3A_279 : i32 to vector<16xi32>
      %add3A_1579 = arith.addi %mul3A_1577, %add3A_1578 : vector<16xi32>
      %add3A_1580 = arith.addi %add3A_1579, %iota3A : vector<16xi32>
      %add3A_1581 = arith.constant 0 : i32
      %add3A_1582 = vector.broadcast %add3A_1581 : i32 to vector<16xi32>
      %add3A_1583 = arith.addi %add3A_1580, %add3A_1582 : vector<16xi32>
      %gather3A_1584 = tpu.vector_load_idx %arg6[%add3A_1583] : memref<65536xf32, #tpu.memory_space<vmem>>[vector<16xi32>], vector<16xf32>,
      %add3A_1585 = arith.constant 0 : i32
      %add3A_1586 = vector.broadcast %add3A_1585 : i32 to vector<16xi32>
      %add3A_1587 = arith.addi %and3A_1574, %add3A_1586 : vector<16xi32>
      %add3A_1588 = arith.constant 128 : i32
      %add3A_1589 = vector.broadcast %add3A_1588 : i32 to vector<16xi32>
      %add3A_1590 = arith.addi %add3A_1580, %add3A_1589 : vector<16xi32>
      %gather3A_1591 = tpu.vector_load_idx %arg6[%add3A_1590] : memref<65536xf32, #tpu.memory_space<vmem>>[vector<16xi32>], vector<16xf32>,
      %add3A_1592 = arith.constant 1 : i32
      %add3A_1593 = vector.broadcast %add3A_1592 : i32 to vector<16xi32>
      %add3A_1594 = arith.addi %and3A_1574, %add3A_1593 : vector<16xi32>
      %add3A_1595 = arith.constant 256 : i32
      %add3A_1596 = vector.broadcast %add3A_1595 : i32 to vector<16xi32>
      %add3A_1597 = arith.addi %add3A_1580, %add3A_1596 : vector<16xi32>
      %gather3A_1598 = tpu.vector_load_idx %arg6[%add3A_1597] : memref<65536xf32, #tpu.memory_space<vmem>>[vector<16xi32>], vector<16xf32>,
      %add3A_1599 = arith.constant 2 : i32
      %add3A_1600 = vector.broadcast %add3A_1599 : i32 to vector<16xi32>
      %add3A_1601 = arith.addi %and3A_1574, %add3A_1600 : vector<16xi32>
      %add3A_1602 = arith.constant 384 : i32
      %add3A_1603 = vector.broadcast %add3A_1602 : i32 to vector<16xi32>
      %add3A_1604 = arith.addi %add3A_1580, %add3A_1603 : vector<16xi32>
      %gather3A_1605 = tpu.vector_load_idx %arg6[%add3A_1604] : memref<65536xf32, #tpu.memory_space<vmem>>[vector<16xi32>], vector<16xf32>,
      %add3A_1606 = arith.constant 3 : i32
      %add3A_1607 = vector.broadcast %add3A_1606 : i32 to vector<16xi32>
      %add3A_1608 = arith.addi %and3A_1574, %add3A_1607 : vector<16xi32>
      %add3A_1609 = arith.constant 512 : i32
      %add3A_1610 = vector.broadcast %add3A_1609 : i32 to vector<16xi32>
      %add3A_1611 = arith.addi %add3A_1580, %add3A_1610 : vector<16xi32>
      %gather3A_1612 = tpu.vector_load_idx %arg6[%add3A_1611] : memref<65536xf32, #tpu.memory_space<vmem>>[vector<16xi32>], vector<16xf32>,
      %add3A_1613 = arith.constant 4 : i32
      %add3A_1614 = vector.broadcast %add3A_1613 : i32 to vector<16xi32>
      %add3A_1615 = arith.addi %and3A_1574, %add3A_1614 : vector<16xi32>
      %add3A_1616 = arith.constant 640 : i32
      %add3A_1617 = vector.broadcast %add3A_1616 : i32 to vector<16xi32>
      %add3A_1618 = arith.addi %add3A_1580, %add3A_1617 : vector<16xi32>
      %gather3A_1619 = tpu.vector_load_idx %arg6[%add3A_1618] : memref<65536xf32, #tpu.memory_space<vmem>>[vector<16xi32>], vector<16xf32>,
      %add3A_1620 = arith.constant 5 : i32
      %add3A_1621 = vector.broadcast %add3A_1620 : i32 to vector<16xi32>
      %add3A_1622 = arith.addi %and3A_1574, %add3A_1621 : vector<16xi32>
      %add3A_1623 = arith.constant 768 : i32
      %add3A_1624 = vector.broadcast %add3A_1623 : i32 to vector<16xi32>
      %add3A_1625 = arith.addi %add3A_1580, %add3A_1624 : vector<16xi32>
      %gather3A_1626 = tpu.vector_load_idx %arg6[%add3A_1625] : memref<65536xf32, #tpu.memory_space<vmem>>[vector<16xi32>], vector<16xf32>,
      %add3A_1627 = arith.constant 6 : i32
      %add3A_1628 = vector.broadcast %add3A_1627 : i32 to vector<16xi32>
      %add3A_1629 = arith.addi %and3A_1574, %add3A_1628 : vector<16xi32>
      %add3A_1630 = arith.constant 896 : i32
      %add3A_1631 = vector.broadcast %add3A_1630 : i32 to vector<16xi32>
      %add3A_1632 = arith.addi %add3A_1580, %add3A_1631 : vector<16xi32>
      %gather3A_1633 = tpu.vector_load_idx %arg6[%add3A_1632] : memref<65536xf32, #tpu.memory_space<vmem>>[vector<16xi32>], vector<16xf32>,
      %add3A_1634 = arith.constant 7 : i32
      %add3A_1635 = vector.broadcast %add3A_1634 : i32 to vector<16xi32>
      %add3A_1636 = arith.addi %and3A_1574, %add3A_1635 : vector<16xi32>
      %add3A_1637 = arith.constant 8192 : i32
      %add3A_1638 = vector.broadcast %add3A_1637 : i32 to vector<16xi32>
      %add3A_1639 = arith.addi %add3A_1580, %add3A_1638 : vector<16xi32>
      %gather3A_1640 = tpu.vector_load_idx %arg6[%add3A_1639] : memref<65536xf32, #tpu.memory_space<vmem>>[vector<16xi32>], vector<16xf32>,
      %add3A_1641 = arith.constant 8 : i32
      %add3A_1642 = vector.broadcast %add3A_1641 : i32 to vector<16xi32>
      %add3A_1643 = arith.addi %and3A_1574, %add3A_1642 : vector<16xi32>
      %add3A_1644 = arith.constant 8320 : i32
      %add3A_1645 = vector.broadcast %add3A_1644 : i32 to vector<16xi32>
      %add3A_1646 = arith.addi %add3A_1580, %add3A_1645 : vector<16xi32>
      %gather3A_1647 = tpu.vector_load_idx %arg6[%add3A_1646] : memref<65536xf32, #tpu.memory_space<vmem>>[vector<16xi32>], vector<16xf32>,
      %add3A_1648 = arith.constant 9 : i32
      %add3A_1649 = vector.broadcast %add3A_1648 : i32 to vector<16xi32>
      %add3A_1650 = arith.addi %and3A_1574, %add3A_1649 : vector<16xi32>
      %add3A_1651 = arith.constant 8448 : i32
      %add3A_1652 = vector.broadcast %add3A_1651 : i32 to vector<16xi32>
      %add3A_1653 = arith.addi %add3A_1580, %add3A_1652 : vector<16xi32>
      %gather3A_1654 = tpu.vector_load_idx %arg6[%add3A_1653] : memref<65536xf32, #tpu.memory_space<vmem>>[vector<16xi32>], vector<16xf32>,
      %add3A_1655 = arith.constant 10 : i32
      %add3A_1656 = vector.broadcast %add3A_1655 : i32 to vector<16xi32>
      %add3A_1657 = arith.addi %and3A_1574, %add3A_1656 : vector<16xi32>
      %add3A_1658 = arith.constant 8576 : i32
      %add3A_1659 = vector.broadcast %add3A_1658 : i32 to vector<16xi32>
      %add3A_1660 = arith.addi %add3A_1580, %add3A_1659 : vector<16xi32>
      %gather3A_1661 = tpu.vector_load_idx %arg6[%add3A_1660] : memref<65536xf32, #tpu.memory_space<vmem>>[vector<16xi32>], vector<16xf32>,
      %add3A_1662 = arith.constant 11 : i32
      %add3A_1663 = vector.broadcast %add3A_1662 : i32 to vector<16xi32>
      %add3A_1664 = arith.addi %and3A_1574, %add3A_1663 : vector<16xi32>
      %add3A_1665 = arith.constant 8704 : i32
      %add3A_1666 = vector.broadcast %add3A_1665 : i32 to vector<16xi32>
      %add3A_1667 = arith.addi %add3A_1580, %add3A_1666 : vector<16xi32>
      %gather3A_1668 = tpu.vector_load_idx %arg6[%add3A_1667] : memref<65536xf32, #tpu.memory_space<vmem>>[vector<16xi32>], vector<16xf32>,
      %add3A_1669 = arith.constant 12 : i32
      %add3A_1670 = vector.broadcast %add3A_1669 : i32 to vector<16xi32>
      %add3A_1671 = arith.addi %and3A_1574, %add3A_1670 : vector<16xi32>
      %add3A_1672 = arith.constant 8832 : i32
      %add3A_1673 = vector.broadcast %add3A_1672 : i32 to vector<16xi32>
      %add3A_1674 = arith.addi %add3A_1580, %add3A_1673 : vector<16xi32>
      %gather3A_1675 = tpu.vector_load_idx %arg6[%add3A_1674] : memref<65536xf32, #tpu.memory_space<vmem>>[vector<16xi32>], vector<16xf32>,
      %add3A_1676 = arith.constant 13 : i32
      %add3A_1677 = vector.broadcast %add3A_1676 : i32 to vector<16xi32>
      %add3A_1678 = arith.addi %and3A_1574, %add3A_1677 : vector<16xi32>
      %add3A_1679 = arith.constant 8960 : i32
      %add3A_1680 = vector.broadcast %add3A_1679 : i32 to vector<16xi32>
      %add3A_1681 = arith.addi %add3A_1580, %add3A_1680 : vector<16xi32>
      %gather3A_1682 = tpu.vector_load_idx %arg6[%add3A_1681] : memref<65536xf32, #tpu.memory_space<vmem>>[vector<16xi32>], vector<16xf32>,
      %add3A_1683 = arith.constant 14 : i32
      %add3A_1684 = vector.broadcast %add3A_1683 : i32 to vector<16xi32>
      %add3A_1685 = arith.addi %and3A_1574, %add3A_1684 : vector<16xi32>
      %add3A_1686 = arith.constant 9088 : i32
      %add3A_1687 = vector.broadcast %add3A_1686 : i32 to vector<16xi32>
      %add3A_1688 = arith.addi %add3A_1580, %add3A_1687 : vector<16xi32>
      %gather3A_1689 = tpu.vector_load_idx %arg6[%add3A_1688] : memref<65536xf32, #tpu.memory_space<vmem>>[vector<16xi32>], vector<16xf32>,
      %add3A_1690 = arith.constant 15 : i32
      %add3A_1691 = vector.broadcast %add3A_1690 : i32 to vector<16xi32>
      %add3A_1692 = arith.addi %and3A_1574, %add3A_1691 : vector<16xi32>
      %ge3A_1693 = arith.cmpf oge, %gather3A_1584, %gather3A_1591 : vector<16xf32>
      %select_n3A_1694 = arith.select %ge3A_1693, %gather3A_1584, %gather3A_1591 : vector<16xi1>, vector<16xf32>
      %select_n3A_1695 = arith.select %ge3A_1693, %add3A_1587, %add3A_1594 : vector<16xi1>, vector<16xi32>
      %ge3A_1696 = arith.cmpf oge, %gather3A_1598, %gather3A_1605 : vector<16xf32>
      %select_n3A_1697 = arith.select %ge3A_1696, %gather3A_1598, %gather3A_1605 : vector<16xi1>, vector<16xf32>
      %select_n3A_1698 = arith.select %ge3A_1696, %add3A_1601, %add3A_1608 : vector<16xi1>, vector<16xi32>
      %ge3A_1699 = arith.cmpf oge, %gather3A_1612, %gather3A_1619 : vector<16xf32>
      %select_n3A_1700 = arith.select %ge3A_1699, %gather3A_1612, %gather3A_1619 : vector<16xi1>, vector<16xf32>
      %select_n3A_1701 = arith.select %ge3A_1699, %add3A_1615, %add3A_1622 : vector<16xi1>, vector<16xi32>
      %ge3A_1702 = arith.cmpf oge, %gather3A_1626, %gather3A_1633 : vector<16xf32>
      %select_n3A_1703 = arith.select %ge3A_1702, %gather3A_1626, %gather3A_1633 : vector<16xi1>, vector<16xf32>
      %select_n3A_1704 = arith.select %ge3A_1702, %add3A_1629, %add3A_1636 : vector<16xi1>, vector<16xi32>
      %ge3A_1705 = arith.cmpf oge, %gather3A_1640, %gather3A_1647 : vector<16xf32>
      %select_n3A_1706 = arith.select %ge3A_1705, %gather3A_1640, %gather3A_1647 : vector<16xi1>, vector<16xf32>
      %select_n3A_1707 = arith.select %ge3A_1705, %add3A_1643, %add3A_1650 : vector<16xi1>, vector<16xi32>
      %ge3A_1708 = arith.cmpf oge, %gather3A_1654, %gather3A_1661 : vector<16xf32>
      %select_n3A_1709 = arith.select %ge3A_1708, %gather3A_1654, %gather3A_1661 : vector<16xi1>, vector<16xf32>
      %select_n3A_1710 = arith.select %ge3A_1708, %add3A_1657, %add3A_1664 : vector<16xi1>, vector<16xi32>
      %ge3A_1711 = arith.cmpf oge, %gather3A_1668, %gather3A_1675 : vector<16xf32>
      %select_n3A_1712 = arith.select %ge3A_1711, %gather3A_1668, %gather3A_1675 : vector<16xi1>, vector<16xf32>
      %select_n3A_1713 = arith.select %ge3A_1711, %add3A_1671, %add3A_1678 : vector<16xi1>, vector<16xi32>
      %ge3A_1714 = arith.cmpf oge, %gather3A_1682, %gather3A_1689 : vector<16xf32>
      %select_n3A_1715 = arith.select %ge3A_1714, %gather3A_1682, %gather3A_1689 : vector<16xi1>, vector<16xf32>
      %select_n3A_1716 = arith.select %ge3A_1714, %add3A_1685, %add3A_1692 : vector<16xi1>, vector<16xi32>
      %ge3A_1717 = arith.cmpf oge, %select_n3A_1694, %select_n3A_1697 : vector<16xf32>
      %select_n3A_1718 = arith.select %ge3A_1717, %select_n3A_1694, %select_n3A_1697 : vector<16xi1>, vector<16xf32>
      %select_n3A_1719 = arith.select %ge3A_1717, %select_n3A_1695, %select_n3A_1698 : vector<16xi1>, vector<16xi32>
      %ge3A_1720 = arith.cmpf oge, %select_n3A_1700, %select_n3A_1703 : vector<16xf32>
      %select_n3A_1721 = arith.select %ge3A_1720, %select_n3A_1700, %select_n3A_1703 : vector<16xi1>, vector<16xf32>
      %select_n3A_1722 = arith.select %ge3A_1720, %select_n3A_1701, %select_n3A_1704 : vector<16xi1>, vector<16xi32>
      %ge3A_1723 = arith.cmpf oge, %select_n3A_1706, %select_n3A_1709 : vector<16xf32>
      %select_n3A_1724 = arith.select %ge3A_1723, %select_n3A_1706, %select_n3A_1709 : vector<16xi1>, vector<16xf32>
      %select_n3A_1725 = arith.select %ge3A_1723, %select_n3A_1707, %select_n3A_1710 : vector<16xi1>, vector<16xi32>
      %ge3A_1726 = arith.cmpf oge, %select_n3A_1712, %select_n3A_1715 : vector<16xf32>
      %select_n3A_1727 = arith.select %ge3A_1726, %select_n3A_1712, %select_n3A_1715 : vector<16xi1>, vector<16xf32>
      %select_n3A_1728 = arith.select %ge3A_1726, %select_n3A_1713, %select_n3A_1716 : vector<16xi1>, vector<16xi32>
      %ge3A_1729 = arith.cmpf oge, %select_n3A_1718, %select_n3A_1721 : vector<16xf32>
      %select_n3A_1730 = arith.select %ge3A_1729, %select_n3A_1718, %select_n3A_1721 : vector<16xi1>, vector<16xf32>
      %select_n3A_1731 = arith.select %ge3A_1729, %select_n3A_1719, %select_n3A_1722 : vector<16xi1>, vector<16xi32>
      %ge3A_1732 = arith.cmpf oge, %select_n3A_1724, %select_n3A_1727 : vector<16xf32>
      %select_n3A_1733 = arith.select %ge3A_1732, %select_n3A_1724, %select_n3A_1727 : vector<16xi1>, vector<16xf32>
      %select_n3A_1734 = arith.select %ge3A_1732, %select_n3A_1725, %select_n3A_1728 : vector<16xi1>, vector<16xi32>
      %ge3A_1735 = arith.cmpf oge, %select_n3A_1730, %select_n3A_1733 : vector<16xf32>
      %select_n3A_1736 = arith.select %ge3A_1735, %select_n3A_1730, %select_n3A_1733 : vector<16xi1>, vector<16xf32>
      %select_n3A_1737 = arith.select %ge3A_1735, %select_n3A_1731, %select_n3A_1734 : vector<16xi1>, vector<16xi32>
      %shift_right_arithmetic3A_1738 = arith.constant 4 : i32
      %shift_right_arithmetic3A_1739 = vector.broadcast %shift_right_arithmetic3A_1738 : i32 to vector<16xi32>
      %shift_right_arithmetic3A_1740 = arith.shrsi %select_n3A_1555, %shift_right_arithmetic3A_1739 : vector<16xi32>
      %eq3A_1741 = arith.constant 0 : i32
      %eq3A_1742 = vector.broadcast %eq3A_1741 : i32 to vector<16xi32>
      %eq3A_1743 = arith.cmpi eq, %shift_right_arithmetic3A_1740, %eq3A_1742 : vector<16xi32>
      %select_n3A_1744 = arith.select %eq3A_1743, %select_n3A_1736, %select_n3A_1518 : vector<16xi1>, vector<16xf32>
      %eq3A_1745 = arith.constant 0 : i32
      %eq3A_1746 = vector.broadcast %eq3A_1745 : i32 to vector<16xi32>
      %eq3A_1747 = arith.cmpi eq, %shift_right_arithmetic3A_1740, %eq3A_1746 : vector<16xi32>
      %select_n3A_1748 = arith.select %eq3A_1747, %select_n3A_1737, %select_n3A_1522 : vector<16xi1>, vector<16xi32>
      %eq3A_1749 = arith.constant 1 : i32
      %eq3A_1750 = vector.broadcast %eq3A_1749 : i32 to vector<16xi32>
      %eq3A_1751 = arith.cmpi eq, %shift_right_arithmetic3A_1740, %eq3A_1750 : vector<16xi32>
      %select_n3A_1752 = arith.select %eq3A_1751, %select_n3A_1736, %select_n3A_1526 : vector<16xi1>, vector<16xf32>
      %eq3A_1753 = arith.constant 1 : i32
      %eq3A_1754 = vector.broadcast %eq3A_1753 : i32 to vector<16xi32>
      %eq3A_1755 = arith.cmpi eq, %shift_right_arithmetic3A_1740, %eq3A_1754 : vector<16xi32>
      %select_n3A_1756 = arith.select %eq3A_1755, %select_n3A_1737, %select_n3A_1530 : vector<16xi1>, vector<16xi32>
      %eq3A_1757 = arith.constant 2 : i32
      %eq3A_1758 = vector.broadcast %eq3A_1757 : i32 to vector<16xi32>
      %eq3A_1759 = arith.cmpi eq, %shift_right_arithmetic3A_1740, %eq3A_1758 : vector<16xi32>
      %select_n3A_1760 = arith.select %eq3A_1759, %select_n3A_1736, %select_n3A_1534 : vector<16xi1>, vector<16xf32>
      %eq3A_1761 = arith.constant 2 : i32
      %eq3A_1762 = vector.broadcast %eq3A_1761 : i32 to vector<16xi32>
      %eq3A_1763 = arith.cmpi eq, %shift_right_arithmetic3A_1740, %eq3A_1762 : vector<16xi32>
      %select_n3A_1764 = arith.select %eq3A_1763, %select_n3A_1737, %select_n3A_1538 : vector<16xi1>, vector<16xi32>
      %eq3A_1765 = arith.constant 3 : i32
      %eq3A_1766 = vector.broadcast %eq3A_1765 : i32 to vector<16xi32>
      %eq3A_1767 = arith.cmpi eq, %shift_right_arithmetic3A_1740, %eq3A_1766 : vector<16xi32>
      %select_n3A_1768 = arith.select %eq3A_1767, %select_n3A_1736, %select_n3A_1542 : vector<16xi1>, vector<16xf32>
      %eq3A_1769 = arith.constant 3 : i32
      %eq3A_1770 = vector.broadcast %eq3A_1769 : i32 to vector<16xi32>
      %eq3A_1771 = arith.cmpi eq, %shift_right_arithmetic3A_1740, %eq3A_1770 : vector<16xi32>
      %select_n3A_1772 = arith.select %eq3A_1771, %select_n3A_1737, %select_n3A_1546 : vector<16xi1>, vector<16xi32>
      %ge3A_1773 = arith.cmpf oge, %select_n3A_1744, %select_n3A_1752 : vector<16xf32>
      %select_n3A_1774 = arith.select %ge3A_1773, %select_n3A_1744, %select_n3A_1752 : vector<16xi1>, vector<16xf32>
      %select_n3A_1775 = arith.select %ge3A_1773, %select_n3A_1748, %select_n3A_1756 : vector<16xi1>, vector<16xi32>
      %ge3A_1776 = arith.cmpf oge, %select_n3A_1760, %select_n3A_1768 : vector<16xf32>
      %select_n3A_1777 = arith.select %ge3A_1776, %select_n3A_1760, %select_n3A_1768 : vector<16xi1>, vector<16xf32>
      %select_n3A_1778 = arith.select %ge3A_1776, %select_n3A_1764, %select_n3A_1772 : vector<16xi1>, vector<16xi32>
      %ge3A_1779 = arith.cmpf oge, %select_n3A_1774, %select_n3A_1777 : vector<16xf32>
      %select_n3A_1780 = arith.select %ge3A_1779, %select_n3A_1774, %select_n3A_1777 : vector<16xi1>, vector<16xf32>
      %select_n3A_1781 = arith.select %ge3A_1779, %select_n3A_1775, %select_n3A_1778 : vector<16xi1>, vector<16xi32>
      %shift_right_arithmetic3A_1782 = arith.constant 3 : i32
      %shift_right_arithmetic3A_1783 = vector.broadcast %shift_right_arithmetic3A_1782 : i32 to vector<16xi32>
      %shift_right_arithmetic3A_1784 = arith.shrsi %select_n3A_1781, %shift_right_arithmetic3A_1783 : vector<16xi32>
      %mul3A_1785 = arith.constant 8192 : i32
      %mul3A_1786 = vector.broadcast %mul3A_1785 : i32 to vector<16xi32>
      %mul3A_1787 = arith.muli %shift_right_arithmetic3A_1784, %mul3A_1786 : vector<16xi32>
      %and3A_1788 = arith.constant 7 : i32
      %and3A_1789 = vector.broadcast %and3A_1788 : i32 to vector<16xi32>
      %and3A_1790 = arith.andi %select_n3A_1781, %and3A_1789 : vector<16xi32>
      %mul3A_1791 = arith.constant 128 : i32
      %mul3A_1792 = vector.broadcast %mul3A_1791 : i32 to vector<16xi32>
      %mul3A_1793 = arith.muli %and3A_1790, %mul3A_1792 : vector<16xi32>
      %add3A_1794 = arith.addi %mul3A_1787, %mul3A_1793 : vector<16xi32>
      %add3A_1795 = vector.broadcast %add3A_279 : i32 to vector<16xi32>
      %add3A_1796 = arith.addi %add3A_1794, %add3A_1795 : vector<16xi32>
      %add3A_1797 = arith.addi %add3A_1796, %iota3A : vector<16xi32>
      tpu.vector_store_idx %arg6[%add3A_1797], %broadcast_in_dim3A_1 : memref<65536xf32, #tpu.memory_space<vmem>>[vector<16xi32>], vector<16xf32>,
      %and3A_1798 = arith.constant -16 : i32
      %and3A_1799 = vector.broadcast %and3A_1798 : i32 to vector<16xi32>
      %and3A_1800 = arith.andi %select_n3A_1781, %and3A_1799 : vector<16xi32>
      %mul3A_1801 = arith.constant 1024 : i32
      %mul3A_1802 = vector.broadcast %mul3A_1801 : i32 to vector<16xi32>
      %mul3A_1803 = arith.muli %and3A_1800, %mul3A_1802 : vector<16xi32>
      %add3A_1804 = vector.broadcast %add3A_279 : i32 to vector<16xi32>
      %add3A_1805 = arith.addi %mul3A_1803, %add3A_1804 : vector<16xi32>
      %add3A_1806 = arith.addi %add3A_1805, %iota3A : vector<16xi32>
      %add3A_1807 = arith.constant 0 : i32
      %add3A_1808 = vector.broadcast %add3A_1807 : i32 to vector<16xi32>
      %add3A_1809 = arith.addi %add3A_1806, %add3A_1808 : vector<16xi32>
      %gather3A_1810 = tpu.vector_load_idx %arg6[%add3A_1809] : memref<65536xf32, #tpu.memory_space<vmem>>[vector<16xi32>], vector<16xf32>,
      %add3A_1811 = arith.constant 0 : i32
      %add3A_1812 = vector.broadcast %add3A_1811 : i32 to vector<16xi32>
      %add3A_1813 = arith.addi %and3A_1800, %add3A_1812 : vector<16xi32>
      %add3A_1814 = arith.constant 128 : i32
      %add3A_1815 = vector.broadcast %add3A_1814 : i32 to vector<16xi32>
      %add3A_1816 = arith.addi %add3A_1806, %add3A_1815 : vector<16xi32>
      %gather3A_1817 = tpu.vector_load_idx %arg6[%add3A_1816] : memref<65536xf32, #tpu.memory_space<vmem>>[vector<16xi32>], vector<16xf32>,
      %add3A_1818 = arith.constant 1 : i32
      %add3A_1819 = vector.broadcast %add3A_1818 : i32 to vector<16xi32>
      %add3A_1820 = arith.addi %and3A_1800, %add3A_1819 : vector<16xi32>
      %add3A_1821 = arith.constant 256 : i32
      %add3A_1822 = vector.broadcast %add3A_1821 : i32 to vector<16xi32>
      %add3A_1823 = arith.addi %add3A_1806, %add3A_1822 : vector<16xi32>
      %gather3A_1824 = tpu.vector_load_idx %arg6[%add3A_1823] : memref<65536xf32, #tpu.memory_space<vmem>>[vector<16xi32>], vector<16xf32>,
      %add3A_1825 = arith.constant 2 : i32
      %add3A_1826 = vector.broadcast %add3A_1825 : i32 to vector<16xi32>
      %add3A_1827 = arith.addi %and3A_1800, %add3A_1826 : vector<16xi32>
      %add3A_1828 = arith.constant 384 : i32
      %add3A_1829 = vector.broadcast %add3A_1828 : i32 to vector<16xi32>
      %add3A_1830 = arith.addi %add3A_1806, %add3A_1829 : vector<16xi32>
      %gather3A_1831 = tpu.vector_load_idx %arg6[%add3A_1830] : memref<65536xf32, #tpu.memory_space<vmem>>[vector<16xi32>], vector<16xf32>,
      %add3A_1832 = arith.constant 3 : i32
      %add3A_1833 = vector.broadcast %add3A_1832 : i32 to vector<16xi32>
      %add3A_1834 = arith.addi %and3A_1800, %add3A_1833 : vector<16xi32>
      %add3A_1835 = arith.constant 512 : i32
      %add3A_1836 = vector.broadcast %add3A_1835 : i32 to vector<16xi32>
      %add3A_1837 = arith.addi %add3A_1806, %add3A_1836 : vector<16xi32>
      %gather3A_1838 = tpu.vector_load_idx %arg6[%add3A_1837] : memref<65536xf32, #tpu.memory_space<vmem>>[vector<16xi32>], vector<16xf32>,
      %add3A_1839 = arith.constant 4 : i32
      %add3A_1840 = vector.broadcast %add3A_1839 : i32 to vector<16xi32>
      %add3A_1841 = arith.addi %and3A_1800, %add3A_1840 : vector<16xi32>
      %add3A_1842 = arith.constant 640 : i32
      %add3A_1843 = vector.broadcast %add3A_1842 : i32 to vector<16xi32>
      %add3A_1844 = arith.addi %add3A_1806, %add3A_1843 : vector<16xi32>
      %gather3A_1845 = tpu.vector_load_idx %arg6[%add3A_1844] : memref<65536xf32, #tpu.memory_space<vmem>>[vector<16xi32>], vector<16xf32>,
      %add3A_1846 = arith.constant 5 : i32
      %add3A_1847 = vector.broadcast %add3A_1846 : i32 to vector<16xi32>
      %add3A_1848 = arith.addi %and3A_1800, %add3A_1847 : vector<16xi32>
      %add3A_1849 = arith.constant 768 : i32
      %add3A_1850 = vector.broadcast %add3A_1849 : i32 to vector<16xi32>
      %add3A_1851 = arith.addi %add3A_1806, %add3A_1850 : vector<16xi32>
      %gather3A_1852 = tpu.vector_load_idx %arg6[%add3A_1851] : memref<65536xf32, #tpu.memory_space<vmem>>[vector<16xi32>], vector<16xf32>,
      %add3A_1853 = arith.constant 6 : i32
      %add3A_1854 = vector.broadcast %add3A_1853 : i32 to vector<16xi32>
      %add3A_1855 = arith.addi %and3A_1800, %add3A_1854 : vector<16xi32>
      %add3A_1856 = arith.constant 896 : i32
      %add3A_1857 = vector.broadcast %add3A_1856 : i32 to vector<16xi32>
      %add3A_1858 = arith.addi %add3A_1806, %add3A_1857 : vector<16xi32>
      %gather3A_1859 = tpu.vector_load_idx %arg6[%add3A_1858] : memref<65536xf32, #tpu.memory_space<vmem>>[vector<16xi32>], vector<16xf32>,
      %add3A_1860 = arith.constant 7 : i32
      %add3A_1861 = vector.broadcast %add3A_1860 : i32 to vector<16xi32>
      %add3A_1862 = arith.addi %and3A_1800, %add3A_1861 : vector<16xi32>
      %add3A_1863 = arith.constant 8192 : i32
      %add3A_1864 = vector.broadcast %add3A_1863 : i32 to vector<16xi32>
      %add3A_1865 = arith.addi %add3A_1806, %add3A_1864 : vector<16xi32>
      %gather3A_1866 = tpu.vector_load_idx %arg6[%add3A_1865] : memref<65536xf32, #tpu.memory_space<vmem>>[vector<16xi32>], vector<16xf32>,
      %add3A_1867 = arith.constant 8 : i32
      %add3A_1868 = vector.broadcast %add3A_1867 : i32 to vector<16xi32>
      %add3A_1869 = arith.addi %and3A_1800, %add3A_1868 : vector<16xi32>
      %add3A_1870 = arith.constant 8320 : i32
      %add3A_1871 = vector.broadcast %add3A_1870 : i32 to vector<16xi32>
      %add3A_1872 = arith.addi %add3A_1806, %add3A_1871 : vector<16xi32>
      %gather3A_1873 = tpu.vector_load_idx %arg6[%add3A_1872] : memref<65536xf32, #tpu.memory_space<vmem>>[vector<16xi32>], vector<16xf32>,
      %add3A_1874 = arith.constant 9 : i32
      %add3A_1875 = vector.broadcast %add3A_1874 : i32 to vector<16xi32>
      %add3A_1876 = arith.addi %and3A_1800, %add3A_1875 : vector<16xi32>
      %add3A_1877 = arith.constant 8448 : i32
      %add3A_1878 = vector.broadcast %add3A_1877 : i32 to vector<16xi32>
      %add3A_1879 = arith.addi %add3A_1806, %add3A_1878 : vector<16xi32>
      %gather3A_1880 = tpu.vector_load_idx %arg6[%add3A_1879] : memref<65536xf32, #tpu.memory_space<vmem>>[vector<16xi32>], vector<16xf32>,
      %add3A_1881 = arith.constant 10 : i32
      %add3A_1882 = vector.broadcast %add3A_1881 : i32 to vector<16xi32>
      %add3A_1883 = arith.addi %and3A_1800, %add3A_1882 : vector<16xi32>
      %add3A_1884 = arith.constant 8576 : i32
      %add3A_1885 = vector.broadcast %add3A_1884 : i32 to vector<16xi32>
      %add3A_1886 = arith.addi %add3A_1806, %add3A_1885 : vector<16xi32>
      %gather3A_1887 = tpu.vector_load_idx %arg6[%add3A_1886] : memref<65536xf32, #tpu.memory_space<vmem>>[vector<16xi32>], vector<16xf32>,
      %add3A_1888 = arith.constant 11 : i32
      %add3A_1889 = vector.broadcast %add3A_1888 : i32 to vector<16xi32>
      %add3A_1890 = arith.addi %and3A_1800, %add3A_1889 : vector<16xi32>
      %add3A_1891 = arith.constant 8704 : i32
      %add3A_1892 = vector.broadcast %add3A_1891 : i32 to vector<16xi32>
      %add3A_1893 = arith.addi %add3A_1806, %add3A_1892 : vector<16xi32>
      %gather3A_1894 = tpu.vector_load_idx %arg6[%add3A_1893] : memref<65536xf32, #tpu.memory_space<vmem>>[vector<16xi32>], vector<16xf32>,
      %add3A_1895 = arith.constant 12 : i32
      %add3A_1896 = vector.broadcast %add3A_1895 : i32 to vector<16xi32>
      %add3A_1897 = arith.addi %and3A_1800, %add3A_1896 : vector<16xi32>
      %add3A_1898 = arith.constant 8832 : i32
      %add3A_1899 = vector.broadcast %add3A_1898 : i32 to vector<16xi32>
      %add3A_1900 = arith.addi %add3A_1806, %add3A_1899 : vector<16xi32>
      %gather3A_1901 = tpu.vector_load_idx %arg6[%add3A_1900] : memref<65536xf32, #tpu.memory_space<vmem>>[vector<16xi32>], vector<16xf32>,
      %add3A_1902 = arith.constant 13 : i32
      %add3A_1903 = vector.broadcast %add3A_1902 : i32 to vector<16xi32>
      %add3A_1904 = arith.addi %and3A_1800, %add3A_1903 : vector<16xi32>
      %add3A_1905 = arith.constant 8960 : i32
      %add3A_1906 = vector.broadcast %add3A_1905 : i32 to vector<16xi32>
      %add3A_1907 = arith.addi %add3A_1806, %add3A_1906 : vector<16xi32>
      %gather3A_1908 = tpu.vector_load_idx %arg6[%add3A_1907] : memref<65536xf32, #tpu.memory_space<vmem>>[vector<16xi32>], vector<16xf32>,
      %add3A_1909 = arith.constant 14 : i32
      %add3A_1910 = vector.broadcast %add3A_1909 : i32 to vector<16xi32>
      %add3A_1911 = arith.addi %and3A_1800, %add3A_1910 : vector<16xi32>
      %add3A_1912 = arith.constant 9088 : i32
      %add3A_1913 = vector.broadcast %add3A_1912 : i32 to vector<16xi32>
      %add3A_1914 = arith.addi %add3A_1806, %add3A_1913 : vector<16xi32>
      %gather3A_1915 = tpu.vector_load_idx %arg6[%add3A_1914] : memref<65536xf32, #tpu.memory_space<vmem>>[vector<16xi32>], vector<16xf32>,
      %add3A_1916 = arith.constant 15 : i32
      %add3A_1917 = vector.broadcast %add3A_1916 : i32 to vector<16xi32>
      %add3A_1918 = arith.addi %and3A_1800, %add3A_1917 : vector<16xi32>
      %ge3A_1919 = arith.cmpf oge, %gather3A_1810, %gather3A_1817 : vector<16xf32>
      %select_n3A_1920 = arith.select %ge3A_1919, %gather3A_1810, %gather3A_1817 : vector<16xi1>, vector<16xf32>
      %select_n3A_1921 = arith.select %ge3A_1919, %add3A_1813, %add3A_1820 : vector<16xi1>, vector<16xi32>
      %ge3A_1922 = arith.cmpf oge, %gather3A_1824, %gather3A_1831 : vector<16xf32>
      %select_n3A_1923 = arith.select %ge3A_1922, %gather3A_1824, %gather3A_1831 : vector<16xi1>, vector<16xf32>
      %select_n3A_1924 = arith.select %ge3A_1922, %add3A_1827, %add3A_1834 : vector<16xi1>, vector<16xi32>
      %ge3A_1925 = arith.cmpf oge, %gather3A_1838, %gather3A_1845 : vector<16xf32>
      %select_n3A_1926 = arith.select %ge3A_1925, %gather3A_1838, %gather3A_1845 : vector<16xi1>, vector<16xf32>
      %select_n3A_1927 = arith.select %ge3A_1925, %add3A_1841, %add3A_1848 : vector<16xi1>, vector<16xi32>
      %ge3A_1928 = arith.cmpf oge, %gather3A_1852, %gather3A_1859 : vector<16xf32>
      %select_n3A_1929 = arith.select %ge3A_1928, %gather3A_1852, %gather3A_1859 : vector<16xi1>, vector<16xf32>
      %select_n3A_1930 = arith.select %ge3A_1928, %add3A_1855, %add3A_1862 : vector<16xi1>, vector<16xi32>
      %ge3A_1931 = arith.cmpf oge, %gather3A_1866, %gather3A_1873 : vector<16xf32>
      %select_n3A_1932 = arith.select %ge3A_1931, %gather3A_1866, %gather3A_1873 : vector<16xi1>, vector<16xf32>
      %select_n3A_1933 = arith.select %ge3A_1931, %add3A_1869, %add3A_1876 : vector<16xi1>, vector<16xi32>
      %ge3A_1934 = arith.cmpf oge, %gather3A_1880, %gather3A_1887 : vector<16xf32>
      %select_n3A_1935 = arith.select %ge3A_1934, %gather3A_1880, %gather3A_1887 : vector<16xi1>, vector<16xf32>
      %select_n3A_1936 = arith.select %ge3A_1934, %add3A_1883, %add3A_1890 : vector<16xi1>, vector<16xi32>
      %ge3A_1937 = arith.cmpf oge, %gather3A_1894, %gather3A_1901 : vector<16xf32>
      %select_n3A_1938 = arith.select %ge3A_1937, %gather3A_1894, %gather3A_1901 : vector<16xi1>, vector<16xf32>
      %select_n3A_1939 = arith.select %ge3A_1937, %add3A_1897, %add3A_1904 : vector<16xi1>, vector<16xi32>
      %ge3A_1940 = arith.cmpf oge, %gather3A_1908, %gather3A_1915 : vector<16xf32>
      %select_n3A_1941 = arith.select %ge3A_1940, %gather3A_1908, %gather3A_1915 : vector<16xi1>, vector<16xf32>
      %select_n3A_1942 = arith.select %ge3A_1940, %add3A_1911, %add3A_1918 : vector<16xi1>, vector<16xi32>
      %ge3A_1943 = arith.cmpf oge, %select_n3A_1920, %select_n3A_1923 : vector<16xf32>
      %select_n3A_1944 = arith.select %ge3A_1943, %select_n3A_1920, %select_n3A_1923 : vector<16xi1>, vector<16xf32>
      %select_n3A_1945 = arith.select %ge3A_1943, %select_n3A_1921, %select_n3A_1924 : vector<16xi1>, vector<16xi32>
      %ge3A_1946 = arith.cmpf oge, %select_n3A_1926, %select_n3A_1929 : vector<16xf32>
      %select_n3A_1947 = arith.select %ge3A_1946, %select_n3A_1926, %select_n3A_1929 : vector<16xi1>, vector<16xf32>
      %select_n3A_1948 = arith.select %ge3A_1946, %select_n3A_1927, %select_n3A_1930 : vector<16xi1>, vector<16xi32>
      %ge3A_1949 = arith.cmpf oge, %select_n3A_1932, %select_n3A_1935 : vector<16xf32>
      %select_n3A_1950 = arith.select %ge3A_1949, %select_n3A_1932, %select_n3A_1935 : vector<16xi1>, vector<16xf32>
      %select_n3A_1951 = arith.select %ge3A_1949, %select_n3A_1933, %select_n3A_1936 : vector<16xi1>, vector<16xi32>
      %ge3A_1952 = arith.cmpf oge, %select_n3A_1938, %select_n3A_1941 : vector<16xf32>
      %select_n3A_1953 = arith.select %ge3A_1952, %select_n3A_1938, %select_n3A_1941 : vector<16xi1>, vector<16xf32>
      %select_n3A_1954 = arith.select %ge3A_1952, %select_n3A_1939, %select_n3A_1942 : vector<16xi1>, vector<16xi32>
      %ge3A_1955 = arith.cmpf oge, %select_n3A_1944, %select_n3A_1947 : vector<16xf32>
      %select_n3A_1956 = arith.select %ge3A_1955, %select_n3A_1944, %select_n3A_1947 : vector<16xi1>, vector<16xf32>
      %select_n3A_1957 = arith.select %ge3A_1955, %select_n3A_1945, %select_n3A_1948 : vector<16xi1>, vector<16xi32>
      %ge3A_1958 = arith.cmpf oge, %select_n3A_1950, %select_n3A_1953 : vector<16xf32>
      %select_n3A_1959 = arith.select %ge3A_1958, %select_n3A_1950, %select_n3A_1953 : vector<16xi1>, vector<16xf32>
      %select_n3A_1960 = arith.select %ge3A_1958, %select_n3A_1951, %select_n3A_1954 : vector<16xi1>, vector<16xi32>
      %ge3A_1961 = arith.cmpf oge, %select_n3A_1956, %select_n3A_1959 : vector<16xf32>
      %select_n3A_1962 = arith.select %ge3A_1961, %select_n3A_1956, %select_n3A_1959 : vector<16xi1>, vector<16xf32>
      %select_n3A_1963 = arith.select %ge3A_1961, %select_n3A_1957, %select_n3A_1960 : vector<16xi1>, vector<16xi32>
      %shift_right_arithmetic3A_1964 = arith.constant 4 : i32
      %shift_right_arithmetic3A_1965 = vector.broadcast %shift_right_arithmetic3A_1964 : i32 to vector<16xi32>
      %shift_right_arithmetic3A_1966 = arith.shrsi %select_n3A_1781, %shift_right_arithmetic3A_1965 : vector<16xi32>
      %eq3A_1967 = arith.constant 0 : i32
      %eq3A_1968 = vector.broadcast %eq3A_1967 : i32 to vector<16xi32>
      %eq3A_1969 = arith.cmpi eq, %shift_right_arithmetic3A_1966, %eq3A_1968 : vector<16xi32>
      %select_n3A_1970 = arith.select %eq3A_1969, %select_n3A_1962, %select_n3A_1744 : vector<16xi1>, vector<16xf32>
      %eq3A_1971 = arith.constant 0 : i32
      %eq3A_1972 = vector.broadcast %eq3A_1971 : i32 to vector<16xi32>
      %eq3A_1973 = arith.cmpi eq, %shift_right_arithmetic3A_1966, %eq3A_1972 : vector<16xi32>
      %select_n3A_1974 = arith.select %eq3A_1973, %select_n3A_1963, %select_n3A_1748 : vector<16xi1>, vector<16xi32>
      %eq3A_1975 = arith.constant 1 : i32
      %eq3A_1976 = vector.broadcast %eq3A_1975 : i32 to vector<16xi32>
      %eq3A_1977 = arith.cmpi eq, %shift_right_arithmetic3A_1966, %eq3A_1976 : vector<16xi32>
      %select_n3A_1978 = arith.select %eq3A_1977, %select_n3A_1962, %select_n3A_1752 : vector<16xi1>, vector<16xf32>
      %eq3A_1979 = arith.constant 1 : i32
      %eq3A_1980 = vector.broadcast %eq3A_1979 : i32 to vector<16xi32>
      %eq3A_1981 = arith.cmpi eq, %shift_right_arithmetic3A_1966, %eq3A_1980 : vector<16xi32>
      %select_n3A_1982 = arith.select %eq3A_1981, %select_n3A_1963, %select_n3A_1756 : vector<16xi1>, vector<16xi32>
      %eq3A_1983 = arith.constant 2 : i32
      %eq3A_1984 = vector.broadcast %eq3A_1983 : i32 to vector<16xi32>
      %eq3A_1985 = arith.cmpi eq, %shift_right_arithmetic3A_1966, %eq3A_1984 : vector<16xi32>
      %select_n3A_1986 = arith.select %eq3A_1985, %select_n3A_1962, %select_n3A_1760 : vector<16xi1>, vector<16xf32>
      %eq3A_1987 = arith.constant 2 : i32
      %eq3A_1988 = vector.broadcast %eq3A_1987 : i32 to vector<16xi32>
      %eq3A_1989 = arith.cmpi eq, %shift_right_arithmetic3A_1966, %eq3A_1988 : vector<16xi32>
      %select_n3A_1990 = arith.select %eq3A_1989, %select_n3A_1963, %select_n3A_1764 : vector<16xi1>, vector<16xi32>
      %eq3A_1991 = arith.constant 3 : i32
      %eq3A_1992 = vector.broadcast %eq3A_1991 : i32 to vector<16xi32>
      %eq3A_1993 = arith.cmpi eq, %shift_right_arithmetic3A_1966, %eq3A_1992 : vector<16xi32>
      %select_n3A_1994 = arith.select %eq3A_1993, %select_n3A_1962, %select_n3A_1768 : vector<16xi1>, vector<16xf32>
      %eq3A_1995 = arith.constant 3 : i32
      %eq3A_1996 = vector.broadcast %eq3A_1995 : i32 to vector<16xi32>
      %eq3A_1997 = arith.cmpi eq, %shift_right_arithmetic3A_1966, %eq3A_1996 : vector<16xi32>
      %select_n3A_1998 = arith.select %eq3A_1997, %select_n3A_1963, %select_n3A_1772 : vector<16xi1>, vector<16xi32>
      %ge3A_1999 = arith.cmpf oge, %select_n3A_1970, %select_n3A_1978 : vector<16xf32>
      %select_n3A_2000 = arith.select %ge3A_1999, %select_n3A_1970, %select_n3A_1978 : vector<16xi1>, vector<16xf32>
      %select_n3A_2001 = arith.select %ge3A_1999, %select_n3A_1974, %select_n3A_1982 : vector<16xi1>, vector<16xi32>
      %ge3A_2002 = arith.cmpf oge, %select_n3A_1986, %select_n3A_1994 : vector<16xf32>
      %select_n3A_2003 = arith.select %ge3A_2002, %select_n3A_1986, %select_n3A_1994 : vector<16xi1>, vector<16xf32>
      %select_n3A_2004 = arith.select %ge3A_2002, %select_n3A_1990, %select_n3A_1998 : vector<16xi1>, vector<16xi32>
      %ge3A_2005 = arith.cmpf oge, %select_n3A_2000, %select_n3A_2003 : vector<16xf32>
      %select_n3A_2006 = arith.select %ge3A_2005, %select_n3A_2000, %select_n3A_2003 : vector<16xi1>, vector<16xf32>
      %select_n3A_2007 = arith.select %ge3A_2005, %select_n3A_2001, %select_n3A_2004 : vector<16xi1>, vector<16xi32>
      %shift_right_arithmetic3A_2008 = arith.constant 3 : i32
      %shift_right_arithmetic3A_2009 = vector.broadcast %shift_right_arithmetic3A_2008 : i32 to vector<16xi32>
      %shift_right_arithmetic3A_2010 = arith.shrsi %select_n3A_2007, %shift_right_arithmetic3A_2009 : vector<16xi32>
      %mul3A_2011 = arith.constant 8192 : i32
      %mul3A_2012 = vector.broadcast %mul3A_2011 : i32 to vector<16xi32>
      %mul3A_2013 = arith.muli %shift_right_arithmetic3A_2010, %mul3A_2012 : vector<16xi32>
      %and3A_2014 = arith.constant 7 : i32
      %and3A_2015 = vector.broadcast %and3A_2014 : i32 to vector<16xi32>
      %and3A_2016 = arith.andi %select_n3A_2007, %and3A_2015 : vector<16xi32>
      %mul3A_2017 = arith.constant 128 : i32
      %mul3A_2018 = vector.broadcast %mul3A_2017 : i32 to vector<16xi32>
      %mul3A_2019 = arith.muli %and3A_2016, %mul3A_2018 : vector<16xi32>
      %add3A_2020 = arith.addi %mul3A_2013, %mul3A_2019 : vector<16xi32>
      %add3A_2021 = vector.broadcast %add3A_279 : i32 to vector<16xi32>
      %add3A_2022 = arith.addi %add3A_2020, %add3A_2021 : vector<16xi32>
      %add3A_2023 = arith.addi %add3A_2022, %iota3A : vector<16xi32>
      tpu.vector_store_idx %arg6[%add3A_2023], %broadcast_in_dim3A_1 : memref<65536xf32, #tpu.memory_space<vmem>>[vector<16xi32>], vector<16xf32>,
      %and3A_2024 = arith.constant -16 : i32
      %and3A_2025 = vector.broadcast %and3A_2024 : i32 to vector<16xi32>
      %and3A_2026 = arith.andi %select_n3A_2007, %and3A_2025 : vector<16xi32>
      %mul3A_2027 = arith.constant 1024 : i32
      %mul3A_2028 = vector.broadcast %mul3A_2027 : i32 to vector<16xi32>
      %mul3A_2029 = arith.muli %and3A_2026, %mul3A_2028 : vector<16xi32>
      %add3A_2030 = vector.broadcast %add3A_279 : i32 to vector<16xi32>
      %add3A_2031 = arith.addi %mul3A_2029, %add3A_2030 : vector<16xi32>
      %add3A_2032 = arith.addi %add3A_2031, %iota3A : vector<16xi32>
      %add3A_2033 = arith.constant 0 : i32
      %add3A_2034 = vector.broadcast %add3A_2033 : i32 to vector<16xi32>
      %add3A_2035 = arith.addi %add3A_2032, %add3A_2034 : vector<16xi32>
      %gather3A_2036 = tpu.vector_load_idx %arg6[%add3A_2035] : memref<65536xf32, #tpu.memory_space<vmem>>[vector<16xi32>], vector<16xf32>,
      %add3A_2037 = arith.constant 0 : i32
      %add3A_2038 = vector.broadcast %add3A_2037 : i32 to vector<16xi32>
      %add3A_2039 = arith.addi %and3A_2026, %add3A_2038 : vector<16xi32>
      %add3A_2040 = arith.constant 128 : i32
      %add3A_2041 = vector.broadcast %add3A_2040 : i32 to vector<16xi32>
      %add3A_2042 = arith.addi %add3A_2032, %add3A_2041 : vector<16xi32>
      %gather3A_2043 = tpu.vector_load_idx %arg6[%add3A_2042] : memref<65536xf32, #tpu.memory_space<vmem>>[vector<16xi32>], vector<16xf32>,
      %add3A_2044 = arith.constant 1 : i32
      %add3A_2045 = vector.broadcast %add3A_2044 : i32 to vector<16xi32>
      %add3A_2046 = arith.addi %and3A_2026, %add3A_2045 : vector<16xi32>
      %add3A_2047 = arith.constant 256 : i32
      %add3A_2048 = vector.broadcast %add3A_2047 : i32 to vector<16xi32>
      %add3A_2049 = arith.addi %add3A_2032, %add3A_2048 : vector<16xi32>
      %gather3A_2050 = tpu.vector_load_idx %arg6[%add3A_2049] : memref<65536xf32, #tpu.memory_space<vmem>>[vector<16xi32>], vector<16xf32>,
      %add3A_2051 = arith.constant 2 : i32
      %add3A_2052 = vector.broadcast %add3A_2051 : i32 to vector<16xi32>
      %add3A_2053 = arith.addi %and3A_2026, %add3A_2052 : vector<16xi32>
      %add3A_2054 = arith.constant 384 : i32
      %add3A_2055 = vector.broadcast %add3A_2054 : i32 to vector<16xi32>
      %add3A_2056 = arith.addi %add3A_2032, %add3A_2055 : vector<16xi32>
      %gather3A_2057 = tpu.vector_load_idx %arg6[%add3A_2056] : memref<65536xf32, #tpu.memory_space<vmem>>[vector<16xi32>], vector<16xf32>,
      %add3A_2058 = arith.constant 3 : i32
      %add3A_2059 = vector.broadcast %add3A_2058 : i32 to vector<16xi32>
      %add3A_2060 = arith.addi %and3A_2026, %add3A_2059 : vector<16xi32>
      %add3A_2061 = arith.constant 512 : i32
      %add3A_2062 = vector.broadcast %add3A_2061 : i32 to vector<16xi32>
      %add3A_2063 = arith.addi %add3A_2032, %add3A_2062 : vector<16xi32>
      %gather3A_2064 = tpu.vector_load_idx %arg6[%add3A_2063] : memref<65536xf32, #tpu.memory_space<vmem>>[vector<16xi32>], vector<16xf32>,
      %add3A_2065 = arith.constant 4 : i32
      %add3A_2066 = vector.broadcast %add3A_2065 : i32 to vector<16xi32>
      %add3A_2067 = arith.addi %and3A_2026, %add3A_2066 : vector<16xi32>
      %add3A_2068 = arith.constant 640 : i32
      %add3A_2069 = vector.broadcast %add3A_2068 : i32 to vector<16xi32>
      %add3A_2070 = arith.addi %add3A_2032, %add3A_2069 : vector<16xi32>
      %gather3A_2071 = tpu.vector_load_idx %arg6[%add3A_2070] : memref<65536xf32, #tpu.memory_space<vmem>>[vector<16xi32>], vector<16xf32>,
      %add3A_2072 = arith.constant 5 : i32
      %add3A_2073 = vector.broadcast %add3A_2072 : i32 to vector<16xi32>
      %add3A_2074 = arith.addi %and3A_2026, %add3A_2073 : vector<16xi32>
      %add3A_2075 = arith.constant 768 : i32
      %add3A_2076 = vector.broadcast %add3A_2075 : i32 to vector<16xi32>
      %add3A_2077 = arith.addi %add3A_2032, %add3A_2076 : vector<16xi32>
      %gather3A_2078 = tpu.vector_load_idx %arg6[%add3A_2077] : memref<65536xf32, #tpu.memory_space<vmem>>[vector<16xi32>], vector<16xf32>,
      %add3A_2079 = arith.constant 6 : i32
      %add3A_2080 = vector.broadcast %add3A_2079 : i32 to vector<16xi32>
      %add3A_2081 = arith.addi %and3A_2026, %add3A_2080 : vector<16xi32>
      %add3A_2082 = arith.constant 896 : i32
      %add3A_2083 = vector.broadcast %add3A_2082 : i32 to vector<16xi32>
      %add3A_2084 = arith.addi %add3A_2032, %add3A_2083 : vector<16xi32>
      %gather3A_2085 = tpu.vector_load_idx %arg6[%add3A_2084] : memref<65536xf32, #tpu.memory_space<vmem>>[vector<16xi32>], vector<16xf32>,
      %add3A_2086 = arith.constant 7 : i32
      %add3A_2087 = vector.broadcast %add3A_2086 : i32 to vector<16xi32>
      %add3A_2088 = arith.addi %and3A_2026, %add3A_2087 : vector<16xi32>
      %add3A_2089 = arith.constant 8192 : i32
      %add3A_2090 = vector.broadcast %add3A_2089 : i32 to vector<16xi32>
      %add3A_2091 = arith.addi %add3A_2032, %add3A_2090 : vector<16xi32>
      %gather3A_2092 = tpu.vector_load_idx %arg6[%add3A_2091] : memref<65536xf32, #tpu.memory_space<vmem>>[vector<16xi32>], vector<16xf32>,
      %add3A_2093 = arith.constant 8 : i32
      %add3A_2094 = vector.broadcast %add3A_2093 : i32 to vector<16xi32>
      %add3A_2095 = arith.addi %and3A_2026, %add3A_2094 : vector<16xi32>
      %add3A_2096 = arith.constant 8320 : i32
      %add3A_2097 = vector.broadcast %add3A_2096 : i32 to vector<16xi32>
      %add3A_2098 = arith.addi %add3A_2032, %add3A_2097 : vector<16xi32>
      %gather3A_2099 = tpu.vector_load_idx %arg6[%add3A_2098] : memref<65536xf32, #tpu.memory_space<vmem>>[vector<16xi32>], vector<16xf32>,
      %add3A_2100 = arith.constant 9 : i32
      %add3A_2101 = vector.broadcast %add3A_2100 : i32 to vector<16xi32>
      %add3A_2102 = arith.addi %and3A_2026, %add3A_2101 : vector<16xi32>
      %add3A_2103 = arith.constant 8448 : i32
      %add3A_2104 = vector.broadcast %add3A_2103 : i32 to vector<16xi32>
      %add3A_2105 = arith.addi %add3A_2032, %add3A_2104 : vector<16xi32>
      %gather3A_2106 = tpu.vector_load_idx %arg6[%add3A_2105] : memref<65536xf32, #tpu.memory_space<vmem>>[vector<16xi32>], vector<16xf32>,
      %add3A_2107 = arith.constant 10 : i32
      %add3A_2108 = vector.broadcast %add3A_2107 : i32 to vector<16xi32>
      %add3A_2109 = arith.addi %and3A_2026, %add3A_2108 : vector<16xi32>
      %add3A_2110 = arith.constant 8576 : i32
      %add3A_2111 = vector.broadcast %add3A_2110 : i32 to vector<16xi32>
      %add3A_2112 = arith.addi %add3A_2032, %add3A_2111 : vector<16xi32>
      %gather3A_2113 = tpu.vector_load_idx %arg6[%add3A_2112] : memref<65536xf32, #tpu.memory_space<vmem>>[vector<16xi32>], vector<16xf32>,
      %add3A_2114 = arith.constant 11 : i32
      %add3A_2115 = vector.broadcast %add3A_2114 : i32 to vector<16xi32>
      %add3A_2116 = arith.addi %and3A_2026, %add3A_2115 : vector<16xi32>
      %add3A_2117 = arith.constant 8704 : i32
      %add3A_2118 = vector.broadcast %add3A_2117 : i32 to vector<16xi32>
      %add3A_2119 = arith.addi %add3A_2032, %add3A_2118 : vector<16xi32>
      %gather3A_2120 = tpu.vector_load_idx %arg6[%add3A_2119] : memref<65536xf32, #tpu.memory_space<vmem>>[vector<16xi32>], vector<16xf32>,
      %add3A_2121 = arith.constant 12 : i32
      %add3A_2122 = vector.broadcast %add3A_2121 : i32 to vector<16xi32>
      %add3A_2123 = arith.addi %and3A_2026, %add3A_2122 : vector<16xi32>
      %add3A_2124 = arith.constant 8832 : i32
      %add3A_2125 = vector.broadcast %add3A_2124 : i32 to vector<16xi32>
      %add3A_2126 = arith.addi %add3A_2032, %add3A_2125 : vector<16xi32>
      %gather3A_2127 = tpu.vector_load_idx %arg6[%add3A_2126] : memref<65536xf32, #tpu.memory_space<vmem>>[vector<16xi32>], vector<16xf32>,
      %add3A_2128 = arith.constant 13 : i32
      %add3A_2129 = vector.broadcast %add3A_2128 : i32 to vector<16xi32>
      %add3A_2130 = arith.addi %and3A_2026, %add3A_2129 : vector<16xi32>
      %add3A_2131 = arith.constant 8960 : i32
      %add3A_2132 = vector.broadcast %add3A_2131 : i32 to vector<16xi32>
      %add3A_2133 = arith.addi %add3A_2032, %add3A_2132 : vector<16xi32>
      %gather3A_2134 = tpu.vector_load_idx %arg6[%add3A_2133] : memref<65536xf32, #tpu.memory_space<vmem>>[vector<16xi32>], vector<16xf32>,
      %add3A_2135 = arith.constant 14 : i32
      %add3A_2136 = vector.broadcast %add3A_2135 : i32 to vector<16xi32>
      %add3A_2137 = arith.addi %and3A_2026, %add3A_2136 : vector<16xi32>
      %add3A_2138 = arith.constant 9088 : i32
      %add3A_2139 = vector.broadcast %add3A_2138 : i32 to vector<16xi32>
      %add3A_2140 = arith.addi %add3A_2032, %add3A_2139 : vector<16xi32>
      %gather3A_2141 = tpu.vector_load_idx %arg6[%add3A_2140] : memref<65536xf32, #tpu.memory_space<vmem>>[vector<16xi32>], vector<16xf32>,
      %add3A_2142 = arith.constant 15 : i32
      %add3A_2143 = vector.broadcast %add3A_2142 : i32 to vector<16xi32>
      %add3A_2144 = arith.addi %and3A_2026, %add3A_2143 : vector<16xi32>
      %ge3A_2145 = arith.cmpf oge, %gather3A_2036, %gather3A_2043 : vector<16xf32>
      %select_n3A_2146 = arith.select %ge3A_2145, %gather3A_2036, %gather3A_2043 : vector<16xi1>, vector<16xf32>
      %select_n3A_2147 = arith.select %ge3A_2145, %add3A_2039, %add3A_2046 : vector<16xi1>, vector<16xi32>
      %ge3A_2148 = arith.cmpf oge, %gather3A_2050, %gather3A_2057 : vector<16xf32>
      %select_n3A_2149 = arith.select %ge3A_2148, %gather3A_2050, %gather3A_2057 : vector<16xi1>, vector<16xf32>
      %select_n3A_2150 = arith.select %ge3A_2148, %add3A_2053, %add3A_2060 : vector<16xi1>, vector<16xi32>
      %ge3A_2151 = arith.cmpf oge, %gather3A_2064, %gather3A_2071 : vector<16xf32>
      %select_n3A_2152 = arith.select %ge3A_2151, %gather3A_2064, %gather3A_2071 : vector<16xi1>, vector<16xf32>
      %select_n3A_2153 = arith.select %ge3A_2151, %add3A_2067, %add3A_2074 : vector<16xi1>, vector<16xi32>
      %ge3A_2154 = arith.cmpf oge, %gather3A_2078, %gather3A_2085 : vector<16xf32>
      %select_n3A_2155 = arith.select %ge3A_2154, %gather3A_2078, %gather3A_2085 : vector<16xi1>, vector<16xf32>
      %select_n3A_2156 = arith.select %ge3A_2154, %add3A_2081, %add3A_2088 : vector<16xi1>, vector<16xi32>
      %ge3A_2157 = arith.cmpf oge, %gather3A_2092, %gather3A_2099 : vector<16xf32>
      %select_n3A_2158 = arith.select %ge3A_2157, %gather3A_2092, %gather3A_2099 : vector<16xi1>, vector<16xf32>
      %select_n3A_2159 = arith.select %ge3A_2157, %add3A_2095, %add3A_2102 : vector<16xi1>, vector<16xi32>
      %ge3A_2160 = arith.cmpf oge, %gather3A_2106, %gather3A_2113 : vector<16xf32>
      %select_n3A_2161 = arith.select %ge3A_2160, %gather3A_2106, %gather3A_2113 : vector<16xi1>, vector<16xf32>
      %select_n3A_2162 = arith.select %ge3A_2160, %add3A_2109, %add3A_2116 : vector<16xi1>, vector<16xi32>
      %ge3A_2163 = arith.cmpf oge, %gather3A_2120, %gather3A_2127 : vector<16xf32>
      %select_n3A_2164 = arith.select %ge3A_2163, %gather3A_2120, %gather3A_2127 : vector<16xi1>, vector<16xf32>
      %select_n3A_2165 = arith.select %ge3A_2163, %add3A_2123, %add3A_2130 : vector<16xi1>, vector<16xi32>
      %ge3A_2166 = arith.cmpf oge, %gather3A_2134, %gather3A_2141 : vector<16xf32>
      %select_n3A_2167 = arith.select %ge3A_2166, %gather3A_2134, %gather3A_2141 : vector<16xi1>, vector<16xf32>
      %select_n3A_2168 = arith.select %ge3A_2166, %add3A_2137, %add3A_2144 : vector<16xi1>, vector<16xi32>
      %ge3A_2169 = arith.cmpf oge, %select_n3A_2146, %select_n3A_2149 : vector<16xf32>
      %select_n3A_2170 = arith.select %ge3A_2169, %select_n3A_2146, %select_n3A_2149 : vector<16xi1>, vector<16xf32>
      %select_n3A_2171 = arith.select %ge3A_2169, %select_n3A_2147, %select_n3A_2150 : vector<16xi1>, vector<16xi32>
      %ge3A_2172 = arith.cmpf oge, %select_n3A_2152, %select_n3A_2155 : vector<16xf32>
      %select_n3A_2173 = arith.select %ge3A_2172, %select_n3A_2152, %select_n3A_2155 : vector<16xi1>, vector<16xf32>
      %select_n3A_2174 = arith.select %ge3A_2172, %select_n3A_2153, %select_n3A_2156 : vector<16xi1>, vector<16xi32>
      %ge3A_2175 = arith.cmpf oge, %select_n3A_2158, %select_n3A_2161 : vector<16xf32>
      %select_n3A_2176 = arith.select %ge3A_2175, %select_n3A_2158, %select_n3A_2161 : vector<16xi1>, vector<16xf32>
      %select_n3A_2177 = arith.select %ge3A_2175, %select_n3A_2159, %select_n3A_2162 : vector<16xi1>, vector<16xi32>
      %ge3A_2178 = arith.cmpf oge, %select_n3A_2164, %select_n3A_2167 : vector<16xf32>
      %select_n3A_2179 = arith.select %ge3A_2178, %select_n3A_2164, %select_n3A_2167 : vector<16xi1>, vector<16xf32>
      %select_n3A_2180 = arith.select %ge3A_2178, %select_n3A_2165, %select_n3A_2168 : vector<16xi1>, vector<16xi32>
      %ge3A_2181 = arith.cmpf oge, %select_n3A_2170, %select_n3A_2173 : vector<16xf32>
      %select_n3A_2182 = arith.select %ge3A_2181, %select_n3A_2170, %select_n3A_2173 : vector<16xi1>, vector<16xf32>
      %select_n3A_2183 = arith.select %ge3A_2181, %select_n3A_2171, %select_n3A_2174 : vector<16xi1>, vector<16xi32>
      %ge3A_2184 = arith.cmpf oge, %select_n3A_2176, %select_n3A_2179 : vector<16xf32>
      %select_n3A_2185 = arith.select %ge3A_2184, %select_n3A_2176, %select_n3A_2179 : vector<16xi1>, vector<16xf32>
      %select_n3A_2186 = arith.select %ge3A_2184, %select_n3A_2177, %select_n3A_2180 : vector<16xi1>, vector<16xi32>
      %ge3A_2187 = arith.cmpf oge, %select_n3A_2182, %select_n3A_2185 : vector<16xf32>
      %select_n3A_2188 = arith.select %ge3A_2187, %select_n3A_2182, %select_n3A_2185 : vector<16xi1>, vector<16xf32>
      %select_n3A_2189 = arith.select %ge3A_2187, %select_n3A_2183, %select_n3A_2186 : vector<16xi1>, vector<16xi32>
      %shift_right_arithmetic3A_2190 = arith.constant 4 : i32
      %shift_right_arithmetic3A_2191 = vector.broadcast %shift_right_arithmetic3A_2190 : i32 to vector<16xi32>
      %shift_right_arithmetic3A_2192 = arith.shrsi %select_n3A_2007, %shift_right_arithmetic3A_2191 : vector<16xi32>
      %eq3A_2193 = arith.constant 0 : i32
      %eq3A_2194 = vector.broadcast %eq3A_2193 : i32 to vector<16xi32>
      %eq3A_2195 = arith.cmpi eq, %shift_right_arithmetic3A_2192, %eq3A_2194 : vector<16xi32>
      %select_n3A_2196 = arith.select %eq3A_2195, %select_n3A_2188, %select_n3A_1970 : vector<16xi1>, vector<16xf32>
      %eq3A_2197 = arith.constant 0 : i32
      %eq3A_2198 = vector.broadcast %eq3A_2197 : i32 to vector<16xi32>
      %eq3A_2199 = arith.cmpi eq, %shift_right_arithmetic3A_2192, %eq3A_2198 : vector<16xi32>
      %select_n3A_2200 = arith.select %eq3A_2199, %select_n3A_2189, %select_n3A_1974 : vector<16xi1>, vector<16xi32>
      %eq3A_2201 = arith.constant 1 : i32
      %eq3A_2202 = vector.broadcast %eq3A_2201 : i32 to vector<16xi32>
      %eq3A_2203 = arith.cmpi eq, %shift_right_arithmetic3A_2192, %eq3A_2202 : vector<16xi32>
      %select_n3A_2204 = arith.select %eq3A_2203, %select_n3A_2188, %select_n3A_1978 : vector<16xi1>, vector<16xf32>
      %eq3A_2205 = arith.constant 1 : i32
      %eq3A_2206 = vector.broadcast %eq3A_2205 : i32 to vector<16xi32>
      %eq3A_2207 = arith.cmpi eq, %shift_right_arithmetic3A_2192, %eq3A_2206 : vector<16xi32>
      %select_n3A_2208 = arith.select %eq3A_2207, %select_n3A_2189, %select_n3A_1982 : vector<16xi1>, vector<16xi32>
      %eq3A_2209 = arith.constant 2 : i32
      %eq3A_2210 = vector.broadcast %eq3A_2209 : i32 to vector<16xi32>
      %eq3A_2211 = arith.cmpi eq, %shift_right_arithmetic3A_2192, %eq3A_2210 : vector<16xi32>
      %select_n3A_2212 = arith.select %eq3A_2211, %select_n3A_2188, %select_n3A_1986 : vector<16xi1>, vector<16xf32>
      %eq3A_2213 = arith.constant 2 : i32
      %eq3A_2214 = vector.broadcast %eq3A_2213 : i32 to vector<16xi32>
      %eq3A_2215 = arith.cmpi eq, %shift_right_arithmetic3A_2192, %eq3A_2214 : vector<16xi32>
      %select_n3A_2216 = arith.select %eq3A_2215, %select_n3A_2189, %select_n3A_1990 : vector<16xi1>, vector<16xi32>
      %eq3A_2217 = arith.constant 3 : i32
      %eq3A_2218 = vector.broadcast %eq3A_2217 : i32 to vector<16xi32>
      %eq3A_2219 = arith.cmpi eq, %shift_right_arithmetic3A_2192, %eq3A_2218 : vector<16xi32>
      %select_n3A_2220 = arith.select %eq3A_2219, %select_n3A_2188, %select_n3A_1994 : vector<16xi1>, vector<16xf32>
      %eq3A_2221 = arith.constant 3 : i32
      %eq3A_2222 = vector.broadcast %eq3A_2221 : i32 to vector<16xi32>
      %eq3A_2223 = arith.cmpi eq, %shift_right_arithmetic3A_2192, %eq3A_2222 : vector<16xi32>
      %select_n3A_2224 = arith.select %eq3A_2223, %select_n3A_2189, %select_n3A_1998 : vector<16xi1>, vector<16xi32>
      %ge3A_2225 = arith.cmpf oge, %select_n3A_2196, %select_n3A_2204 : vector<16xf32>
      %select_n3A_2226 = arith.select %ge3A_2225, %select_n3A_2196, %select_n3A_2204 : vector<16xi1>, vector<16xf32>
      %select_n3A_2227 = arith.select %ge3A_2225, %select_n3A_2200, %select_n3A_2208 : vector<16xi1>, vector<16xi32>
      %ge3A_2228 = arith.cmpf oge, %select_n3A_2212, %select_n3A_2220 : vector<16xf32>
      %select_n3A_2229 = arith.select %ge3A_2228, %select_n3A_2212, %select_n3A_2220 : vector<16xi1>, vector<16xf32>
      %select_n3A_2230 = arith.select %ge3A_2228, %select_n3A_2216, %select_n3A_2224 : vector<16xi1>, vector<16xi32>
      %ge3A_2231 = arith.cmpf oge, %select_n3A_2226, %select_n3A_2229 : vector<16xf32>
      %select_n3A_2232 = arith.select %ge3A_2231, %select_n3A_2226, %select_n3A_2229 : vector<16xi1>, vector<16xf32>
      %select_n3A_2233 = arith.select %ge3A_2231, %select_n3A_2227, %select_n3A_2230 : vector<16xi1>, vector<16xi32>
      %shift_right_arithmetic3A_2234 = arith.constant 3 : i32
      %shift_right_arithmetic3A_2235 = vector.broadcast %shift_right_arithmetic3A_2234 : i32 to vector<16xi32>
      %shift_right_arithmetic3A_2236 = arith.shrsi %select_n3A_2233, %shift_right_arithmetic3A_2235 : vector<16xi32>
      %mul3A_2237 = arith.constant 8192 : i32
      %mul3A_2238 = vector.broadcast %mul3A_2237 : i32 to vector<16xi32>
      %mul3A_2239 = arith.muli %shift_right_arithmetic3A_2236, %mul3A_2238 : vector<16xi32>
      %and3A_2240 = arith.constant 7 : i32
      %and3A_2241 = vector.broadcast %and3A_2240 : i32 to vector<16xi32>
      %and3A_2242 = arith.andi %select_n3A_2233, %and3A_2241 : vector<16xi32>
      %mul3A_2243 = arith.constant 128 : i32
      %mul3A_2244 = vector.broadcast %mul3A_2243 : i32 to vector<16xi32>
      %mul3A_2245 = arith.muli %and3A_2242, %mul3A_2244 : vector<16xi32>
      %add3A_2246 = arith.addi %mul3A_2239, %mul3A_2245 : vector<16xi32>
      %add3A_2247 = vector.broadcast %add3A_279 : i32 to vector<16xi32>
      %add3A_2248 = arith.addi %add3A_2246, %add3A_2247 : vector<16xi32>
      %add3A_2249 = arith.addi %add3A_2248, %iota3A : vector<16xi32>
      tpu.vector_store_idx %arg6[%add3A_2249], %broadcast_in_dim3A_1 : memref<65536xf32, #tpu.memory_space<vmem>>[vector<16xi32>], vector<16xf32>,
      %and3A_2250 = arith.constant -16 : i32
      %and3A_2251 = vector.broadcast %and3A_2250 : i32 to vector<16xi32>
      %and3A_2252 = arith.andi %select_n3A_2233, %and3A_2251 : vector<16xi32>
      %mul3A_2253 = arith.constant 1024 : i32
      %mul3A_2254 = vector.broadcast %mul3A_2253 : i32 to vector<16xi32>
      %mul3A_2255 = arith.muli %and3A_2252, %mul3A_2254 : vector<16xi32>
      %add3A_2256 = vector.broadcast %add3A_279 : i32 to vector<16xi32>
      %add3A_2257 = arith.addi %mul3A_2255, %add3A_2256 : vector<16xi32>
      %add3A_2258 = arith.addi %add3A_2257, %iota3A : vector<16xi32>
      %add3A_2259 = arith.constant 0 : i32
      %add3A_2260 = vector.broadcast %add3A_2259 : i32 to vector<16xi32>
      %add3A_2261 = arith.addi %add3A_2258, %add3A_2260 : vector<16xi32>
      %gather3A_2262 = tpu.vector_load_idx %arg6[%add3A_2261] : memref<65536xf32, #tpu.memory_space<vmem>>[vector<16xi32>], vector<16xf32>,
      %add3A_2263 = arith.constant 0 : i32
      %add3A_2264 = vector.broadcast %add3A_2263 : i32 to vector<16xi32>
      %add3A_2265 = arith.addi %and3A_2252, %add3A_2264 : vector<16xi32>
      %add3A_2266 = arith.constant 128 : i32
      %add3A_2267 = vector.broadcast %add3A_2266 : i32 to vector<16xi32>
      %add3A_2268 = arith.addi %add3A_2258, %add3A_2267 : vector<16xi32>
      %gather3A_2269 = tpu.vector_load_idx %arg6[%add3A_2268] : memref<65536xf32, #tpu.memory_space<vmem>>[vector<16xi32>], vector<16xf32>,
      %add3A_2270 = arith.constant 1 : i32
      %add3A_2271 = vector.broadcast %add3A_2270 : i32 to vector<16xi32>
      %add3A_2272 = arith.addi %and3A_2252, %add3A_2271 : vector<16xi32>
      %add3A_2273 = arith.constant 256 : i32
      %add3A_2274 = vector.broadcast %add3A_2273 : i32 to vector<16xi32>
      %add3A_2275 = arith.addi %add3A_2258, %add3A_2274 : vector<16xi32>
      %gather3A_2276 = tpu.vector_load_idx %arg6[%add3A_2275] : memref<65536xf32, #tpu.memory_space<vmem>>[vector<16xi32>], vector<16xf32>,
      %add3A_2277 = arith.constant 2 : i32
      %add3A_2278 = vector.broadcast %add3A_2277 : i32 to vector<16xi32>
      %add3A_2279 = arith.addi %and3A_2252, %add3A_2278 : vector<16xi32>
      %add3A_2280 = arith.constant 384 : i32
      %add3A_2281 = vector.broadcast %add3A_2280 : i32 to vector<16xi32>
      %add3A_2282 = arith.addi %add3A_2258, %add3A_2281 : vector<16xi32>
      %gather3A_2283 = tpu.vector_load_idx %arg6[%add3A_2282] : memref<65536xf32, #tpu.memory_space<vmem>>[vector<16xi32>], vector<16xf32>,
      %add3A_2284 = arith.constant 3 : i32
      %add3A_2285 = vector.broadcast %add3A_2284 : i32 to vector<16xi32>
      %add3A_2286 = arith.addi %and3A_2252, %add3A_2285 : vector<16xi32>
      %add3A_2287 = arith.constant 512 : i32
      %add3A_2288 = vector.broadcast %add3A_2287 : i32 to vector<16xi32>
      %add3A_2289 = arith.addi %add3A_2258, %add3A_2288 : vector<16xi32>
      %gather3A_2290 = tpu.vector_load_idx %arg6[%add3A_2289] : memref<65536xf32, #tpu.memory_space<vmem>>[vector<16xi32>], vector<16xf32>,
      %add3A_2291 = arith.constant 4 : i32
      %add3A_2292 = vector.broadcast %add3A_2291 : i32 to vector<16xi32>
      %add3A_2293 = arith.addi %and3A_2252, %add3A_2292 : vector<16xi32>
      %add3A_2294 = arith.constant 640 : i32
      %add3A_2295 = vector.broadcast %add3A_2294 : i32 to vector<16xi32>
      %add3A_2296 = arith.addi %add3A_2258, %add3A_2295 : vector<16xi32>
      %gather3A_2297 = tpu.vector_load_idx %arg6[%add3A_2296] : memref<65536xf32, #tpu.memory_space<vmem>>[vector<16xi32>], vector<16xf32>,
      %add3A_2298 = arith.constant 5 : i32
      %add3A_2299 = vector.broadcast %add3A_2298 : i32 to vector<16xi32>
      %add3A_2300 = arith.addi %and3A_2252, %add3A_2299 : vector<16xi32>
      %add3A_2301 = arith.constant 768 : i32
      %add3A_2302 = vector.broadcast %add3A_2301 : i32 to vector<16xi32>
      %add3A_2303 = arith.addi %add3A_2258, %add3A_2302 : vector<16xi32>
      %gather3A_2304 = tpu.vector_load_idx %arg6[%add3A_2303] : memref<65536xf32, #tpu.memory_space<vmem>>[vector<16xi32>], vector<16xf32>,
      %add3A_2305 = arith.constant 6 : i32
      %add3A_2306 = vector.broadcast %add3A_2305 : i32 to vector<16xi32>
      %add3A_2307 = arith.addi %and3A_2252, %add3A_2306 : vector<16xi32>
      %add3A_2308 = arith.constant 896 : i32
      %add3A_2309 = vector.broadcast %add3A_2308 : i32 to vector<16xi32>
      %add3A_2310 = arith.addi %add3A_2258, %add3A_2309 : vector<16xi32>
      %gather3A_2311 = tpu.vector_load_idx %arg6[%add3A_2310] : memref<65536xf32, #tpu.memory_space<vmem>>[vector<16xi32>], vector<16xf32>,
      %add3A_2312 = arith.constant 7 : i32
      %add3A_2313 = vector.broadcast %add3A_2312 : i32 to vector<16xi32>
      %add3A_2314 = arith.addi %and3A_2252, %add3A_2313 : vector<16xi32>
      %add3A_2315 = arith.constant 8192 : i32
      %add3A_2316 = vector.broadcast %add3A_2315 : i32 to vector<16xi32>
      %add3A_2317 = arith.addi %add3A_2258, %add3A_2316 : vector<16xi32>
      %gather3A_2318 = tpu.vector_load_idx %arg6[%add3A_2317] : memref<65536xf32, #tpu.memory_space<vmem>>[vector<16xi32>], vector<16xf32>,
      %add3A_2319 = arith.constant 8 : i32
      %add3A_2320 = vector.broadcast %add3A_2319 : i32 to vector<16xi32>
      %add3A_2321 = arith.addi %and3A_2252, %add3A_2320 : vector<16xi32>
      %add3A_2322 = arith.constant 8320 : i32
      %add3A_2323 = vector.broadcast %add3A_2322 : i32 to vector<16xi32>
      %add3A_2324 = arith.addi %add3A_2258, %add3A_2323 : vector<16xi32>
      %gather3A_2325 = tpu.vector_load_idx %arg6[%add3A_2324] : memref<65536xf32, #tpu.memory_space<vmem>>[vector<16xi32>], vector<16xf32>,
      %add3A_2326 = arith.constant 9 : i32
      %add3A_2327 = vector.broadcast %add3A_2326 : i32 to vector<16xi32>
      %add3A_2328 = arith.addi %and3A_2252, %add3A_2327 : vector<16xi32>
      %add3A_2329 = arith.constant 8448 : i32
      %add3A_2330 = vector.broadcast %add3A_2329 : i32 to vector<16xi32>
      %add3A_2331 = arith.addi %add3A_2258, %add3A_2330 : vector<16xi32>
      %gather3A_2332 = tpu.vector_load_idx %arg6[%add3A_2331] : memref<65536xf32, #tpu.memory_space<vmem>>[vector<16xi32>], vector<16xf32>,
      %add3A_2333 = arith.constant 10 : i32
      %add3A_2334 = vector.broadcast %add3A_2333 : i32 to vector<16xi32>
      %add3A_2335 = arith.addi %and3A_2252, %add3A_2334 : vector<16xi32>
      %add3A_2336 = arith.constant 8576 : i32
      %add3A_2337 = vector.broadcast %add3A_2336 : i32 to vector<16xi32>
      %add3A_2338 = arith.addi %add3A_2258, %add3A_2337 : vector<16xi32>
      %gather3A_2339 = tpu.vector_load_idx %arg6[%add3A_2338] : memref<65536xf32, #tpu.memory_space<vmem>>[vector<16xi32>], vector<16xf32>,
      %add3A_2340 = arith.constant 11 : i32
      %add3A_2341 = vector.broadcast %add3A_2340 : i32 to vector<16xi32>
      %add3A_2342 = arith.addi %and3A_2252, %add3A_2341 : vector<16xi32>
      %add3A_2343 = arith.constant 8704 : i32
      %add3A_2344 = vector.broadcast %add3A_2343 : i32 to vector<16xi32>
      %add3A_2345 = arith.addi %add3A_2258, %add3A_2344 : vector<16xi32>
      %gather3A_2346 = tpu.vector_load_idx %arg6[%add3A_2345] : memref<65536xf32, #tpu.memory_space<vmem>>[vector<16xi32>], vector<16xf32>,
      %add3A_2347 = arith.constant 12 : i32
      %add3A_2348 = vector.broadcast %add3A_2347 : i32 to vector<16xi32>
      %add3A_2349 = arith.addi %and3A_2252, %add3A_2348 : vector<16xi32>
      %add3A_2350 = arith.constant 8832 : i32
      %add3A_2351 = vector.broadcast %add3A_2350 : i32 to vector<16xi32>
      %add3A_2352 = arith.addi %add3A_2258, %add3A_2351 : vector<16xi32>
      %gather3A_2353 = tpu.vector_load_idx %arg6[%add3A_2352] : memref<65536xf32, #tpu.memory_space<vmem>>[vector<16xi32>], vector<16xf32>,
      %add3A_2354 = arith.constant 13 : i32
      %add3A_2355 = vector.broadcast %add3A_2354 : i32 to vector<16xi32>
      %add3A_2356 = arith.addi %and3A_2252, %add3A_2355 : vector<16xi32>
      %add3A_2357 = arith.constant 8960 : i32
      %add3A_2358 = vector.broadcast %add3A_2357 : i32 to vector<16xi32>
      %add3A_2359 = arith.addi %add3A_2258, %add3A_2358 : vector<16xi32>
      %gather3A_2360 = tpu.vector_load_idx %arg6[%add3A_2359] : memref<65536xf32, #tpu.memory_space<vmem>>[vector<16xi32>], vector<16xf32>,
      %add3A_2361 = arith.constant 14 : i32
      %add3A_2362 = vector.broadcast %add3A_2361 : i32 to vector<16xi32>
      %add3A_2363 = arith.addi %and3A_2252, %add3A_2362 : vector<16xi32>
      %add3A_2364 = arith.constant 9088 : i32
      %add3A_2365 = vector.broadcast %add3A_2364 : i32 to vector<16xi32>
      %add3A_2366 = arith.addi %add3A_2258, %add3A_2365 : vector<16xi32>
      %gather3A_2367 = tpu.vector_load_idx %arg6[%add3A_2366] : memref<65536xf32, #tpu.memory_space<vmem>>[vector<16xi32>], vector<16xf32>,
      %add3A_2368 = arith.constant 15 : i32
      %add3A_2369 = vector.broadcast %add3A_2368 : i32 to vector<16xi32>
      %add3A_2370 = arith.addi %and3A_2252, %add3A_2369 : vector<16xi32>
      %ge3A_2371 = arith.cmpf oge, %gather3A_2262, %gather3A_2269 : vector<16xf32>
      %select_n3A_2372 = arith.select %ge3A_2371, %gather3A_2262, %gather3A_2269 : vector<16xi1>, vector<16xf32>
      %select_n3A_2373 = arith.select %ge3A_2371, %add3A_2265, %add3A_2272 : vector<16xi1>, vector<16xi32>
      %ge3A_2374 = arith.cmpf oge, %gather3A_2276, %gather3A_2283 : vector<16xf32>
      %select_n3A_2375 = arith.select %ge3A_2374, %gather3A_2276, %gather3A_2283 : vector<16xi1>, vector<16xf32>
      %select_n3A_2376 = arith.select %ge3A_2374, %add3A_2279, %add3A_2286 : vector<16xi1>, vector<16xi32>
      %ge3A_2377 = arith.cmpf oge, %gather3A_2290, %gather3A_2297 : vector<16xf32>
      %select_n3A_2378 = arith.select %ge3A_2377, %gather3A_2290, %gather3A_2297 : vector<16xi1>, vector<16xf32>
      %select_n3A_2379 = arith.select %ge3A_2377, %add3A_2293, %add3A_2300 : vector<16xi1>, vector<16xi32>
      %ge3A_2380 = arith.cmpf oge, %gather3A_2304, %gather3A_2311 : vector<16xf32>
      %select_n3A_2381 = arith.select %ge3A_2380, %gather3A_2304, %gather3A_2311 : vector<16xi1>, vector<16xf32>
      %select_n3A_2382 = arith.select %ge3A_2380, %add3A_2307, %add3A_2314 : vector<16xi1>, vector<16xi32>
      %ge3A_2383 = arith.cmpf oge, %gather3A_2318, %gather3A_2325 : vector<16xf32>
      %select_n3A_2384 = arith.select %ge3A_2383, %gather3A_2318, %gather3A_2325 : vector<16xi1>, vector<16xf32>
      %select_n3A_2385 = arith.select %ge3A_2383, %add3A_2321, %add3A_2328 : vector<16xi1>, vector<16xi32>
      %ge3A_2386 = arith.cmpf oge, %gather3A_2332, %gather3A_2339 : vector<16xf32>
      %select_n3A_2387 = arith.select %ge3A_2386, %gather3A_2332, %gather3A_2339 : vector<16xi1>, vector<16xf32>
      %select_n3A_2388 = arith.select %ge3A_2386, %add3A_2335, %add3A_2342 : vector<16xi1>, vector<16xi32>
      %ge3A_2389 = arith.cmpf oge, %gather3A_2346, %gather3A_2353 : vector<16xf32>
      %select_n3A_2390 = arith.select %ge3A_2389, %gather3A_2346, %gather3A_2353 : vector<16xi1>, vector<16xf32>
      %select_n3A_2391 = arith.select %ge3A_2389, %add3A_2349, %add3A_2356 : vector<16xi1>, vector<16xi32>
      %ge3A_2392 = arith.cmpf oge, %gather3A_2360, %gather3A_2367 : vector<16xf32>
      %select_n3A_2393 = arith.select %ge3A_2392, %gather3A_2360, %gather3A_2367 : vector<16xi1>, vector<16xf32>
      %select_n3A_2394 = arith.select %ge3A_2392, %add3A_2363, %add3A_2370 : vector<16xi1>, vector<16xi32>
      %ge3A_2395 = arith.cmpf oge, %select_n3A_2372, %select_n3A_2375 : vector<16xf32>
      %select_n3A_2396 = arith.select %ge3A_2395, %select_n3A_2372, %select_n3A_2375 : vector<16xi1>, vector<16xf32>
      %select_n3A_2397 = arith.select %ge3A_2395, %select_n3A_2373, %select_n3A_2376 : vector<16xi1>, vector<16xi32>
      %ge3A_2398 = arith.cmpf oge, %select_n3A_2378, %select_n3A_2381 : vector<16xf32>
      %select_n3A_2399 = arith.select %ge3A_2398, %select_n3A_2378, %select_n3A_2381 : vector<16xi1>, vector<16xf32>
      %select_n3A_2400 = arith.select %ge3A_2398, %select_n3A_2379, %select_n3A_2382 : vector<16xi1>, vector<16xi32>
      %ge3A_2401 = arith.cmpf oge, %select_n3A_2384, %select_n3A_2387 : vector<16xf32>
      %select_n3A_2402 = arith.select %ge3A_2401, %select_n3A_2384, %select_n3A_2387 : vector<16xi1>, vector<16xf32>
      %select_n3A_2403 = arith.select %ge3A_2401, %select_n3A_2385, %select_n3A_2388 : vector<16xi1>, vector<16xi32>
      %ge3A_2404 = arith.cmpf oge, %select_n3A_2390, %select_n3A_2393 : vector<16xf32>
      %select_n3A_2405 = arith.select %ge3A_2404, %select_n3A_2390, %select_n3A_2393 : vector<16xi1>, vector<16xf32>
      %select_n3A_2406 = arith.select %ge3A_2404, %select_n3A_2391, %select_n3A_2394 : vector<16xi1>, vector<16xi32>
      %ge3A_2407 = arith.cmpf oge, %select_n3A_2396, %select_n3A_2399 : vector<16xf32>
      %select_n3A_2408 = arith.select %ge3A_2407, %select_n3A_2396, %select_n3A_2399 : vector<16xi1>, vector<16xf32>
      %select_n3A_2409 = arith.select %ge3A_2407, %select_n3A_2397, %select_n3A_2400 : vector<16xi1>, vector<16xi32>
      %ge3A_2410 = arith.cmpf oge, %select_n3A_2402, %select_n3A_2405 : vector<16xf32>
      %select_n3A_2411 = arith.select %ge3A_2410, %select_n3A_2402, %select_n3A_2405 : vector<16xi1>, vector<16xf32>
      %select_n3A_2412 = arith.select %ge3A_2410, %select_n3A_2403, %select_n3A_2406 : vector<16xi1>, vector<16xi32>
      %ge3A_2413 = arith.cmpf oge, %select_n3A_2408, %select_n3A_2411 : vector<16xf32>
      %select_n3A_2414 = arith.select %ge3A_2413, %select_n3A_2408, %select_n3A_2411 : vector<16xi1>, vector<16xf32>
      %select_n3A_2415 = arith.select %ge3A_2413, %select_n3A_2409, %select_n3A_2412 : vector<16xi1>, vector<16xi32>
      %shift_right_arithmetic3A_2416 = arith.constant 4 : i32
      %shift_right_arithmetic3A_2417 = vector.broadcast %shift_right_arithmetic3A_2416 : i32 to vector<16xi32>
      %shift_right_arithmetic3A_2418 = arith.shrsi %select_n3A_2233, %shift_right_arithmetic3A_2417 : vector<16xi32>
      %eq3A_2419 = arith.constant 0 : i32
      %eq3A_2420 = vector.broadcast %eq3A_2419 : i32 to vector<16xi32>
      %eq3A_2421 = arith.cmpi eq, %shift_right_arithmetic3A_2418, %eq3A_2420 : vector<16xi32>
      %select_n3A_2422 = arith.select %eq3A_2421, %select_n3A_2414, %select_n3A_2196 : vector<16xi1>, vector<16xf32>
      %eq3A_2423 = arith.constant 0 : i32
      %eq3A_2424 = vector.broadcast %eq3A_2423 : i32 to vector<16xi32>
      %eq3A_2425 = arith.cmpi eq, %shift_right_arithmetic3A_2418, %eq3A_2424 : vector<16xi32>
      %select_n3A_2426 = arith.select %eq3A_2425, %select_n3A_2415, %select_n3A_2200 : vector<16xi1>, vector<16xi32>
      %eq3A_2427 = arith.constant 1 : i32
      %eq3A_2428 = vector.broadcast %eq3A_2427 : i32 to vector<16xi32>
      %eq3A_2429 = arith.cmpi eq, %shift_right_arithmetic3A_2418, %eq3A_2428 : vector<16xi32>
      %select_n3A_2430 = arith.select %eq3A_2429, %select_n3A_2414, %select_n3A_2204 : vector<16xi1>, vector<16xf32>
      %eq3A_2431 = arith.constant 1 : i32
      %eq3A_2432 = vector.broadcast %eq3A_2431 : i32 to vector<16xi32>
      %eq3A_2433 = arith.cmpi eq, %shift_right_arithmetic3A_2418, %eq3A_2432 : vector<16xi32>
      %select_n3A_2434 = arith.select %eq3A_2433, %select_n3A_2415, %select_n3A_2208 : vector<16xi1>, vector<16xi32>
      %eq3A_2435 = arith.constant 2 : i32
      %eq3A_2436 = vector.broadcast %eq3A_2435 : i32 to vector<16xi32>
      %eq3A_2437 = arith.cmpi eq, %shift_right_arithmetic3A_2418, %eq3A_2436 : vector<16xi32>
      %select_n3A_2438 = arith.select %eq3A_2437, %select_n3A_2414, %select_n3A_2212 : vector<16xi1>, vector<16xf32>
      %eq3A_2439 = arith.constant 2 : i32
      %eq3A_2440 = vector.broadcast %eq3A_2439 : i32 to vector<16xi32>
      %eq3A_2441 = arith.cmpi eq, %shift_right_arithmetic3A_2418, %eq3A_2440 : vector<16xi32>
      %select_n3A_2442 = arith.select %eq3A_2441, %select_n3A_2415, %select_n3A_2216 : vector<16xi1>, vector<16xi32>
      %eq3A_2443 = arith.constant 3 : i32
      %eq3A_2444 = vector.broadcast %eq3A_2443 : i32 to vector<16xi32>
      %eq3A_2445 = arith.cmpi eq, %shift_right_arithmetic3A_2418, %eq3A_2444 : vector<16xi32>
      %select_n3A_2446 = arith.select %eq3A_2445, %select_n3A_2414, %select_n3A_2220 : vector<16xi1>, vector<16xf32>
      %eq3A_2447 = arith.constant 3 : i32
      %eq3A_2448 = vector.broadcast %eq3A_2447 : i32 to vector<16xi32>
      %eq3A_2449 = arith.cmpi eq, %shift_right_arithmetic3A_2418, %eq3A_2448 : vector<16xi32>
      %select_n3A_2450 = arith.select %eq3A_2449, %select_n3A_2415, %select_n3A_2224 : vector<16xi1>, vector<16xi32>
      %ge3A_2451 = arith.cmpf oge, %select_n3A_2422, %select_n3A_2430 : vector<16xf32>
      %select_n3A_2452 = arith.select %ge3A_2451, %select_n3A_2422, %select_n3A_2430 : vector<16xi1>, vector<16xf32>
      %select_n3A_2453 = arith.select %ge3A_2451, %select_n3A_2426, %select_n3A_2434 : vector<16xi1>, vector<16xi32>
      %ge3A_2454 = arith.cmpf oge, %select_n3A_2438, %select_n3A_2446 : vector<16xf32>
      %select_n3A_2455 = arith.select %ge3A_2454, %select_n3A_2438, %select_n3A_2446 : vector<16xi1>, vector<16xf32>
      %select_n3A_2456 = arith.select %ge3A_2454, %select_n3A_2442, %select_n3A_2450 : vector<16xi1>, vector<16xi32>
      %ge3A_2457 = arith.cmpf oge, %select_n3A_2452, %select_n3A_2455 : vector<16xf32>
      %select_n3A_2458 = arith.select %ge3A_2457, %select_n3A_2452, %select_n3A_2455 : vector<16xi1>, vector<16xf32>
      %select_n3A_2459 = arith.select %ge3A_2457, %select_n3A_2453, %select_n3A_2456 : vector<16xi1>, vector<16xi32>
      %shift_right_arithmetic3A_2460 = arith.constant 3 : i32
      %shift_right_arithmetic3A_2461 = vector.broadcast %shift_right_arithmetic3A_2460 : i32 to vector<16xi32>
      %shift_right_arithmetic3A_2462 = arith.shrsi %select_n3A_2459, %shift_right_arithmetic3A_2461 : vector<16xi32>
      %mul3A_2463 = arith.constant 8192 : i32
      %mul3A_2464 = vector.broadcast %mul3A_2463 : i32 to vector<16xi32>
      %mul3A_2465 = arith.muli %shift_right_arithmetic3A_2462, %mul3A_2464 : vector<16xi32>
      %and3A_2466 = arith.constant 7 : i32
      %and3A_2467 = vector.broadcast %and3A_2466 : i32 to vector<16xi32>
      %and3A_2468 = arith.andi %select_n3A_2459, %and3A_2467 : vector<16xi32>
      %mul3A_2469 = arith.constant 128 : i32
      %mul3A_2470 = vector.broadcast %mul3A_2469 : i32 to vector<16xi32>
      %mul3A_2471 = arith.muli %and3A_2468, %mul3A_2470 : vector<16xi32>
      %add3A_2472 = arith.addi %mul3A_2465, %mul3A_2471 : vector<16xi32>
      %add3A_2473 = vector.broadcast %add3A_279 : i32 to vector<16xi32>
      %add3A_2474 = arith.addi %add3A_2472, %add3A_2473 : vector<16xi32>
      %add3A_2475 = arith.addi %add3A_2474, %iota3A : vector<16xi32>
      tpu.vector_store_idx %arg6[%add3A_2475], %broadcast_in_dim3A_1 : memref<65536xf32, #tpu.memory_space<vmem>>[vector<16xi32>], vector<16xf32>,
      %and3A_2476 = arith.constant -16 : i32
      %and3A_2477 = vector.broadcast %and3A_2476 : i32 to vector<16xi32>
      %and3A_2478 = arith.andi %select_n3A_2459, %and3A_2477 : vector<16xi32>
      %mul3A_2479 = arith.constant 1024 : i32
      %mul3A_2480 = vector.broadcast %mul3A_2479 : i32 to vector<16xi32>
      %mul3A_2481 = arith.muli %and3A_2478, %mul3A_2480 : vector<16xi32>
      %add3A_2482 = vector.broadcast %add3A_279 : i32 to vector<16xi32>
      %add3A_2483 = arith.addi %mul3A_2481, %add3A_2482 : vector<16xi32>
      %add3A_2484 = arith.addi %add3A_2483, %iota3A : vector<16xi32>
      %add3A_2485 = arith.constant 0 : i32
      %add3A_2486 = vector.broadcast %add3A_2485 : i32 to vector<16xi32>
      %add3A_2487 = arith.addi %add3A_2484, %add3A_2486 : vector<16xi32>
      %gather3A_2488 = tpu.vector_load_idx %arg6[%add3A_2487] : memref<65536xf32, #tpu.memory_space<vmem>>[vector<16xi32>], vector<16xf32>,
      %add3A_2489 = arith.constant 0 : i32
      %add3A_2490 = vector.broadcast %add3A_2489 : i32 to vector<16xi32>
      %add3A_2491 = arith.addi %and3A_2478, %add3A_2490 : vector<16xi32>
      %add3A_2492 = arith.constant 128 : i32
      %add3A_2493 = vector.broadcast %add3A_2492 : i32 to vector<16xi32>
      %add3A_2494 = arith.addi %add3A_2484, %add3A_2493 : vector<16xi32>
      %gather3A_2495 = tpu.vector_load_idx %arg6[%add3A_2494] : memref<65536xf32, #tpu.memory_space<vmem>>[vector<16xi32>], vector<16xf32>,
      %add3A_2496 = arith.constant 1 : i32
      %add3A_2497 = vector.broadcast %add3A_2496 : i32 to vector<16xi32>
      %add3A_2498 = arith.addi %and3A_2478, %add3A_2497 : vector<16xi32>
      %add3A_2499 = arith.constant 256 : i32
      %add3A_2500 = vector.broadcast %add3A_2499 : i32 to vector<16xi32>
      %add3A_2501 = arith.addi %add3A_2484, %add3A_2500 : vector<16xi32>
      %gather3A_2502 = tpu.vector_load_idx %arg6[%add3A_2501] : memref<65536xf32, #tpu.memory_space<vmem>>[vector<16xi32>], vector<16xf32>,
      %add3A_2503 = arith.constant 2 : i32
      %add3A_2504 = vector.broadcast %add3A_2503 : i32 to vector<16xi32>
      %add3A_2505 = arith.addi %and3A_2478, %add3A_2504 : vector<16xi32>
      %add3A_2506 = arith.constant 384 : i32
      %add3A_2507 = vector.broadcast %add3A_2506 : i32 to vector<16xi32>
      %add3A_2508 = arith.addi %add3A_2484, %add3A_2507 : vector<16xi32>
      %gather3A_2509 = tpu.vector_load_idx %arg6[%add3A_2508] : memref<65536xf32, #tpu.memory_space<vmem>>[vector<16xi32>], vector<16xf32>,
      %add3A_2510 = arith.constant 3 : i32
      %add3A_2511 = vector.broadcast %add3A_2510 : i32 to vector<16xi32>
      %add3A_2512 = arith.addi %and3A_2478, %add3A_2511 : vector<16xi32>
      %add3A_2513 = arith.constant 512 : i32
      %add3A_2514 = vector.broadcast %add3A_2513 : i32 to vector<16xi32>
      %add3A_2515 = arith.addi %add3A_2484, %add3A_2514 : vector<16xi32>
      %gather3A_2516 = tpu.vector_load_idx %arg6[%add3A_2515] : memref<65536xf32, #tpu.memory_space<vmem>>[vector<16xi32>], vector<16xf32>,
      %add3A_2517 = arith.constant 4 : i32
      %add3A_2518 = vector.broadcast %add3A_2517 : i32 to vector<16xi32>
      %add3A_2519 = arith.addi %and3A_2478, %add3A_2518 : vector<16xi32>
      %add3A_2520 = arith.constant 640 : i32
      %add3A_2521 = vector.broadcast %add3A_2520 : i32 to vector<16xi32>
      %add3A_2522 = arith.addi %add3A_2484, %add3A_2521 : vector<16xi32>
      %gather3A_2523 = tpu.vector_load_idx %arg6[%add3A_2522] : memref<65536xf32, #tpu.memory_space<vmem>>[vector<16xi32>], vector<16xf32>,
      %add3A_2524 = arith.constant 5 : i32
      %add3A_2525 = vector.broadcast %add3A_2524 : i32 to vector<16xi32>
      %add3A_2526 = arith.addi %and3A_2478, %add3A_2525 : vector<16xi32>
      %add3A_2527 = arith.constant 768 : i32
      %add3A_2528 = vector.broadcast %add3A_2527 : i32 to vector<16xi32>
      %add3A_2529 = arith.addi %add3A_2484, %add3A_2528 : vector<16xi32>
      %gather3A_2530 = tpu.vector_load_idx %arg6[%add3A_2529] : memref<65536xf32, #tpu.memory_space<vmem>>[vector<16xi32>], vector<16xf32>,
      %add3A_2531 = arith.constant 6 : i32
      %add3A_2532 = vector.broadcast %add3A_2531 : i32 to vector<16xi32>
      %add3A_2533 = arith.addi %and3A_2478, %add3A_2532 : vector<16xi32>
      %add3A_2534 = arith.constant 896 : i32
      %add3A_2535 = vector.broadcast %add3A_2534 : i32 to vector<16xi32>
      %add3A_2536 = arith.addi %add3A_2484, %add3A_2535 : vector<16xi32>
      %gather3A_2537 = tpu.vector_load_idx %arg6[%add3A_2536] : memref<65536xf32, #tpu.memory_space<vmem>>[vector<16xi32>], vector<16xf32>,
      %add3A_2538 = arith.constant 7 : i32
      %add3A_2539 = vector.broadcast %add3A_2538 : i32 to vector<16xi32>
      %add3A_2540 = arith.addi %and3A_2478, %add3A_2539 : vector<16xi32>
      %add3A_2541 = arith.constant 8192 : i32
      %add3A_2542 = vector.broadcast %add3A_2541 : i32 to vector<16xi32>
      %add3A_2543 = arith.addi %add3A_2484, %add3A_2542 : vector<16xi32>
      %gather3A_2544 = tpu.vector_load_idx %arg6[%add3A_2543] : memref<65536xf32, #tpu.memory_space<vmem>>[vector<16xi32>], vector<16xf32>,
      %add3A_2545 = arith.constant 8 : i32
      %add3A_2546 = vector.broadcast %add3A_2545 : i32 to vector<16xi32>
      %add3A_2547 = arith.addi %and3A_2478, %add3A_2546 : vector<16xi32>
      %add3A_2548 = arith.constant 8320 : i32
      %add3A_2549 = vector.broadcast %add3A_2548 : i32 to vector<16xi32>
      %add3A_2550 = arith.addi %add3A_2484, %add3A_2549 : vector<16xi32>
      %gather3A_2551 = tpu.vector_load_idx %arg6[%add3A_2550] : memref<65536xf32, #tpu.memory_space<vmem>>[vector<16xi32>], vector<16xf32>,
      %add3A_2552 = arith.constant 9 : i32
      %add3A_2553 = vector.broadcast %add3A_2552 : i32 to vector<16xi32>
      %add3A_2554 = arith.addi %and3A_2478, %add3A_2553 : vector<16xi32>
      %add3A_2555 = arith.constant 8448 : i32
      %add3A_2556 = vector.broadcast %add3A_2555 : i32 to vector<16xi32>
      %add3A_2557 = arith.addi %add3A_2484, %add3A_2556 : vector<16xi32>
      %gather3A_2558 = tpu.vector_load_idx %arg6[%add3A_2557] : memref<65536xf32, #tpu.memory_space<vmem>>[vector<16xi32>], vector<16xf32>,
      %add3A_2559 = arith.constant 10 : i32
      %add3A_2560 = vector.broadcast %add3A_2559 : i32 to vector<16xi32>
      %add3A_2561 = arith.addi %and3A_2478, %add3A_2560 : vector<16xi32>
      %add3A_2562 = arith.constant 8576 : i32
      %add3A_2563 = vector.broadcast %add3A_2562 : i32 to vector<16xi32>
      %add3A_2564 = arith.addi %add3A_2484, %add3A_2563 : vector<16xi32>
      %gather3A_2565 = tpu.vector_load_idx %arg6[%add3A_2564] : memref<65536xf32, #tpu.memory_space<vmem>>[vector<16xi32>], vector<16xf32>,
      %add3A_2566 = arith.constant 11 : i32
      %add3A_2567 = vector.broadcast %add3A_2566 : i32 to vector<16xi32>
      %add3A_2568 = arith.addi %and3A_2478, %add3A_2567 : vector<16xi32>
      %add3A_2569 = arith.constant 8704 : i32
      %add3A_2570 = vector.broadcast %add3A_2569 : i32 to vector<16xi32>
      %add3A_2571 = arith.addi %add3A_2484, %add3A_2570 : vector<16xi32>
      %gather3A_2572 = tpu.vector_load_idx %arg6[%add3A_2571] : memref<65536xf32, #tpu.memory_space<vmem>>[vector<16xi32>], vector<16xf32>,
      %add3A_2573 = arith.constant 12 : i32
      %add3A_2574 = vector.broadcast %add3A_2573 : i32 to vector<16xi32>
      %add3A_2575 = arith.addi %and3A_2478, %add3A_2574 : vector<16xi32>
      %add3A_2576 = arith.constant 8832 : i32
      %add3A_2577 = vector.broadcast %add3A_2576 : i32 to vector<16xi32>
      %add3A_2578 = arith.addi %add3A_2484, %add3A_2577 : vector<16xi32>
      %gather3A_2579 = tpu.vector_load_idx %arg6[%add3A_2578] : memref<65536xf32, #tpu.memory_space<vmem>>[vector<16xi32>], vector<16xf32>,
      %add3A_2580 = arith.constant 13 : i32
      %add3A_2581 = vector.broadcast %add3A_2580 : i32 to vector<16xi32>
      %add3A_2582 = arith.addi %and3A_2478, %add3A_2581 : vector<16xi32>
      %add3A_2583 = arith.constant 8960 : i32
      %add3A_2584 = vector.broadcast %add3A_2583 : i32 to vector<16xi32>
      %add3A_2585 = arith.addi %add3A_2484, %add3A_2584 : vector<16xi32>
      %gather3A_2586 = tpu.vector_load_idx %arg6[%add3A_2585] : memref<65536xf32, #tpu.memory_space<vmem>>[vector<16xi32>], vector<16xf32>,
      %add3A_2587 = arith.constant 14 : i32
      %add3A_2588 = vector.broadcast %add3A_2587 : i32 to vector<16xi32>
      %add3A_2589 = arith.addi %and3A_2478, %add3A_2588 : vector<16xi32>
      %add3A_2590 = arith.constant 9088 : i32
      %add3A_2591 = vector.broadcast %add3A_2590 : i32 to vector<16xi32>
      %add3A_2592 = arith.addi %add3A_2484, %add3A_2591 : vector<16xi32>
      %gather3A_2593 = tpu.vector_load_idx %arg6[%add3A_2592] : memref<65536xf32, #tpu.memory_space<vmem>>[vector<16xi32>], vector<16xf32>,
      %add3A_2594 = arith.constant 15 : i32
      %add3A_2595 = vector.broadcast %add3A_2594 : i32 to vector<16xi32>
      %add3A_2596 = arith.addi %and3A_2478, %add3A_2595 : vector<16xi32>
      %ge3A_2597 = arith.cmpf oge, %gather3A_2488, %gather3A_2495 : vector<16xf32>
      %select_n3A_2598 = arith.select %ge3A_2597, %gather3A_2488, %gather3A_2495 : vector<16xi1>, vector<16xf32>
      %select_n3A_2599 = arith.select %ge3A_2597, %add3A_2491, %add3A_2498 : vector<16xi1>, vector<16xi32>
      %ge3A_2600 = arith.cmpf oge, %gather3A_2502, %gather3A_2509 : vector<16xf32>
      %select_n3A_2601 = arith.select %ge3A_2600, %gather3A_2502, %gather3A_2509 : vector<16xi1>, vector<16xf32>
      %select_n3A_2602 = arith.select %ge3A_2600, %add3A_2505, %add3A_2512 : vector<16xi1>, vector<16xi32>
      %ge3A_2603 = arith.cmpf oge, %gather3A_2516, %gather3A_2523 : vector<16xf32>
      %select_n3A_2604 = arith.select %ge3A_2603, %gather3A_2516, %gather3A_2523 : vector<16xi1>, vector<16xf32>
      %select_n3A_2605 = arith.select %ge3A_2603, %add3A_2519, %add3A_2526 : vector<16xi1>, vector<16xi32>
      %ge3A_2606 = arith.cmpf oge, %gather3A_2530, %gather3A_2537 : vector<16xf32>
      %select_n3A_2607 = arith.select %ge3A_2606, %gather3A_2530, %gather3A_2537 : vector<16xi1>, vector<16xf32>
      %select_n3A_2608 = arith.select %ge3A_2606, %add3A_2533, %add3A_2540 : vector<16xi1>, vector<16xi32>
      %ge3A_2609 = arith.cmpf oge, %gather3A_2544, %gather3A_2551 : vector<16xf32>
      %select_n3A_2610 = arith.select %ge3A_2609, %gather3A_2544, %gather3A_2551 : vector<16xi1>, vector<16xf32>
      %select_n3A_2611 = arith.select %ge3A_2609, %add3A_2547, %add3A_2554 : vector<16xi1>, vector<16xi32>
      %ge3A_2612 = arith.cmpf oge, %gather3A_2558, %gather3A_2565 : vector<16xf32>
      %select_n3A_2613 = arith.select %ge3A_2612, %gather3A_2558, %gather3A_2565 : vector<16xi1>, vector<16xf32>
      %select_n3A_2614 = arith.select %ge3A_2612, %add3A_2561, %add3A_2568 : vector<16xi1>, vector<16xi32>
      %ge3A_2615 = arith.cmpf oge, %gather3A_2572, %gather3A_2579 : vector<16xf32>
      %select_n3A_2616 = arith.select %ge3A_2615, %gather3A_2572, %gather3A_2579 : vector<16xi1>, vector<16xf32>
      %select_n3A_2617 = arith.select %ge3A_2615, %add3A_2575, %add3A_2582 : vector<16xi1>, vector<16xi32>
      %ge3A_2618 = arith.cmpf oge, %gather3A_2586, %gather3A_2593 : vector<16xf32>
      %select_n3A_2619 = arith.select %ge3A_2618, %gather3A_2586, %gather3A_2593 : vector<16xi1>, vector<16xf32>
      %select_n3A_2620 = arith.select %ge3A_2618, %add3A_2589, %add3A_2596 : vector<16xi1>, vector<16xi32>
      %ge3A_2621 = arith.cmpf oge, %select_n3A_2598, %select_n3A_2601 : vector<16xf32>
      %select_n3A_2622 = arith.select %ge3A_2621, %select_n3A_2598, %select_n3A_2601 : vector<16xi1>, vector<16xf32>
      %select_n3A_2623 = arith.select %ge3A_2621, %select_n3A_2599, %select_n3A_2602 : vector<16xi1>, vector<16xi32>
      %ge3A_2624 = arith.cmpf oge, %select_n3A_2604, %select_n3A_2607 : vector<16xf32>
      %select_n3A_2625 = arith.select %ge3A_2624, %select_n3A_2604, %select_n3A_2607 : vector<16xi1>, vector<16xf32>
      %select_n3A_2626 = arith.select %ge3A_2624, %select_n3A_2605, %select_n3A_2608 : vector<16xi1>, vector<16xi32>
      %ge3A_2627 = arith.cmpf oge, %select_n3A_2610, %select_n3A_2613 : vector<16xf32>
      %select_n3A_2628 = arith.select %ge3A_2627, %select_n3A_2610, %select_n3A_2613 : vector<16xi1>, vector<16xf32>
      %select_n3A_2629 = arith.select %ge3A_2627, %select_n3A_2611, %select_n3A_2614 : vector<16xi1>, vector<16xi32>
      %ge3A_2630 = arith.cmpf oge, %select_n3A_2616, %select_n3A_2619 : vector<16xf32>
      %select_n3A_2631 = arith.select %ge3A_2630, %select_n3A_2616, %select_n3A_2619 : vector<16xi1>, vector<16xf32>
      %select_n3A_2632 = arith.select %ge3A_2630, %select_n3A_2617, %select_n3A_2620 : vector<16xi1>, vector<16xi32>
      %ge3A_2633 = arith.cmpf oge, %select_n3A_2622, %select_n3A_2625 : vector<16xf32>
      %select_n3A_2634 = arith.select %ge3A_2633, %select_n3A_2622, %select_n3A_2625 : vector<16xi1>, vector<16xf32>
      %select_n3A_2635 = arith.select %ge3A_2633, %select_n3A_2623, %select_n3A_2626 : vector<16xi1>, vector<16xi32>
      %ge3A_2636 = arith.cmpf oge, %select_n3A_2628, %select_n3A_2631 : vector<16xf32>
      %select_n3A_2637 = arith.select %ge3A_2636, %select_n3A_2628, %select_n3A_2631 : vector<16xi1>, vector<16xf32>
      %select_n3A_2638 = arith.select %ge3A_2636, %select_n3A_2629, %select_n3A_2632 : vector<16xi1>, vector<16xi32>
      %ge3A_2639 = arith.cmpf oge, %select_n3A_2634, %select_n3A_2637 : vector<16xf32>
      %select_n3A_2640 = arith.select %ge3A_2639, %select_n3A_2634, %select_n3A_2637 : vector<16xi1>, vector<16xf32>
      %select_n3A_2641 = arith.select %ge3A_2639, %select_n3A_2635, %select_n3A_2638 : vector<16xi1>, vector<16xi32>
      %shift_right_arithmetic3A_2642 = arith.constant 4 : i32
      %shift_right_arithmetic3A_2643 = vector.broadcast %shift_right_arithmetic3A_2642 : i32 to vector<16xi32>
      %shift_right_arithmetic3A_2644 = arith.shrsi %select_n3A_2459, %shift_right_arithmetic3A_2643 : vector<16xi32>
      %eq3A_2645 = arith.constant 0 : i32
      %eq3A_2646 = vector.broadcast %eq3A_2645 : i32 to vector<16xi32>
      %eq3A_2647 = arith.cmpi eq, %shift_right_arithmetic3A_2644, %eq3A_2646 : vector<16xi32>
      %select_n3A_2648 = arith.select %eq3A_2647, %select_n3A_2640, %select_n3A_2422 : vector<16xi1>, vector<16xf32>
      %eq3A_2649 = arith.constant 0 : i32
      %eq3A_2650 = vector.broadcast %eq3A_2649 : i32 to vector<16xi32>
      %eq3A_2651 = arith.cmpi eq, %shift_right_arithmetic3A_2644, %eq3A_2650 : vector<16xi32>
      %select_n3A_2652 = arith.select %eq3A_2651, %select_n3A_2641, %select_n3A_2426 : vector<16xi1>, vector<16xi32>
      %eq3A_2653 = arith.constant 1 : i32
      %eq3A_2654 = vector.broadcast %eq3A_2653 : i32 to vector<16xi32>
      %eq3A_2655 = arith.cmpi eq, %shift_right_arithmetic3A_2644, %eq3A_2654 : vector<16xi32>
      %select_n3A_2656 = arith.select %eq3A_2655, %select_n3A_2640, %select_n3A_2430 : vector<16xi1>, vector<16xf32>
      %eq3A_2657 = arith.constant 1 : i32
      %eq3A_2658 = vector.broadcast %eq3A_2657 : i32 to vector<16xi32>
      %eq3A_2659 = arith.cmpi eq, %shift_right_arithmetic3A_2644, %eq3A_2658 : vector<16xi32>
      %select_n3A_2660 = arith.select %eq3A_2659, %select_n3A_2641, %select_n3A_2434 : vector<16xi1>, vector<16xi32>
      %eq3A_2661 = arith.constant 2 : i32
      %eq3A_2662 = vector.broadcast %eq3A_2661 : i32 to vector<16xi32>
      %eq3A_2663 = arith.cmpi eq, %shift_right_arithmetic3A_2644, %eq3A_2662 : vector<16xi32>
      %select_n3A_2664 = arith.select %eq3A_2663, %select_n3A_2640, %select_n3A_2438 : vector<16xi1>, vector<16xf32>
      %eq3A_2665 = arith.constant 2 : i32
      %eq3A_2666 = vector.broadcast %eq3A_2665 : i32 to vector<16xi32>
      %eq3A_2667 = arith.cmpi eq, %shift_right_arithmetic3A_2644, %eq3A_2666 : vector<16xi32>
      %select_n3A_2668 = arith.select %eq3A_2667, %select_n3A_2641, %select_n3A_2442 : vector<16xi1>, vector<16xi32>
      %eq3A_2669 = arith.constant 3 : i32
      %eq3A_2670 = vector.broadcast %eq3A_2669 : i32 to vector<16xi32>
      %eq3A_2671 = arith.cmpi eq, %shift_right_arithmetic3A_2644, %eq3A_2670 : vector<16xi32>
      %select_n3A_2672 = arith.select %eq3A_2671, %select_n3A_2640, %select_n3A_2446 : vector<16xi1>, vector<16xf32>
      %eq3A_2673 = arith.constant 3 : i32
      %eq3A_2674 = vector.broadcast %eq3A_2673 : i32 to vector<16xi32>
      %eq3A_2675 = arith.cmpi eq, %shift_right_arithmetic3A_2644, %eq3A_2674 : vector<16xi32>
      %select_n3A_2676 = arith.select %eq3A_2675, %select_n3A_2641, %select_n3A_2450 : vector<16xi1>, vector<16xi32>
      %ge3A_2677 = arith.cmpf oge, %select_n3A_2648, %select_n3A_2656 : vector<16xf32>
      %select_n3A_2678 = arith.select %ge3A_2677, %select_n3A_2648, %select_n3A_2656 : vector<16xi1>, vector<16xf32>
      %select_n3A_2679 = arith.select %ge3A_2677, %select_n3A_2652, %select_n3A_2660 : vector<16xi1>, vector<16xi32>
      %ge3A_2680 = arith.cmpf oge, %select_n3A_2664, %select_n3A_2672 : vector<16xf32>
      %select_n3A_2681 = arith.select %ge3A_2680, %select_n3A_2664, %select_n3A_2672 : vector<16xi1>, vector<16xf32>
      %select_n3A_2682 = arith.select %ge3A_2680, %select_n3A_2668, %select_n3A_2676 : vector<16xi1>, vector<16xi32>
      %ge3A_2683 = arith.cmpf oge, %select_n3A_2678, %select_n3A_2681 : vector<16xf32>
      %select_n3A_2684 = arith.select %ge3A_2683, %select_n3A_2678, %select_n3A_2681 : vector<16xi1>, vector<16xf32>
      %select_n3A_2685 = arith.select %ge3A_2683, %select_n3A_2679, %select_n3A_2682 : vector<16xi1>, vector<16xi32>
      %sub3A = arith.subf %select_n3A_1104, %select_n3A_1104 : vector<16xf32>
      %exp3A = math.exp %sub3A : vector<16xf32>
      %sub3A_2686 = arith.subf %select_n3A_1328, %select_n3A_1104 : vector<16xf32>
      %exp3A_2687 = math.exp %sub3A_2686 : vector<16xf32>
      %sub3A_2688 = arith.subf %select_n3A_1554, %select_n3A_1104 : vector<16xf32>
      %exp3A_2689 = math.exp %sub3A_2688 : vector<16xf32>
      %sub3A_2690 = arith.subf %select_n3A_1780, %select_n3A_1104 : vector<16xf32>
      %exp3A_2691 = math.exp %sub3A_2690 : vector<16xf32>
      %sub3A_2692 = arith.subf %select_n3A_2006, %select_n3A_1104 : vector<16xf32>
      %exp3A_2693 = math.exp %sub3A_2692 : vector<16xf32>
      %sub3A_2694 = arith.subf %select_n3A_2232, %select_n3A_1104 : vector<16xf32>
      %exp3A_2695 = math.exp %sub3A_2694 : vector<16xf32>
      %sub3A_2696 = arith.subf %select_n3A_2458, %select_n3A_1104 : vector<16xf32>
      %exp3A_2697 = math.exp %sub3A_2696 : vector<16xf32>
      %sub3A_2698 = arith.subf %select_n3A_2684, %select_n3A_1104 : vector<16xf32>
      %exp3A_2699 = math.exp %sub3A_2698 : vector<16xf32>
      %add3A_2700 = arith.addf %exp3A, %exp3A_2687 : vector<16xf32>
      %add3A_2701 = arith.addf %add3A_2700, %exp3A_2689 : vector<16xf32>
      %add3A_2702 = arith.addf %add3A_2701, %exp3A_2691 : vector<16xf32>
      %add3A_2703 = arith.addf %add3A_2702, %exp3A_2693 : vector<16xf32>
      %add3A_2704 = arith.addf %add3A_2703, %exp3A_2695 : vector<16xf32>
      %add3A_2705 = arith.addf %add3A_2704, %exp3A_2697 : vector<16xf32>
      %add3A_2706 = arith.addf %add3A_2705, %exp3A_2699 : vector<16xf32>
      %div3A = arith.constant 1.000000e+00 : f32
      %div3A_2707 = vector.broadcast %div3A : f32 to vector<16xf32>
      %div3A_2708 = arith.divf %div3A_2707, %add3A_2706 : vector<16xf32>
      %shift_right_arithmetic3A_2709 = arith.constant 3 : i32
      %shift_right_arithmetic3A_2710 = arith.shrsi %scan3A_272, %shift_right_arithmetic3A_2709 : i32
      %mul3A_2711 = arith.constant 1024 : i32
      %mul3A_2712 = arith.muli %shift_right_arithmetic3A_2710, %mul3A_2711 : i32
      %and3A_2713 = arith.constant 7 : i32
      %and3A_2714 = arith.andi %scan3A_272, %and3A_2713 : i32
      %mul3A_2715 = arith.constant 16 : i32
      %mul3A_2716 = arith.muli %and3A_2714, %mul3A_2715 : i32
      %add3A_2717 = arith.addi %mul3A_2712, %mul3A_2716 : i32
      %add3A_2718 = arith.constant 0 : i32
      %add3A_2719 = arith.addi %add3A_2717, %add3A_2718 : i32
      %swap3A_2720 = arith.index_cast %add3A_2719 : i32 to index
      %swap3A_2721 = tpu.vector_load %arg7[%swap3A_2720] {strides = array<i32>} : memref<8192xi32, #tpu.memory_space<vmem>>, vector<16xi32>,
      tpu.vector_store %arg7[%swap3A_2720], %select_n3A_1105 {strides = array<i32>} : memref<8192xi32, #tpu.memory_space<vmem>>, vector<16xi32>,
      %mul3A_2722 = arith.mulf %exp3A, %div3A_2708 : vector<16xf32>
      %add3A_2723 = arith.constant 0 : i32
      %add3A_2724 = arith.addi %add3A_2717, %add3A_2723 : i32
      %swap3A_2725 = arith.index_cast %add3A_2724 : i32 to index
      %swap3A_2726 = tpu.vector_load %arg8[%swap3A_2725] {strides = array<i32>} : memref<8192xf32, #tpu.memory_space<vmem>>, vector<16xf32>,
      tpu.vector_store %arg8[%swap3A_2725], %mul3A_2722 {strides = array<i32>} : memref<8192xf32, #tpu.memory_space<vmem>>, vector<16xf32>,
      %add3A_2727 = arith.constant 128 : i32
      %add3A_2728 = arith.addi %add3A_2717, %add3A_2727 : i32
      %swap3A_2729 = arith.index_cast %add3A_2728 : i32 to index
      %swap3A_2730 = tpu.vector_load %arg7[%swap3A_2729] {strides = array<i32>} : memref<8192xi32, #tpu.memory_space<vmem>>, vector<16xi32>,
      tpu.vector_store %arg7[%swap3A_2729], %select_n3A_1329 {strides = array<i32>} : memref<8192xi32, #tpu.memory_space<vmem>>, vector<16xi32>,
      %mul3A_2731 = arith.mulf %exp3A_2687, %div3A_2708 : vector<16xf32>
      %add3A_2732 = arith.constant 128 : i32
      %add3A_2733 = arith.addi %add3A_2717, %add3A_2732 : i32
      %swap3A_2734 = arith.index_cast %add3A_2733 : i32 to index
      %swap3A_2735 = tpu.vector_load %arg8[%swap3A_2734] {strides = array<i32>} : memref<8192xf32, #tpu.memory_space<vmem>>, vector<16xf32>,
      tpu.vector_store %arg8[%swap3A_2734], %mul3A_2731 {strides = array<i32>} : memref<8192xf32, #tpu.memory_space<vmem>>, vector<16xf32>,
      %add3A_2736 = arith.constant 256 : i32
      %add3A_2737 = arith.addi %add3A_2717, %add3A_2736 : i32
      %swap3A_2738 = arith.index_cast %add3A_2737 : i32 to index
      %swap3A_2739 = tpu.vector_load %arg7[%swap3A_2738] {strides = array<i32>} : memref<8192xi32, #tpu.memory_space<vmem>>, vector<16xi32>,
      tpu.vector_store %arg7[%swap3A_2738], %select_n3A_1555 {strides = array<i32>} : memref<8192xi32, #tpu.memory_space<vmem>>, vector<16xi32>,
      %mul3A_2740 = arith.mulf %exp3A_2689, %div3A_2708 : vector<16xf32>
      %add3A_2741 = arith.constant 256 : i32
      %add3A_2742 = arith.addi %add3A_2717, %add3A_2741 : i32
      %swap3A_2743 = arith.index_cast %add3A_2742 : i32 to index
      %swap3A_2744 = tpu.vector_load %arg8[%swap3A_2743] {strides = array<i32>} : memref<8192xf32, #tpu.memory_space<vmem>>, vector<16xf32>,
      tpu.vector_store %arg8[%swap3A_2743], %mul3A_2740 {strides = array<i32>} : memref<8192xf32, #tpu.memory_space<vmem>>, vector<16xf32>,
      %add3A_2745 = arith.constant 384 : i32
      %add3A_2746 = arith.addi %add3A_2717, %add3A_2745 : i32
      %swap3A_2747 = arith.index_cast %add3A_2746 : i32 to index
      %swap3A_2748 = tpu.vector_load %arg7[%swap3A_2747] {strides = array<i32>} : memref<8192xi32, #tpu.memory_space<vmem>>, vector<16xi32>,
      tpu.vector_store %arg7[%swap3A_2747], %select_n3A_1781 {strides = array<i32>} : memref<8192xi32, #tpu.memory_space<vmem>>, vector<16xi32>,
      %mul3A_2749 = arith.mulf %exp3A_2691, %div3A_2708 : vector<16xf32>
      %add3A_2750 = arith.constant 384 : i32
      %add3A_2751 = arith.addi %add3A_2717, %add3A_2750 : i32
      %swap3A_2752 = arith.index_cast %add3A_2751 : i32 to index
      %swap3A_2753 = tpu.vector_load %arg8[%swap3A_2752] {strides = array<i32>} : memref<8192xf32, #tpu.memory_space<vmem>>, vector<16xf32>,
      tpu.vector_store %arg8[%swap3A_2752], %mul3A_2749 {strides = array<i32>} : memref<8192xf32, #tpu.memory_space<vmem>>, vector<16xf32>,
      %add3A_2754 = arith.constant 512 : i32
      %add3A_2755 = arith.addi %add3A_2717, %add3A_2754 : i32
      %swap3A_2756 = arith.index_cast %add3A_2755 : i32 to index
      %swap3A_2757 = tpu.vector_load %arg7[%swap3A_2756] {strides = array<i32>} : memref<8192xi32, #tpu.memory_space<vmem>>, vector<16xi32>,
      tpu.vector_store %arg7[%swap3A_2756], %select_n3A_2007 {strides = array<i32>} : memref<8192xi32, #tpu.memory_space<vmem>>, vector<16xi32>,
      %mul3A_2758 = arith.mulf %exp3A_2693, %div3A_2708 : vector<16xf32>
      %add3A_2759 = arith.constant 512 : i32
      %add3A_2760 = arith.addi %add3A_2717, %add3A_2759 : i32
      %swap3A_2761 = arith.index_cast %add3A_2760 : i32 to index
      %swap3A_2762 = tpu.vector_load %arg8[%swap3A_2761] {strides = array<i32>} : memref<8192xf32, #tpu.memory_space<vmem>>, vector<16xf32>,
      tpu.vector_store %arg8[%swap3A_2761], %mul3A_2758 {strides = array<i32>} : memref<8192xf32, #tpu.memory_space<vmem>>, vector<16xf32>,
      %add3A_2763 = arith.constant 640 : i32
      %add3A_2764 = arith.addi %add3A_2717, %add3A_2763 : i32
      %swap3A_2765 = arith.index_cast %add3A_2764 : i32 to index
      %swap3A_2766 = tpu.vector_load %arg7[%swap3A_2765] {strides = array<i32>} : memref<8192xi32, #tpu.memory_space<vmem>>, vector<16xi32>,
      tpu.vector_store %arg7[%swap3A_2765], %select_n3A_2233 {strides = array<i32>} : memref<8192xi32, #tpu.memory_space<vmem>>, vector<16xi32>,
      %mul3A_2767 = arith.mulf %exp3A_2695, %div3A_2708 : vector<16xf32>
      %add3A_2768 = arith.constant 640 : i32
      %add3A_2769 = arith.addi %add3A_2717, %add3A_2768 : i32
      %swap3A_2770 = arith.index_cast %add3A_2769 : i32 to index
      %swap3A_2771 = tpu.vector_load %arg8[%swap3A_2770] {strides = array<i32>} : memref<8192xf32, #tpu.memory_space<vmem>>, vector<16xf32>,
      tpu.vector_store %arg8[%swap3A_2770], %mul3A_2767 {strides = array<i32>} : memref<8192xf32, #tpu.memory_space<vmem>>, vector<16xf32>,
      %add3A_2772 = arith.constant 768 : i32
      %add3A_2773 = arith.addi %add3A_2717, %add3A_2772 : i32
      %swap3A_2774 = arith.index_cast %add3A_2773 : i32 to index
      %swap3A_2775 = tpu.vector_load %arg7[%swap3A_2774] {strides = array<i32>} : memref<8192xi32, #tpu.memory_space<vmem>>, vector<16xi32>,
      tpu.vector_store %arg7[%swap3A_2774], %select_n3A_2459 {strides = array<i32>} : memref<8192xi32, #tpu.memory_space<vmem>>, vector<16xi32>,
      %mul3A_2776 = arith.mulf %exp3A_2697, %div3A_2708 : vector<16xf32>
      %add3A_2777 = arith.constant 768 : i32
      %add3A_2778 = arith.addi %add3A_2717, %add3A_2777 : i32
      %swap3A_2779 = arith.index_cast %add3A_2778 : i32 to index
      %swap3A_2780 = tpu.vector_load %arg8[%swap3A_2779] {strides = array<i32>} : memref<8192xf32, #tpu.memory_space<vmem>>, vector<16xf32>,
      tpu.vector_store %arg8[%swap3A_2779], %mul3A_2776 {strides = array<i32>} : memref<8192xf32, #tpu.memory_space<vmem>>, vector<16xf32>,
      %add3A_2781 = arith.constant 896 : i32
      %add3A_2782 = arith.addi %add3A_2717, %add3A_2781 : i32
      %swap3A_2783 = arith.index_cast %add3A_2782 : i32 to index
      %swap3A_2784 = tpu.vector_load %arg7[%swap3A_2783] {strides = array<i32>} : memref<8192xi32, #tpu.memory_space<vmem>>, vector<16xi32>,
      tpu.vector_store %arg7[%swap3A_2783], %select_n3A_2685 {strides = array<i32>} : memref<8192xi32, #tpu.memory_space<vmem>>, vector<16xi32>,
      %mul3A_2785 = arith.mulf %exp3A_2699, %div3A_2708 : vector<16xf32>
      %add3A_2786 = arith.constant 896 : i32
      %add3A_2787 = arith.addi %add3A_2717, %add3A_2786 : i32
      %swap3A_2788 = arith.index_cast %add3A_2787 : i32 to index
      %swap3A_2789 = tpu.vector_load %arg8[%swap3A_2788] {strides = array<i32>} : memref<8192xf32, #tpu.memory_space<vmem>>, vector<16xf32>,
      tpu.vector_store %arg8[%swap3A_2788], %mul3A_2785 {strides = array<i32>} : memref<8192xf32, #tpu.memory_space<vmem>>, vector<16xf32>,
    }
    %scan3A_267 = arith.constant 64 : i32
    %mul3A_268 = arith.constant 8 : i32
    %mul3A_269 = arith.muli %mul3A_3, %mul3A_268 : i32
    "tpu.region"() ({
      %run_scoped3A = tpu.sem_alloc : memref<!tpu.dma_semaphore, #tpu.memory_space<semaphore_mem>>
      %dma_start3A_272 = tpu.memref_slice %arg4[%mul3A_269] : memref<262144xi32, #tpu.memory_space<hbm>> -> memref<8192xi32, #tpu.memory_space<hbm>>
      %dma_start3A_273 = tpu.memref_slice %arg4[%mul3A_269] : memref<262144xi32, #tpu.memory_space<hbm>> -> memref<8192xi32, #tpu.memory_space<hbm>>
      tpu.enqueue_dma source(%arg7 : memref<8192xi32, #tpu.memory_space<vmem>>) target(%dma_start3A_273 : memref<8192xi32, #tpu.memory_space<hbm>>) target_semaphore(%run_scoped3A : memref<!tpu.dma_semaphore, #tpu.memory_space<semaphore_mem>>)
      %dma_wait3A_274 = tpu.memref_slice %arg4[%mul3A_269] : memref<262144xi32, #tpu.memory_space<hbm>> -> memref<8192xi32, #tpu.memory_space<hbm>>
      %dma_wait3A_275 = tpu.memref_slice %arg4[%mul3A_269] : memref<262144xi32, #tpu.memory_space<hbm>> -> memref<8192xi32, #tpu.memory_space<hbm>>
      tpu.wait_dma2 semaphore(%run_scoped3A : memref<!tpu.dma_semaphore, #tpu.memory_space<semaphore_mem>>) src(%arg7 : memref<8192xi32, #tpu.memory_space<vmem>>) dst(%dma_wait3A_275 : memref<8192xi32, #tpu.memory_space<hbm>>)
      tpu.yield
    }) : () -> ()
    %mul3A_270 = arith.constant 8 : i32
    %mul3A_271 = arith.muli %mul3A_3, %mul3A_270 : i32
    "tpu.region"() ({
      %run_scoped3A = tpu.sem_alloc : memref<!tpu.dma_semaphore, #tpu.memory_space<semaphore_mem>>
      %dma_start3A_272 = tpu.memref_slice %arg5[%mul3A_271] : memref<262144xf32, #tpu.memory_space<hbm>> -> memref<8192xf32, #tpu.memory_space<hbm>>
      %dma_start3A_273 = tpu.memref_slice %arg5[%mul3A_271] : memref<262144xf32, #tpu.memory_space<hbm>> -> memref<8192xf32, #tpu.memory_space<hbm>>
      tpu.enqueue_dma source(%arg8 : memref<8192xf32, #tpu.memory_space<vmem>>) target(%dma_start3A_273 : memref<8192xf32, #tpu.memory_space<hbm>>) target_semaphore(%run_scoped3A : memref<!tpu.dma_semaphore, #tpu.memory_space<semaphore_mem>>)
      %dma_wait3A_274 = tpu.memref_slice %arg5[%mul3A_271] : memref<262144xf32, #tpu.memory_space<hbm>> -> memref<8192xf32, #tpu.memory_space<hbm>>
      %dma_wait3A_275 = tpu.memref_slice %arg5[%mul3A_271] : memref<262144xf32, #tpu.memory_space<hbm>> -> memref<8192xf32, #tpu.memory_space<hbm>>
      tpu.wait_dma2 semaphore(%run_scoped3A : memref<!tpu.dma_semaphore, #tpu.memory_space<semaphore_mem>>) src(%arg8 : memref<8192xf32, #tpu.memory_space<vmem>>) dst(%dma_wait3A_275 : memref<8192xf32, #tpu.memory_space<hbm>>)
      tpu.yield
    }) : () -> ()
    return
  }
}

</mosaic_0001>

<sc_bundles>
// kernel: kernel.3.cloned.1.call-start
scs
__scs_entry_jumppad:
0x0: {  	(pc) =	sbr.rel $0x88, $3  }
0x1: {  	(tag) =	ssettag $0x0;
	lr =	simm.s32 $0x1  }
0x2: {  	[smem:$0x3F9F] =	sst lr;
	_ =	strace $0xD0000000  }
0x3: {  	_ = 	snop  }
0x4: {  	_ = 	snop  }
0x5: {  	_ = 	snop  }
0x6: {  	_ = 	snop  }
0x7: {  	_ = 	snop  }
__scs_overlays_trampoline_lowered:
0x8: {  	[smem:$0x3FAE] =	sst s0  }
0x9: {  	[smem:$0x3FAF] =	sst s1  }
0xa: {  	[smem:$0x3FB0] =	sst s2  }
0xb: {  	[smem:$0x3FB1] =	sst s3  }
0xc: {  	[smem:$0x3FB2] =	sst s4  }
0xd: {  	[smem:$0x3FB3] =	sst s5  }
0xe: {  	[smem:$0x3FB4] =	sst s6  }
0xf: {  	[smem:$0x3FB5] =	sst s7  }
0x10: {  	[smem:$0x3FB6] =	sst s8  }
0x11: {  	[smem:$0x3FB7] =	sst s9;
	s0 =	simm.s32 @!p0 $0x0  }
0x12: {  	s1 =	sld [smem:$0x3F9D];
	s0 =	simm.s32 @p0 $0x1  }
0x13: {  	[smem:$0x3FB8] =	sst s0;
	s0 =	simm.s32 @!p1 $0x0  }
0x14: {  	s2 =	sld [smem:$0x3F9C];
	s0 =	simm.s32 @p1 $0x1  }
0x15: {  	[smem:$0x3FB9] =	sst s0;
	s0 =	simm.s32 @!p2 $0x0  }
0x16: {  	s3 =	sld [smem:$0x3FDB];
	s0 =	simm.s32 @p2 $0x1  }
0x17: {  	s4 =	simm.s32 $0x1BF5;
	[smem:$0x3FBB] =	sst s0  }
0x18: {  	s0 =	sld [smem:$0x3F9E];
	_ =	swait.ge [sflag:s4], $0x0  }
0x19: {  	s7 =	sld [smem:$0x3F9F]  }
0x1a: {  	s8 =	sadd.s32 $0xFFFFE003, lr  }
0x1b: {  	s9 =	sadd.s32 $0xFFFFFEF7, lr;
	s5 =	simm.s32 $0xFFFFFFFF;
	p2 =	slt.u32 s8, $0xFFFFF086  }
0x1c: {  	p1 =	slt.u32 s9, $0xF7A;
	s5 =	simm.s32 @!p2 $0x0  }
0x1d: {  	s5 =	simm.s32 @p1 $0x1;
	p0 =	seq.s32 s7, s2  }
0x1e: {  	s7 =	smul.u32 @!p0 $0xF7A, s2;
	p2 =	seq.s32 @!p0 s5, $0x0  }
0x1f: {  	s9 =	smul.u32 $0xF7A, s1;
	s8 =	simm.s32 @!p0 $0x1BF5;
	p2 =	por !p2, p0  }
0x20: {  	[sflag:s8] =	ssyncset.s32 @!p0 $0xFFFFF086;
	s6 =	sadd.s32 @!p0 s3, s7;
	s7 =	simm.s32 @!p0 $0x108  }
0x21: {  	s3 =	sadd.s32 s3, s9;
	s6 =	sadd.s32 @!p0 $0x88, s6;
	s7 =	simm.s32 @p2 $0x1082  }
0x22: {  	[simem:s7], [sflag:s8] =	dma.local @!p0 [hbm:s6], $0xF7A  }
0x23: {  	s9 =	sor.u32 $0xD0000000, s2;
	s6 =	simm.s32 $0x108;
	_ =	swait.ge @!p0 [sflag:s8], $0x0  }
0x24: {  	s3 =	sadd.s32 $0x88, s3;
	s6 =	simm.s32 @!p1 $0x1082;
	[sflag:s4] =	ssyncset.s32 $0xFFFFF086  }
0x25: {  	[simem:s6], [sflag:s4] =	dma.local [hbm:s3], $0xF7A  }
0x26: {  	[smem:$0x3F9F] =	sst s1;
	(tag) =	ssettag s2;
	_ =	strace s9  }
0x27: {  	s1 =	sld [smem:$0x3FAF]  }
0x28: {  	s2 =	sld [smem:$0x3FB0]  }
0x29: {  	s4 =	sld [smem:$0x3FB2]  }
0x2a: {  	p0 =	seq.s32 s5, $0x0;
	s5 =	sld [smem:$0x3FB3]  }
0x2b: {  	s6 =	sld [smem:$0x3FB4]  }
0x2c: {  	s7 =	sld [smem:$0x3FB5]  }
0x2d: {  	s3 =	simm.s32 $0x108;
	s8 =	sld [smem:$0x3FB6]  }
0x2e: {  	s3 =	simm.s32 @!p0 $0x1082;
	s9 =	sld [smem:$0x3FB7]  }
0x2f: {  	lr =	sadd.s32 s0, s3;
	s0 =	sld [smem:$0x3FAE]  }
0x30: {  	s3 =	sld [smem:$0x3FB1]  }
0x31: {  	[smem:$0x3FBA] =	sst s10  }
0x32: {  	s10 =	sld [smem:$0x3FB8];
	_ =	sdelay $0x3  }
0x33: {  	p0 =	seq.s32 s10, $0x1;
	s10 =	sld [smem:$0x3FBA];
	_ =	sdelay $0x3  }
0x34: {  	[smem:$0x3FBA] =	sst s10  }
0x35: {  	s10 =	sld [smem:$0x3FB9];
	_ =	sdelay $0x3  }
0x36: {  	p1 =	seq.s32 s10, $0x1;
	s10 =	sld [smem:$0x3FBA];
	_ =	sdelay $0x3  }
0x37: {  	[smem:$0x3FBA] =	sst s10  }
0x38: {  	s10 =	sld [smem:$0x3FBB]  }
0x39: {  	_ = 	snop;
	(pc) =	sbr.ind lr, $3  }
0x3a: {  	_ = 	snop  }
0x3b: {  	_ = 	snop  }
0x3c: {  	p2 =	seq.s32 s10, $0x1;
	s10 =	sld [smem:$0x3FBA]  }
0x3d: {  	_ =	shalt  }
0x3e: {  	_ =	shalt  }
0x3f: {  	_ =	shalt  }
0x40: {  	_ =	shalt  }
0x41: {  	_ =	shalt  }
0x42: {  	_ =	shalt  }
0x43: {  	_ =	shalt  }
0x44: {  	_ =	shalt  }
0x45: {  	_ =	shalt  }
0x46: {  	_ =	shalt  }
0x47: {  	_ =	shalt  }
0x48: {  	_ =	shalt  }
0x49: {  	_ =	shalt  }
0x4a: {  	_ =	shalt  }
0x4b: {  	_ =	shalt  }
0x4c: {  	_ =	shalt  }
0x4d: {  	_ =	shalt  }
0x4e: {  	_ =	shalt  }
0x4f: {  	_ =	shalt  }
0x50: {  	_ =	shalt  }
0x51: {  	_ =	shalt  }
0x52: {  	_ =	shalt  }
0x53: {  	_ =	shalt  }
0x54: {  	_ =	shalt  }
0x55: {  	_ =	shalt  }
0x56: {  	_ =	shalt  }
0x57: {  	_ =	shalt  }
0x58: {  	_ =	shalt  }
0x59: {  	_ =	shalt  }
0x5a: {  	_ =	shalt  }
0x5b: {  	_ =	shalt  }
0x5c: {  	_ =	shalt  }
0x5d: {  	_ =	shalt  }
0x5e: {  	_ =	shalt  }
0x5f: {  	_ =	shalt  }
0x60: {  	_ =	shalt  }
0x61: {  	_ =	shalt  }
0x62: {  	_ =	shalt  }
0x63: {  	_ =	shalt  }
0x64: {  	_ =	shalt  }
0x65: {  	_ =	shalt  }
0x66: {  	_ =	shalt  }
0x67: {  	_ =	shalt  }
0x68: {  	_ =	shalt  }
0x69: {  	_ =	shalt  }
0x6a: {  	_ =	shalt  }
0x6b: {  	_ =	shalt  }
0x6c: {  	_ =	shalt  }
0x6d: {  	_ =	shalt  }
0x6e: {  	_ =	shalt  }
0x6f: {  	_ =	shalt  }
0x70: {  	_ =	shalt  }
0x71: {  	_ =	shalt  }
0x72: {  	_ =	shalt  }
0x73: {  	_ =	shalt  }
0x74: {  	_ =	shalt  }
0x75: {  	_ =	shalt  }
0x76: {  	_ =	shalt  }
0x77: {  	_ =	shalt  }
0x78: {  	_ =	shalt  }
0x79: {  	_ =	shalt  }
0x7a: {  	_ =	shalt  }
0x7b: {  	_ =	shalt  }
0x7c: {  	_ =	shalt  }
0x7d: {  	_ =	shalt  }
0x7e: {  	_ =	shalt  }
0x7f: {  	_ =	shalt  }
0x80: {  	_ =	shalt  }
0x81: {  	_ =	shalt  }
0x82: {  	_ =	shalt  }
0x83: {  	_ =	shalt  }
0x84: {  	_ =	shalt  }
0x85: {  	_ =	shalt  }
0x86: {  	_ =	shalt  }
0x87: {  	_ =	shalt  }
.Lfunc_end0:
.L_simem_size_0:
called_computation_lowered:
.L_overlay_start_0:
0x88: {  	s2 =	sld [smem:$0x3FD9]  }
0x89: {  	s3 =	sld [smem:$0x3FFE];
	_ =	sdelay $0x1  }
0x8a: {  	s1 =	srdreg.scid  }
0x8b: {  	s0 =	sand.u32 $0x1, s1  }
0x8c: {  	s15 =	sshll.u32 s0, $0xA;
	s2 =	sadd.s32 s3, s2  }
0x8d: {  	s2 =	sadd.s32 s2, s15  }
0x8e: {  	[smem:$0x3FC6] =	sst s2  }
0x8f: {  	_ = 	snop  }
0x90: {  	s2 =	sld [smem:$0x3FD0];
	_ =	sdelay $0x1  }
0x91: {  	s16 =	sld [smem:$0x3FC9]  }
0x92: {  	s5 =	simm.s32 $0xA;
	s6 =	simm.s32 $0x10;
	s4 =	sld [smem:$0x3FC8]  }
0x93: {  	[smem:s6], [sflag:s5] =	dma.local [hbm:s2], $0x1  }
0x94: {  	_ =	swait.eq [sflag:s5], $0x1  }
0x95: {  	[sflag:s5] =	ssyncset.done $0x0  }
0x96: {  	s17 =	sld [smem:$0x10];
	[sflag:s5] =	ssyncadd.s32 $0xFFFFFFFF  }
0x97: {  	s18 =	sld [smem:$0x11];
	(tm) =	ssettm $0x1  }
0x98: {  	s19 =	sld [smem:$0x3FFB];
	_ =	sdelay $0x3  }
0x99: {  	_ =	strace s19  }
0x9a: {  	s6 =	sld [smem:$0x3FFC];
	_ =	sdelay $0x3  }
0x9b: {  	_ =	strace s6  }
0x9c: {  	s6 =	sld [smem:$0x3FFD];
	_ =	sdelay $0x3  }
0x9d: {  	_ =	strace s6  }
0x9e: {  	_ =	strace $0x8FFFFFFF  }
0x9f: {  	s20 =	sld [smem:$0x3FDB];
	_ =	sdelay $0x1  }
0xa0: {  	s7 =	simm.s32 $_scs_section_size  }
0xa1: {  	s8 =	simm.s32 $_size__tile_overlayer_lowered;
	s9 =	simm.s32 $_tile_overlayer_lowered  }
0xa2: {  	s23 =	simm.s32 $0x1BFF;
	s22 =	sshll.u32 s9, $0x1;
	s6 =	sadd.s32 s7, s20  }
0xa3: {  	s10 =	simm.s32 $0x0;
	s21 =	sshll.u32 s8, $0x1;
	s8 =	sadd.s32 s22, s6  }
0xa4: {  	[timem:s10], [sflag:s23] =	dma.local [hbm:s8], s21  }
0xa5: {  	_ =	swait.ge [sflag:s23], s21  }
0xa6: {  	s7 =	ssub.s32 $0x0, s21;
	[sflag:s23] =	ssyncset.done $0x0  }
0xa7: {  	[sflag:s23] =	ssyncadd.s32 s7;
	_ =	sdelay $0x1  }
0xa8: {  	s24 =	simm.s32 $0x1B8B  }
0xa9: {  	_ =	swait.ge [sflag:s24], $0x1  }
0xaa: {  	[sflag:s24] =	ssyncset.done $0x0  }
0xab: {  	s25 =	simm.s32 $0x1B8E;
	[sflag:s24] =	ssyncadd.s32 $0xFFFFFFFF  }
0xac: {  	s26 =	simm.s32 $execute0_lowered;
	[smem:$0x3FD2] =	sst s25  }
0xad: {  	s7 =	sshll.u32 s26, $0x1;
	_ =	strace $0x80000046;
	[dreg:$0x1] =	wrdreg $0xFFFFFFFF  }
0xae: {  	s28 =	simm.s32 $_size_execute0_lowered;
	s6 =	sadd.s32 s6, s7;
	[dreg:$0x0] =	wrdreg $0x0  }
0xaf: {  	s7 =	sshll.u32 s28, $0x1;
	[dreg:$0x2] =	wrdreg s6  }
0xb0: {  	[dreg:$0x3] =	wrdreg s7  }
0xb1: {  	[dreg:$0x4] =	wrdreg $0xC0  }
0xb2: {  	_ =	task [dreg:s10], $0x5FFFF  }
0xb3: {  	[dreg:$0x1] =	wrdreg $0xFFFFFFFF  }
0xb4: {  	[dreg:$0x0] =	wrdreg $0x60  }
0xb5: {  	[dreg:$0x2] =	wrdreg s16  }
0xb6: {  	[dreg:$0x3] =	wrdreg s4  }
0xb7: {  	[dreg:$0x4] =	wrdreg s17  }
0xb8: {  	[dreg:$0x5] =	wrdreg s18  }
0xb9: {  	[dreg:$0x6] =	wrdreg $0x9  }
0xba: {  	_ =	task.clear_ibuf [dreg:s10], $0x7FFFF;
	_ =	strace $0x90000046  }
0xbb: {  	s29 =	simm.s32 $0x9;
	_ =	strace $0x80000048  }
0xbc: {  	_ =	swait.ge [sflag:s29], $0x1  }
0xbd: {  	[sflag:s29] =	ssyncadd.s32 $0xFFFFFFFF  }
0xbe: {  	_ =	strace $0x90000048  }
0xbf: {  	_ =	sfence  }
0xc0: {  	s30 =	sld [smem:$0x0];
	_ =	sdelay $0x2  }
0xc1: {  	s31 =	sshll.u32 s1, $0xD;
	s1 =	sshrl.u32 s1, $0x2  }
0xc2: {  	s3 =	sand.u32 $0x4000, s31;
	s1 =	sadd.s32 s1, s30  }
0xc3: {  	s0 =	sor.u32 s3, s0;
	s1 =	sshll.u32 s1, $0x11  }
0xc4: {  	s0 =	sor.u32 s1, s0  }
0xc5: {  	s0 =	sadd.s32 $0x8F2B, s0  }
0xc6: {  	[sflag:s0] =	ssyncadd.remote.s32 $0x1  }
0xc7: {  	_ =	sfence.sel $0xFFFF  }
0xc8: {  	[dreg:$0x0] =	wrdreg $0xFFFFFFFF;
	(pc) =	sbr.abs _section_cstart, $3  }
0xc9: {  	[dreg:$0x1] =	wrdreg $0xFFFFFFFF  }
0xca: {  	_ =	task.clear_ibuf [dreg:s10], $0x2FFFF;
	_ =	strace $0x9FFFFFFF  }
0xcb: {  	(tm) =	ssettm $0x7FFFFFFF  }
tec
execute0_lowered:
.L_overlay_start_1:
0x0: {  	(tag) =	ssettag $0x1  }
0x1: {  	s0 =	rddreg [dreg:$0x0]  }
0x2: {  	s1 =	rddreg [dreg:$0x1]  }
0x3: {  	s12 =	rddreg [dreg:$0x2]  }
0x4: {  	s13 =	rddreg [dreg:$0x3]  }
0x5: {  	s3 =	srdreg.scid;
	s2 =	stileid.u32;
	s15 =	simm.s32 $0x2000  }
0x6: {  	s16 =	simm.s32 $0x4000;
	s17 =	simm.s32 $0x6000;
	s18 =	simm.s32 $0x8000  }
0x7: {  	s19 =	simm.s32 $0xA000;
	s20 =	simm.s32 $0xC000;
	s21 =	simm.s32 $0xE000  }
0x8: {  	s22 =	simm.s32 $0x14000;
	s23 =	simm.s32 $0x2;
	s24 =	simm.s32 $0x1  }
0x9: {  	s25 =	simm.s32 $0x10000;
	s26 =	simm.s32 $0x12000;
	s28 =	simm.s32 $0x0  }
0xa: {  	v3 =	vimm.s32 $0x0;
	v4 =	vimm.s32 $0x3;
	s4 =	sand.u32 $0x1, s3;
	s3 =	simm.s32 $0x0;
	s5 =	sshll.u32 s2, $0xB  }
0xb: {  	v5 =	vimm.s32 $0x5;
	v6 =	vimm.s32 $0x7;
	v26 =	vimm.s32 $0x9;
	s6 =	sshll.u32 s4, $0xA;
	[smem:$0x7FF] =	sst s3;
	s7 =	ssub.s32 $0x2, s4  }
0xc: {  	v27 =	vimm.s32 $0xB;
	v28 =	vimm.s32 $0xD;
	v0 =	vimm.s32 $0xF;
	s14 =	sor.u32 s6, s5;
	_ =	strace $0x80000047;
	s30 =	sshrl.u32 s7, $0x1  }
0xd: {  	v1 =	vimm.s32 $0x11;
	v2 =	vimm.s32 $0x13;
	v29 =	vimm.s32 $0x15;
	s4 =	sadd.s32 s0, s14;
	s31 =	ssub.s32 s7, s30;
	s12 =	sadd.s32 s12, s14  }
0xe: {  	v30 =	vimm.s32 $0x17;
	v31 =	vimm.s32 $0x19;
	v33 =	vimm.s32 $0x1B;
	s13 =	sadd.s32 s13, s14;
	s5 =	sadd.s32 $0x8000, s4;
	s6 =	sadd.s32 $0x10000, s4  }
0xf: {  	v38 =	vimm.s32 $0x21;
	v39 =	vimm.s32 $0x23;
	v40 =	vimm.s32 $0x25;
	s7 =	sadd.s32 $0x18000, s4;
	s8 =	sadd.s32 $0x20000, s4;
	s9 =	sadd.s32 $0x28000, s4  }
0x10: {  	v41 =	vimm.s32 $0x27;
	v42 =	vimm.s32 $0x29;
	v32 =	vlaneseq.u32;
	s10 =	sadd.s32 $0x30000, s4;
	s11 =	sadd.s32 $0x38000, s4;
	s14 =	smax.u32 s31, $0x1  }
.LBB2_1:
0x11: {  	[tilespmem:s3], [sflag:$0x1] =	stream.linear.gather [hbm4b:s4+s3], $0x2000, $0x38;
	[tilespmem:$0x14080] =	vst v63  }
0x12: {  	_ = 	snop  }
0x13: {  	[tilespmem:s15], [sflag:$0x1] =	stream.linear.gather [hbm4b:s5+s3], $0x2000, $0x38;
	[tilespmem:$0x14080] =	vst v63  }
0x14: {  	_ = 	snop  }
0x15: {  	[tilespmem:s16], [sflag:$0x1] =	stream.linear.gather [hbm4b:s6+s3], $0x2000, $0x38;
	[tilespmem:$0x14080] =	vst v63  }
0x16: {  	_ = 	snop  }
0x17: {  	[tilespmem:s17], [sflag:$0x1] =	stream.linear.gather [hbm4b:s7+s3], $0x2000, $0x38;
	[tilespmem:$0x14080] =	vst v63  }
0x18: {  	_ = 	snop  }
0x19: {  	[tilespmem:s18], [sflag:$0x1] =	stream.linear.gather [hbm4b:s8+s3], $0x2000, $0x38;
	[tilespmem:$0x14080] =	vst v63  }
0x1a: {  	_ = 	snop  }
0x1b: {  	[tilespmem:s19], [sflag:$0x1] =	stream.linear.gather [hbm4b:s9+s3], $0x2000, $0x38;
	[tilespmem:$0x14080] =	vst v63  }
0x1c: {  	_ = 	snop  }
0x1d: {  	[tilespmem:s20], [sflag:$0x1] =	stream.linear.gather [hbm4b:s10+s3], $0x2000, $0x38;
	[tilespmem:$0x14080] =	vst v63  }
0x1e: {  	_ = 	snop  }
0x1f: {  	[tilespmem:s21], [sflag:$0x1] =	stream.linear.gather [hbm4b:s11+s3], $0x2000, $0x38;
	[tilespmem:$0x14080] =	vst v63  }
0x20: {  	_ = 	snop  }
0x21: {  	[tilespmem:s22], [sflag:$0x2] =	stream.linear.gather [hbm4b:s1+s3], $0x80, $0x38;
	[tilespmem:$0x14080] =	vst v63  }
0x22: {  	_ =	swait.ge [sflag:s23], $0x80  }
0x23: {  	[sflag:s23] =	ssyncset.done $0x0  }
0x24: {  	[sflag:s23] =	ssyncadd.s32 $0xFFFFFF80  }
0x25: {  	v7 =	vld [tilespmem:$0x14000];
	_ =	sdelay $0x4  }
0x26: {  	v8 =	vbroadcast v7, $0x0  }
0x27: {  	v9 =	vbroadcast v7, $0x6  }
0x28: {  	[tilespmem:$0x1FC00] =	vst v8;
	v8 =	vbroadcast v7, $0x1  }
0x29: {  	v56 =	vbroadcast v7, $0x7;
	[tilespmem:$0x1FC60] =	vst v9  }
0x2a: {  	[tilespmem:$0x1FC10] =	vst v8;
	v8 =	vbroadcast v7, $0x2  }
0x2b: {  	v57 =	vbroadcast v7, $0x8;
	[tilespmem:$0x1FC70] =	vst v56  }
0x2c: {  	[tilespmem:$0x1FC20] =	vst v8;
	v8 =	vbroadcast v7, $0x3  }
0x2d: {  	v58 =	vbroadcast v7, $0x9;
	[tilespmem:$0x1FC80] =	vst v57  }
0x2e: {  	[tilespmem:$0x1FC30] =	vst v8;
	v8 =	vbroadcast v7, $0x4  }
0x2f: {  	v59 =	vbroadcast v7, $0xA;
	[tilespmem:$0x1FC90] =	vst v58  }
0x30: {  	[tilespmem:$0x1FC40] =	vst v8;
	v8 =	vbroadcast v7, $0x5  }
0x31: {  	v60 =	vbroadcast v7, $0xB;
	[tilespmem:$0x1FCA0] =	vst v59  }
0x32: {  	v10 =	vbroadcast v7, $0xC;
	[tilespmem:$0x1FC50] =	vst v8;
	v8 =	vld [tilespmem:$0x14010]  }
0x33: {  	v62 =	vbroadcast v7, $0xD;
	[tilespmem:$0x1FCB0] =	vst v60  }
0x34: {  	v11 =	vbroadcast v7, $0xE;
	[tilespmem:$0x1FCC0] =	vst v10  }
0x35: {  	[tilespmem:$0x1FCD0] =	vst v62;
	v7 =	vbroadcast v7, $0xF  }
0x36: {  	[tilespmem:$0x1FCE0] =	vst v11  }
0x37: {  	v61 =	vld [tilespmem:$0x14020];
	[tilespmem:$0x1FCF0] =	vst v7;
	v7 =	vbroadcast v8, $0x0  }
0x38: {  	v63 =	vld [tilespmem:$0x14030];
	_ =	swait.ge [sflag:s24], $0x2000  }
0x39: {  	[tilespmem:$0x1FD00] =	vst v7;
	v7 =	vbroadcast v8, $0x1;
	_ =	sdelay $0x1  }
0x3a: {  	[tilespmem:$0x1FD10] =	vst v7;
	v7 =	vbroadcast v8, $0x2;
	_ =	sdelay $0x1  }
0x3b: {  	[tilespmem:$0x1FD20] =	vst v7;
	v7 =	vbroadcast v8, $0x3;
	_ =	sdelay $0x1  }
0x3c: {  	[tilespmem:$0x1FD30] =	vst v7;
	v7 =	vbroadcast v8, $0x4;
	_ =	sdelay $0x1  }
0x3d: {  	[tilespmem:$0x1FD40] =	vst v7;
	v7 =	vbroadcast v8, $0x5  }
0x3e: {  	[sflag:s24] =	ssyncset.done $0x0  }
0x3f: {  	[sflag:s24] =	ssyncadd.s32 $0xFFFFE000;
	[tilespmem:$0x1FD50] =	vst v7;
	v7 =	vbroadcast v8, $0x6  }
0x40: {  	_ =	swait.ge [sflag:s24], $0x2000  }
0x41: {  	[tilespmem:$0x1FD60] =	vst v7;
	v7 =	vbroadcast v8, $0x7;
	_ =	sdelay $0x1  }
0x42: {  	[tilespmem:$0x1FD70] =	vst v7;
	v7 =	vbroadcast v8, $0x8;
	_ =	sdelay $0x1  }
0x43: {  	[tilespmem:$0x1FD80] =	vst v7;
	v7 =	vbroadcast v8, $0x9;
	_ =	sdelay $0x1  }
0x44: {  	[tilespmem:$0x1FD90] =	vst v7;
	v7 =	vbroadcast v8, $0xA;
	_ =	sdelay $0x1  }
0x45: {  	[tilespmem:$0x1FDA0] =	vst v7;
	v7 =	vbroadcast v8, $0xB  }
0x46: {  	[sflag:s24] =	ssyncset.done $0x0  }
0x47: {  	[sflag:s24] =	ssyncadd.s32 $0xFFFFE000;
	[tilespmem:$0x1FDB0] =	vst v7;
	v7 =	vbroadcast v8, $0xC  }
0x48: {  	_ =	swait.ge [sflag:s24], $0x2000  }
0x49: {  	[tilespmem:$0x1FDC0] =	vst v7;
	v7 =	vbroadcast v8, $0xD;
	_ =	sdelay $0x1  }
0x4a: {  	[tilespmem:$0x1FDD0] =	vst v7;
	v7 =	vbroadcast v8, $0xE;
	_ =	sdelay $0x1  }
0x4b: {  	[tilespmem:$0x1FDE0] =	vst v7;
	v7 =	vbroadcast v8, $0xF;
	_ =	sdelay $0x1  }
0x4c: {  	[tilespmem:$0x1FDF0] =	vst v7;
	v7 =	vbroadcast v61, $0x0;
	_ =	sdelay $0x1  }
0x4d: {  	[tilespmem:$0x1FE00] =	vst v7;
	v7 =	vbroadcast v61, $0x1  }
0x4e: {  	[sflag:s24] =	ssyncset.done $0x0  }
0x4f: {  	[sflag:s24] =	ssyncadd.s32 $0xFFFFE000;
	[tilespmem:$0x1FE10] =	vst v7;
	v7 =	vbroadcast v61, $0x2  }
0x50: {  	_ =	swait.ge [sflag:s24], $0x2000  }
0x51: {  	[tilespmem:$0x1FE20] =	vst v7;
	v7 =	vbroadcast v61, $0x3;
	_ =	sdelay $0x1  }
0x52: {  	[tilespmem:$0x1FE30] =	vst v7;
	v7 =	vbroadcast v61, $0x4;
	_ =	sdelay $0x1  }
0x53: {  	[tilespmem:$0x1FE40] =	vst v7;
	v7 =	vbroadcast v61, $0x5;
	_ =	sdelay $0x1  }
0x54: {  	[tilespmem:$0x1FE50] =	vst v7;
	v7 =	vbroadcast v61, $0x6;
	_ =	sdelay $0x1  }
0x55: {  	[tilespmem:$0x1FE60] =	vst v7;
	v7 =	vbroadcast v61, $0x7  }
0x56: {  	[sflag:s24] =	ssyncset.done $0x0  }
0x57: {  	[sflag:s24] =	ssyncadd.s32 $0xFFFFE000;
	[tilespmem:$0x1FE70] =	vst v7;
	v7 =	vbroadcast v61, $0x8  }
0x58: {  	_ =	swait.ge [sflag:s24], $0x2000  }
0x59: {  	[tilespmem:$0x1FE80] =	vst v7;
	v7 =	vbroadcast v61, $0x9;
	_ =	sdelay $0x1  }
0x5a: {  	[tilespmem:$0x1FE90] =	vst v7;
	v7 =	vbroadcast v61, $0xA;
	_ =	sdelay $0x1  }
0x5b: {  	[tilespmem:$0x1FEA0] =	vst v7;
	v7 =	vbroadcast v61, $0xB;
	_ =	sdelay $0x1  }
0x5c: {  	[tilespmem:$0x1FEB0] =	vst v7;
	v7 =	vbroadcast v61, $0xC;
	_ =	sdelay $0x1  }
0x5d: {  	[tilespmem:$0x1FEC0] =	vst v7;
	v7 =	vbroadcast v61, $0xD  }
0x5e: {  	[sflag:s24] =	ssyncset.done $0x0  }
0x5f: {  	[sflag:s24] =	ssyncadd.s32 $0xFFFFE000;
	[tilespmem:$0x1FED0] =	vst v7;
	v7 =	vbroadcast v61, $0xE  }
0x60: {  	_ =	swait.ge [sflag:s24], $0x2000  }
0x61: {  	[tilespmem:$0x1FEE0] =	vst v7;
	v7 =	vbroadcast v61, $0xF;
	_ =	sdelay $0x1  }
0x62: {  	[tilespmem:$0x1FEF0] =	vst v7;
	v7 =	vbroadcast v63, $0x0;
	_ =	sdelay $0x1  }
0x63: {  	[tilespmem:$0x1FF00] =	vst v7;
	v7 =	vbroadcast v63, $0x1;
	_ =	sdelay $0x1  }
0x64: {  	[tilespmem:$0x1FF10] =	vst v7;
	v7 =	vbroadcast v63, $0x2;
	_ =	sdelay $0x1  }
0x65: {  	[tilespmem:$0x1FF20] =	vst v7;
	v7 =	vbroadcast v63, $0x3  }
0x66: {  	[sflag:s24] =	ssyncset.done $0x0  }
0x67: {  	[sflag:s24] =	ssyncadd.s32 $0xFFFFE000;
	[tilespmem:$0x1FF30] =	vst v7;
	v7 =	vbroadcast v63, $0x4  }
0x68: {  	_ =	swait.ge [sflag:s24], $0x2000  }
0x69: {  	[tilespmem:$0x1FF40] =	vst v7;
	v7 =	vbroadcast v63, $0x5;
	_ =	sdelay $0x1  }
0x6a: {  	[tilespmem:$0x1FF50] =	vst v7;
	v7 =	vbroadcast v63, $0x6;
	_ =	sdelay $0x1  }
0x6b: {  	[tilespmem:$0x1FF60] =	vst v7;
	v7 =	vbroadcast v63, $0x7;
	_ =	sdelay $0x1  }
0x6c: {  	[tilespmem:$0x1FF70] =	vst v7;
	v7 =	vbroadcast v63, $0x8;
	_ =	sdelay $0x1  }
0x6d: {  	[tilespmem:$0x1FF80] =	vst v7;
	v7 =	vbroadcast v63, $0x9  }
0x6e: {  	[sflag:s24] =	ssyncset.done $0x0  }
0x6f: {  	[sflag:s24] =	ssyncadd.s32 $0xFFFFE000;
	[tilespmem:$0x1FF90] =	vst v7;
	v7 =	vbroadcast v63, $0xA  }
0x70: {  	_ =	swait.ge [sflag:s24], $0x2000  }
0x71: {  	[tilespmem:$0x1FFA0] =	vst v7;
	v7 =	vbroadcast v63, $0xB;
	_ =	sdelay $0x1  }
0x72: {  	[tilespmem:$0x1FFB0] =	vst v7;
	v7 =	vbroadcast v63, $0xC;
	_ =	sdelay $0x1  }
0x73: {  	[tilespmem:$0x1FFC0] =	vst v7;
	v7 =	vbroadcast v63, $0xD;
	_ =	sdelay $0x1  }
0x74: {  	[tilespmem:$0x1FFD0] =	vst v7;
	v7 =	vbroadcast v63, $0xE;
	_ =	sdelay $0x1  }
0x75: {  	[tilespmem:$0x1FFE0] =	vst v7;
	v7 =	vbroadcast v63, $0xF  }
0x76: {  	[sflag:s24] =	ssyncset.done $0x0  }
0x77: {  	s29 =	simm.s32 $0x0;
	s30 =	simm.s32 $0x0;
	[sflag:s24] =	ssyncadd.s32 $0xFFFFE000;
	[tilespmem:$0x1FFF0] =	vst v7  }
.LBB2_2:
0x78: {  	v12 =	vld [tilespmem:$0x1FC00]  }
0x79: {  	v13 =	vld [tilespmem:$0x1FC10]  }
0x7a: {  	v14 =	vld [tilespmem:$0x1FC20]  }
0x7b: {  	v44 =	vld [tilespmem:$0x1FC30]  }
0x7c: {  	v45 =	vld [tilespmem:$0x1FC40]  }
0x7d: {  	s0 =	sand.u32 $0x1C00, s30;
	s31 =	sand.u32 $0x70, s29;
	v46 =	vld [tilespmem:$0x1FC50]  }
0x7e: {  	v47 =	vld [tilespmem:$0x1FC60];
	s31 =	sor.u32 s31, s0  }
0x7f: {  	v7 =	vld [tilespmem:s31+$0x0]  }
0x80: {  	v8 =	vld [tilespmem:s31+$0x80]  }
0x81: {  	v9 =	vld [tilespmem:s31+$0x100]  }
0x82: {  	v10 =	vld [tilespmem:s31+$0x180]  }
0x83: {  	v11 =	vld [tilespmem:s31+$0x200]  }
0x84: {  	v37 =	vld [tilespmem:s31+$0x280];
	v7 =	vadd.f32 v7, v12  }
0x85: {  	v43 =	vld [tilespmem:s31+$0x300];
	v8 =	vadd.f32 v8, v13  }
0x86: {  	v14 =	vadd.f32 v9, v14;
	[tilespmem:s31+$0x0] =	vst v7  }
0x87: {  	v16 =	vadd.f32 v10, v44;
	[tilespmem:s31+$0x80] =	vst v8  }
0x88: {  	v11 =	vadd.f32 v11, v45;
	[tilespmem:s31+$0x100] =	vst v14  }
0x89: {  	v12 =	vadd.f32 v37, v46;
	[tilespmem:s31+$0x180] =	vst v16  }
0x8a: {  	v18 =	vadd.f32 v43, v47;
	[tilespmem:s31+$0x200] =	vst v11  }
0x8b: {  	s0 =	sor.u32 s30, s29;
	[tilespmem:s31+$0x280] =	vst v12  }
0x8c: {  	v49 =	vld [tilespmem:$0x1FC70];
	s0 =	sor.u32 $0x380, s0;
	[tilespmem:s31+$0x300] =	vst v18  }
0x8d: {  	v48 =	vld [tilespmem:s0+$0x0]  }
0x8e: {  	v17 =	vld [tilespmem:$0x1FC80]  }
0x8f: {  	v54 =	vld [tilespmem:$0x1FCA0]  }
0x90: {  	v55 =	vld [tilespmem:$0x1FCB0]  }
0x91: {  	v56 =	vld [tilespmem:$0x1FCC0]  }
0x92: {  	v57 =	vld [tilespmem:$0x1FCD0];
	v20 =	vadd.f32 v48, v49  }
0x93: {  	v58 =	vld [tilespmem:$0x1FCE0]  }
0x94: {  	v59 =	vld [tilespmem:$0x1FCF0];
	[tilespmem:s0+$0x0] =	vst v20  }
0x95: {  	v50 =	vld [tilespmem:s31+$0x2000]  }
0x96: {  	v52 =	vld [tilespmem:s31+$0x2100]  }
0x97: {  	v25 =	vld [tilespmem:s31+$0x2300]  }
0x98: {  	v43 =	vld [tilespmem:s31+$0x2380]  }
0x99: {  	v15 =	vld [tilespmem:s31+$0x2180]  }
0x9a: {  	v22 =	vld [tilespmem:s31+$0x2200]  }
0x9b: {  	v24 =	vld [tilespmem:s31+$0x2280];
	_ =	sdelay $0x1  }
0x9c: {  	v53 =	vld [tilespmem:$0x1FC90];
	v9 =	vadd.f32 v25, v58;
	v10 =	vadd.f32 v43, v59  }
0x9d: {  	v51 =	vld [tilespmem:s31+$0x2080];
	v23 =	vadd.f32 v50, v17  }
0x9e: {  	v17 =	vadd.f32 v15, v55;
	v15 =	vadd.f32 v22, v56;
	v22 =	vld [tilespmem:s31+$0x4000];
	vm5 =	vge.f32 v9, v10  }
0x9f: {  	v19 =	vadd.f32 v52, v54;
	v13 =	vadd.f32 v24, v57;
	v54 =	vsel vm5, $0xE, v0;
	v0 =	vld [tilespmem:$0x1FD00];
	_ =	sdelay $0x1  }
0xa0: {  	vm4 =	vge.f32 v15, v13  }
0xa1: {  	v21 =	vadd.f32 v51, v53;
	v50 =	vsel vm4, v15, v13;
	v53 =	vsel vm5, v9, v10  }
0xa2: {  	v24 =	vld [tilespmem:s31+$0x4080];
	vm9 =	vge.f32 v50, v53  }
0xa3: {  	v57 =	vsel vm9, v50, v53;
	v50 =	vadd.f32 v22, v0;
	v0 =	vld [tilespmem:$0x1FD10];
	_ =	sdelay $0x3  }
0xa4: {  	v25 =	vld [tilespmem:s31+$0x4100];
	v51 =	vsel vm4, $0xC, v28  }
0xa5: {  	v58 =	vsel vm9, v51, v54;
	v51 =	vadd.f32 v24, v0;
	v0 =	vld [tilespmem:$0x1FD20];
	_ =	sdelay $0x3  }
0xa6: {  	v63 =	vld [tilespmem:s31+$0x4180]  }
0xa7: {  	v25 =	vadd.f32 v25, v0;
	v0 =	vld [tilespmem:$0x1FD30];
	_ =	sdelay $0x3  }
0xa8: {  	v46 =	vld [tilespmem:s31+$0x4200]  }
0xa9: {  	v43 =	vadd.f32 v63, v0;
	v0 =	vld [tilespmem:$0x1FD40];
	_ =	sdelay $0x1  }
0xaa: {  	vm14 =	vge.f32 v23, v21;
	vm15 =	vge.f32 v19, v17  }
0xab: {  	v44 =	vsel vm14, v23, v21;
	v47 =	vsel vm15, v19, v17  }
0xac: {  	v49 =	vld [tilespmem:s31+$0x4280];
	v45 =	vsel vm14, $0x8, v26;
	v48 =	vsel vm15, $0xA, v27;
	vm8 =	vge.f32 v44, v47  }
0xad: {  	v36 =	vsel vm8, v45, v48;
	v45 =	vadd.f32 v46, v0;
	v0 =	vld [tilespmem:$0x1FD50];
	_ =	sdelay $0x3  }
0xae: {  	v52 =	vld [tilespmem:s31+$0x4300]  }
0xaf: {  	v49 =	vadd.f32 v49, v0;
	v0 =	vld [tilespmem:$0x1FD60];
	_ =	sdelay $0x3  }
0xb0: {  	v55 =	vld [tilespmem:s31+$0x4380]  }
0xb1: {  	vm0 =	vge.f32 v7, v8;
	v52 =	vadd.f32 v52, v0;
	v0 =	vld [tilespmem:$0x1FD70]  }
0xb2: {  	vm11 =	vge.f32 v14, v16;
	vm0 =	vmneg vm0  }
0xb3: {  	v14 =	vsel vm11, v14, v16;
	v7 =	vsel vm0, v8, v7  }
0xb4: {  	vm6 =	vge.f32 v7, v14  }
0xb5: {  	v7 =	vsel vm6, v7, v14;
	v14 =	vld [tilespmem:s31+$0x6000]  }
0xb6: {  	v54 =	vadd.f32 v55, v0;
	v0 =	vld [tilespmem:$0x1FD80];
	_ =	sdelay $0x3  }
0xb7: {  	v34 =	vld [tilespmem:s31+$0x6080]  }
0xb8: {  	v24 =	vadd.f32 v14, v0;
	v0 =	vld [tilespmem:$0x1FD90];
	_ =	sdelay $0x3  }
0xb9: {  	v37 =	vld [tilespmem:s31+$0x6100]  }
0xba: {  	v22 =	vadd.f32 v34, v0;
	v0 =	vld [tilespmem:$0x1FDA0];
	_ =	sdelay $0x2  }
0xbb: {  	vm12 =	vge.f32 v11, v12;
	vm13 =	vge.f32 v18, v20  }
0xbc: {  	v11 =	vsel vm12, v11, v12;
	v18 =	vsel vm13, v18, v20;
	v59 =	vld [tilespmem:s31+$0x6180]  }
0xbd: {  	vm7 =	vge.f32 v11, v18;
	v20 =	vadd.f32 v37, v0;
	v0 =	vld [tilespmem:$0x1FDB0]  }
0xbe: {  	v11 =	vsel vm7, v11, v18;
	v35 =	vsel vm8, v44, v47  }
0xbf: {  	v60 =	vsel vm11, $0x2, v4;
	vm10 =	vge.f32 v7, v11;
	vm11 =	vge.f32 v35, v57  }
0xc0: {  	v8 =	vsel vm0, $0x1, v3;
	v7 =	vsel vm10, v7, v11;
	v18 =	vsel vm11, v35, v57  }
0xc1: {  	v61 =	vsel vm12, $0x4, v5;
	v8 =	vsel vm6, v8, v60;
	v60 =	vld [tilespmem:s31+$0x6200];
	vm12 =	vge.f32 v7, v18  }
0xc2: {  	v7 =	vsel vm12, v7, v18;
	v18 =	vadd.f32 v59, v0;
	v0 =	vld [tilespmem:$0x1FDC0];
	_ =	sdelay $0x2  }
0xc3: {  	v62 =	vsel vm13, $0x6, v6  }
0xc4: {  	v12 =	vsel vm7, v61, v62;
	v61 =	vld [tilespmem:s31+$0x6280]  }
0xc5: {  	v16 =	vadd.f32 v60, v0;
	v0 =	vld [tilespmem:$0x1FDD0];
	_ =	sdelay $0x3  }
0xc6: {  	v62 =	vld [tilespmem:s31+$0x6300]  }
0xc7: {  	v14 =	vadd.f32 v61, v0;
	v0 =	vld [tilespmem:$0x1FDE0];
	_ =	sdelay $0x3  }
0xc8: {  	v63 =	vld [tilespmem:s31+$0x6380]  }
0xc9: {  	v8 =	vsel vm10, v8, v12;
	v12 =	vadd.f32 v62, v0;
	v0 =	vld [tilespmem:$0x1FDF0];
	_ =	sdelay $0x4  }
0xca: {  	v11 =	vadd.f32 v63, v0  }
0xcb: {  	vm6 =	vge.f32 v16, v14;
	v0 =	vimm.s32 $0x1D  }
0xcc: {  	v46 =	vld [tilespmem:s31+$0x8000];
	v34 =	vsel vm6, $0x1C, v0;
	v0 =	vimm.s32 $0x1F;
	vm7 =	vge.f32 v12, v11  }
0xcd: {  	v37 =	vsel vm7, $0x1E, v0;
	v0 =	vld [tilespmem:$0x1FE00];
	_ =	sdelay $0x1  }
0xce: {  	vm13 =	vge.f32 v50, v51;
	vm1 =	vge.f32 v25, v43  }
0xcf: {  	v47 =	vsel vm11, v36, v58;
	v44 =	vsel vm13, v50, v51;
	v48 =	vsel vm1, v25, v43  }
0xd0: {  	v53 =	vld [tilespmem:s31+$0x8080];
	v8 =	vsel vm12, v8, v47;
	v47 =	vsel vm13, $0x10, v1;
	vm8 =	vge.f32 v44, v48  }
0xd1: {  	[tilespmem:s31+$0x2100] =	vst v19;
	v44 =	vsel vm8, v44, v48;
	vm14 =	vge.f32 v45, v49;
	v19 =	vadd.f32 v46, v0;
	v0 =	vld [tilespmem:$0x1FE10]  }
0xd2: {  	v56 =	vsel vm14, v45, v49;
	vm15 =	vge.f32 v52, v54;
	vm5 =	vge.f32 v20, v18  }
0xd3: {  	vm4 =	vge.f32 v24, v22;
	v27 =	vsel vm5, v20, v18;
	v61 =	vsel vm15, $0x16, v30  }
0xd4: {  	v30 =	vsel vm6, v16, v14;
	v62 =	vsel vm4, v24, v22;
	v35 =	vsel vm7, v12, v11  }
0xd5: {  	v57 =	vld [tilespmem:s31+$0x8100];
	v55 =	vsel vm1, $0x12, v2;
	vm10 =	vge.f32 v62, v27;
	vm11 =	vge.f32 v30, v35  }
0xd6: {  	v27 =	vsel vm10, v62, v27;
	v62 =	vsel vm11, v34, v37;
	v37 =	vadd.f32 v53, v0;
	v0 =	vld [tilespmem:$0x1FE20]  }
0xd7: {  	v58 =	vsel vm14, $0x14, v29;
	v47 =	vsel vm8, v47, v55;
	v59 =	vsel vm15, v52, v54  }
0xd8: {  	v26 =	vsel vm4, $0x18, v31;
	vm9 =	vge.f32 v56, v59;
	v29 =	vsel vm5, $0x1A, v33  }
0xd9: {  	[tilespmem:s31+$0x2000] =	vst v23;
	v33 =	vsel vm9, v56, v59;
	v23 =	vsel vm10, v26, v29;
	v26 =	vsel vm11, v30, v35  }
0xda: {  	vm12 =	vge.f32 v44, v33;
	v60 =	vld [tilespmem:s31+$0x8180];
	v58 =	vsel vm9, v58, v61;
	vm13 =	vge.f32 v27, v26  }
0xdb: {  	v34 =	vsel vm12, v47, v58;
	v58 =	vsel vm13, v27, v26;
	v26 =	vadd.f32 v57, v0;
	v0 =	vld [tilespmem:$0x1FE30];
	_ =	sdelay $0x3  }
0xdc: {  	v63 =	vld [tilespmem:s31+$0x8200]  }
0xdd: {  	v27 =	vadd.f32 v60, v0;
	v0 =	vld [tilespmem:$0x1FE40];
	_ =	sdelay $0x3  }
0xde: {  	v28 =	vld [tilespmem:s31+$0x8280]  }
0xdf: {  	[tilespmem:s31+$0x2080] =	vst v21;
	v21 =	vadd.f32 v63, v0;
	v0 =	vld [tilespmem:$0x1FE50];
	_ =	sdelay $0x3  }
0xe0: {  	v31 =	vld [tilespmem:s31+$0x8300]  }
0xe1: {  	v62 =	vsel vm13, v23, v62;
	v23 =	vadd.f32 v28, v0;
	v0 =	vld [tilespmem:$0x1FE60];
	_ =	sdelay $0x3  }
0xe2: {  	v36 =	vld [tilespmem:s31+$0x8380]  }
0xe3: {  	v31 =	vadd.f32 v31, v0;
	v0 =	vld [tilespmem:$0x1FE70];
	_ =	sdelay $0x3  }
0xe4: {  	v48 =	vld [tilespmem:s31+$0xA000]  }
0xe5: {  	v36 =	vadd.f32 v36, v0;
	v0 =	vld [tilespmem:$0x1FE80];
	_ =	sdelay $0x2  }
0xe6: {  	v30 =	vsel vm12, v44, v33  }
0xe7: {  	v56 =	vld [tilespmem:s31+$0xA080];
	vm14 =	vge.f32 v30, v58  }
0xe8: {  	[tilespmem:s31+$0x2300] =	vst v9;
	v9 =	vsel vm14, v30, v58;
	v30 =	vadd.f32 v48, v0;
	v0 =	vld [tilespmem:$0x1FE90];
	_ =	sdelay $0x3  }
0xe9: {  	v59 =	vld [tilespmem:s31+$0xA100]  }
0xea: {  	v47 =	vadd.f32 v56, v0;
	v0 =	vld [tilespmem:$0x1FEA0];
	_ =	sdelay $0x3  }
0xeb: {  	v29 =	vld [tilespmem:s31+$0xA180]  }
0xec: {  	[tilespmem:s31+$0x2380] =	vst v10;
	v10 =	vsel vm14, v34, v62;
	v34 =	vadd.f32 v59, v0;
	v0 =	vld [tilespmem:$0x1FEB0];
	_ =	sdelay $0x3  }
0xed: {  	v35 =	vld [tilespmem:s31+$0xA200]  }
0xee: {  	v29 =	vadd.f32 v29, v0;
	v0 =	vld [tilespmem:$0x1FEC0];
	_ =	sdelay $0x3  }
0xef: {  	v55 =	vld [tilespmem:s31+$0xA280]  }
0xf0: {  	v35 =	vadd.f32 v35, v0;
	v0 =	vld [tilespmem:$0x1FED0];
	_ =	sdelay $0x3  }
0xf1: {  	v61 =	vld [tilespmem:s31+$0xA300]  }
0xf2: {  	[tilespmem:s31+$0x2180] =	vst v17;
	v17 =	vadd.f32 v55, v0;
	v0 =	vld [tilespmem:$0x1FEE0];
	_ =	sdelay $0x3  }
0xf3: {  	v28 =	vld [tilespmem:s31+$0xA380]  }
0xf4: {  	[tilespmem:s31+$0x2200] =	vst v15;
	v15 =	vadd.f32 v61, v0;
	v0 =	vld [tilespmem:$0x1FEF0];
	_ =	sdelay $0x2  }
0xf5: {  	vm15 =	vge.f32 v19, v37  }
0xf6: {  	[tilespmem:s31+$0x4100] =	vst v25;
	v25 =	vsel vm15, $0x20, v38  }
0xf7: {  	[tilespmem:s31+$0x2280] =	vst v13;
	vm8 =	vge.f32 v34, v29;
	v13 =	vadd.f32 v28, v0;
	v0 =	vimm.s32 $0x2B  }
0xf8: {  	vm9 =	vge.f32 v35, v17;
	v38 =	vsel vm8, $0x2A, v0;
	v0 =	vimm.s32 $0x2D  }
0xf9: {  	[tilespmem:s31+$0x6000] =	vst v24;
	v44 =	vld [tilespmem:s31+$0xC000];
	v24 =	vsel vm9, $0x2C, v0;
	vm10 =	vge.f32 v15, v13;
	v0 =	vimm.s32 $0x2F  }
0xfa: {  	v63 =	vsel vm10, $0x2E, v0;
	v0 =	vld [tilespmem:$0x1FF00];
	_ =	sdelay $0x2  }
0xfb: {  	[tilespmem:s31+$0x4000] =	vst v50;
	vm4 =	vge.f32 v26, v27  }
0xfc: {  	[tilespmem:s31+$0x4180] =	vst v43;
	v46 =	vld [tilespmem:s31+$0xC080];
	v43 =	vsel vm4, v26, v27  }
0xfd: {  	[tilespmem:s31+$0x6100] =	vst v20;
	vm5 =	vge.f32 v21, v23;
	vm6 =	vge.f32 v31, v36;
	v20 =	vadd.f32 v44, v0;
	v0 =	vld [tilespmem:$0x1FF10]  }
0xfe: {  	[tilespmem:s31+$0x4280] =	vst v49;
	v50 =	vsel vm5, v21, v23;
	v49 =	vsel vm6, v31, v36;
	v28 =	vsel vm15, v19, v37  }
0xff: {  	vm12 =	vge.f32 v50, v49;
	vm7 =	vge.f32 v30, v47;
	vm11 =	vge.f32 v28, v43  }
0x100: {  	[tilespmem:s31+$0x4300] =	vst v52;
	v52 =	vsel vm7, $0x28, v42;
	v42 =	vsel vm12, v50, v49;
	v28 =	vsel vm11, v28, v43  }
0x101: {  	[tilespmem:s31+$0x4080] =	vst v51;
	v51 =	vld [tilespmem:s31+$0xC100];
	vm15 =	vge.f32 v28, v42  }
0x102: {  	[tilespmem:s31+$0x6180] =	vst v18;
	v18 =	vsel vm15, v28, v42;
	v28 =	vadd.f32 v46, v0;
	v0 =	vld [tilespmem:$0x1FF20];
	_ =	sdelay $0x2  }
0x103: {  	[tilespmem:s31+$0x4200] =	vst v45;
	v45 =	vsel vm5, $0x24, v40;
	v48 =	vsel vm4, $0x22, v39;
	v55 =	vsel vm6, $0x26, v41  }
0x104: {  	v53 =	vld [tilespmem:s31+$0xC180];
	v45 =	vsel vm12, v45, v55;
	v41 =	vsel vm11, v25, v48  }
0x105: {  	v41 =	vsel vm15, v41, v45;
	v45 =	vadd.f32 v51, v0;
	v0 =	vld [tilespmem:$0x1FF30];
	_ =	sdelay $0x3  }
0x106: {  	v57 =	vld [tilespmem:s31+$0xC200]  }
0x107: {  	v46 =	vadd.f32 v53, v0;
	v0 =	vld [tilespmem:$0x1FF40];
	_ =	sdelay $0x3  }
0x108: {  	v58 =	vld [tilespmem:s31+$0xC280]  }
0x109: {  	[tilespmem:s31+$0x6280] =	vst v14;
	v14 =	vadd.f32 v57, v0;
	v0 =	vld [tilespmem:$0x1FF50];
	_ =	sdelay $0x3  }
0x10a: {  	v61 =	vld [tilespmem:s31+$0xC300]  }
0x10b: {  	[tilespmem:s31+$0x8000] =	vst v19;
	v19 =	vadd.f32 v58, v0;
	v0 =	vld [tilespmem:$0x1FF60];
	_ =	sdelay $0x3  }
0x10c: {  	v62 =	vld [tilespmem:s31+$0xC380]  }
0x10d: {  	[tilespmem:s31+$0x6080] =	vst v22;
	v22 =	vadd.f32 v61, v0;
	v0 =	vld [tilespmem:$0x1FF70];
	_ =	sdelay $0x3  }
0x10e: {  	v43 =	vld [tilespmem:s31+$0xE000]  }
0x10f: {  	[tilespmem:s31+$0x8080] =	vst v37;
	v37 =	vadd.f32 v62, v0;
	v0 =	vld [tilespmem:$0x1FF80];
	_ =	sdelay $0x3  }
0x110: {  	v25 =	vld [tilespmem:s31+$0xE080]  }
0x111: {  	[tilespmem:s31+$0x8100] =	vst v26;
	v26 =	vadd.f32 v43, v0;
	v0 =	vld [tilespmem:$0x1FF90];
	_ =	sdelay $0x2  }
0x112: {  	v56 =	vsel vm7, v30, v47  }
0x113: {  	v49 =	vld [tilespmem:s31+$0xE100];
	v33 =	vsel vm8, v34, v29;
	v60 =	vsel vm9, v35, v17;
	v39 =	vsel vm10, v15, v13  }
0x114: {  	vm13 =	vge.f32 v56, v33;
	vm14 =	vge.f32 v60, v39;
	v25 =	vadd.f32 v25, v0;
	v0 =	vld [tilespmem:$0x1FFA0]  }
0x115: {  	v56 =	vsel vm13, v56, v33;
	v39 =	vsel vm14, v60, v39  }
0x116: {  	vm4 =	vge.f32 v56, v39  }
0x117: {  	v56 =	vsel vm4, v56, v39  }
0x118: {  	v33 =	vld [tilespmem:s31+$0xE180];
	vm5 =	vge.f32 v18, v56  }
0x119: {  	[tilespmem:s31+$0x6380] =	vst v11;
	v11 =	vsel vm5, v18, v56;
	v18 =	vadd.f32 v49, v0;
	v0 =	vld [tilespmem:$0x1FFB0];
	_ =	sdelay $0x3  }
0x11a: {  	v40 =	vsel vm14, v24, v63;
	v24 =	vld [tilespmem:s31+$0xE200]  }
0x11b: {  	[tilespmem:s31+$0x8180] =	vst v27;
	v27 =	vadd.f32 v33, v0;
	v0 =	vld [tilespmem:$0x1FFC0];
	_ =	sdelay $0x2  }
0x11c: {  	[tilespmem:s31+$0x4380] =	vst v54;
	v38 =	vsel vm13, v52, v38  }
0x11d: {  	v54 =	vld [tilespmem:s31+$0xE280];
	[tilespmem:s31+$0x6200] =	vst v16;
	v16 =	vsel vm4, v38, v40  }
0x11e: {  	[tilespmem:s31+$0x6300] =	vst v12;
	v12 =	vsel vm5, v41, v16;
	v16 =	vadd.f32 v24, v0;
	v0 =	vld [tilespmem:$0x1FFD0];
	_ =	sdelay $0x3  }
0x11f: {  	v55 =	vld [tilespmem:s31+$0xE300]  }
0x120: {  	[tilespmem:s31+$0x8200] =	vst v21;
	v21 =	vadd.f32 v54, v0;
	v0 =	vld [tilespmem:$0x1FFE0];
	_ =	sdelay $0x1  }
0x121: {  	vm6 =	vge.f32 v20, v28;
	vm7 =	vge.f32 v45, v46  }
0x122: {  	[tilespmem:s31+$0x8300] =	vst v31;
	v31 =	vsel vm6, v20, v28;
	v60 =	vsel vm7, v45, v46  }
0x123: {  	[tilespmem:s31+$0x8280] =	vst v23;
	v59 =	vld [tilespmem:s31+$0xE380];
	vm2 =	vge.f32 v31, v60;
	vm8 =	vge.f32 v14, v19;
	vm9 =	vge.f32 v22, v37  }
0x124: {  	[tilespmem:s31+$0xA000] =	vst v30;
	v30 =	vsel vm8, v14, v19;
	v63 =	vsel vm9, v22, v37;
	v23 =	vadd.f32 v55, v0;
	v0 =	vld [tilespmem:$0x1FFF0]  }
0x125: {  	v31 =	vsel vm2, v31, v60;
	vm14 =	vge.f32 v30, v63  }
0x126: {  	v58 =	vsel vm14, v30, v63;
	vm10 =	vge.f32 v26, v25;
	vm11 =	vge.f32 v18, v27  }
0x127: {  	[tilespmem:s31+$0xA180] =	vst v29;
	vm15 =	vge.f32 v31, v58;
	v39 =	vsel vm10, v26, v25;
	v29 =	vsel vm11, v18, v27  }
0x128: {  	[tilespmem:s31+$0xA380] =	vst v13;
	v13 =	vsel vm15, v31, v58;
	vm3 =	vge.f32 v39, v29  }
0x129: {  	vm12 =	vge.f32 v16, v21;
	v24 =	vadd.f32 v59, v0;
	v0 =	vimm.s32 $0x31  }
0x12a: {  	[tilespmem:s31+$0x8380] =	vst v36;
	v42 =	vsel vm12, v16, v21;
	v43 =	vsel vm6, $0x30, v0;
	v0 =	vimm.s32 $0x33  }
0x12b: {  	[tilespmem:s31+$0xA080] =	vst v47;
	v59 =	vsel vm3, v39, v29;
	v61 =	vsel vm7, $0x32, v0;
	v0 =	vimm.s32 $0x35  }
0x12c: {  	[tilespmem:s31+$0xA100] =	vst v34;
	vm13 =	vge.f32 v23, v24;
	v62 =	vsel vm8, $0x34, v0;
	v0 =	vimm.s32 $0x37  }
0x12d: {  	[tilespmem:s31+$0xC080] =	vst v28;
	v57 =	vsel vm13, v23, v24;
	v28 =	vsel vm2, v43, v61;
	vm8 =	vge.f32 v7, v9  }
0x12e: {  	[tilespmem:s31+$0xA200] =	vst v35;
	v38 =	vsel vm9, $0x36, v0;
	v0 =	vimm.s32 $0x39;
	vm4 =	vge.f32 v42, v57  }
0x12f: {  	[tilespmem:s31+$0xA280] =	vst v17;
	v40 =	vsel vm10, $0x38, v0;
	v0 =	vimm.s32 $0x3B;
	v29 =	vsel vm4, v42, v57  }
0x130: {  	[tilespmem:s31+$0xA300] =	vst v15;
	v41 =	vsel vm11, $0x3A, v0;
	v0 =	vimm.s32 $0x3D;
	vm5 =	vge.f32 v59, v29  }
0x131: {  	[tilespmem:s31+$0xC000] =	vst v20;
	v56 =	vsel vm12, $0x3C, v0;
	v0 =	vimm.s32 $0x3F;
	v15 =	vsel vm5, v59, v29  }
0x132: {  	[tilespmem:s31+$0xC100] =	vst v45;
	v29 =	vsel vm14, v62, v38;
	v60 =	vsel vm13, $0x3E, v0;
	vm7 =	vge.f32 v13, v15  }
0x133: {  	[tilespmem:s31+$0xC180] =	vst v46;
	v30 =	vsel vm3, v40, v41;
	v17 =	vsel vm4, v56, v60;
	v13 =	vsel vm7, v13, v15  }
0x134: {  	[tilespmem:s31+$0xC200] =	vst v14;
	v61 =	vsel vm15, v28, v29;
	v62 =	vsel vm5, v30, v17;
	vm9 =	vge.f32 v11, v13  }
0x135: {  	[tilespmem:s31+$0xC280] =	vst v19;
	v44 =	vsel vm8, v7, v9;
	v14 =	vsel vm7, v61, v62;
	v45 =	vsel vm9, v11, v13  }
0x136: {  	[tilespmem:s31+$0xC300] =	vst v22;
	v63 =	vsel vm8, v8, v10;
	v20 =	vsel vm9, v12, v14;
	vm0 =	vge.f32 v44, v45  }
0x137: {  	[tilespmem:s31+$0xC380] =	vst v37;
	v43 =	vsel vm0, v63, v20  }
0x138: {  	[tilespmem:s31+$0xE000] =	vst v26;
	v15 =	vshll.u32 v43, $0xA;
	v17 =	vshll.u32 v43, $0x7  }
0x139: {  	[tilespmem:s31+$0xE080] =	vst v25;
	v19 =	vand.u32 $0xFFFFFFF0, v43;
	v15 =	vand.u32 $0x7FFFE000, v15;
	v17 =	vand.u32 $0x380, v17  }
0x13a: {  	v47 =	vor.u32 s31, v32;
	[tilespmem:s31+$0xE100] =	vst v18;
	v22 =	vshll.u32 v19, $0xA;
	v15 =	vor.u32 v15, v17  }
0x13b: {  	[tilespmem:s31+$0xE180] =	vst v27;
	v17 =	vor.u32 s31, v22;
	v15 =	vor.u32 v47, v15  }
0x13c: {  	v48 =	vor.u32 $0x80, v32;
	[tilespmem:s31+$0xE200] =	vst v16;
	v33 =	vor.u32 v32, v17  }
0x13d: {  	v49 =	vor.u32 $0x100, v32;
	[tilespmem:s31+$0xE280] =	vst v21;
	v34 =	vor.u32 v48, v17  }
0x13e: {  	v50 =	vor.u32 $0x180, v32;
	[tilespmem:s31+$0xE300] =	vst v23;
	v35 =	vor.u32 v49, v17  }
0x13f: {  	v51 =	vor.u32 $0x200, v32;
	[tilespmem:s31+$0xE380] =	vst v24;
	v0 =	vimm.f32 $-Inf;
	v36 =	vor.u32 v50, v17  }
0x140: {  	v52 =	vor.u32 $0x280, v32;
	v37 =	vor.u32 v51, v17;
	[tilespmem:v15+s3+$0x0] =	vst.idx.msk $0xffff, v0  }
0x141: {  	v53 =	vor.u32 $0x300, v32;
	v38 =	vor.u32 v52, v17;
	v16 =	vld.idx.msk [tilespmem:v33+s3+$0x0], $0xffff  }
0x142: {  	v54 =	vor.u32 $0x380, v32;
	v39 =	vor.u32 v53, v17;
	v18 =	vld.idx.msk [tilespmem:v34+s3+$0x0], $0xffff  }
0x143: {  	v55 =	vor.u32 $0x2000, v32;
	v24 =	vor.u32 v54, v17;
	v20 =	vld.idx.msk [tilespmem:v35+s3+$0x0], $0xffff  }
0x144: {  	v56 =	vor.u32 $0x2080, v32;
	v25 =	vor.u32 v55, v17;
	v21 =	vld.idx.msk [tilespmem:v36+s3+$0x0], $0xffff  }
0x145: {  	v57 =	vor.u32 $0x2100, v32;
	v26 =	vor.u32 v56, v17;
	v15 =	vld.idx.msk [tilespmem:v37+s3+$0x0], $0xffff  }
0x146: {  	v58 =	vor.u32 $0x2180, v32;
	v27 =	vor.u32 v57, v17;
	v22 =	vld.idx.msk [tilespmem:v38+s3+$0x0], $0xffff  }
0x147: {  	v59 =	vor.u32 $0x2200, v32;
	v28 =	vor.u32 v58, v17;
	v23 =	vld.idx.msk [tilespmem:v39+s3+$0x0], $0xffff  }
0x148: {  	v60 =	vor.u32 $0x2280, v32;
	v29 =	vor.u32 v59, v17;
	v24 =	vld.idx.msk [tilespmem:v24+s3+$0x0], $0xffff  }
0x149: {  	v61 =	vor.u32 $0x2300, v32;
	v30 =	vor.u32 v60, v17;
	v25 =	vld.idx.msk [tilespmem:v25+s3+$0x0], $0xffff  }
0x14a: {  	v62 =	vor.u32 $0x2380, v32;
	v31 =	vor.u32 v61, v17;
	v26 =	vld.idx.msk [tilespmem:v26+s3+$0x0], $0xffff  }
0x14b: {  	v17 =	vor.u32 v62, v17;
	v27 =	vld.idx.msk [tilespmem:v27+s3+$0x0], $0xffff  }
0x14c: {  	v28 =	vld.idx.msk [tilespmem:v28+s3+$0x0], $0xffff  }
0x14d: {  	v29 =	vld.idx.msk [tilespmem:v29+s3+$0x0], $0xffff  }
0x14e: {  	v30 =	vld.idx.msk [tilespmem:v30+s3+$0x0], $0xffff  }
0x14f: {  	v42 =	vld.idx.msk [tilespmem:v31+s3+$0x0], $0xffff  }
0x150: {  	v17 =	vld.idx.msk [tilespmem:v17+s3+$0x0], $0xffff  }
0x151: {  	v4 =	vimm.s32 $0x3;
	v5 =	vimm.s32 $0x5;
	v3 =	vimm.s32 $0x0  }
0x152: {  	v6 =	vimm.s32 $0x7;
	v41 =	vor.u32 $0xF, v43;
	v40 =	vor.u32 $0xE, v19  }
0x153: {  	v0 =	vimm.s32 $0x9;
	vm10 =	vge.f32 v16, v18;
	vm11 =	vge.f32 v20, v21  }
0x154: {  	vm12 =	vge.f32 v15, v22;
	vm13 =	vge.f32 v23, v24;
	vm14 =	vge.f32 v25, v26  }
0x155: {  	vm15 =	vge.f32 v27, v28;
	vm4 =	vge.f32 v29, v30;
	vm5 =	vge.f32 v42, v17  }
0x156: {  	vm1 =	vmneg vm10;
	v20 =	vsel vm11, v20, v21;
	v46 =	vsel vm11, $0x2, v4  }
0x157: {  	v15 =	vsel vm12, v15, v22;
	v63 =	vsel vm12, $0x4, v5;
	v23 =	vsel vm13, v23, v24  }
0x158: {  	v24 =	vsel vm13, $0x6, v6;
	v25 =	vsel vm14, v25, v26;
	v26 =	vsel vm14, $0x8, v0  }
0x159: {  	v27 =	vsel vm15, v27, v28;
	v0 =	vimm.s32 $0xB;
	v29 =	vsel vm4, v29, v30  }
0x15a: {  	v17 =	vsel vm5, v42, v17;
	v40 =	vsel vm5, v40, v41;
	v16 =	vsel vm1, v18, v16  }
0x15b: {  	v31 =	vsel vm1, $0x1, v3;
	v28 =	vsel vm15, $0xA, v0;
	v0 =	vimm.s32 $0xD  }
0x15c: {  	vm7 =	vge.f32 v15, v23;
	vm8 =	vge.f32 v25, v27;
	vm9 =	vge.f32 v29, v17  }
0x15d: {  	v33 =	vsel vm4, $0xC, v0;
	vm6 =	vge.f32 v16, v20;
	v15 =	vsel vm7, v15, v23  }
0x15e: {  	v42 =	vsel vm7, v63, v24;
	v63 =	vsel vm8, v26, v28;
	v17 =	vsel vm9, v29, v17  }
0x15f: {  	v30 =	vor.u32 v19, v33;
	v16 =	vsel vm6, v16, v20;
	v41 =	vsel vm6, v31, v46  }
0x160: {  	v46 =	vsel vm8, v25, v27;
	v23 =	vor.u32 v19, v63;
	v33 =	vshrl.u32 v43, $0x4  }
0x161: {  	vm10 =	vge.f32 v16, v15;
	v18 =	vsel vm9, v30, v40;
	vm11 =	vge.f32 v46, v17  }
0x162: {  	vm13 =	veq.s32 v33, $0x0;
	vm14 =	veq.s32 v33, $0x1;
	vm15 =	veq.s32 v33, $0x2  }
0x163: {  	v20 =	vsel vm10, v41, v42;
	v15 =	vsel vm10, v16, v15;
	v17 =	vsel vm11, v46, v17  }
0x164: {  	v18 =	vsel vm11, v23, v18;
	v21 =	vor.u32 v19, v20;
	vm12 =	vge.f32 v15, v17  }
0x165: {  	vm6 =	veq.s32 v33, $0x3;
	v15 =	vsel vm12, v15, v17;
	v16 =	vsel vm12, v21, v18  }
0x166: {  	v17 =	vsel vm13, v15, v7;
	v8 =	vsel vm13, v16, v8;
	v9 =	vsel vm14, v15, v9  }
0x167: {  	v10 =	vsel vm14, v16, v10;
	v11 =	vsel vm15, v15, v11;
	v13 =	vsel vm6, v15, v13  }
0x168: {  	v12 =	vsel vm15, v16, v12;
	vm7 =	vge.f32 v17, v9;
	vm8 =	vge.f32 v11, v13  }
0x169: {  	v14 =	vsel vm6, v16, v14;
	v63 =	vsel vm7, v17, v9;
	v7 =	vsel vm8, v11, v13  }
0x16a: {  	v34 =	vsel vm7, v8, v10;
	v16 =	vsel vm8, v12, v14;
	vm1 =	vge.f32 v63, v7  }
0x16b: {  	v46 =	vsel vm1, v34, v16  }
0x16c: {  	v15 =	vshll.u32 v46, $0xA;
	v16 =	vshll.u32 v46, $0x7  }
0x16d: {  	v18 =	vand.u32 $0xFFFFFFF0, v46;
	v15 =	vand.u32 $0x7FFFE000, v15;
	v16 =	vand.u32 $0x380, v16  }
0x16e: {  	v35 =	vshll.u32 v18, $0xA;
	v15 =	vor.u32 v15, v16  }
0x16f: {  	v16 =	vor.u32 s31, v35;
	v15 =	vor.u32 v47, v15  }
0x170: {  	v36 =	vor.u32 v32, v16  }
0x171: {  	v37 =	vor.u32 v48, v16  }
0x172: {  	v38 =	vor.u32 v49, v16  }
0x173: {  	v0 =	vimm.f32 $-Inf;
	v39 =	vor.u32 v50, v16  }
0x174: {  	v40 =	vor.u32 v51, v16;
	[tilespmem:v15+s3+$0x0] =	vst.idx.msk $0xffff, v0  }
0x175: {  	v41 =	vor.u32 v52, v16;
	v19 =	vld.idx.msk [tilespmem:v36+s3+$0x0], $0xffff  }
0x176: {  	v24 =	vor.u32 v53, v16;
	v20 =	vld.idx.msk [tilespmem:v37+s3+$0x0], $0xffff  }
0x177: {  	v25 =	vor.u32 v54, v16;
	v21 =	vld.idx.msk [tilespmem:v38+s3+$0x0], $0xffff  }
0x178: {  	v26 =	vor.u32 v55, v16;
	v22 =	vld.idx.msk [tilespmem:v39+s3+$0x0], $0xffff  }
0x179: {  	v27 =	vor.u32 v56, v16;
	v15 =	vld.idx.msk [tilespmem:v40+s3+$0x0], $0xffff  }
0x17a: {  	v28 =	vor.u32 v57, v16;
	v23 =	vld.idx.msk [tilespmem:v41+s3+$0x0], $0xffff  }
0x17b: {  	v29 =	vor.u32 v58, v16;
	v24 =	vld.idx.msk [tilespmem:v24+s3+$0x0], $0xffff  }
0x17c: {  	v30 =	vor.u32 v59, v16;
	v25 =	vld.idx.msk [tilespmem:v25+s3+$0x0], $0xffff  }
0x17d: {  	v31 =	vor.u32 v60, v16;
	v26 =	vld.idx.msk [tilespmem:v26+s3+$0x0], $0xffff  }
0x17e: {  	v27 =	vld.idx.msk [tilespmem:v27+s3+$0x0], $0xffff  }
0x17f: {  	v28 =	vld.idx.msk [tilespmem:v28+s3+$0x0], $0xffff  }
0x180: {  	v29 =	vld.idx.msk [tilespmem:v29+s3+$0x0], $0xffff  }
0x181: {  	v30 =	vld.idx.msk [tilespmem:v30+s3+$0x0], $0xffff  }
0x182: {  	v31 =	vld.idx.msk [tilespmem:v31+s3+$0x0], $0xffff  }
0x183: {  	v35 =	vor.u32 $0xE, v18  }
0x184: {  	v42 =	vor.u32 v61, v16;
	v16 =	vor.u32 v62, v16;
	v0 =	vimm.s32 $0x9  }
0x185: {  	v36 =	vor.u32 $0xF, v46;
	vm9 =	vge.f32 v19, v20;
	vm10 =	vge.f32 v21, v22  }
0x186: {  	vm11 =	vge.f32 v15, v23;
	vm12 =	vge.f32 v24, v25;
	vm13 =	vge.f32 v26, v27  }
0x187: {  	vm14 =	vge.f32 v28, v29;
	vm15 =	vge.f32 v30, v31;
	vm2 =	vmneg vm9  }
0x188: {  	v21 =	vsel vm10, v21, v22;
	v41 =	vsel vm10, $0x2, v4;
	v15 =	vsel vm11, v15, v23  }
0x189: {  	v24 =	vsel vm12, v24, v25;
	v25 =	vsel vm12, $0x6, v6;
	v26 =	vsel vm13, v26, v27  }
0x18a: {  	v16 =	vld.idx.msk [tilespmem:v16+s3+$0x0], $0xffff;
	v27 =	vsel vm13, $0x8, v0;
	v28 =	vsel vm14, v28, v29;
	v0 =	vimm.s32 $0xB  }
0x18b: {  	v30 =	vsel vm15, v30, v31;
	v19 =	vsel vm2, v20, v19;
	v20 =	vld.idx.msk [tilespmem:v42+s3+$0x0], $0xffff;
	v40 =	vsel vm2, $0x1, v3  }
0x18c: {  	v42 =	vsel vm11, $0x4, v5;
	v29 =	vsel vm14, $0xA, v0;
	v0 =	vimm.s32 $0xD  }
0x18d: {  	vm6 =	vge.f32 v15, v24;
	vm7 =	vge.f32 v26, v28;
	v33 =	vsel vm15, $0xC, v0  }
0x18e: {  	vm5 =	vge.f32 v19, v21;
	v15 =	vsel vm6, v15, v24;
	v39 =	vsel vm6, v42, v25  }
0x18f: {  	v24 =	vsel vm7, v27, v29;
	v42 =	vshrl.u32 v46, $0x4;
	v31 =	vor.u32 v18, v33  }
0x190: {  	v19 =	vsel vm5, v19, v21;
	v38 =	vsel vm5, v40, v41;
	vm4 =	vge.f32 v20, v16  }
0x191: {  	v40 =	vsel vm7, v26, v28;
	v24 =	vor.u32 v18, v24;
	v16 =	vsel vm4, v20, v16  }
0x192: {  	vm12 =	veq.s32 v42, $0x0;
	vm13 =	veq.s32 v42, $0x1;
	vm8 =	vge.f32 v30, v16  }
0x193: {  	vm14 =	veq.s32 v42, $0x2;
	vm9 =	vge.f32 v19, v15;
	v16 =	vsel vm8, v30, v16  }
0x194: {  	v21 =	vsel vm9, v38, v39;
	v37 =	vsel vm4, v35, v36;
	vm10 =	vge.f32 v40, v16  }
0x195: {  	v15 =	vsel vm9, v19, v15;
	v20 =	vsel vm8, v31, v37;
	v16 =	vsel vm10, v40, v16  }
0x196: {  	v18 =	vor.u32 v18, v21;
	v41 =	vsel vm10, v24, v20;
	vm11 =	vge.f32 v15, v16  }
0x197: {  	vm15 =	veq.s32 v42, $0x3;
	v15 =	vsel vm11, v15, v16;
	v33 =	vsel vm11, v18, v41  }
0x198: {  	v17 =	vsel vm12, v15, v17;
	v18 =	vsel vm12, v33, v8;
	v9 =	vsel vm13, v15, v9  }
0x199: {  	v19 =	vsel vm13, v33, v10;
	v20 =	vsel vm14, v15, v11;
	v13 =	vsel vm15, v15, v13  }
0x19a: {  	v12 =	vsel vm14, v33, v12;
	vm8 =	vge.f32 v17, v9;
	vm9 =	vge.f32 v20, v13  }
0x19b: {  	v14 =	vsel vm15, v33, v14;
	v10 =	vsel vm8, v17, v9;
	v11 =	vsel vm9, v20, v13  }
0x19c: {  	v8 =	vsel vm8, v18, v19;
	v34 =	vsel vm9, v12, v14;
	vm2 =	vge.f32 v10, v11  }
0x19d: {  	v8 =	vsel vm2, v8, v34  }
0x19e: {  	v15 =	vshll.u32 v8, $0xA;
	v35 =	vshll.u32 v8, $0x7  }
0x19f: {  	v21 =	vand.u32 $0xFFFFFFF0, v8;
	v15 =	vand.u32 $0x7FFFE000, v15;
	v16 =	vand.u32 $0x380, v35  }
0x1a0: {  	v36 =	vshll.u32 v21, $0xA;
	v15 =	vor.u32 v15, v16  }
0x1a1: {  	v16 =	vor.u32 s31, v36;
	v15 =	vor.u32 v47, v15  }
0x1a2: {  	v37 =	vor.u32 v32, v16  }
0x1a3: {  	v38 =	vor.u32 v48, v16  }
0x1a4: {  	v24 =	vor.u32 v49, v16  }
0x1a5: {  	v0 =	vimm.f32 $-Inf;
	v25 =	vor.u32 v50, v16  }
0x1a6: {  	v39 =	vor.u32 v51, v16;
	[tilespmem:v15+s3+$0x0] =	vst.idx.msk $0xffff, v0  }
0x1a7: {  	v26 =	vor.u32 v52, v16;
	v22 =	vld.idx.msk [tilespmem:v37+s3+$0x0], $0xffff  }
0x1a8: {  	v27 =	vor.u32 v53, v16;
	v23 =	vld.idx.msk [tilespmem:v38+s3+$0x0], $0xffff  }
0x1a9: {  	v28 =	vor.u32 v54, v16;
	v24 =	vld.idx.msk [tilespmem:v24+s3+$0x0], $0xffff  }
0x1aa: {  	v29 =	vor.u32 v55, v16;
	v25 =	vld.idx.msk [tilespmem:v25+s3+$0x0], $0xffff  }
0x1ab: {  	v30 =	vor.u32 v56, v16;
	v15 =	vld.idx.msk [tilespmem:v39+s3+$0x0], $0xffff  }
0x1ac: {  	v31 =	vor.u32 v57, v16;
	v26 =	vld.idx.msk [tilespmem:v26+s3+$0x0], $0xffff  }
0x1ad: {  	v34 =	vor.u32 v58, v16;
	v27 =	vld.idx.msk [tilespmem:v27+s3+$0x0], $0xffff  }
0x1ae: {  	v40 =	vor.u32 v59, v16;
	v28 =	vld.idx.msk [tilespmem:v28+s3+$0x0], $0xffff  }
0x1af: {  	v41 =	vor.u32 v60, v16;
	v29 =	vld.idx.msk [tilespmem:v29+s3+$0x0], $0xffff  }
0x1b0: {  	v30 =	vld.idx.msk [tilespmem:v30+s3+$0x0], $0xffff  }
0x1b1: {  	v31 =	vld.idx.msk [tilespmem:v31+s3+$0x0], $0xffff  }
0x1b2: {  	v34 =	vld.idx.msk [tilespmem:v34+s3+$0x0], $0xffff  }
0x1b3: {  	v35 =	vld.idx.msk [tilespmem:v40+s3+$0x0], $0xffff  }
0x1b4: {  	v36 =	vld.idx.msk [tilespmem:v41+s3+$0x0], $0xffff  }
0x1b5: {  	v42 =	vor.u32 v61, v16  }
0x1b6: {  	v16 =	vor.u32 v62, v16;
	v0 =	vimm.s32 $0x9;
	v38 =	vor.u32 $0xE, v21  }
0x1b7: {  	v39 =	vor.u32 $0xF, v8;
	vm10 =	vge.f32 v22, v23;
	vm11 =	vge.f32 v24, v25  }
0x1b8: {  	vm12 =	vge.f32 v15, v26;
	vm13 =	vge.f32 v27, v28;
	vm14 =	vge.f32 v29, v30  }
0x1b9: {  	vm15 =	vge.f32 v31, v34;
	vm8 =	vge.f32 v35, v36;
	vm3 =	vmneg vm10  }
0x1ba: {  	v24 =	vsel vm11, v24, v25;
	v25 =	vsel vm11, $0x2, v4;
	v15 =	vsel vm12, v15, v26  }
0x1bb: {  	v26 =	vsel vm12, $0x4, v5;
	v27 =	vsel vm13, v27, v28;
	v28 =	vsel vm13, $0x6, v6  }
0x1bc: {  	v16 =	vld.idx.msk [tilespmem:v16+s3+$0x0], $0xffff;
	v29 =	vsel vm14, v29, v30;
	v30 =	vsel vm14, $0x8, v0;
	v31 =	vsel vm15, v31, v34  }
0x1bd: {  	v0 =	vimm.s32 $0xB;
	v35 =	vsel vm8, v35, v36;
	v22 =	vsel vm3, v23, v22;
	v23 =	vld.idx.msk [tilespmem:v42+s3+$0x0], $0xffff  }
0x1be: {  	v37 =	vsel vm3, $0x1, v3;
	v34 =	vsel vm15, $0xA, v0;
	v0 =	vimm.s32 $0xD  }
0x1bf: {  	vm11 =	vge.f32 v15, v27;
	vm12 =	vge.f32 v29, v31;
	v40 =	vsel vm8, $0xC, v0  }
0x1c0: {  	vm10 =	vge.f32 v22, v24;
	v15 =	vsel vm11, v15, v27;
	v27 =	vsel vm12, v30, v34  }
0x1c1: {  	v34 =	vshrl.u32 v8, $0x4;
	v41 =	vor.u32 v21, v40;
	v22 =	vsel vm10, v22, v24  }
0x1c2: {  	v24 =	vsel vm10, v37, v25;
	v25 =	vsel vm11, v26, v28;
	vm9 =	vge.f32 v23, v16  }
0x1c3: {  	v26 =	vsel vm12, v29, v31;
	v27 =	vor.u32 v21, v27;
	v16 =	vsel vm9, v23, v16  }
0x1c4: {  	vm7 =	veq.s32 v34, $0x0;
	vm8 =	veq.s32 v34, $0x1;
	vm13 =	vge.f32 v35, v16  }
0x1c5: {  	vm10 =	veq.s32 v34, $0x3;
	vm14 =	vge.f32 v22, v15;
	v16 =	vsel vm13, v35, v16  }
0x1c6: {  	v24 =	vsel vm14, v24, v25;
	v42 =	vsel vm9, v38, v39;
	vm15 =	vge.f32 v26, v16  }
0x1c7: {  	v15 =	vsel vm14, v22, v15;
	v23 =	vsel vm13, v41, v42;
	v16 =	vsel vm15, v26, v16  }
0x1c8: {  	v21 =	vor.u32 v21, v24;
	v33 =	vsel vm15, v27, v23;
	vm6 =	vge.f32 v15, v16  }
0x1c9: {  	vm9 =	veq.s32 v34, $0x2;
	v15 =	vsel vm6, v15, v16;
	v35 =	vsel vm6, v21, v33  }
0x1ca: {  	v17 =	vsel vm7, v15, v17;
	v18 =	vsel vm7, v35, v18;
	v21 =	vsel vm8, v15, v9  }
0x1cb: {  	v19 =	vsel vm8, v35, v19;
	v20 =	vsel vm9, v15, v20;
	v15 =	vsel vm10, v15, v13  }
0x1cc: {  	v12 =	vsel vm9, v35, v12;
	vm11 =	vge.f32 v17, v21;
	vm12 =	vge.f32 v20, v15  }
0x1cd: {  	v16 =	vsel vm10, v35, v14;
	v13 =	vsel vm11, v17, v21;
	v14 =	vsel vm12, v20, v15  }
0x1ce: {  	v36 =	vsel vm11, v18, v19;
	v37 =	vsel vm12, v12, v16;
	vm3 =	vge.f32 v13, v14  }
0x1cf: {  	v9 =	vsel vm3, v36, v37  }
0x1d0: {  	v22 =	vshll.u32 v9, $0xA;
	v38 =	vshll.u32 v9, $0x7  }
0x1d1: {  	v24 =	vand.u32 $0xFFFFFFF0, v9;
	v22 =	vand.u32 $0x7FFFE000, v22;
	v23 =	vand.u32 $0x380, v38  }
0x1d2: {  	v39 =	vshll.u32 v24, $0xA;
	v22 =	vor.u32 v22, v23  }
0x1d3: {  	v23 =	vor.u32 s31, v39;
	v22 =	vor.u32 v47, v22  }
0x1d4: {  	v25 =	vor.u32 v32, v23  }
0x1d5: {  	v26 =	vor.u32 v48, v23  }
0x1d6: {  	v27 =	vor.u32 v49, v23  }
0x1d7: {  	v0 =	vimm.f32 $-Inf;
	v28 =	vor.u32 v50, v23  }
0x1d8: {  	v40 =	vor.u32 v51, v23;
	[tilespmem:v22+s3+$0x0] =	vst.idx.msk $0xffff, v0  }
0x1d9: {  	v29 =	vor.u32 v52, v23;
	v25 =	vld.idx.msk [tilespmem:v25+s3+$0x0], $0xffff  }
0x1da: {  	v30 =	vor.u32 v53, v23;
	v26 =	vld.idx.msk [tilespmem:v26+s3+$0x0], $0xffff  }
0x1db: {  	v31 =	vor.u32 v54, v23;
	v27 =	vld.idx.msk [tilespmem:v27+s3+$0x0], $0xffff  }
0x1dc: {  	v41 =	vor.u32 v55, v23;
	v28 =	vld.idx.msk [tilespmem:v28+s3+$0x0], $0xffff  }
0x1dd: {  	v42 =	vor.u32 v56, v23;
	v22 =	vld.idx.msk [tilespmem:v40+s3+$0x0], $0xffff  }
0x1de: {  	v36 =	vor.u32 v57, v23;
	v29 =	vld.idx.msk [tilespmem:v29+s3+$0x0], $0xffff  }
0x1df: {  	v37 =	vor.u32 v58, v23;
	v30 =	vld.idx.msk [tilespmem:v30+s3+$0x0], $0xffff  }
0x1e0: {  	v38 =	vor.u32 v59, v23;
	v31 =	vld.idx.msk [tilespmem:v31+s3+$0x0], $0xffff  }
0x1e1: {  	v39 =	vor.u32 v60, v23;
	v34 =	vld.idx.msk [tilespmem:v41+s3+$0x0], $0xffff  }
0x1e2: {  	v35 =	vld.idx.msk [tilespmem:v42+s3+$0x0], $0xffff  }
0x1e3: {  	v36 =	vld.idx.msk [tilespmem:v36+s3+$0x0], $0xffff  }
0x1e4: {  	v37 =	vld.idx.msk [tilespmem:v37+s3+$0x0], $0xffff  }
0x1e5: {  	v38 =	vld.idx.msk [tilespmem:v38+s3+$0x0], $0xffff  }
0x1e6: {  	v39 =	vld.idx.msk [tilespmem:v39+s3+$0x0], $0xffff  }
0x1e7: {  	v33 =	vor.u32 v61, v23  }
0x1e8: {  	v23 =	vor.u32 v62, v23;
	v0 =	vimm.s32 $0x9;
	v41 =	vor.u32 $0xE, v24  }
0x1e9: {  	v42 =	vor.u32 $0xF, v9;
	vm13 =	vge.f32 v25, v26;
	vm14 =	vge.f32 v27, v28  }
0x1ea: {  	vm15 =	vge.f32 v22, v29;
	vm8 =	vge.f32 v30, v31;
	vm9 =	vge.f32 v34, v35  }
0x1eb: {  	vm10 =	vge.f32 v36, v37;
	vm11 =	vge.f32 v38, v39;
	vm4 =	vmneg vm13  }
0x1ec: {  	v27 =	vsel vm14, v27, v28;
	v28 =	vsel vm14, $0x2, v4;
	v22 =	vsel vm15, v22, v29  }
0x1ed: {  	v23 =	vld.idx.msk [tilespmem:v23+s3+$0x0], $0xffff;
	v29 =	vsel vm15, $0x4, v5;
	v30 =	vsel vm8, v30, v31;
	v31 =	vsel vm8, $0x6, v6  }
0x1ee: {  	v34 =	vsel vm9, v34, v35;
	v35 =	vsel vm9, $0x8, v0;
	v25 =	vsel vm4, v26, v25;
	v26 =	vld.idx.msk [tilespmem:v33+s3+$0x0], $0xffff  }
0x1ef: {  	v36 =	vsel vm10, v36, v37;
	v0 =	vimm.s32 $0xB;
	v38 =	vsel vm11, v38, v39  }
0x1f0: {  	v40 =	vsel vm4, $0x1, v3;
	v37 =	vsel vm10, $0xA, v0;
	v0 =	vimm.s32 $0xD  }
0x1f1: {  	vm14 =	vge.f32 v22, v30;
	vm15 =	vge.f32 v34, v36;
	v33 =	vsel vm11, $0xC, v0  }
0x1f2: {  	vm13 =	vge.f32 v25, v27;
	v22 =	vsel vm14, v22, v30;
	v30 =	vsel vm15, v35, v37  }
0x1f3: {  	v33 =	vor.u32 v24, v33;
	v25 =	vsel vm13, v25, v27;
	vm12 =	vge.f32 v26, v23  }
0x1f4: {  	v27 =	vsel vm13, v40, v28;
	v28 =	vsel vm14, v29, v31;
	v23 =	vsel vm12, v26, v23  }
0x1f5: {  	v29 =	vsel vm15, v34, v36;
	vm9 =	vge.f32 v25, v22;
	vm8 =	vge.f32 v38, v23  }
0x1f6: {  	v30 =	vor.u32 v24, v30;
	v27 =	vsel vm9, v27, v28;
	v23 =	vsel vm8, v38, v23  }
0x1f7: {  	v22 =	vsel vm9, v25, v22;
	v26 =	vsel vm12, v41, v42;
	vm10 =	vge.f32 v29, v23  }
0x1f8: {  	v24 =	vor.u32 v24, v27;
	v26 =	vsel vm8, v33, v26;
	v23 =	vsel vm10, v29, v23  }
0x1f9: {  	v25 =	vsel vm10, v30, v26;
	v26 =	vshrl.u32 v9, $0x4;
	vm11 =	vge.f32 v22, v23  }
0x1fa: {  	vm12 =	veq.s32 v26, $0x0;
	vm13 =	veq.s32 v26, $0x1;
	vm14 =	veq.s32 v26, $0x2  }
0x1fb: {  	vm6 =	veq.s32 v26, $0x3;
	v22 =	vsel vm11, v22, v23;
	v38 =	vsel vm11, v24, v25  }
0x1fc: {  	v24 =	vsel vm12, v22, v17;
	v18 =	vsel vm12, v38, v18;
	v21 =	vsel vm13, v22, v21  }
0x1fd: {  	v19 =	vsel vm13, v38, v19;
	v20 =	vsel vm14, v22, v20;
	v15 =	vsel vm6, v22, v15  }
0x1fe: {  	v22 =	vsel vm14, v38, v12;
	vm15 =	vge.f32 v24, v21;
	vm8 =	vge.f32 v20, v15  }
0x1ff: {  	v23 =	vsel vm6, v38, v16;
	v16 =	vsel vm15, v24, v21;
	v17 =	vsel vm8, v20, v15  }
0x200: {  	v39 =	vsel vm15, v18, v19;
	v25 =	vsel vm8, v22, v23;
	vm4 =	vge.f32 v16, v17  }
0x201: {  	v12 =	vsel vm4, v39, v25  }
0x202: {  	v25 =	vshll.u32 v12, $0xA;
	v26 =	vshll.u32 v12, $0x7  }
0x203: {  	v27 =	vand.u32 $0xFFFFFFF0, v12;
	v25 =	vand.u32 $0x7FFFE000, v25;
	v26 =	vand.u32 $0x380, v26  }
0x204: {  	v25 =	vor.u32 v25, v26;
	v26 =	vshll.u32 v27, $0xA  }
0x205: {  	v25 =	vor.u32 v47, v25;
	v26 =	vor.u32 s31, v26  }
0x206: {  	v28 =	vor.u32 v32, v26  }
0x207: {  	v29 =	vor.u32 v48, v26  }
0x208: {  	v30 =	vor.u32 v49, v26  }
0x209: {  	v0 =	vimm.f32 $-Inf;
	v31 =	vor.u32 v50, v26  }
0x20a: {  	v40 =	vor.u32 v52, v26;
	[tilespmem:v25+s3+$0x0] =	vst.idx.msk $0xffff, v0  }
0x20b: {  	v41 =	vor.u32 v53, v26;
	v28 =	vld.idx.msk [tilespmem:v28+s3+$0x0], $0xffff  }
0x20c: {  	v42 =	vor.u32 v54, v26;
	v29 =	vld.idx.msk [tilespmem:v29+s3+$0x0], $0xffff  }
0x20d: {  	v36 =	vor.u32 v55, v26;
	v30 =	vld.idx.msk [tilespmem:v30+s3+$0x0], $0xffff  }
0x20e: {  	v37 =	vor.u32 v56, v26;
	v31 =	vld.idx.msk [tilespmem:v31+s3+$0x0], $0xffff  }
0x20f: {  	v38 =	vor.u32 v57, v26;
	v33 =	vld.idx.msk [tilespmem:v40+s3+$0x0], $0xffff  }
0x210: {  	v39 =	vor.u32 v58, v26;
	v34 =	vld.idx.msk [tilespmem:v41+s3+$0x0], $0xffff  }
0x211: {  	v35 =	vld.idx.msk [tilespmem:v42+s3+$0x0], $0xffff  }
0x212: {  	v36 =	vld.idx.msk [tilespmem:v36+s3+$0x0], $0xffff  }
0x213: {  	v37 =	vld.idx.msk [tilespmem:v37+s3+$0x0], $0xffff  }
0x214: {  	v25 =	vor.u32 v51, v26;
	v38 =	vld.idx.msk [tilespmem:v38+s3+$0x0], $0xffff  }
0x215: {  	v40 =	vor.u32 v59, v26;
	v39 =	vld.idx.msk [tilespmem:v39+s3+$0x0], $0xffff  }
0x216: {  	v41 =	vor.u32 v60, v26  }
0x217: {  	v42 =	vor.u32 v61, v26;
	v26 =	vor.u32 v62, v26  }
0x218: {  	v2 =	vimm.s32 $0x9;
	v1 =	vor.u32 $0xF, v12  }
0x219: {  	v0 =	vor.u32 $0xE, v27;
	v25 =	vld.idx.msk [tilespmem:v25+s3+$0x0], $0xffff;
	vm9 =	vge.f32 v28, v29;
	vm10 =	vge.f32 v30, v31  }
0x21a: {  	v40 =	vld.idx.msk [tilespmem:v40+s3+$0x0], $0xffff;
	vm12 =	vge.f32 v34, v35;
	vm13 =	vge.f32 v36, v37;
	vm14 =	vge.f32 v38, v39  }
0x21b: {  	v41 =	vld.idx.msk [tilespmem:v41+s3+$0x0], $0xffff;
	vm5 =	vmneg vm9;
	v30 =	vsel vm10, v30, v31;
	v31 =	vsel vm10, $0x2, v4  }
0x21c: {  	v26 =	vld.idx.msk [tilespmem:v26+s3+$0x0], $0xffff;
	v34 =	vsel vm12, v34, v35;
	v35 =	vsel vm12, $0x6, v6;
	v36 =	vsel vm13, v36, v37  }
0x21d: {  	v37 =	vsel vm13, $0x8, v2;
	v2 =	vimm.s32 $0xB;
	v28 =	vsel vm5, v29, v28;
	v29 =	vld.idx.msk [tilespmem:v42+s3+$0x0], $0xffff  }
0x21e: {  	v38 =	vsel vm14, v38, v39;
	v42 =	vsel vm5, $0x1, v3;
	v39 =	vsel vm14, $0xA, v2  }
0x21f: {  	v2 =	vimm.s32 $0xD;
	vm9 =	vge.f32 v28, v30;
	vm11 =	vge.f32 v25, v33  }
0x220: {  	v25 =	vsel vm11, v25, v33;
	v33 =	vsel vm11, $0x4, v5;
	vm15 =	vge.f32 v40, v41  }
0x221: {  	vm11 =	vge.f32 v36, v38;
	v2 =	vsel vm15, $0xC, v2;
	v40 =	vsel vm15, v40, v41  }
0x222: {  	vm10 =	vge.f32 v25, v34;
	v2 =	vor.u32 v27, v2;
	vm8 =	vge.f32 v29, v26  }
0x223: {  	v25 =	vsel vm10, v25, v34;
	v26 =	vsel vm8, v29, v26;
	v0 =	vsel vm8, v0, v1  }
0x224: {  	v1 =	vsel vm9, v28, v30;
	v28 =	vsel vm9, v42, v31;
	v29 =	vsel vm10, v33, v35  }
0x225: {  	v30 =	vsel vm11, v36, v38;
	v31 =	vsel vm11, v37, v39;
	vm12 =	vge.f32 v40, v26  }
0x226: {  	v31 =	vor.u32 v27, v31;
	vm13 =	vge.f32 v1, v25;
	v26 =	vsel vm12, v40, v26  }
0x227: {  	v0 =	vsel vm12, v2, v0;
	v2 =	vsel vm13, v28, v29;
	vm14 =	vge.f32 v30, v26  }
0x228: {  	v1 =	vsel vm13, v1, v25;
	v2 =	vor.u32 v27, v2;
	v25 =	vsel vm14, v30, v26  }
0x229: {  	v0 =	vsel vm14, v31, v0;
	v26 =	vshrl.u32 v12, $0x4;
	vm15 =	vge.f32 v1, v25  }
0x22a: {  	vm8 =	veq.s32 v26, $0x0;
	vm9 =	veq.s32 v26, $0x1;
	vm10 =	veq.s32 v26, $0x2  }
0x22b: {  	vm7 =	veq.s32 v26, $0x3;
	v1 =	vsel vm15, v1, v25;
	v0 =	vsel vm15, v2, v0  }
0x22c: {  	v2 =	vsel vm8, v1, v24;
	v18 =	vsel vm8, v0, v18;
	v21 =	vsel vm9, v1, v21  }
0x22d: {  	v19 =	vsel vm9, v0, v19;
	v20 =	vsel vm10, v1, v20;
	v1 =	vsel vm7, v1, v15  }
0x22e: {  	v22 =	vsel vm10, v0, v22;
	vm11 =	vge.f32 v2, v21;
	vm12 =	vge.f32 v20, v1  }
0x22f: {  	v0 =	vsel vm7, v0, v23;
	v23 =	vsel vm11, v2, v21;
	v24 =	vsel vm12, v20, v1  }
0x230: {  	v38 =	vsel vm11, v18, v19;
	v25 =	vsel vm12, v22, v0;
	vm5 =	vge.f32 v23, v24  }
0x231: {  	v15 =	vsel vm5, v38, v25  }
0x232: {  	v25 =	vshll.u32 v15, $0xA;
	v26 =	vshll.u32 v15, $0x7  }
0x233: {  	v27 =	vand.u32 $0xFFFFFFF0, v15;
	v25 =	vand.u32 $0x7FFFE000, v25;
	v26 =	vand.u32 $0x380, v26  }
0x234: {  	v25 =	vor.u32 v25, v26;
	v26 =	vshll.u32 v27, $0xA  }
0x235: {  	v25 =	vor.u32 v47, v25;
	v26 =	vor.u32 s31, v26  }
0x236: {  	v28 =	vor.u32 v32, v26  }
0x237: {  	v29 =	vor.u32 v48, v26  }
0x238: {  	v30 =	vor.u32 v49, v26  }
0x239: {  	v39 =	vimm.f32 $-Inf;
	v31 =	vor.u32 v50, v26  }
0x23a: {  	v41 =	vor.u32 v53, v26;
	[tilespmem:v25+s3+$0x0] =	vst.idx.msk $0xffff, v39  }
0x23b: {  	v35 =	vor.u32 v54, v26;
	v28 =	vld.idx.msk [tilespmem:v28+s3+$0x0], $0xffff  }
0x23c: {  	v37 =	vor.u32 v61, v26;
	v29 =	vld.idx.msk [tilespmem:v29+s3+$0x0], $0xffff  }
0x23d: {  	v38 =	vor.u32 v62, v26;
	v30 =	vld.idx.msk [tilespmem:v30+s3+$0x0], $0xffff  }
0x23e: {  	v40 =	vor.u32 v52, v26;
	v31 =	vld.idx.msk [tilespmem:v31+s3+$0x0], $0xffff  }
0x23f: {  	v42 =	vor.u32 v55, v26;
	v34 =	vld.idx.msk [tilespmem:v41+s3+$0x0], $0xffff  }
0x240: {  	v25 =	vor.u32 v51, v26;
	v35 =	vld.idx.msk [tilespmem:v35+s3+$0x0], $0xffff  }
0x241: {  	v39 =	vor.u32 v56, v26;
	v37 =	vld.idx.msk [tilespmem:v37+s3+$0x0], $0xffff  }
0x242: {  	v38 =	vld.idx.msk [tilespmem:v38+s3+$0x0], $0xffff  }
0x243: {  	v33 =	vld.idx.msk [tilespmem:v40+s3+$0x0], $0xffff;
	v41 =	vor.u32 v58, v26  }
0x244: {  	v36 =	vld.idx.msk [tilespmem:v42+s3+$0x0], $0xffff;
	v40 =	vor.u32 v57, v26  }
0x245: {  	v42 =	vor.u32 v59, v26;
	v25 =	vld.idx.msk [tilespmem:v25+s3+$0x0], $0xffff  }
0x246: {  	v26 =	vor.u32 v60, v26;
	v39 =	vld.idx.msk [tilespmem:v39+s3+$0x0], $0xffff;
	vm13 =	vge.f32 v28, v29;
	vm14 =	vge.f32 v30, v31  }
0x247: {  	vm9 =	vge.f32 v34, v35;
	vm10 =	vge.f32 v37, v38;
	vm6 =	vmneg vm13  }
0x248: {  	v30 =	vsel vm14, v30, v31;
	v31 =	vld.idx.msk [tilespmem:v41+s3+$0x0], $0xffff;
	v34 =	vsel vm9, v34, v35;
	v37 =	vsel vm10, v37, v38  }
0x249: {  	v41 =	vor.u32 $0xF, v15;
	v28 =	vsel vm6, v29, v28;
	v29 =	vld.idx.msk [tilespmem:v40+s3+$0x0], $0xffff;
	v40 =	vor.u32 $0xE, v27  }
0x24a: {  	v35 =	vsel vm10, v40, v41;
	vm15 =	vge.f32 v28, v30;
	vm8 =	vge.f32 v25, v33  }
0x24b: {  	v26 =	vld.idx.msk [tilespmem:v26+s3+$0x0], $0xffff;
	vm11 =	vge.f32 v36, v39;
	v28 =	vsel vm15, v28, v30;
	v30 =	vsel vm6, $0x1, v3  }
0x24c: {  	v3 =	vimm.s32 $0x9;
	v25 =	vsel vm8, v25, v33;
	v33 =	vld.idx.msk [tilespmem:v42+s3+$0x0], $0xffff;
	v36 =	vsel vm11, v36, v39  }
0x24d: {  	v42 =	vsel vm14, $0x2, v4;
	v39 =	vsel vm9, $0x6, v6;
	v40 =	vsel vm11, $0x8, v3  }
0x24e: {  	v3 =	vimm.s32 $0xB;
	vm13 =	vge.f32 v25, v34;
	vm12 =	vge.f32 v29, v31  }
0x24f: {  	v30 =	vsel vm15, v30, v42;
	v25 =	vsel vm13, v25, v34;
	v29 =	vsel vm12, v29, v31  }
0x250: {  	v31 =	vsel vm8, $0x4, v5;
	v41 =	vsel vm12, $0xA, v3;
	v3 =	vimm.s32 $0xD  }
0x251: {  	vm10 =	vge.f32 v28, v25;
	vm15 =	vge.f32 v36, v29;
	vm14 =	vge.f32 v33, v26  }
0x252: {  	v31 =	vsel vm13, v31, v39;
	v25 =	vsel vm10, v28, v25;
	v26 =	vsel vm14, v33, v26  }
0x253: {  	v29 =	vsel vm15, v36, v29;
	v28 =	vsel vm10, v30, v31;
	vm9 =	vge.f32 v26, v37  }
0x254: {  	v42 =	vsel vm14, $0xC, v3;
	v33 =	vsel vm15, v40, v41;
	v26 =	vsel vm9, v26, v37  }
0x255: {  	v39 =	vor.u32 v27, v42;
	v30 =	vor.u32 v27, v33;
	vm11 =	vge.f32 v29, v26  }
0x256: {  	v27 =	vor.u32 v27, v28;
	v34 =	vsel vm9, v39, v35;
	v26 =	vsel vm11, v29, v26  }
0x257: {  	v28 =	vsel vm11, v30, v34;
	v29 =	vshrl.u32 v15, $0x4;
	vm12 =	vge.f32 v25, v26  }
0x258: {  	vm13 =	veq.s32 v29, $0x0;
	vm14 =	veq.s32 v29, $0x1;
	vm15 =	veq.s32 v29, $0x2  }
0x259: {  	v25 =	vsel vm12, v25, v26;
	v26 =	vsel vm12, v27, v28;
	vm12 =	veq.s32 v29, $0x3  }
0x25a: {  	v2 =	vsel vm13, v25, v2;
	v18 =	vsel vm13, v26, v18;
	v27 =	vsel vm14, v25, v21  }
0x25b: {  	v19 =	vsel vm14, v26, v19;
	v28 =	vsel vm15, v25, v20;
	v1 =	vsel vm12, v25, v1  }
0x25c: {  	v20 =	vsel vm15, v26, v22;
	vm13 =	vge.f32 v2, v27;
	vm14 =	vge.f32 v28, v1  }
0x25d: {  	v21 =	vsel vm12, v26, v0;
	v0 =	vsel vm13, v2, v27;
	v26 =	vsel vm14, v28, v1  }
0x25e: {  	v40 =	vsel vm13, v18, v19;
	v25 =	vsel vm14, v20, v21;
	vm15 =	vge.f32 v0, v26  }
0x25f: {  	v22 =	vsel vm15, v40, v25  }
0x260: {  	v25 =	vshll.u32 v22, $0xA;
	v29 =	vshll.u32 v22, $0x7  }
0x261: {  	v30 =	vand.u32 $0x7FFFE000, v25;
	v29 =	vand.u32 $0x380, v29;
	v25 =	vand.u32 $0xFFFFFFF0, v22  }
0x262: {  	v29 =	vor.u32 v30, v29;
	v30 =	vshll.u32 v25, $0xA  }
0x263: {  	v29 =	vor.u32 v47, v29;
	v30 =	vor.u32 s31, v30  }
0x264: {  	v31 =	vor.u32 v32, v30  }
0x265: {  	v41 =	vor.u32 v48, v30  }
0x266: {  	v42 =	vor.u32 v49, v30  }
0x267: {  	v3 =	vimm.f32 $-Inf;
	v47 =	vor.u32 v50, v30  }
0x268: {  	v48 =	vor.u32 v52, v30;
	[tilespmem:v29+s3+$0x0] =	vst.idx.msk $0xffff, v3  }
0x269: {  	v49 =	vor.u32 v53, v30;
	v31 =	vld.idx.msk [tilespmem:v31+s3+$0x0], $0xffff  }
0x26a: {  	v50 =	vor.u32 v54, v30;
	v33 =	vld.idx.msk [tilespmem:v41+s3+$0x0], $0xffff  }
0x26b: {  	v52 =	vor.u32 v56, v30;
	v34 =	vld.idx.msk [tilespmem:v42+s3+$0x0], $0xffff  }
0x26c: {  	v53 =	vor.u32 v57, v30;
	v35 =	vld.idx.msk [tilespmem:v47+s3+$0x0], $0xffff  }
0x26d: {  	v54 =	vor.u32 v58, v30;
	v36 =	vld.idx.msk [tilespmem:v48+s3+$0x0], $0xffff  }
0x26e: {  	v56 =	vor.u32 v60, v30;
	v37 =	vld.idx.msk [tilespmem:v49+s3+$0x0], $0xffff  }
0x26f: {  	v57 =	vor.u32 v61, v30;
	v38 =	vld.idx.msk [tilespmem:v50+s3+$0x0], $0xffff  }
0x270: {  	v44 =	vsel vm0, v44, v45;
	v29 =	vor.u32 v51, v30;
	v40 =	vld.idx.msk [tilespmem:v52+s3+$0x0], $0xffff  }
0x271: {  	v7 =	vsel vm1, v63, v7;
	v10 =	vsel vm2, v10, v11;
	v51 =	vor.u32 v55, v30;
	v41 =	vld.idx.msk [tilespmem:v53+s3+$0x0], $0xffff  }
0x272: {  	v7 =	vsub.f32 v7, v44;
	v10 =	vsub.f32 v10, v44;
	v55 =	vor.u32 v59, v30;
	v42 =	vld.idx.msk [tilespmem:v54+s3+$0x0], $0xffff  }
0x273: {  	v30 =	vor.u32 v62, v30;
	v59 =	vld.idx.msk [tilespmem:v56+s3+$0x0], $0xffff  }
0x274: {  	v7 =	vmul.f32 $1.442695020e+00, v7;
	v10 =	vmul.f32 $1.442695020e+00, v10;
	v13 =	vsel vm3, v13, v14;
	v61 =	vld.idx.msk [tilespmem:v57+s3+$0x0], $0xffff  }
0x275: {  	v13 =	vsub.f32 v13, v44;
	v0 =	vsel vm15, v0, v26;
	v60 =	vsel vm4, v16, v17;
	v29 =	vld.idx.msk [tilespmem:v29+s3+$0x0], $0xffff  }
0x276: {  	v3 =	vimm.s32 $0x0;
	v62 =	vsel vm5, v23, v24;
	v48 =	vshrl.u32 v22, $0x4;
	v39 =	vld.idx.msk [tilespmem:v51+s3+$0x0], $0xffff  }
0x277: {  	v49 =	vsub.f32 v60, v44;
	v52 =	vsub.f32 v62, v44;
	vm15 =	veq.s32 v48, $0x1;
	v58 =	vld.idx.msk [tilespmem:v55+s3+$0x0], $0xffff  }
0x278: {  	vm5 =	veq.s32 v48, $0x2;
	vm3 =	veq.s32 v48, $0x3;
	v24 =	vld.idx.msk [tilespmem:v30+s3+$0x0], $0xffff;
	vm8 =	vge.f32 v31, v33  }
0x279: {  	vm6 =	vge.f32 v34, v35;
	vm10 =	vge.f32 v37, v38;
	vm12 =	vge.f32 v41, v42  }
0x27a: {  	vm0 =	vmneg vm8;
	v26 =	vsel vm6, v34, v35;
	v30 =	vsel vm10, v37, v38  }
0x27b: {  	v37 =	vsel vm12, v41, v42;
	v3 =	vsel vm0, $0xFFFFFFFF, v3;
	v63 =	vsel vm0, v33, v31  }
0x27c: {  	[tilespmem:$0x1FBA0] =	vst v3;
	v3 =	vimm.s32 $0x0;
	vm14 =	vge.f32 v63, v26;
	vm9 =	vge.f32 v29, v36  }
0x27d: {  	vm11 =	vge.f32 v39, v40;
	vm13 =	vge.f32 v58, v59;
	vm4 =	vge.f32 v61, v24  }
0x27e: {  	v23 =	vsel vm14, v63, v26;
	v26 =	vsub.f32 v44, v44;
	v3 =	vsel vm9, $0xFFFFFFFF, v3  }
0x27f: {  	v29 =	vsel vm9, v29, v36;
	v31 =	vsel vm11, v39, v40;
	v11 =	vsel vm13, v58, v59  }
0x280: {  	v16 =	vsel vm4, v61, v24;
	[tilespmem:$0x1FBB0] =	vst v3;
	v3 =	vimm.s32 $0x0;
	vm7 =	vge.f32 v29, v30  }
0x281: {  	vm9 =	vge.f32 v31, v37;
	v47 =	vmul.f32 $1.442695020e+00, v26;
	v3 =	vsel vm10, $0xFFFFFFFF, v3  }
0x282: {  	v24 =	vsel vm7, v29, v30;
	vm10 =	vge.f32 v11, v16;
	v29 =	vsel vm9, v31, v37  }
0x283: {  	[tilespmem:$0x1FBC0] =	vst v3;
	v3 =	vimm.s32 $0x0;
	v11 =	vsel vm10, v11, v16;
	(erf) = vpow2.f32 v47  }
0x284: {  	v3 =	vsel vm11, $0xFFFFFFFF, v3;
	vm11 =	vge.f32 v23, v24;
	vm8 =	vge.f32 v29, v11  }
0x285: {  	(erf) = vpow2.f32 v7;
	v7 =	vmul.f32 $1.442695020e+00, v13;
	[tilespmem:$0x1FBD0] =	vst v3;
	v3 =	vimm.s32 $0x0  }
0x286: {  	v23 =	vsel vm11, v23, v24;
	v11 =	vsel vm8, v29, v11;
	(erf) = vpow2.f32 v10  }
0x287: {  	v3 =	vsel vm12, $0xFFFFFFFF, v3;
	vm12 =	vge.f32 v23, v11;
	(erf) = vpow2.f32 v7  }
0x288: {  	v7 =	vmul.f32 $1.442695020e+00, v49;
	[tilespmem:$0x1FBF0] =	vst v3;
	v3 =	vimm.s32 $0x0;
	v11 =	vsel vm12, v23, v11  }
0x289: {  	v3 =	vsel vm13, $0xFFFFFFFF, v3;
	vm13 =	veq.s32 v48, $0x0;
	v50 =	vsel vm15, v11, v27  }
0x28a: {  	v51 =	vsel vm5, v11, v28;
	v1 =	vsel vm3, v11, v1;
	v2 =	vsel vm13, v11, v2  }
0x28b: {  	(erf) = vpow2.f32 v7;
	vm1 =	vge.f32 v51, v1;
	vm2 =	vge.f32 v2, v50  }
0x28c: {  	v7 =	vmul.f32 $1.442695020e+00, v52;
	v1 =	vsel vm1, v51, v1;
	v2 =	vsel vm2, v2, v50  }
0x28d: {  	v0 =	vsub.f32 v0, v44;
	vm0 =	vge.f32 v2, v1  }
0x28e: {  	v1 =	vsel vm0, v2, v1  }
0x28f: {  	v0 =	vmul.f32 $1.442695020e+00, v0;
	v2 =	vpop (erf);
	v1 =	vsub.f32 v1, v44  }
0x290: {  	(erf) = vpow2.f32 v7;
	v7 =	vpop (erf)  }
0x291: {  	(erf) = vpow2.f32 v0;
	v0 =	vmul.f32 $1.442695020e+00, v1;
	v1 =	vadd.f32 v7, v2;
	_ =	sdelay $0x1  }
0x292: {  	v53 =	vpop (erf)  }
0x293: {  	(erf) = vpow2.f32 v0;
	v0 =	vadd.f32 v53, v1  }
0x294: {  	v1 =	vpop (erf)  }
0x295: {  	v0 =	vadd.f32 v1, v0  }
0x296: {  	v54 =	vpop (erf)  }
0x297: {  	v0 =	vadd.f32 v54, v0  }
0x298: {  	v55 =	vpop (erf)  }
0x299: {  	v0 =	vadd.f32 v55, v0  }
0x29a: {  	v56 =	vpop (erf)  }
0x29b: {  	v0 =	vadd.f32 v56, v0  }
0x29c: {  	v57 =	vpop (erf)  }
0x29d: {  	v0 =	vadd.f32 v57, v0;
	_ =	sdelay $0x1  }
0x29e: {  	(erf) = vrcp.f32 v0;
	_ =	sdelay $0x8  }
0x29f: {  	v59 =	vld [tilespmem:$0x1FBA0];
	v0 =	vpop (erf)  }
0x2a0: {  	[tilespmem:s31+$0x10100] =	vst v8;
	v2 =	vmul.f32 v0, v2  }
0x2a1: {  	v61 =	vld [tilespmem:$0x1FBB0];
	[tilespmem:$0x1FBE0] =	vst v3;
	v7 =	vmul.f32 v0, v7  }
0x2a2: {  	v4 =	vimm.s32 $0x3;
	v62 =	vld [tilespmem:$0x1FBC0];
	[tilespmem:s31+$0x12000] =	vst v2  }
0x2a3: {  	v58 =	vor.u32 $0xE, v25;
	v8 =	vld [tilespmem:$0x1FBD0];
	v2 =	vor.u32 $0xF, v22;
	[tilespmem:s31+$0x12080] =	vst v7;
	v7 =	vmul.f32 v0, v53  }
0x2a4: {  	v3 =	vimm.s32 $0x0;
	v24 =	vld [tilespmem:$0x1FBE0];
	v2 =	vsel vm4, v58, v2;
	vm4 =	vnez.u8 v59  }
0x2a5: {  	v6 =	vimm.s32 $0x7;
	v60 =	vsel vm6, $0x2, v4;
	v17 =	vsel vm4, $0x1, v3;
	[tilespmem:s31+$0x12100] =	vst v7;
	v7 =	vld [tilespmem:$0x1FBF0]  }
0x2a6: {  	v5 =	vimm.s32 $0x5;
	v17 =	vsel vm14, v17, v60;
	vm14 =	vnez.u8 v61  }
0x2a7: {  	v38 =	vimm.s32 $0x21;
	v23 =	vsel vm14, $0x4, v5;
	vm14 =	vnez.u8 v62  }
0x2a8: {  	v26 =	vimm.s32 $0x9;
	v10 =	vsel vm14, $0x6, v6;
	vm14 =	vnez.u8 v8  }
0x2a9: {  	v28 =	vimm.s32 $0xD;
	v8 =	vsel vm14, $0x8, v26;
	vm14 =	vnez.u8 v24  }
0x2aa: {  	[tilespmem:s31+$0x10000] =	vst v43;
	v27 =	vimm.s32 $0xB;
	v24 =	vsel vm14, $0xC, v28;
	vm14 =	vnez.u8 v7  }
0x2ab: {  	[tilespmem:s31+$0x10080] =	vst v46;
	v42 =	vimm.s32 $0x29;
	v1 =	vmul.f32 v0, v1;
	v7 =	vsel vm14, $0xA, v27  }
0x2ac: {  	[tilespmem:s31+$0x10180] =	vst v9;
	v10 =	vsel vm7, v23, v10;
	v24 =	vor.u32 v25, v24;
	v7 =	vsel vm9, v8, v7  }
0x2ad: {  	[tilespmem:s31+$0x12180] =	vst v1;
	v2 =	vsel vm10, v24, v2;
	v8 =	vsel vm11, v17, v10;
	v1 =	vor.u32 v25, v7  }
0x2ae: {  	[tilespmem:s31+$0x10200] =	vst v12;
	v7 =	vmul.f32 v0, v54;
	v1 =	vsel vm8, v1, v2;
	v2 =	vor.u32 v25, v8  }
0x2af: {  	[tilespmem:s31+$0x10280] =	vst v15;
	v41 =	vimm.s32 $0x27;
	v1 =	vsel vm12, v2, v1;
	v2 =	vmul.f32 v0, v55  }
0x2b0: {  	p0 =	sne.s32 s30, $0x1F80;
	v33 =	vimm.s32 $0x1B;
	[tilespmem:s31+$0x12200] =	vst v7;
	v7 =	vsel vm13, v1, v18;
	v8 =	vsel vm15, v1, v19  }
.Ltmp0:
0x2b1: {  	v63 =	vsel vm5, v1, v20;
	v1 =	vsel vm3, v1, v21;
	[tilespmem:s31+$0x12280] =	vst v2;
	v2 =	vmul.f32 v0, v56;
	(pc) =	sbr.rel @p0 .LBB2_2-.Ltmp0, $4  }
0x2b2: {  	[tilespmem:s31+$0x10300] =	vst v22;
	v40 =	vimm.s32 $0x25;
	v7 =	vsel vm2, v7, v8;
	v1 =	vsel vm1, v63, v1  }
0x2b3: {  	v39 =	vimm.s32 $0x23;
	v0 =	vmul.f32 v0, v57;
	v1 =	vsel vm0, v7, v1;
	[tilespmem:s31+$0x12300] =	vst v2  }
0x2b4: {  	v30 =	vimm.s32 $0x17;
	v31 =	vimm.s32 $0x19;
	v29 =	vimm.s32 $0x15;
	[tilespmem:s0+$0x10000] =	vst v1  }
0x2b5: {  	s29 =	sadd.s32 $0x10, s29;
	s30 =	sadd.s32 $0x80, s30;
	v2 =	vimm.s32 $0x13;
	v1 =	vimm.s32 $0x11;
	[tilespmem:s0+$0x12000] =	vst v0;
	v0 =	vimm.s32 $0xF  }
0x2b6: {  	[hbm4b:s12+s3] =	stream.linear.scatter [tilespmem:s25], [sflag:$0x2], $0x2000, $0x38;
	[tilespmem:$0x14080] =	vst v63  }
0x2b7: {  	s28 =	sadd.s32 $0x1, s28;
	_ =	swait.ge [sflag:s23], $0x2000  }
0x2b8: {  	p0 =	sne.s32 s28, s14;
	[sflag:s23] =	ssyncset.done $0x0  }
.Ltmp1:
0x2b9: {  	[sflag:s23] =	ssyncadd.s32 $0xFFFFE000;
	(pc) =	sbr.rel @p0 .LBB2_1-.Ltmp1, $4  }
0x2ba: {  	[hbm4b:s13+s3] =	stream.linear.scatter [tilespmem:s26], [sflag:$0x2], $0x2000, $0x38;
	[tilespmem:$0x14080] =	vst v63  }
0x2bb: {  	_ =	swait.ge [sflag:s23], $0x2000  }
0x2bc: {  	[sflag:s23] =	ssyncset.done $0x0  }
0x2bd: {  	[sflag:s23] =	ssyncadd.s32 $0xFFFFE000  }
0x2be: {  	_ =	sfence.sel $0x180000  }
0x2bf: {  	[bflag:$0x0] =	sbarrier.arrive $0xFFFF  }
0x2c0: {  	_ =	strace $0x90000047  }
0x2c1: {  	[bflag:$0x2] =	sbarrier.arrive $0xFFFF  }
0x2c2: {  	p0 =	sne.s32 s2, $0x0;
	s0 =	rddreg [dreg:$0x4]  }
0x2c3: {  	s0 =	sadd.s32 @!p0 $0x100000, s0  }
0x2c4: {  	[sflag:s0] =	ssyncadd.tile.s32 @!p0 $0x1;
	_ =	shalt  }
.Lfunc_end2:
_tile_overlayer_lowered:
.L_overlay_start_2:
0x2c5: {  	(tag) =	ssettag $0x2  }
0x2c6: {  	s0 =	rddreg [dreg:$0x0];
	s2 =	stileid.u32  }
0x2c7: {  	s1 =	rddreg [dreg:$0x1];
	p0 =	sne.s32 s2, $0x0  }
0x2c8: {  	s3 =	rddreg [dreg:$0x2];
	[bflag:$0x3] =	sbarrier.arrive $0xFFFF;
	s2 =	simm.s32 @!p0 $0x1C02  }
0x2c9: {  	[timem:s3], [sflag:s2] =	dma.local @!p0 [hbm:s0], s1  }
0x2ca: {  	s0 =	simm.s32 @!p0 $0x2  }
0x2cb: {  	_ =	swait.ge @!p0 [sflag:s0], s1  }
0x2cc: {  	s1 =	ssub.s32 @!p0 $0x0, s1;
	[sflag:s0] =	ssyncset.done @!p0 $0x0  }
0x2cd: {  	[sflag:s0] =	ssyncadd.s32 @!p0 s1  }
0x2ce: {  	[bflag:$0x3] =	sbarrier.arrive $0xFFFF  }
0x2cf: {  	_ =	shalt  }

</sc_bundles>
